<compile_context>
chip_gen: v7x
topology: tpu7x:2x2x1
jax: 0.10.2.dev20260603
libtpu: 0.0.44.dev20260713+nightly
codegen_flags: <defaults>
</compile_context>

<pallas_src>
import functools

import jax
import jax.numpy as jnp
from jax import lax
from jax.experimental import pallas as pl
from jax.experimental.pallas import tpu as pltpu
from jax.experimental.pallas import tpu_sc as plsc

_NUM_CODONS = 64
_B, _L = 4096, 2048
_NC, _NS, _LANES = 2, 16, 16
_NW = _NC * _NS
_ROWS_PER_WORKER = _B // _NW
_RC = 16
_NCHUNK = _ROWS_PER_WORKER // _RC
_TBL = 80
_U = 16
_NA = 4


def _make_sc_kernel():
    mesh = plsc.VectorSubcoreMesh(core_axis_name="c", subcore_axis_name="s")

    @functools.partial(
        pl.kernel,
        mesh=mesh,
        out_type=jax.ShapeDtypeStruct((_B,), jnp.float32),
        compiler_params=pltpu.CompilerParams(needs_layout_passes=False),
        scratch_types=[
            pltpu.VMEM((_TBL * _LANES,), jnp.float32),
            pltpu.VMEM((_RC * _L,), jnp.int32),
            pltpu.VMEM((_RC * _L,), jnp.int32),
            pltpu.VMEM((_RC * 17,), jnp.float32),
            pltpu.VMEM((_RC * 17,), jnp.int32),
            pltpu.VMEM((_ROWS_PER_WORKER,), jnp.float32),
            pltpu.SemaphoreType.DMA,
            pltpu.SemaphoreType.DMA,
        ],
    )
    def sc_kernel(rna_hbm, table_hbm, out_hbm, table_v, buf0, buf1,
                  accmat, cntmat, out_v, sem0, sem1):
        wid = lax.axis_index("s") * _NC + lax.axis_index("c")
        base = wid * _ROWS_PER_WORKER

        pltpu.sync_copy(table_hbm, table_v)

        bufs = (buf0, buf1)
        sems = (sem0, sem1)
        iota = lax.iota(jnp.int32, _LANES)
        iota17 = iota * 17
        zf = jnp.zeros((_LANES,), jnp.float32)
        zi = jnp.zeros((_LANES,), jnp.int32)

        for r in range(_RC):
            pltpu.async_copy(
                rna_hbm.at[pl.ds((base + r) * _L, _L)],
                buf0.at[pl.ds(r * _L, _L)], sem0)

        for c in range(_NCHUNK):
            cur = c % 2
            buf = bufs[cur]

            def row_body(r, _, buf=buf, sem=sems[cur], c=c, cur=cur):
                pltpu.make_async_copy(
                    rna_hbm.at[pl.ds(0, _L)],
                    buf.at[pl.ds(r * _L, _L)], sem).wait()
                if c + 1 < _NCHUNK:
                    pltpu.async_copy(
                        rna_hbm.at[pl.ds((base + (c + 1) * _RC) * _L + r * _L,
                                         _L)],
                        bufs[1 - cur].at[pl.ds(r * _L, _L)], sems[1 - cur])
                row_off = r * _L

                def body(s, carry, buf=buf, row_off=row_off):
                    accs, cnts = carry
                    accs, cnts = list(accs), list(cnts)
                    off = row_off + s * (_NA * _LANES)
                    for u in range(_NA):
                        v = buf[pl.ds(off + u * _LANES, _LANES)]
                        t = plsc.load_gather(table_v, [(v << 4) + iota])
                        accs[u] = accs[u] + t
                        cnts[u] = cnts[u] + ((v + 63) >> 6)
                    return tuple(accs), tuple(cnts)

                accs, cnts = plsc.parallel_loop(
                    0, _L // (_NA * _LANES), 1, unroll=4,
                    carry=((zf,) * _NA, (zi,) * _NA))(body)
                acc = (accs[0] + accs[1]) + (accs[2] + accs[3])
                cnt = (cnts[0] + cnts[1]) + (cnts[2] + cnts[3])
                accmat[pl.ds(r * 17, _LANES)] = acc
                cntmat[pl.ds(r * 17, _LANES)] = cnt
                return 0

            lax.fori_loop(0, _RC, row_body, 0)

            att = zf
            ctt = zi
            for l in range(_LANES):
                att = att + plsc.load_gather(accmat, [iota17 + l])
                ctt = ctt + plsc.load_gather(cntmat, [iota17 + l])
            out_v[pl.ds(c * _RC, _RC)] = att / ctt.astype(jnp.float32)

        pltpu.sync_copy(out_v, out_hbm.at[pl.ds(base, _ROWS_PER_WORKER)])

    return sc_kernel


_SC_KERNEL = _make_sc_kernel()


def kernel(rna_data, tissue_id, W, b):
    del tissue_id
    table = jnp.zeros((_TBL,), jnp.float32).at[1:_NUM_CODONS + 1].set(W[0] + b[0])
    table_b = jnp.repeat(table, _LANES)
    y = _SC_KERNEL(rna_data.reshape(_B * _L), table_b)
    return y.reshape(_B, 1)

# --- scband reference (transcript-rebuilt; emitter-appended) ---
"""Pipeline reference for scband-model-baseline-27487790694641 (READ-ONLY COPY).

The authoritative reference and input builder live on the scoring server;
editing this copy changes nothing except your own understanding.
"""

import jax, jax.numpy as jnp
import numpy as np

NUM_CODONS = 64  # len(CODON_MAP_DNA)
B, L = 4096, 2048


def setup_inputs(seed: int = 0) -> dict:
    key = jax.random.key(seed)
    k1, k2, k3 = jax.random.split(key, 3)
    rna_data = jax.random.randint(k1, (B, L), 0, NUM_CODONS + 1, dtype=jnp.int32)
    tissue_id = jax.random.randint(k2, (B,), 0, 30, dtype=jnp.int32)
    W = jax.random.normal(k3, (1, NUM_CODONS), dtype=jnp.float32) * (1.0 / np.sqrt(NUM_CODONS))
    b = jnp.zeros((1,), dtype=jnp.float32)
    return {"rna_data": rna_data, "tissue_id": tissue_id, "W": W, "b": b}


def reference(rna_data, tissue_id, W, b):
    # per-sequence codon histogram: bincount with minlength=65, then drop bin 0 (padding)
    counts = jax.vmap(lambda r: jnp.bincount(r, length=NUM_CODONS + 1))(rna_data)
    counts = counts[:, 1:NUM_CODONS + 1].astype(jnp.float32)
    denom = jnp.sum(counts, axis=1, keepdims=True)
    freqs = counts / denom
    # fc: Linear(64, 1)
    y_pred = freqs @ W.T + b
    return y_pred

if __name__ == "__main__":
    import jax
    _d = setup_inputs()
    print(jax.jit(kernel)(*tuple(_d.values())))

</pallas_src>

<mosaic_0001>
#map = affine_map<(d0, d1) -> (0)>
module attributes {stable_mosaic.version = 14 : i64} {
  func.func @sc_kernel(%arg0: i32, %arg1: i32, %arg2: memref<8388608xi32, #tpu.memory_space<hbm>>, %arg3: memref<1280xf32, #tpu.memory_space<hbm>>, %arg4: memref<4096xf32, #tpu.memory_space<hbm>>, %arg5: memref<1280xf32, #tpu.memory_space<vmem>>, %arg6: memref<32768xi32, #tpu.memory_space<vmem>>, %arg7: memref<32768xi32, #tpu.memory_space<vmem>>, %arg8: memref<272xf32, #tpu.memory_space<vmem>>, %arg9: memref<272xi32, #tpu.memory_space<vmem>>, %arg10: memref<128xf32, #tpu.memory_space<vmem>>, %arg11: memref<!tpu.dma_semaphore, #tpu.memory_space<semaphore_mem>>, %arg12: memref<!tpu.dma_semaphore, #tpu.memory_space<semaphore_mem>>) attributes {dimension_semantics = [#tpu.dimension_semantics<core_parallel>, #tpu.dimension_semantics<subcore_parallel>], iteration_bounds = array<i64: 2, 16>, scalar_prefetch = 0 : i64, scratch_operands = 8 : i64, tpu.core_type = #tpu.core_type<sc_vector_subcore>, window_params = [{transform_indices = #map}, {transform_indices = #map}, {transform_indices = #map}]} {
    %mul3A = arith.constant 2 : i32
    %mul3A_0 = arith.muli %arg1, %mul3A : i32
    %add3A = arith.addi %mul3A_0, %arg0 : i32
    %mul3A_1 = arith.constant 128 : i32
    %mul3A_2 = arith.muli %add3A, %mul3A_1 : i32
    "tpu.region"() ({
      %run_scoped3A = tpu.sem_alloc : memref<!tpu.dma_semaphore, #tpu.memory_space<semaphore_mem>>
      tpu.enqueue_dma source(%arg3 : memref<1280xf32, #tpu.memory_space<hbm>>) target(%arg5 : memref<1280xf32, #tpu.memory_space<vmem>>) target_semaphore(%run_scoped3A : memref<!tpu.dma_semaphore, #tpu.memory_space<semaphore_mem>>)
      tpu.wait_dma2 semaphore(%run_scoped3A : memref<!tpu.dma_semaphore, #tpu.memory_space<semaphore_mem>>) src(%arg3 : memref<1280xf32, #tpu.memory_space<hbm>>) dst(%arg5 : memref<1280xf32, #tpu.memory_space<vmem>>)
      tpu.yield
    }) : () -> ()
    %iota3A = tpu.iota {dimensions = array<i32: 0>} : vector<16xi32>
    %mul3A_3 = arith.constant 17 : i32
    %mul3A_4 = vector.broadcast %mul3A_3 : i32 to vector<16xi32>
    %mul3A_5 = arith.muli %iota3A, %mul3A_4 : vector<16xi32>
    %broadcast_in_dim3A = arith.constant 0.000000e+00 : f32
    %broadcast_in_dim3A_6 = vector.broadcast %broadcast_in_dim3A : f32 to vector<16xf32>
    %broadcast_in_dim3A_7 = arith.constant 0 : i32
    %broadcast_in_dim3A_8 = vector.broadcast %broadcast_in_dim3A_7 : i32 to vector<16xi32>
    %add3A_9 = arith.constant 0 : i32
    %add3A_10 = arith.addi %mul3A_2, %add3A_9 : i32
    %mul3A_11 = arith.constant 2048 : i32
    %mul3A_12 = arith.muli %add3A_10, %mul3A_11 : i32
    %dma_start3A = arith.constant 0 : i32
    %dma_start3A_13 = tpu.memref_slice %arg6[%dma_start3A] : memref<32768xi32, #tpu.memory_space<vmem>> -> memref<2048xi32, #tpu.memory_space<vmem>>
    %dma_start3A_14 = tpu.memref_slice %arg2[%mul3A_12] : memref<8388608xi32, #tpu.memory_space<hbm>> -> memref<2048xi32, #tpu.memory_space<hbm>>
    %dma_start3A_15 = arith.constant 0 : i32
    %dma_start3A_16 = tpu.memref_slice %arg6[%dma_start3A_15] : memref<32768xi32, #tpu.memory_space<vmem>> -> memref<2048xi32, #tpu.memory_space<vmem>>
    %dma_start3A_17 = tpu.memref_slice %arg2[%mul3A_12] : memref<8388608xi32, #tpu.memory_space<hbm>> -> memref<2048xi32, #tpu.memory_space<hbm>>
    tpu.enqueue_dma source(%dma_start3A_17 : memref<2048xi32, #tpu.memory_space<hbm>>) target(%dma_start3A_16 : memref<2048xi32, #tpu.memory_space<vmem>>) target_semaphore(%arg11 : memref<!tpu.dma_semaphore, #tpu.memory_space<semaphore_mem>>)
    %add3A_18 = arith.constant 1 : i32
    %add3A_19 = arith.addi %mul3A_2, %add3A_18 : i32
    %mul3A_20 = arith.constant 2048 : i32
    %mul3A_21 = arith.muli %add3A_19, %mul3A_20 : i32
    %dma_start3A_22 = arith.constant 2048 : i32
    %dma_start3A_23 = tpu.memref_slice %arg6[%dma_start3A_22] : memref<32768xi32, #tpu.memory_space<vmem>> -> memref<2048xi32, #tpu.memory_space<vmem>>
    %dma_start3A_24 = tpu.memref_slice %arg2[%mul3A_21] : memref<8388608xi32, #tpu.memory_space<hbm>> -> memref<2048xi32, #tpu.memory_space<hbm>>
    %dma_start3A_25 = arith.constant 2048 : i32
    %dma_start3A_26 = tpu.memref_slice %arg6[%dma_start3A_25] : memref<32768xi32, #tpu.memory_space<vmem>> -> memref<2048xi32, #tpu.memory_space<vmem>>
    %dma_start3A_27 = tpu.memref_slice %arg2[%mul3A_21] : memref<8388608xi32, #tpu.memory_space<hbm>> -> memref<2048xi32, #tpu.memory_space<hbm>>
    tpu.enqueue_dma source(%dma_start3A_27 : memref<2048xi32, #tpu.memory_space<hbm>>) target(%dma_start3A_26 : memref<2048xi32, #tpu.memory_space<vmem>>) target_semaphore(%arg11 : memref<!tpu.dma_semaphore, #tpu.memory_space<semaphore_mem>>)
    %add3A_28 = arith.constant 2 : i32
    %add3A_29 = arith.addi %mul3A_2, %add3A_28 : i32
    %mul3A_30 = arith.constant 2048 : i32
    %mul3A_31 = arith.muli %add3A_29, %mul3A_30 : i32
    %dma_start3A_32 = arith.constant 4096 : i32
    %dma_start3A_33 = tpu.memref_slice %arg6[%dma_start3A_32] : memref<32768xi32, #tpu.memory_space<vmem>> -> memref<2048xi32, #tpu.memory_space<vmem>>
    %dma_start3A_34 = tpu.memref_slice %arg2[%mul3A_31] : memref<8388608xi32, #tpu.memory_space<hbm>> -> memref<2048xi32, #tpu.memory_space<hbm>>
    %dma_start3A_35 = arith.constant 4096 : i32
    %dma_start3A_36 = tpu.memref_slice %arg6[%dma_start3A_35] : memref<32768xi32, #tpu.memory_space<vmem>> -> memref<2048xi32, #tpu.memory_space<vmem>>
    %dma_start3A_37 = tpu.memref_slice %arg2[%mul3A_31] : memref<8388608xi32, #tpu.memory_space<hbm>> -> memref<2048xi32, #tpu.memory_space<hbm>>
    tpu.enqueue_dma source(%dma_start3A_37 : memref<2048xi32, #tpu.memory_space<hbm>>) target(%dma_start3A_36 : memref<2048xi32, #tpu.memory_space<vmem>>) target_semaphore(%arg11 : memref<!tpu.dma_semaphore, #tpu.memory_space<semaphore_mem>>)
    %add3A_38 = arith.constant 3 : i32
    %add3A_39 = arith.addi %mul3A_2, %add3A_38 : i32
    %mul3A_40 = arith.constant 2048 : i32
    %mul3A_41 = arith.muli %add3A_39, %mul3A_40 : i32
    %dma_start3A_42 = arith.constant 6144 : i32
    %dma_start3A_43 = tpu.memref_slice %arg6[%dma_start3A_42] : memref<32768xi32, #tpu.memory_space<vmem>> -> memref<2048xi32, #tpu.memory_space<vmem>>
    %dma_start3A_44 = tpu.memref_slice %arg2[%mul3A_41] : memref<8388608xi32, #tpu.memory_space<hbm>> -> memref<2048xi32, #tpu.memory_space<hbm>>
    %dma_start3A_45 = arith.constant 6144 : i32
    %dma_start3A_46 = tpu.memref_slice %arg6[%dma_start3A_45] : memref<32768xi32, #tpu.memory_space<vmem>> -> memref<2048xi32, #tpu.memory_space<vmem>>
    %dma_start3A_47 = tpu.memref_slice %arg2[%mul3A_41] : memref<8388608xi32, #tpu.memory_space<hbm>> -> memref<2048xi32, #tpu.memory_space<hbm>>
    tpu.enqueue_dma source(%dma_start3A_47 : memref<2048xi32, #tpu.memory_space<hbm>>) target(%dma_start3A_46 : memref<2048xi32, #tpu.memory_space<vmem>>) target_semaphore(%arg11 : memref<!tpu.dma_semaphore, #tpu.memory_space<semaphore_mem>>)
    %add3A_48 = arith.constant 4 : i32
    %add3A_49 = arith.addi %mul3A_2, %add3A_48 : i32
    %mul3A_50 = arith.constant 2048 : i32
    %mul3A_51 = arith.muli %add3A_49, %mul3A_50 : i32
    %dma_start3A_52 = arith.constant 8192 : i32
    %dma_start3A_53 = tpu.memref_slice %arg6[%dma_start3A_52] : memref<32768xi32, #tpu.memory_space<vmem>> -> memref<2048xi32, #tpu.memory_space<vmem>>
    %dma_start3A_54 = tpu.memref_slice %arg2[%mul3A_51] : memref<8388608xi32, #tpu.memory_space<hbm>> -> memref<2048xi32, #tpu.memory_space<hbm>>
    %dma_start3A_55 = arith.constant 8192 : i32
    %dma_start3A_56 = tpu.memref_slice %arg6[%dma_start3A_55] : memref<32768xi32, #tpu.memory_space<vmem>> -> memref<2048xi32, #tpu.memory_space<vmem>>
    %dma_start3A_57 = tpu.memref_slice %arg2[%mul3A_51] : memref<8388608xi32, #tpu.memory_space<hbm>> -> memref<2048xi32, #tpu.memory_space<hbm>>
    tpu.enqueue_dma source(%dma_start3A_57 : memref<2048xi32, #tpu.memory_space<hbm>>) target(%dma_start3A_56 : memref<2048xi32, #tpu.memory_space<vmem>>) target_semaphore(%arg11 : memref<!tpu.dma_semaphore, #tpu.memory_space<semaphore_mem>>)
    %add3A_58 = arith.constant 5 : i32
    %add3A_59 = arith.addi %mul3A_2, %add3A_58 : i32
    %mul3A_60 = arith.constant 2048 : i32
    %mul3A_61 = arith.muli %add3A_59, %mul3A_60 : i32
    %dma_start3A_62 = arith.constant 10240 : i32
    %dma_start3A_63 = tpu.memref_slice %arg6[%dma_start3A_62] : memref<32768xi32, #tpu.memory_space<vmem>> -> memref<2048xi32, #tpu.memory_space<vmem>>
    %dma_start3A_64 = tpu.memref_slice %arg2[%mul3A_61] : memref<8388608xi32, #tpu.memory_space<hbm>> -> memref<2048xi32, #tpu.memory_space<hbm>>
    %dma_start3A_65 = arith.constant 10240 : i32
    %dma_start3A_66 = tpu.memref_slice %arg6[%dma_start3A_65] : memref<32768xi32, #tpu.memory_space<vmem>> -> memref<2048xi32, #tpu.memory_space<vmem>>
    %dma_start3A_67 = tpu.memref_slice %arg2[%mul3A_61] : memref<8388608xi32, #tpu.memory_space<hbm>> -> memref<2048xi32, #tpu.memory_space<hbm>>
    tpu.enqueue_dma source(%dma_start3A_67 : memref<2048xi32, #tpu.memory_space<hbm>>) target(%dma_start3A_66 : memref<2048xi32, #tpu.memory_space<vmem>>) target_semaphore(%arg11 : memref<!tpu.dma_semaphore, #tpu.memory_space<semaphore_mem>>)
    %add3A_68 = arith.constant 6 : i32
    %add3A_69 = arith.addi %mul3A_2, %add3A_68 : i32
    %mul3A_70 = arith.constant 2048 : i32
    %mul3A_71 = arith.muli %add3A_69, %mul3A_70 : i32
    %dma_start3A_72 = arith.constant 12288 : i32
    %dma_start3A_73 = tpu.memref_slice %arg6[%dma_start3A_72] : memref<32768xi32, #tpu.memory_space<vmem>> -> memref<2048xi32, #tpu.memory_space<vmem>>
    %dma_start3A_74 = tpu.memref_slice %arg2[%mul3A_71] : memref<8388608xi32, #tpu.memory_space<hbm>> -> memref<2048xi32, #tpu.memory_space<hbm>>
    %dma_start3A_75 = arith.constant 12288 : i32
    %dma_start3A_76 = tpu.memref_slice %arg6[%dma_start3A_75] : memref<32768xi32, #tpu.memory_space<vmem>> -> memref<2048xi32, #tpu.memory_space<vmem>>
    %dma_start3A_77 = tpu.memref_slice %arg2[%mul3A_71] : memref<8388608xi32, #tpu.memory_space<hbm>> -> memref<2048xi32, #tpu.memory_space<hbm>>
    tpu.enqueue_dma source(%dma_start3A_77 : memref<2048xi32, #tpu.memory_space<hbm>>) target(%dma_start3A_76 : memref<2048xi32, #tpu.memory_space<vmem>>) target_semaphore(%arg11 : memref<!tpu.dma_semaphore, #tpu.memory_space<semaphore_mem>>)
    %add3A_78 = arith.constant 7 : i32
    %add3A_79 = arith.addi %mul3A_2, %add3A_78 : i32
    %mul3A_80 = arith.constant 2048 : i32
    %mul3A_81 = arith.muli %add3A_79, %mul3A_80 : i32
    %dma_start3A_82 = arith.constant 14336 : i32
    %dma_start3A_83 = tpu.memref_slice %arg6[%dma_start3A_82] : memref<32768xi32, #tpu.memory_space<vmem>> -> memref<2048xi32, #tpu.memory_space<vmem>>
    %dma_start3A_84 = tpu.memref_slice %arg2[%mul3A_81] : memref<8388608xi32, #tpu.memory_space<hbm>> -> memref<2048xi32, #tpu.memory_space<hbm>>
    %dma_start3A_85 = arith.constant 14336 : i32
    %dma_start3A_86 = tpu.memref_slice %arg6[%dma_start3A_85] : memref<32768xi32, #tpu.memory_space<vmem>> -> memref<2048xi32, #tpu.memory_space<vmem>>
    %dma_start3A_87 = tpu.memref_slice %arg2[%mul3A_81] : memref<8388608xi32, #tpu.memory_space<hbm>> -> memref<2048xi32, #tpu.memory_space<hbm>>
    tpu.enqueue_dma source(%dma_start3A_87 : memref<2048xi32, #tpu.memory_space<hbm>>) target(%dma_start3A_86 : memref<2048xi32, #tpu.memory_space<vmem>>) target_semaphore(%arg11 : memref<!tpu.dma_semaphore, #tpu.memory_space<semaphore_mem>>)
    %add3A_88 = arith.constant 8 : i32
    %add3A_89 = arith.addi %mul3A_2, %add3A_88 : i32
    %mul3A_90 = arith.constant 2048 : i32
    %mul3A_91 = arith.muli %add3A_89, %mul3A_90 : i32
    %dma_start3A_92 = arith.constant 16384 : i32
    %dma_start3A_93 = tpu.memref_slice %arg6[%dma_start3A_92] : memref<32768xi32, #tpu.memory_space<vmem>> -> memref<2048xi32, #tpu.memory_space<vmem>>
    %dma_start3A_94 = tpu.memref_slice %arg2[%mul3A_91] : memref<8388608xi32, #tpu.memory_space<hbm>> -> memref<2048xi32, #tpu.memory_space<hbm>>
    %dma_start3A_95 = arith.constant 16384 : i32
    %dma_start3A_96 = tpu.memref_slice %arg6[%dma_start3A_95] : memref<32768xi32, #tpu.memory_space<vmem>> -> memref<2048xi32, #tpu.memory_space<vmem>>
    %dma_start3A_97 = tpu.memref_slice %arg2[%mul3A_91] : memref<8388608xi32, #tpu.memory_space<hbm>> -> memref<2048xi32, #tpu.memory_space<hbm>>
    tpu.enqueue_dma source(%dma_start3A_97 : memref<2048xi32, #tpu.memory_space<hbm>>) target(%dma_start3A_96 : memref<2048xi32, #tpu.memory_space<vmem>>) target_semaphore(%arg11 : memref<!tpu.dma_semaphore, #tpu.memory_space<semaphore_mem>>)
    %add3A_98 = arith.constant 9 : i32
    %add3A_99 = arith.addi %mul3A_2, %add3A_98 : i32
    %mul3A_100 = arith.constant 2048 : i32
    %mul3A_101 = arith.muli %add3A_99, %mul3A_100 : i32
    %dma_start3A_102 = arith.constant 18432 : i32
    %dma_start3A_103 = tpu.memref_slice %arg6[%dma_start3A_102] : memref<32768xi32, #tpu.memory_space<vmem>> -> memref<2048xi32, #tpu.memory_space<vmem>>
    %dma_start3A_104 = tpu.memref_slice %arg2[%mul3A_101] : memref<8388608xi32, #tpu.memory_space<hbm>> -> memref<2048xi32, #tpu.memory_space<hbm>>
    %dma_start3A_105 = arith.constant 18432 : i32
    %dma_start3A_106 = tpu.memref_slice %arg6[%dma_start3A_105] : memref<32768xi32, #tpu.memory_space<vmem>> -> memref<2048xi32, #tpu.memory_space<vmem>>
    %dma_start3A_107 = tpu.memref_slice %arg2[%mul3A_101] : memref<8388608xi32, #tpu.memory_space<hbm>> -> memref<2048xi32, #tpu.memory_space<hbm>>
    tpu.enqueue_dma source(%dma_start3A_107 : memref<2048xi32, #tpu.memory_space<hbm>>) target(%dma_start3A_106 : memref<2048xi32, #tpu.memory_space<vmem>>) target_semaphore(%arg11 : memref<!tpu.dma_semaphore, #tpu.memory_space<semaphore_mem>>)
    %add3A_108 = arith.constant 10 : i32
    %add3A_109 = arith.addi %mul3A_2, %add3A_108 : i32
    %mul3A_110 = arith.constant 2048 : i32
    %mul3A_111 = arith.muli %add3A_109, %mul3A_110 : i32
    %dma_start3A_112 = arith.constant 20480 : i32
    %dma_start3A_113 = tpu.memref_slice %arg6[%dma_start3A_112] : memref<32768xi32, #tpu.memory_space<vmem>> -> memref<2048xi32, #tpu.memory_space<vmem>>
    %dma_start3A_114 = tpu.memref_slice %arg2[%mul3A_111] : memref<8388608xi32, #tpu.memory_space<hbm>> -> memref<2048xi32, #tpu.memory_space<hbm>>
    %dma_start3A_115 = arith.constant 20480 : i32
    %dma_start3A_116 = tpu.memref_slice %arg6[%dma_start3A_115] : memref<32768xi32, #tpu.memory_space<vmem>> -> memref<2048xi32, #tpu.memory_space<vmem>>
    %dma_start3A_117 = tpu.memref_slice %arg2[%mul3A_111] : memref<8388608xi32, #tpu.memory_space<hbm>> -> memref<2048xi32, #tpu.memory_space<hbm>>
    tpu.enqueue_dma source(%dma_start3A_117 : memref<2048xi32, #tpu.memory_space<hbm>>) target(%dma_start3A_116 : memref<2048xi32, #tpu.memory_space<vmem>>) target_semaphore(%arg11 : memref<!tpu.dma_semaphore, #tpu.memory_space<semaphore_mem>>)
    %add3A_118 = arith.constant 11 : i32
    %add3A_119 = arith.addi %mul3A_2, %add3A_118 : i32
    %mul3A_120 = arith.constant 2048 : i32
    %mul3A_121 = arith.muli %add3A_119, %mul3A_120 : i32
    %dma_start3A_122 = arith.constant 22528 : i32
    %dma_start3A_123 = tpu.memref_slice %arg6[%dma_start3A_122] : memref<32768xi32, #tpu.memory_space<vmem>> -> memref<2048xi32, #tpu.memory_space<vmem>>
    %dma_start3A_124 = tpu.memref_slice %arg2[%mul3A_121] : memref<8388608xi32, #tpu.memory_space<hbm>> -> memref<2048xi32, #tpu.memory_space<hbm>>
    %dma_start3A_125 = arith.constant 22528 : i32
    %dma_start3A_126 = tpu.memref_slice %arg6[%dma_start3A_125] : memref<32768xi32, #tpu.memory_space<vmem>> -> memref<2048xi32, #tpu.memory_space<vmem>>
    %dma_start3A_127 = tpu.memref_slice %arg2[%mul3A_121] : memref<8388608xi32, #tpu.memory_space<hbm>> -> memref<2048xi32, #tpu.memory_space<hbm>>
    tpu.enqueue_dma source(%dma_start3A_127 : memref<2048xi32, #tpu.memory_space<hbm>>) target(%dma_start3A_126 : memref<2048xi32, #tpu.memory_space<vmem>>) target_semaphore(%arg11 : memref<!tpu.dma_semaphore, #tpu.memory_space<semaphore_mem>>)
    %add3A_128 = arith.constant 12 : i32
    %add3A_129 = arith.addi %mul3A_2, %add3A_128 : i32
    %mul3A_130 = arith.constant 2048 : i32
    %mul3A_131 = arith.muli %add3A_129, %mul3A_130 : i32
    %dma_start3A_132 = arith.constant 24576 : i32
    %dma_start3A_133 = tpu.memref_slice %arg6[%dma_start3A_132] : memref<32768xi32, #tpu.memory_space<vmem>> -> memref<2048xi32, #tpu.memory_space<vmem>>
    %dma_start3A_134 = tpu.memref_slice %arg2[%mul3A_131] : memref<8388608xi32, #tpu.memory_space<hbm>> -> memref<2048xi32, #tpu.memory_space<hbm>>
    %dma_start3A_135 = arith.constant 24576 : i32
    %dma_start3A_136 = tpu.memref_slice %arg6[%dma_start3A_135] : memref<32768xi32, #tpu.memory_space<vmem>> -> memref<2048xi32, #tpu.memory_space<vmem>>
    %dma_start3A_137 = tpu.memref_slice %arg2[%mul3A_131] : memref<8388608xi32, #tpu.memory_space<hbm>> -> memref<2048xi32, #tpu.memory_space<hbm>>
    tpu.enqueue_dma source(%dma_start3A_137 : memref<2048xi32, #tpu.memory_space<hbm>>) target(%dma_start3A_136 : memref<2048xi32, #tpu.memory_space<vmem>>) target_semaphore(%arg11 : memref<!tpu.dma_semaphore, #tpu.memory_space<semaphore_mem>>)
    %add3A_138 = arith.constant 13 : i32
    %add3A_139 = arith.addi %mul3A_2, %add3A_138 : i32
    %mul3A_140 = arith.constant 2048 : i32
    %mul3A_141 = arith.muli %add3A_139, %mul3A_140 : i32
    %dma_start3A_142 = arith.constant 26624 : i32
    %dma_start3A_143 = tpu.memref_slice %arg6[%dma_start3A_142] : memref<32768xi32, #tpu.memory_space<vmem>> -> memref<2048xi32, #tpu.memory_space<vmem>>
    %dma_start3A_144 = tpu.memref_slice %arg2[%mul3A_141] : memref<8388608xi32, #tpu.memory_space<hbm>> -> memref<2048xi32, #tpu.memory_space<hbm>>
    %dma_start3A_145 = arith.constant 26624 : i32
    %dma_start3A_146 = tpu.memref_slice %arg6[%dma_start3A_145] : memref<32768xi32, #tpu.memory_space<vmem>> -> memref<2048xi32, #tpu.memory_space<vmem>>
    %dma_start3A_147 = tpu.memref_slice %arg2[%mul3A_141] : memref<8388608xi32, #tpu.memory_space<hbm>> -> memref<2048xi32, #tpu.memory_space<hbm>>
    tpu.enqueue_dma source(%dma_start3A_147 : memref<2048xi32, #tpu.memory_space<hbm>>) target(%dma_start3A_146 : memref<2048xi32, #tpu.memory_space<vmem>>) target_semaphore(%arg11 : memref<!tpu.dma_semaphore, #tpu.memory_space<semaphore_mem>>)
    %add3A_148 = arith.constant 14 : i32
    %add3A_149 = arith.addi %mul3A_2, %add3A_148 : i32
    %mul3A_150 = arith.constant 2048 : i32
    %mul3A_151 = arith.muli %add3A_149, %mul3A_150 : i32
    %dma_start3A_152 = arith.constant 28672 : i32
    %dma_start3A_153 = tpu.memref_slice %arg6[%dma_start3A_152] : memref<32768xi32, #tpu.memory_space<vmem>> -> memref<2048xi32, #tpu.memory_space<vmem>>
    %dma_start3A_154 = tpu.memref_slice %arg2[%mul3A_151] : memref<8388608xi32, #tpu.memory_space<hbm>> -> memref<2048xi32, #tpu.memory_space<hbm>>
    %dma_start3A_155 = arith.constant 28672 : i32
    %dma_start3A_156 = tpu.memref_slice %arg6[%dma_start3A_155] : memref<32768xi32, #tpu.memory_space<vmem>> -> memref<2048xi32, #tpu.memory_space<vmem>>
    %dma_start3A_157 = tpu.memref_slice %arg2[%mul3A_151] : memref<8388608xi32, #tpu.memory_space<hbm>> -> memref<2048xi32, #tpu.memory_space<hbm>>
    tpu.enqueue_dma source(%dma_start3A_157 : memref<2048xi32, #tpu.memory_space<hbm>>) target(%dma_start3A_156 : memref<2048xi32, #tpu.memory_space<vmem>>) target_semaphore(%arg11 : memref<!tpu.dma_semaphore, #tpu.memory_space<semaphore_mem>>)
    %add3A_158 = arith.constant 15 : i32
    %add3A_159 = arith.addi %mul3A_2, %add3A_158 : i32
    %mul3A_160 = arith.constant 2048 : i32
    %mul3A_161 = arith.muli %add3A_159, %mul3A_160 : i32
    %dma_start3A_162 = arith.constant 30720 : i32
    %dma_start3A_163 = tpu.memref_slice %arg6[%dma_start3A_162] : memref<32768xi32, #tpu.memory_space<vmem>> -> memref<2048xi32, #tpu.memory_space<vmem>>
    %dma_start3A_164 = tpu.memref_slice %arg2[%mul3A_161] : memref<8388608xi32, #tpu.memory_space<hbm>> -> memref<2048xi32, #tpu.memory_space<hbm>>
    %dma_start3A_165 = arith.constant 30720 : i32
    %dma_start3A_166 = tpu.memref_slice %arg6[%dma_start3A_165] : memref<32768xi32, #tpu.memory_space<vmem>> -> memref<2048xi32, #tpu.memory_space<vmem>>
    %dma_start3A_167 = tpu.memref_slice %arg2[%mul3A_161] : memref<8388608xi32, #tpu.memory_space<hbm>> -> memref<2048xi32, #tpu.memory_space<hbm>>
    tpu.enqueue_dma source(%dma_start3A_167 : memref<2048xi32, #tpu.memory_space<hbm>>) target(%dma_start3A_166 : memref<2048xi32, #tpu.memory_space<vmem>>) target_semaphore(%arg11 : memref<!tpu.dma_semaphore, #tpu.memory_space<semaphore_mem>>)
    %scan3A = arith.constant 0 : i32
    %scan3A_168 = arith.constant 0 : i32
    %scan3A_169 = arith.constant 16 : i32
    %scan3A_170 = arith.addi %scan3A_168, %scan3A_169 : i32
    %scan3A_171 = arith.constant 1 : i32
    %scan3A_172 = scf.for %scan3A_1531 = %scan3A_168 to %scan3A_170 step %scan3A_171 iter_args(%scan3A_1532 = %scan3A) -> (i32)  : i32 {
      %mul3A_1533 = arith.constant 2048 : i32
      %mul3A_1534 = arith.muli %scan3A_1531, %mul3A_1533 : i32
      %dma_wait3A = tpu.memref_slice %arg6[%mul3A_1534] : memref<32768xi32, #tpu.memory_space<vmem>> -> memref<2048xi32, #tpu.memory_space<vmem>>
      %dma_wait3A_1535 = arith.constant 0 : i32
      %dma_wait3A_1536 = tpu.memref_slice %arg2[%dma_wait3A_1535] : memref<8388608xi32, #tpu.memory_space<hbm>> -> memref<2048xi32, #tpu.memory_space<hbm>>
      %dma_wait3A_1537 = tpu.memref_slice %arg6[%mul3A_1534] : memref<32768xi32, #tpu.memory_space<vmem>> -> memref<2048xi32, #tpu.memory_space<vmem>>
      %dma_wait3A_1538 = arith.constant 0 : i32
      %dma_wait3A_1539 = tpu.memref_slice %arg2[%dma_wait3A_1538] : memref<8388608xi32, #tpu.memory_space<hbm>> -> memref<2048xi32, #tpu.memory_space<hbm>>
      tpu.wait_dma2 semaphore(%arg11 : memref<!tpu.dma_semaphore, #tpu.memory_space<semaphore_mem>>) src(%dma_wait3A_1539 : memref<2048xi32, #tpu.memory_space<hbm>>) dst(%dma_wait3A_1537 : memref<2048xi32, #tpu.memory_space<vmem>>)
      %add3A_1540 = arith.constant 16 : i32
      %add3A_1541 = arith.addi %mul3A_2, %add3A_1540 : i32
      %mul3A_1542 = arith.constant 2048 : i32
      %mul3A_1543 = arith.muli %add3A_1541, %mul3A_1542 : i32
      %mul3A_1544 = arith.constant 2048 : i32
      %mul3A_1545 = arith.muli %scan3A_1531, %mul3A_1544 : i32
      %add3A_1546 = arith.addi %mul3A_1543, %mul3A_1545 : i32
      %mul3A_1547 = arith.constant 2048 : i32
      %mul3A_1548 = arith.muli %scan3A_1531, %mul3A_1547 : i32
      %dma_start3A_1549 = tpu.memref_slice %arg7[%mul3A_1548] : memref<32768xi32, #tpu.memory_space<vmem>> -> memref<2048xi32, #tpu.memory_space<vmem>>
      %dma_start3A_1550 = tpu.memref_slice %arg2[%add3A_1546] : memref<8388608xi32, #tpu.memory_space<hbm>> -> memref<2048xi32, #tpu.memory_space<hbm>>
      %dma_start3A_1551 = tpu.memref_slice %arg7[%mul3A_1548] : memref<32768xi32, #tpu.memory_space<vmem>> -> memref<2048xi32, #tpu.memory_space<vmem>>
      %dma_start3A_1552 = tpu.memref_slice %arg2[%add3A_1546] : memref<8388608xi32, #tpu.memory_space<hbm>> -> memref<2048xi32, #tpu.memory_space<hbm>>
      tpu.enqueue_dma source(%dma_start3A_1552 : memref<2048xi32, #tpu.memory_space<hbm>>) target(%dma_start3A_1551 : memref<2048xi32, #tpu.memory_space<vmem>>) target_semaphore(%arg12 : memref<!tpu.dma_semaphore, #tpu.memory_space<semaphore_mem>>)
      %mul3A_1553 = arith.constant 2048 : i32
      %mul3A_1554 = arith.muli %scan3A_1531, %mul3A_1553 : i32
      %parallel_loop3A = arith.constant 0 : i32
      %parallel_loop3A_1555 = arith.constant 32 : i32
      %parallel_loop3A_1556 = arith.constant 1 : i32
      %parallel_loop3A_1557:8 = scf.for %parallel_loop3A_1573 = %parallel_loop3A to %parallel_loop3A_1555 step %parallel_loop3A_1556 iter_args(%parallel_loop3A_1574 = %broadcast_in_dim3A_6, %parallel_loop3A_1575 = %broadcast_in_dim3A_6, %parallel_loop3A_1576 = %broadcast_in_dim3A_6, %parallel_loop3A_1577 = %broadcast_in_dim3A_6, %parallel_loop3A_1578 = %broadcast_in_dim3A_8, %parallel_loop3A_1579 = %broadcast_in_dim3A_8, %parallel_loop3A_1580 = %broadcast_in_dim3A_8, %parallel_loop3A_1581 = %broadcast_in_dim3A_8) -> (vector<16xf32>, vector<16xf32>, vector<16xf32>, vector<16xf32>, vector<16xi32>, vector<16xi32>, vector<16xi32>, vector<16xi32>)  : i32 {
        %parallel_loop3A_1582 = arith.constant 64 : i32
        %parallel_loop3A_1583 = arith.muli %parallel_loop3A_1573, %parallel_loop3A_1582 : i32
        %parallel_loop3A_1584 = arith.addi %mul3A_1554, %parallel_loop3A_1583 : i32
        %parallel_loop3A_1585 = arith.constant 0 : i32
        %parallel_loop3A_1586 = arith.addi %parallel_loop3A_1584, %parallel_loop3A_1585 : i32
        %parallel_loop3A_1587 = arith.index_cast %parallel_loop3A_1586 : i32 to index
        %parallel_loop3A_1588 = tpu.vector_load %arg6[%parallel_loop3A_1587] {strides = array<i32>} : memref<32768xi32, #tpu.memory_space<vmem>>, vector<16xi32>,
        %parallel_loop3A_1589 = arith.constant 4 : i32
        %parallel_loop3A_1590 = vector.broadcast %parallel_loop3A_1589 : i32 to vector<16xi32>
        %parallel_loop3A_1591 = arith.shli %parallel_loop3A_1588, %parallel_loop3A_1590 : vector<16xi32>
        %parallel_loop3A_1592 = arith.addi %parallel_loop3A_1591, %iota3A : vector<16xi32>
        %parallel_loop3A_1593 = tpu.vector_load_idx %arg5[%parallel_loop3A_1592] : memref<1280xf32, #tpu.memory_space<vmem>>[vector<16xi32>], vector<16xf32>,
        %parallel_loop3A_1594 = arith.addf %parallel_loop3A_1574, %parallel_loop3A_1593 : vector<16xf32>
        %parallel_loop3A_1595 = arith.constant 63 : i32
        %parallel_loop3A_1596 = vector.broadcast %parallel_loop3A_1595 : i32 to vector<16xi32>
        %parallel_loop3A_1597 = arith.addi %parallel_loop3A_1588, %parallel_loop3A_1596 : vector<16xi32>
        %parallel_loop3A_1598 = arith.constant 6 : i32
        %parallel_loop3A_1599 = vector.broadcast %parallel_loop3A_1598 : i32 to vector<16xi32>
        %parallel_loop3A_1600 = arith.shrsi %parallel_loop3A_1597, %parallel_loop3A_1599 : vector<16xi32>
        %parallel_loop3A_1601 = arith.addi %parallel_loop3A_1578, %parallel_loop3A_1600 : vector<16xi32>
        %parallel_loop3A_1602 = arith.constant 16 : i32
        %parallel_loop3A_1603 = arith.addi %parallel_loop3A_1584, %parallel_loop3A_1602 : i32
        %parallel_loop3A_1604 = arith.index_cast %parallel_loop3A_1603 : i32 to index
        %parallel_loop3A_1605 = tpu.vector_load %arg6[%parallel_loop3A_1604] {strides = array<i32>} : memref<32768xi32, #tpu.memory_space<vmem>>, vector<16xi32>,
        %parallel_loop3A_1606 = arith.constant 4 : i32
        %parallel_loop3A_1607 = vector.broadcast %parallel_loop3A_1606 : i32 to vector<16xi32>
        %parallel_loop3A_1608 = arith.shli %parallel_loop3A_1605, %parallel_loop3A_1607 : vector<16xi32>
        %parallel_loop3A_1609 = arith.addi %parallel_loop3A_1608, %iota3A : vector<16xi32>
        %parallel_loop3A_1610 = tpu.vector_load_idx %arg5[%parallel_loop3A_1609] : memref<1280xf32, #tpu.memory_space<vmem>>[vector<16xi32>], vector<16xf32>,
        %parallel_loop3A_1611 = arith.addf %parallel_loop3A_1575, %parallel_loop3A_1610 : vector<16xf32>
        %parallel_loop3A_1612 = arith.constant 63 : i32
        %parallel_loop3A_1613 = vector.broadcast %parallel_loop3A_1612 : i32 to vector<16xi32>
        %parallel_loop3A_1614 = arith.addi %parallel_loop3A_1605, %parallel_loop3A_1613 : vector<16xi32>
        %parallel_loop3A_1615 = arith.constant 6 : i32
        %parallel_loop3A_1616 = vector.broadcast %parallel_loop3A_1615 : i32 to vector<16xi32>
        %parallel_loop3A_1617 = arith.shrsi %parallel_loop3A_1614, %parallel_loop3A_1616 : vector<16xi32>
        %parallel_loop3A_1618 = arith.addi %parallel_loop3A_1579, %parallel_loop3A_1617 : vector<16xi32>
        %parallel_loop3A_1619 = arith.constant 32 : i32
        %parallel_loop3A_1620 = arith.addi %parallel_loop3A_1584, %parallel_loop3A_1619 : i32
        %parallel_loop3A_1621 = arith.index_cast %parallel_loop3A_1620 : i32 to index
        %parallel_loop3A_1622 = tpu.vector_load %arg6[%parallel_loop3A_1621] {strides = array<i32>} : memref<32768xi32, #tpu.memory_space<vmem>>, vector<16xi32>,
        %parallel_loop3A_1623 = arith.constant 4 : i32
        %parallel_loop3A_1624 = vector.broadcast %parallel_loop3A_1623 : i32 to vector<16xi32>
        %parallel_loop3A_1625 = arith.shli %parallel_loop3A_1622, %parallel_loop3A_1624 : vector<16xi32>
        %parallel_loop3A_1626 = arith.addi %parallel_loop3A_1625, %iota3A : vector<16xi32>
        %parallel_loop3A_1627 = tpu.vector_load_idx %arg5[%parallel_loop3A_1626] : memref<1280xf32, #tpu.memory_space<vmem>>[vector<16xi32>], vector<16xf32>,
        %parallel_loop3A_1628 = arith.addf %parallel_loop3A_1576, %parallel_loop3A_1627 : vector<16xf32>
        %parallel_loop3A_1629 = arith.constant 63 : i32
        %parallel_loop3A_1630 = vector.broadcast %parallel_loop3A_1629 : i32 to vector<16xi32>
        %parallel_loop3A_1631 = arith.addi %parallel_loop3A_1622, %parallel_loop3A_1630 : vector<16xi32>
        %parallel_loop3A_1632 = arith.constant 6 : i32
        %parallel_loop3A_1633 = vector.broadcast %parallel_loop3A_1632 : i32 to vector<16xi32>
        %parallel_loop3A_1634 = arith.shrsi %parallel_loop3A_1631, %parallel_loop3A_1633 : vector<16xi32>
        %parallel_loop3A_1635 = arith.addi %parallel_loop3A_1580, %parallel_loop3A_1634 : vector<16xi32>
        %parallel_loop3A_1636 = arith.constant 48 : i32
        %parallel_loop3A_1637 = arith.addi %parallel_loop3A_1584, %parallel_loop3A_1636 : i32
        %parallel_loop3A_1638 = arith.index_cast %parallel_loop3A_1637 : i32 to index
        %parallel_loop3A_1639 = tpu.vector_load %arg6[%parallel_loop3A_1638] {strides = array<i32>} : memref<32768xi32, #tpu.memory_space<vmem>>, vector<16xi32>,
        %parallel_loop3A_1640 = arith.constant 4 : i32
        %parallel_loop3A_1641 = vector.broadcast %parallel_loop3A_1640 : i32 to vector<16xi32>
        %parallel_loop3A_1642 = arith.shli %parallel_loop3A_1639, %parallel_loop3A_1641 : vector<16xi32>
        %parallel_loop3A_1643 = arith.addi %parallel_loop3A_1642, %iota3A : vector<16xi32>
        %parallel_loop3A_1644 = tpu.vector_load_idx %arg5[%parallel_loop3A_1643] : memref<1280xf32, #tpu.memory_space<vmem>>[vector<16xi32>], vector<16xf32>,
        %parallel_loop3A_1645 = arith.addf %parallel_loop3A_1577, %parallel_loop3A_1644 : vector<16xf32>
        %parallel_loop3A_1646 = arith.constant 63 : i32
        %parallel_loop3A_1647 = vector.broadcast %parallel_loop3A_1646 : i32 to vector<16xi32>
        %parallel_loop3A_1648 = arith.addi %parallel_loop3A_1639, %parallel_loop3A_1647 : vector<16xi32>
        %parallel_loop3A_1649 = arith.constant 6 : i32
        %parallel_loop3A_1650 = vector.broadcast %parallel_loop3A_1649 : i32 to vector<16xi32>
        %parallel_loop3A_1651 = arith.shrsi %parallel_loop3A_1648, %parallel_loop3A_1650 : vector<16xi32>
        %parallel_loop3A_1652 = arith.addi %parallel_loop3A_1581, %parallel_loop3A_1651 : vector<16xi32>
        scf.yield %parallel_loop3A_1594, %parallel_loop3A_1611, %parallel_loop3A_1628, %parallel_loop3A_1645, %parallel_loop3A_1601, %parallel_loop3A_1618, %parallel_loop3A_1635, %parallel_loop3A_1652 : vector<16xf32>, vector<16xf32>, vector<16xf32>, vector<16xf32>, vector<16xi32>, vector<16xi32>, vector<16xi32>, vector<16xi32>
      } {sc.loop_unroll_factor = 4 : i64, sc.parallel_access}
      %add3A_1558 = arith.addf %parallel_loop3A_1557#0, %parallel_loop3A_1557#1 : vector<16xf32>
      %add3A_1559 = arith.addf %parallel_loop3A_1557#2, %parallel_loop3A_1557#3 : vector<16xf32>
      %add3A_1560 = arith.addf %add3A_1558, %add3A_1559 : vector<16xf32>
      %add3A_1561 = arith.addi %parallel_loop3A_1557#4, %parallel_loop3A_1557#5 : vector<16xi32>
      %add3A_1562 = arith.addi %parallel_loop3A_1557#6, %parallel_loop3A_1557#7 : vector<16xi32>
      %add3A_1563 = arith.addi %add3A_1561, %add3A_1562 : vector<16xi32>
      %mul3A_1564 = arith.constant 17 : i32
      %mul3A_1565 = arith.muli %scan3A_1531, %mul3A_1564 : i32
      %swap3A_1566 = arith.index_cast %mul3A_1565 : i32 to index
      %swap3A_1567 = tpu.vector_load %arg8[%swap3A_1566] {strides = array<i32>} : memref<272xf32, #tpu.memory_space<vmem>>, vector<16xf32>,
      tpu.vector_store %arg8[%swap3A_1566], %add3A_1560 {strides = array<i32>} : memref<272xf32, #tpu.memory_space<vmem>>, vector<16xf32>,
      %mul3A_1568 = arith.constant 17 : i32
      %mul3A_1569 = arith.muli %scan3A_1531, %mul3A_1568 : i32
      %swap3A_1570 = arith.index_cast %mul3A_1569 : i32 to index
      %swap3A_1571 = tpu.vector_load %arg9[%swap3A_1570] {strides = array<i32>} : memref<272xi32, #tpu.memory_space<vmem>>, vector<16xi32>,
      tpu.vector_store %arg9[%swap3A_1570], %add3A_1563 {strides = array<i32>} : memref<272xi32, #tpu.memory_space<vmem>>, vector<16xi32>,
      %scan3A_1572 = arith.constant 0 : i32
      scf.yield %scan3A_1572 : i32
    }
    %scan3A_173 = arith.constant 16 : i32
    %add3A_174 = arith.constant 0 : i32
    %add3A_175 = vector.broadcast %add3A_174 : i32 to vector<16xi32>
    %add3A_176 = arith.addi %mul3A_5, %add3A_175 : vector<16xi32>
    %gather3A = tpu.vector_load_idx %arg8[%add3A_176] : memref<272xf32, #tpu.memory_space<vmem>>[vector<16xi32>], vector<16xf32>,
    %add3A_177 = arith.addf %broadcast_in_dim3A_6, %gather3A : vector<16xf32>
    %add3A_178 = arith.constant 0 : i32
    %add3A_179 = vector.broadcast %add3A_178 : i32 to vector<16xi32>
    %add3A_180 = arith.addi %mul3A_5, %add3A_179 : vector<16xi32>
    %gather3A_181 = tpu.vector_load_idx %arg9[%add3A_180] : memref<272xi32, #tpu.memory_space<vmem>>[vector<16xi32>], vector<16xi32>,
    %add3A_182 = arith.addi %broadcast_in_dim3A_8, %gather3A_181 : vector<16xi32>
    %add3A_183 = arith.constant 1 : i32
    %add3A_184 = vector.broadcast %add3A_183 : i32 to vector<16xi32>
    %add3A_185 = arith.addi %mul3A_5, %add3A_184 : vector<16xi32>
    %gather3A_186 = tpu.vector_load_idx %arg8[%add3A_185] : memref<272xf32, #tpu.memory_space<vmem>>[vector<16xi32>], vector<16xf32>,
    %add3A_187 = arith.addf %add3A_177, %gather3A_186 : vector<16xf32>
    %add3A_188 = arith.constant 1 : i32
    %add3A_189 = vector.broadcast %add3A_188 : i32 to vector<16xi32>
    %add3A_190 = arith.addi %mul3A_5, %add3A_189 : vector<16xi32>
    %gather3A_191 = tpu.vector_load_idx %arg9[%add3A_190] : memref<272xi32, #tpu.memory_space<vmem>>[vector<16xi32>], vector<16xi32>,
    %add3A_192 = arith.addi %add3A_182, %gather3A_191 : vector<16xi32>
    %add3A_193 = arith.constant 2 : i32
    %add3A_194 = vector.broadcast %add3A_193 : i32 to vector<16xi32>
    %add3A_195 = arith.addi %mul3A_5, %add3A_194 : vector<16xi32>
    %gather3A_196 = tpu.vector_load_idx %arg8[%add3A_195] : memref<272xf32, #tpu.memory_space<vmem>>[vector<16xi32>], vector<16xf32>,
    %add3A_197 = arith.addf %add3A_187, %gather3A_196 : vector<16xf32>
    %add3A_198 = arith.constant 2 : i32
    %add3A_199 = vector.broadcast %add3A_198 : i32 to vector<16xi32>
    %add3A_200 = arith.addi %mul3A_5, %add3A_199 : vector<16xi32>
    %gather3A_201 = tpu.vector_load_idx %arg9[%add3A_200] : memref<272xi32, #tpu.memory_space<vmem>>[vector<16xi32>], vector<16xi32>,
    %add3A_202 = arith.addi %add3A_192, %gather3A_201 : vector<16xi32>
    %add3A_203 = arith.constant 3 : i32
    %add3A_204 = vector.broadcast %add3A_203 : i32 to vector<16xi32>
    %add3A_205 = arith.addi %mul3A_5, %add3A_204 : vector<16xi32>
    %gather3A_206 = tpu.vector_load_idx %arg8[%add3A_205] : memref<272xf32, #tpu.memory_space<vmem>>[vector<16xi32>], vector<16xf32>,
    %add3A_207 = arith.addf %add3A_197, %gather3A_206 : vector<16xf32>
    %add3A_208 = arith.constant 3 : i32
    %add3A_209 = vector.broadcast %add3A_208 : i32 to vector<16xi32>
    %add3A_210 = arith.addi %mul3A_5, %add3A_209 : vector<16xi32>
    %gather3A_211 = tpu.vector_load_idx %arg9[%add3A_210] : memref<272xi32, #tpu.memory_space<vmem>>[vector<16xi32>], vector<16xi32>,
    %add3A_212 = arith.addi %add3A_202, %gather3A_211 : vector<16xi32>
    %add3A_213 = arith.constant 4 : i32
    %add3A_214 = vector.broadcast %add3A_213 : i32 to vector<16xi32>
    %add3A_215 = arith.addi %mul3A_5, %add3A_214 : vector<16xi32>
    %gather3A_216 = tpu.vector_load_idx %arg8[%add3A_215] : memref<272xf32, #tpu.memory_space<vmem>>[vector<16xi32>], vector<16xf32>,
    %add3A_217 = arith.addf %add3A_207, %gather3A_216 : vector<16xf32>
    %add3A_218 = arith.constant 4 : i32
    %add3A_219 = vector.broadcast %add3A_218 : i32 to vector<16xi32>
    %add3A_220 = arith.addi %mul3A_5, %add3A_219 : vector<16xi32>
    %gather3A_221 = tpu.vector_load_idx %arg9[%add3A_220] : memref<272xi32, #tpu.memory_space<vmem>>[vector<16xi32>], vector<16xi32>,
    %add3A_222 = arith.addi %add3A_212, %gather3A_221 : vector<16xi32>
    %add3A_223 = arith.constant 5 : i32
    %add3A_224 = vector.broadcast %add3A_223 : i32 to vector<16xi32>
    %add3A_225 = arith.addi %mul3A_5, %add3A_224 : vector<16xi32>
    %gather3A_226 = tpu.vector_load_idx %arg8[%add3A_225] : memref<272xf32, #tpu.memory_space<vmem>>[vector<16xi32>], vector<16xf32>,
    %add3A_227 = arith.addf %add3A_217, %gather3A_226 : vector<16xf32>
    %add3A_228 = arith.constant 5 : i32
    %add3A_229 = vector.broadcast %add3A_228 : i32 to vector<16xi32>
    %add3A_230 = arith.addi %mul3A_5, %add3A_229 : vector<16xi32>
    %gather3A_231 = tpu.vector_load_idx %arg9[%add3A_230] : memref<272xi32, #tpu.memory_space<vmem>>[vector<16xi32>], vector<16xi32>,
    %add3A_232 = arith.addi %add3A_222, %gather3A_231 : vector<16xi32>
    %add3A_233 = arith.constant 6 : i32
    %add3A_234 = vector.broadcast %add3A_233 : i32 to vector<16xi32>
    %add3A_235 = arith.addi %mul3A_5, %add3A_234 : vector<16xi32>
    %gather3A_236 = tpu.vector_load_idx %arg8[%add3A_235] : memref<272xf32, #tpu.memory_space<vmem>>[vector<16xi32>], vector<16xf32>,
    %add3A_237 = arith.addf %add3A_227, %gather3A_236 : vector<16xf32>
    %add3A_238 = arith.constant 6 : i32
    %add3A_239 = vector.broadcast %add3A_238 : i32 to vector<16xi32>
    %add3A_240 = arith.addi %mul3A_5, %add3A_239 : vector<16xi32>
    %gather3A_241 = tpu.vector_load_idx %arg9[%add3A_240] : memref<272xi32, #tpu.memory_space<vmem>>[vector<16xi32>], vector<16xi32>,
    %add3A_242 = arith.addi %add3A_232, %gather3A_241 : vector<16xi32>
    %add3A_243 = arith.constant 7 : i32
    %add3A_244 = vector.broadcast %add3A_243 : i32 to vector<16xi32>
    %add3A_245 = arith.addi %mul3A_5, %add3A_244 : vector<16xi32>
    %gather3A_246 = tpu.vector_load_idx %arg8[%add3A_245] : memref<272xf32, #tpu.memory_space<vmem>>[vector<16xi32>], vector<16xf32>,
    %add3A_247 = arith.addf %add3A_237, %gather3A_246 : vector<16xf32>
    %add3A_248 = arith.constant 7 : i32
    %add3A_249 = vector.broadcast %add3A_248 : i32 to vector<16xi32>
    %add3A_250 = arith.addi %mul3A_5, %add3A_249 : vector<16xi32>
    %gather3A_251 = tpu.vector_load_idx %arg9[%add3A_250] : memref<272xi32, #tpu.memory_space<vmem>>[vector<16xi32>], vector<16xi32>,
    %add3A_252 = arith.addi %add3A_242, %gather3A_251 : vector<16xi32>
    %add3A_253 = arith.constant 8 : i32
    %add3A_254 = vector.broadcast %add3A_253 : i32 to vector<16xi32>
    %add3A_255 = arith.addi %mul3A_5, %add3A_254 : vector<16xi32>
    %gather3A_256 = tpu.vector_load_idx %arg8[%add3A_255] : memref<272xf32, #tpu.memory_space<vmem>>[vector<16xi32>], vector<16xf32>,
    %add3A_257 = arith.addf %add3A_247, %gather3A_256 : vector<16xf32>
    %add3A_258 = arith.constant 8 : i32
    %add3A_259 = vector.broadcast %add3A_258 : i32 to vector<16xi32>
    %add3A_260 = arith.addi %mul3A_5, %add3A_259 : vector<16xi32>
    %gather3A_261 = tpu.vector_load_idx %arg9[%add3A_260] : memref<272xi32, #tpu.memory_space<vmem>>[vector<16xi32>], vector<16xi32>,
    %add3A_262 = arith.addi %add3A_252, %gather3A_261 : vector<16xi32>
    %add3A_263 = arith.constant 9 : i32
    %add3A_264 = vector.broadcast %add3A_263 : i32 to vector<16xi32>
    %add3A_265 = arith.addi %mul3A_5, %add3A_264 : vector<16xi32>
    %gather3A_266 = tpu.vector_load_idx %arg8[%add3A_265] : memref<272xf32, #tpu.memory_space<vmem>>[vector<16xi32>], vector<16xf32>,
    %add3A_267 = arith.addf %add3A_257, %gather3A_266 : vector<16xf32>
    %add3A_268 = arith.constant 9 : i32
    %add3A_269 = vector.broadcast %add3A_268 : i32 to vector<16xi32>
    %add3A_270 = arith.addi %mul3A_5, %add3A_269 : vector<16xi32>
    %gather3A_271 = tpu.vector_load_idx %arg9[%add3A_270] : memref<272xi32, #tpu.memory_space<vmem>>[vector<16xi32>], vector<16xi32>,
    %add3A_272 = arith.addi %add3A_262, %gather3A_271 : vector<16xi32>
    %add3A_273 = arith.constant 10 : i32
    %add3A_274 = vector.broadcast %add3A_273 : i32 to vector<16xi32>
    %add3A_275 = arith.addi %mul3A_5, %add3A_274 : vector<16xi32>
    %gather3A_276 = tpu.vector_load_idx %arg8[%add3A_275] : memref<272xf32, #tpu.memory_space<vmem>>[vector<16xi32>], vector<16xf32>,
    %add3A_277 = arith.addf %add3A_267, %gather3A_276 : vector<16xf32>
    %add3A_278 = arith.constant 10 : i32
    %add3A_279 = vector.broadcast %add3A_278 : i32 to vector<16xi32>
    %add3A_280 = arith.addi %mul3A_5, %add3A_279 : vector<16xi32>
    %gather3A_281 = tpu.vector_load_idx %arg9[%add3A_280] : memref<272xi32, #tpu.memory_space<vmem>>[vector<16xi32>], vector<16xi32>,
    %add3A_282 = arith.addi %add3A_272, %gather3A_281 : vector<16xi32>
    %add3A_283 = arith.constant 11 : i32
    %add3A_284 = vector.broadcast %add3A_283 : i32 to vector<16xi32>
    %add3A_285 = arith.addi %mul3A_5, %add3A_284 : vector<16xi32>
    %gather3A_286 = tpu.vector_load_idx %arg8[%add3A_285] : memref<272xf32, #tpu.memory_space<vmem>>[vector<16xi32>], vector<16xf32>,
    %add3A_287 = arith.addf %add3A_277, %gather3A_286 : vector<16xf32>
    %add3A_288 = arith.constant 11 : i32
    %add3A_289 = vector.broadcast %add3A_288 : i32 to vector<16xi32>
    %add3A_290 = arith.addi %mul3A_5, %add3A_289 : vector<16xi32>
    %gather3A_291 = tpu.vector_load_idx %arg9[%add3A_290] : memref<272xi32, #tpu.memory_space<vmem>>[vector<16xi32>], vector<16xi32>,
    %add3A_292 = arith.addi %add3A_282, %gather3A_291 : vector<16xi32>
    %add3A_293 = arith.constant 12 : i32
    %add3A_294 = vector.broadcast %add3A_293 : i32 to vector<16xi32>
    %add3A_295 = arith.addi %mul3A_5, %add3A_294 : vector<16xi32>
    %gather3A_296 = tpu.vector_load_idx %arg8[%add3A_295] : memref<272xf32, #tpu.memory_space<vmem>>[vector<16xi32>], vector<16xf32>,
    %add3A_297 = arith.addf %add3A_287, %gather3A_296 : vector<16xf32>
    %add3A_298 = arith.constant 12 : i32
    %add3A_299 = vector.broadcast %add3A_298 : i32 to vector<16xi32>
    %add3A_300 = arith.addi %mul3A_5, %add3A_299 : vector<16xi32>
    %gather3A_301 = tpu.vector_load_idx %arg9[%add3A_300] : memref<272xi32, #tpu.memory_space<vmem>>[vector<16xi32>], vector<16xi32>,
    %add3A_302 = arith.addi %add3A_292, %gather3A_301 : vector<16xi32>
    %add3A_303 = arith.constant 13 : i32
    %add3A_304 = vector.broadcast %add3A_303 : i32 to vector<16xi32>
    %add3A_305 = arith.addi %mul3A_5, %add3A_304 : vector<16xi32>
    %gather3A_306 = tpu.vector_load_idx %arg8[%add3A_305] : memref<272xf32, #tpu.memory_space<vmem>>[vector<16xi32>], vector<16xf32>,
    %add3A_307 = arith.addf %add3A_297, %gather3A_306 : vector<16xf32>
    %add3A_308 = arith.constant 13 : i32
    %add3A_309 = vector.broadcast %add3A_308 : i32 to vector<16xi32>
    %add3A_310 = arith.addi %mul3A_5, %add3A_309 : vector<16xi32>
    %gather3A_311 = tpu.vector_load_idx %arg9[%add3A_310] : memref<272xi32, #tpu.memory_space<vmem>>[vector<16xi32>], vector<16xi32>,
    %add3A_312 = arith.addi %add3A_302, %gather3A_311 : vector<16xi32>
    %add3A_313 = arith.constant 14 : i32
    %add3A_314 = vector.broadcast %add3A_313 : i32 to vector<16xi32>
    %add3A_315 = arith.addi %mul3A_5, %add3A_314 : vector<16xi32>
    %gather3A_316 = tpu.vector_load_idx %arg8[%add3A_315] : memref<272xf32, #tpu.memory_space<vmem>>[vector<16xi32>], vector<16xf32>,
    %add3A_317 = arith.addf %add3A_307, %gather3A_316 : vector<16xf32>
    %add3A_318 = arith.constant 14 : i32
    %add3A_319 = vector.broadcast %add3A_318 : i32 to vector<16xi32>
    %add3A_320 = arith.addi %mul3A_5, %add3A_319 : vector<16xi32>
    %gather3A_321 = tpu.vector_load_idx %arg9[%add3A_320] : memref<272xi32, #tpu.memory_space<vmem>>[vector<16xi32>], vector<16xi32>,
    %add3A_322 = arith.addi %add3A_312, %gather3A_321 : vector<16xi32>
    %add3A_323 = arith.constant 15 : i32
    %add3A_324 = vector.broadcast %add3A_323 : i32 to vector<16xi32>
    %add3A_325 = arith.addi %mul3A_5, %add3A_324 : vector<16xi32>
    %gather3A_326 = tpu.vector_load_idx %arg8[%add3A_325] : memref<272xf32, #tpu.memory_space<vmem>>[vector<16xi32>], vector<16xf32>,
    %add3A_327 = arith.addf %add3A_317, %gather3A_326 : vector<16xf32>
    %add3A_328 = arith.constant 15 : i32
    %add3A_329 = vector.broadcast %add3A_328 : i32 to vector<16xi32>
    %add3A_330 = arith.addi %mul3A_5, %add3A_329 : vector<16xi32>
    %gather3A_331 = tpu.vector_load_idx %arg9[%add3A_330] : memref<272xi32, #tpu.memory_space<vmem>>[vector<16xi32>], vector<16xi32>,
    %add3A_332 = arith.addi %add3A_322, %gather3A_331 : vector<16xi32>
    %convert_element_type3A = arith.sitofp %add3A_332 : vector<16xi32> to vector<16xf32>
    %div3A = arith.divf %add3A_327, %convert_element_type3A : vector<16xf32>
    %swap3A = arith.constant 0 : index
    %swap3A_333 = tpu.vector_load %arg10[%swap3A] {strides = array<i32>} : memref<128xf32, #tpu.memory_space<vmem>>, vector<16xf32>,
    tpu.vector_store %arg10[%swap3A], %div3A {strides = array<i32>} : memref<128xf32, #tpu.memory_space<vmem>>, vector<16xf32>,
    %scan3A_334 = arith.constant 0 : i32
    %scan3A_335 = arith.constant 0 : i32
    %scan3A_336 = arith.constant 16 : i32
    %scan3A_337 = arith.addi %scan3A_335, %scan3A_336 : i32
    %scan3A_338 = arith.constant 1 : i32
    %scan3A_339 = scf.for %scan3A_1531 = %scan3A_335 to %scan3A_337 step %scan3A_338 iter_args(%scan3A_1532 = %scan3A_334) -> (i32)  : i32 {
      %mul3A_1533 = arith.constant 2048 : i32
      %mul3A_1534 = arith.muli %scan3A_1531, %mul3A_1533 : i32
      %dma_wait3A = tpu.memref_slice %arg7[%mul3A_1534] : memref<32768xi32, #tpu.memory_space<vmem>> -> memref<2048xi32, #tpu.memory_space<vmem>>
      %dma_wait3A_1535 = arith.constant 0 : i32
      %dma_wait3A_1536 = tpu.memref_slice %arg2[%dma_wait3A_1535] : memref<8388608xi32, #tpu.memory_space<hbm>> -> memref<2048xi32, #tpu.memory_space<hbm>>
      %dma_wait3A_1537 = tpu.memref_slice %arg7[%mul3A_1534] : memref<32768xi32, #tpu.memory_space<vmem>> -> memref<2048xi32, #tpu.memory_space<vmem>>
      %dma_wait3A_1538 = arith.constant 0 : i32
      %dma_wait3A_1539 = tpu.memref_slice %arg2[%dma_wait3A_1538] : memref<8388608xi32, #tpu.memory_space<hbm>> -> memref<2048xi32, #tpu.memory_space<hbm>>
      tpu.wait_dma2 semaphore(%arg12 : memref<!tpu.dma_semaphore, #tpu.memory_space<semaphore_mem>>) src(%dma_wait3A_1539 : memref<2048xi32, #tpu.memory_space<hbm>>) dst(%dma_wait3A_1537 : memref<2048xi32, #tpu.memory_space<vmem>>)
      %add3A_1540 = arith.constant 32 : i32
      %add3A_1541 = arith.addi %mul3A_2, %add3A_1540 : i32
      %mul3A_1542 = arith.constant 2048 : i32
      %mul3A_1543 = arith.muli %add3A_1541, %mul3A_1542 : i32
      %mul3A_1544 = arith.constant 2048 : i32
      %mul3A_1545 = arith.muli %scan3A_1531, %mul3A_1544 : i32
      %add3A_1546 = arith.addi %mul3A_1543, %mul3A_1545 : i32
      %mul3A_1547 = arith.constant 2048 : i32
      %mul3A_1548 = arith.muli %scan3A_1531, %mul3A_1547 : i32
      %dma_start3A_1549 = tpu.memref_slice %arg6[%mul3A_1548] : memref<32768xi32, #tpu.memory_space<vmem>> -> memref<2048xi32, #tpu.memory_space<vmem>>
      %dma_start3A_1550 = tpu.memref_slice %arg2[%add3A_1546] : memref<8388608xi32, #tpu.memory_space<hbm>> -> memref<2048xi32, #tpu.memory_space<hbm>>
      %dma_start3A_1551 = tpu.memref_slice %arg6[%mul3A_1548] : memref<32768xi32, #tpu.memory_space<vmem>> -> memref<2048xi32, #tpu.memory_space<vmem>>
      %dma_start3A_1552 = tpu.memref_slice %arg2[%add3A_1546] : memref<8388608xi32, #tpu.memory_space<hbm>> -> memref<2048xi32, #tpu.memory_space<hbm>>
      tpu.enqueue_dma source(%dma_start3A_1552 : memref<2048xi32, #tpu.memory_space<hbm>>) target(%dma_start3A_1551 : memref<2048xi32, #tpu.memory_space<vmem>>) target_semaphore(%arg11 : memref<!tpu.dma_semaphore, #tpu.memory_space<semaphore_mem>>)
      %mul3A_1553 = arith.constant 2048 : i32
      %mul3A_1554 = arith.muli %scan3A_1531, %mul3A_1553 : i32
      %parallel_loop3A = arith.constant 0 : i32
      %parallel_loop3A_1555 = arith.constant 32 : i32
      %parallel_loop3A_1556 = arith.constant 1 : i32
      %parallel_loop3A_1557:8 = scf.for %parallel_loop3A_1573 = %parallel_loop3A to %parallel_loop3A_1555 step %parallel_loop3A_1556 iter_args(%parallel_loop3A_1574 = %broadcast_in_dim3A_6, %parallel_loop3A_1575 = %broadcast_in_dim3A_6, %parallel_loop3A_1576 = %broadcast_in_dim3A_6, %parallel_loop3A_1577 = %broadcast_in_dim3A_6, %parallel_loop3A_1578 = %broadcast_in_dim3A_8, %parallel_loop3A_1579 = %broadcast_in_dim3A_8, %parallel_loop3A_1580 = %broadcast_in_dim3A_8, %parallel_loop3A_1581 = %broadcast_in_dim3A_8) -> (vector<16xf32>, vector<16xf32>, vector<16xf32>, vector<16xf32>, vector<16xi32>, vector<16xi32>, vector<16xi32>, vector<16xi32>)  : i32 {
        %parallel_loop3A_1582 = arith.constant 64 : i32
        %parallel_loop3A_1583 = arith.muli %parallel_loop3A_1573, %parallel_loop3A_1582 : i32
        %parallel_loop3A_1584 = arith.addi %mul3A_1554, %parallel_loop3A_1583 : i32
        %parallel_loop3A_1585 = arith.constant 0 : i32
        %parallel_loop3A_1586 = arith.addi %parallel_loop3A_1584, %parallel_loop3A_1585 : i32
        %parallel_loop3A_1587 = arith.index_cast %parallel_loop3A_1586 : i32 to index
        %parallel_loop3A_1588 = tpu.vector_load %arg7[%parallel_loop3A_1587] {strides = array<i32>} : memref<32768xi32, #tpu.memory_space<vmem>>, vector<16xi32>,
        %parallel_loop3A_1589 = arith.constant 4 : i32
        %parallel_loop3A_1590 = vector.broadcast %parallel_loop3A_1589 : i32 to vector<16xi32>
        %parallel_loop3A_1591 = arith.shli %parallel_loop3A_1588, %parallel_loop3A_1590 : vector<16xi32>
        %parallel_loop3A_1592 = arith.addi %parallel_loop3A_1591, %iota3A : vector<16xi32>
        %parallel_loop3A_1593 = tpu.vector_load_idx %arg5[%parallel_loop3A_1592] : memref<1280xf32, #tpu.memory_space<vmem>>[vector<16xi32>], vector<16xf32>,
        %parallel_loop3A_1594 = arith.addf %parallel_loop3A_1574, %parallel_loop3A_1593 : vector<16xf32>
        %parallel_loop3A_1595 = arith.constant 63 : i32
        %parallel_loop3A_1596 = vector.broadcast %parallel_loop3A_1595 : i32 to vector<16xi32>
        %parallel_loop3A_1597 = arith.addi %parallel_loop3A_1588, %parallel_loop3A_1596 : vector<16xi32>
        %parallel_loop3A_1598 = arith.constant 6 : i32
        %parallel_loop3A_1599 = vector.broadcast %parallel_loop3A_1598 : i32 to vector<16xi32>
        %parallel_loop3A_1600 = arith.shrsi %parallel_loop3A_1597, %parallel_loop3A_1599 : vector<16xi32>
        %parallel_loop3A_1601 = arith.addi %parallel_loop3A_1578, %parallel_loop3A_1600 : vector<16xi32>
        %parallel_loop3A_1602 = arith.constant 16 : i32
        %parallel_loop3A_1603 = arith.addi %parallel_loop3A_1584, %parallel_loop3A_1602 : i32
        %parallel_loop3A_1604 = arith.index_cast %parallel_loop3A_1603 : i32 to index
        %parallel_loop3A_1605 = tpu.vector_load %arg7[%parallel_loop3A_1604] {strides = array<i32>} : memref<32768xi32, #tpu.memory_space<vmem>>, vector<16xi32>,
        %parallel_loop3A_1606 = arith.constant 4 : i32
        %parallel_loop3A_1607 = vector.broadcast %parallel_loop3A_1606 : i32 to vector<16xi32>
        %parallel_loop3A_1608 = arith.shli %parallel_loop3A_1605, %parallel_loop3A_1607 : vector<16xi32>
        %parallel_loop3A_1609 = arith.addi %parallel_loop3A_1608, %iota3A : vector<16xi32>
        %parallel_loop3A_1610 = tpu.vector_load_idx %arg5[%parallel_loop3A_1609] : memref<1280xf32, #tpu.memory_space<vmem>>[vector<16xi32>], vector<16xf32>,
        %parallel_loop3A_1611 = arith.addf %parallel_loop3A_1575, %parallel_loop3A_1610 : vector<16xf32>
        %parallel_loop3A_1612 = arith.constant 63 : i32
        %parallel_loop3A_1613 = vector.broadcast %parallel_loop3A_1612 : i32 to vector<16xi32>
        %parallel_loop3A_1614 = arith.addi %parallel_loop3A_1605, %parallel_loop3A_1613 : vector<16xi32>
        %parallel_loop3A_1615 = arith.constant 6 : i32
        %parallel_loop3A_1616 = vector.broadcast %parallel_loop3A_1615 : i32 to vector<16xi32>
        %parallel_loop3A_1617 = arith.shrsi %parallel_loop3A_1614, %parallel_loop3A_1616 : vector<16xi32>
        %parallel_loop3A_1618 = arith.addi %parallel_loop3A_1579, %parallel_loop3A_1617 : vector<16xi32>
        %parallel_loop3A_1619 = arith.constant 32 : i32
        %parallel_loop3A_1620 = arith.addi %parallel_loop3A_1584, %parallel_loop3A_1619 : i32
        %parallel_loop3A_1621 = arith.index_cast %parallel_loop3A_1620 : i32 to index
        %parallel_loop3A_1622 = tpu.vector_load %arg7[%parallel_loop3A_1621] {strides = array<i32>} : memref<32768xi32, #tpu.memory_space<vmem>>, vector<16xi32>,
        %parallel_loop3A_1623 = arith.constant 4 : i32
        %parallel_loop3A_1624 = vector.broadcast %parallel_loop3A_1623 : i32 to vector<16xi32>
        %parallel_loop3A_1625 = arith.shli %parallel_loop3A_1622, %parallel_loop3A_1624 : vector<16xi32>
        %parallel_loop3A_1626 = arith.addi %parallel_loop3A_1625, %iota3A : vector<16xi32>
        %parallel_loop3A_1627 = tpu.vector_load_idx %arg5[%parallel_loop3A_1626] : memref<1280xf32, #tpu.memory_space<vmem>>[vector<16xi32>], vector<16xf32>,
        %parallel_loop3A_1628 = arith.addf %parallel_loop3A_1576, %parallel_loop3A_1627 : vector<16xf32>
        %parallel_loop3A_1629 = arith.constant 63 : i32
        %parallel_loop3A_1630 = vector.broadcast %parallel_loop3A_1629 : i32 to vector<16xi32>
        %parallel_loop3A_1631 = arith.addi %parallel_loop3A_1622, %parallel_loop3A_1630 : vector<16xi32>
        %parallel_loop3A_1632 = arith.constant 6 : i32
        %parallel_loop3A_1633 = vector.broadcast %parallel_loop3A_1632 : i32 to vector<16xi32>
        %parallel_loop3A_1634 = arith.shrsi %parallel_loop3A_1631, %parallel_loop3A_1633 : vector<16xi32>
        %parallel_loop3A_1635 = arith.addi %parallel_loop3A_1580, %parallel_loop3A_1634 : vector<16xi32>
        %parallel_loop3A_1636 = arith.constant 48 : i32
        %parallel_loop3A_1637 = arith.addi %parallel_loop3A_1584, %parallel_loop3A_1636 : i32
        %parallel_loop3A_1638 = arith.index_cast %parallel_loop3A_1637 : i32 to index
        %parallel_loop3A_1639 = tpu.vector_load %arg7[%parallel_loop3A_1638] {strides = array<i32>} : memref<32768xi32, #tpu.memory_space<vmem>>, vector<16xi32>,
        %parallel_loop3A_1640 = arith.constant 4 : i32
        %parallel_loop3A_1641 = vector.broadcast %parallel_loop3A_1640 : i32 to vector<16xi32>
        %parallel_loop3A_1642 = arith.shli %parallel_loop3A_1639, %parallel_loop3A_1641 : vector<16xi32>
        %parallel_loop3A_1643 = arith.addi %parallel_loop3A_1642, %iota3A : vector<16xi32>
        %parallel_loop3A_1644 = tpu.vector_load_idx %arg5[%parallel_loop3A_1643] : memref<1280xf32, #tpu.memory_space<vmem>>[vector<16xi32>], vector<16xf32>,
        %parallel_loop3A_1645 = arith.addf %parallel_loop3A_1577, %parallel_loop3A_1644 : vector<16xf32>
        %parallel_loop3A_1646 = arith.constant 63 : i32
        %parallel_loop3A_1647 = vector.broadcast %parallel_loop3A_1646 : i32 to vector<16xi32>
        %parallel_loop3A_1648 = arith.addi %parallel_loop3A_1639, %parallel_loop3A_1647 : vector<16xi32>
        %parallel_loop3A_1649 = arith.constant 6 : i32
        %parallel_loop3A_1650 = vector.broadcast %parallel_loop3A_1649 : i32 to vector<16xi32>
        %parallel_loop3A_1651 = arith.shrsi %parallel_loop3A_1648, %parallel_loop3A_1650 : vector<16xi32>
        %parallel_loop3A_1652 = arith.addi %parallel_loop3A_1581, %parallel_loop3A_1651 : vector<16xi32>
        scf.yield %parallel_loop3A_1594, %parallel_loop3A_1611, %parallel_loop3A_1628, %parallel_loop3A_1645, %parallel_loop3A_1601, %parallel_loop3A_1618, %parallel_loop3A_1635, %parallel_loop3A_1652 : vector<16xf32>, vector<16xf32>, vector<16xf32>, vector<16xf32>, vector<16xi32>, vector<16xi32>, vector<16xi32>, vector<16xi32>
      } {sc.loop_unroll_factor = 4 : i64, sc.parallel_access}
      %add3A_1558 = arith.addf %parallel_loop3A_1557#0, %parallel_loop3A_1557#1 : vector<16xf32>
      %add3A_1559 = arith.addf %parallel_loop3A_1557#2, %parallel_loop3A_1557#3 : vector<16xf32>
      %add3A_1560 = arith.addf %add3A_1558, %add3A_1559 : vector<16xf32>
      %add3A_1561 = arith.addi %parallel_loop3A_1557#4, %parallel_loop3A_1557#5 : vector<16xi32>
      %add3A_1562 = arith.addi %parallel_loop3A_1557#6, %parallel_loop3A_1557#7 : vector<16xi32>
      %add3A_1563 = arith.addi %add3A_1561, %add3A_1562 : vector<16xi32>
      %mul3A_1564 = arith.constant 17 : i32
      %mul3A_1565 = arith.muli %scan3A_1531, %mul3A_1564 : i32
      %swap3A_1566 = arith.index_cast %mul3A_1565 : i32 to index
      %swap3A_1567 = tpu.vector_load %arg8[%swap3A_1566] {strides = array<i32>} : memref<272xf32, #tpu.memory_space<vmem>>, vector<16xf32>,
      tpu.vector_store %arg8[%swap3A_1566], %add3A_1560 {strides = array<i32>} : memref<272xf32, #tpu.memory_space<vmem>>, vector<16xf32>,
      %mul3A_1568 = arith.constant 17 : i32
      %mul3A_1569 = arith.muli %scan3A_1531, %mul3A_1568 : i32
      %swap3A_1570 = arith.index_cast %mul3A_1569 : i32 to index
      %swap3A_1571 = tpu.vector_load %arg9[%swap3A_1570] {strides = array<i32>} : memref<272xi32, #tpu.memory_space<vmem>>, vector<16xi32>,
      tpu.vector_store %arg9[%swap3A_1570], %add3A_1563 {strides = array<i32>} : memref<272xi32, #tpu.memory_space<vmem>>, vector<16xi32>,
      %scan3A_1572 = arith.constant 0 : i32
      scf.yield %scan3A_1572 : i32
    }
    %scan3A_340 = arith.constant 16 : i32
    %add3A_341 = arith.constant 0 : i32
    %add3A_342 = vector.broadcast %add3A_341 : i32 to vector<16xi32>
    %add3A_343 = arith.addi %mul3A_5, %add3A_342 : vector<16xi32>
    %gather3A_344 = tpu.vector_load_idx %arg8[%add3A_343] : memref<272xf32, #tpu.memory_space<vmem>>[vector<16xi32>], vector<16xf32>,
    %add3A_345 = arith.addf %broadcast_in_dim3A_6, %gather3A_344 : vector<16xf32>
    %add3A_346 = arith.constant 0 : i32
    %add3A_347 = vector.broadcast %add3A_346 : i32 to vector<16xi32>
    %add3A_348 = arith.addi %mul3A_5, %add3A_347 : vector<16xi32>
    %gather3A_349 = tpu.vector_load_idx %arg9[%add3A_348] : memref<272xi32, #tpu.memory_space<vmem>>[vector<16xi32>], vector<16xi32>,
    %add3A_350 = arith.addi %broadcast_in_dim3A_8, %gather3A_349 : vector<16xi32>
    %add3A_351 = arith.constant 1 : i32
    %add3A_352 = vector.broadcast %add3A_351 : i32 to vector<16xi32>
    %add3A_353 = arith.addi %mul3A_5, %add3A_352 : vector<16xi32>
    %gather3A_354 = tpu.vector_load_idx %arg8[%add3A_353] : memref<272xf32, #tpu.memory_space<vmem>>[vector<16xi32>], vector<16xf32>,
    %add3A_355 = arith.addf %add3A_345, %gather3A_354 : vector<16xf32>
    %add3A_356 = arith.constant 1 : i32
    %add3A_357 = vector.broadcast %add3A_356 : i32 to vector<16xi32>
    %add3A_358 = arith.addi %mul3A_5, %add3A_357 : vector<16xi32>
    %gather3A_359 = tpu.vector_load_idx %arg9[%add3A_358] : memref<272xi32, #tpu.memory_space<vmem>>[vector<16xi32>], vector<16xi32>,
    %add3A_360 = arith.addi %add3A_350, %gather3A_359 : vector<16xi32>
    %add3A_361 = arith.constant 2 : i32
    %add3A_362 = vector.broadcast %add3A_361 : i32 to vector<16xi32>
    %add3A_363 = arith.addi %mul3A_5, %add3A_362 : vector<16xi32>
    %gather3A_364 = tpu.vector_load_idx %arg8[%add3A_363] : memref<272xf32, #tpu.memory_space<vmem>>[vector<16xi32>], vector<16xf32>,
    %add3A_365 = arith.addf %add3A_355, %gather3A_364 : vector<16xf32>
    %add3A_366 = arith.constant 2 : i32
    %add3A_367 = vector.broadcast %add3A_366 : i32 to vector<16xi32>
    %add3A_368 = arith.addi %mul3A_5, %add3A_367 : vector<16xi32>
    %gather3A_369 = tpu.vector_load_idx %arg9[%add3A_368] : memref<272xi32, #tpu.memory_space<vmem>>[vector<16xi32>], vector<16xi32>,
    %add3A_370 = arith.addi %add3A_360, %gather3A_369 : vector<16xi32>
    %add3A_371 = arith.constant 3 : i32
    %add3A_372 = vector.broadcast %add3A_371 : i32 to vector<16xi32>
    %add3A_373 = arith.addi %mul3A_5, %add3A_372 : vector<16xi32>
    %gather3A_374 = tpu.vector_load_idx %arg8[%add3A_373] : memref<272xf32, #tpu.memory_space<vmem>>[vector<16xi32>], vector<16xf32>,
    %add3A_375 = arith.addf %add3A_365, %gather3A_374 : vector<16xf32>
    %add3A_376 = arith.constant 3 : i32
    %add3A_377 = vector.broadcast %add3A_376 : i32 to vector<16xi32>
    %add3A_378 = arith.addi %mul3A_5, %add3A_377 : vector<16xi32>
    %gather3A_379 = tpu.vector_load_idx %arg9[%add3A_378] : memref<272xi32, #tpu.memory_space<vmem>>[vector<16xi32>], vector<16xi32>,
    %add3A_380 = arith.addi %add3A_370, %gather3A_379 : vector<16xi32>
    %add3A_381 = arith.constant 4 : i32
    %add3A_382 = vector.broadcast %add3A_381 : i32 to vector<16xi32>
    %add3A_383 = arith.addi %mul3A_5, %add3A_382 : vector<16xi32>
    %gather3A_384 = tpu.vector_load_idx %arg8[%add3A_383] : memref<272xf32, #tpu.memory_space<vmem>>[vector<16xi32>], vector<16xf32>,
    %add3A_385 = arith.addf %add3A_375, %gather3A_384 : vector<16xf32>
    %add3A_386 = arith.constant 4 : i32
    %add3A_387 = vector.broadcast %add3A_386 : i32 to vector<16xi32>
    %add3A_388 = arith.addi %mul3A_5, %add3A_387 : vector<16xi32>
    %gather3A_389 = tpu.vector_load_idx %arg9[%add3A_388] : memref<272xi32, #tpu.memory_space<vmem>>[vector<16xi32>], vector<16xi32>,
    %add3A_390 = arith.addi %add3A_380, %gather3A_389 : vector<16xi32>
    %add3A_391 = arith.constant 5 : i32
    %add3A_392 = vector.broadcast %add3A_391 : i32 to vector<16xi32>
    %add3A_393 = arith.addi %mul3A_5, %add3A_392 : vector<16xi32>
    %gather3A_394 = tpu.vector_load_idx %arg8[%add3A_393] : memref<272xf32, #tpu.memory_space<vmem>>[vector<16xi32>], vector<16xf32>,
    %add3A_395 = arith.addf %add3A_385, %gather3A_394 : vector<16xf32>
    %add3A_396 = arith.constant 5 : i32
    %add3A_397 = vector.broadcast %add3A_396 : i32 to vector<16xi32>
    %add3A_398 = arith.addi %mul3A_5, %add3A_397 : vector<16xi32>
    %gather3A_399 = tpu.vector_load_idx %arg9[%add3A_398] : memref<272xi32, #tpu.memory_space<vmem>>[vector<16xi32>], vector<16xi32>,
    %add3A_400 = arith.addi %add3A_390, %gather3A_399 : vector<16xi32>
    %add3A_401 = arith.constant 6 : i32
    %add3A_402 = vector.broadcast %add3A_401 : i32 to vector<16xi32>
    %add3A_403 = arith.addi %mul3A_5, %add3A_402 : vector<16xi32>
    %gather3A_404 = tpu.vector_load_idx %arg8[%add3A_403] : memref<272xf32, #tpu.memory_space<vmem>>[vector<16xi32>], vector<16xf32>,
    %add3A_405 = arith.addf %add3A_395, %gather3A_404 : vector<16xf32>
    %add3A_406 = arith.constant 6 : i32
    %add3A_407 = vector.broadcast %add3A_406 : i32 to vector<16xi32>
    %add3A_408 = arith.addi %mul3A_5, %add3A_407 : vector<16xi32>
    %gather3A_409 = tpu.vector_load_idx %arg9[%add3A_408] : memref<272xi32, #tpu.memory_space<vmem>>[vector<16xi32>], vector<16xi32>,
    %add3A_410 = arith.addi %add3A_400, %gather3A_409 : vector<16xi32>
    %add3A_411 = arith.constant 7 : i32
    %add3A_412 = vector.broadcast %add3A_411 : i32 to vector<16xi32>
    %add3A_413 = arith.addi %mul3A_5, %add3A_412 : vector<16xi32>
    %gather3A_414 = tpu.vector_load_idx %arg8[%add3A_413] : memref<272xf32, #tpu.memory_space<vmem>>[vector<16xi32>], vector<16xf32>,
    %add3A_415 = arith.addf %add3A_405, %gather3A_414 : vector<16xf32>
    %add3A_416 = arith.constant 7 : i32
    %add3A_417 = vector.broadcast %add3A_416 : i32 to vector<16xi32>
    %add3A_418 = arith.addi %mul3A_5, %add3A_417 : vector<16xi32>
    %gather3A_419 = tpu.vector_load_idx %arg9[%add3A_418] : memref<272xi32, #tpu.memory_space<vmem>>[vector<16xi32>], vector<16xi32>,
    %add3A_420 = arith.addi %add3A_410, %gather3A_419 : vector<16xi32>
    %add3A_421 = arith.constant 8 : i32
    %add3A_422 = vector.broadcast %add3A_421 : i32 to vector<16xi32>
    %add3A_423 = arith.addi %mul3A_5, %add3A_422 : vector<16xi32>
    %gather3A_424 = tpu.vector_load_idx %arg8[%add3A_423] : memref<272xf32, #tpu.memory_space<vmem>>[vector<16xi32>], vector<16xf32>,
    %add3A_425 = arith.addf %add3A_415, %gather3A_424 : vector<16xf32>
    %add3A_426 = arith.constant 8 : i32
    %add3A_427 = vector.broadcast %add3A_426 : i32 to vector<16xi32>
    %add3A_428 = arith.addi %mul3A_5, %add3A_427 : vector<16xi32>
    %gather3A_429 = tpu.vector_load_idx %arg9[%add3A_428] : memref<272xi32, #tpu.memory_space<vmem>>[vector<16xi32>], vector<16xi32>,
    %add3A_430 = arith.addi %add3A_420, %gather3A_429 : vector<16xi32>
    %add3A_431 = arith.constant 9 : i32
    %add3A_432 = vector.broadcast %add3A_431 : i32 to vector<16xi32>
    %add3A_433 = arith.addi %mul3A_5, %add3A_432 : vector<16xi32>
    %gather3A_434 = tpu.vector_load_idx %arg8[%add3A_433] : memref<272xf32, #tpu.memory_space<vmem>>[vector<16xi32>], vector<16xf32>,
    %add3A_435 = arith.addf %add3A_425, %gather3A_434 : vector<16xf32>
    %add3A_436 = arith.constant 9 : i32
    %add3A_437 = vector.broadcast %add3A_436 : i32 to vector<16xi32>
    %add3A_438 = arith.addi %mul3A_5, %add3A_437 : vector<16xi32>
    %gather3A_439 = tpu.vector_load_idx %arg9[%add3A_438] : memref<272xi32, #tpu.memory_space<vmem>>[vector<16xi32>], vector<16xi32>,
    %add3A_440 = arith.addi %add3A_430, %gather3A_439 : vector<16xi32>
    %add3A_441 = arith.constant 10 : i32
    %add3A_442 = vector.broadcast %add3A_441 : i32 to vector<16xi32>
    %add3A_443 = arith.addi %mul3A_5, %add3A_442 : vector<16xi32>
    %gather3A_444 = tpu.vector_load_idx %arg8[%add3A_443] : memref<272xf32, #tpu.memory_space<vmem>>[vector<16xi32>], vector<16xf32>,
    %add3A_445 = arith.addf %add3A_435, %gather3A_444 : vector<16xf32>
    %add3A_446 = arith.constant 10 : i32
    %add3A_447 = vector.broadcast %add3A_446 : i32 to vector<16xi32>
    %add3A_448 = arith.addi %mul3A_5, %add3A_447 : vector<16xi32>
    %gather3A_449 = tpu.vector_load_idx %arg9[%add3A_448] : memref<272xi32, #tpu.memory_space<vmem>>[vector<16xi32>], vector<16xi32>,
    %add3A_450 = arith.addi %add3A_440, %gather3A_449 : vector<16xi32>
    %add3A_451 = arith.constant 11 : i32
    %add3A_452 = vector.broadcast %add3A_451 : i32 to vector<16xi32>
    %add3A_453 = arith.addi %mul3A_5, %add3A_452 : vector<16xi32>
    %gather3A_454 = tpu.vector_load_idx %arg8[%add3A_453] : memref<272xf32, #tpu.memory_space<vmem>>[vector<16xi32>], vector<16xf32>,
    %add3A_455 = arith.addf %add3A_445, %gather3A_454 : vector<16xf32>
    %add3A_456 = arith.constant 11 : i32
    %add3A_457 = vector.broadcast %add3A_456 : i32 to vector<16xi32>
    %add3A_458 = arith.addi %mul3A_5, %add3A_457 : vector<16xi32>
    %gather3A_459 = tpu.vector_load_idx %arg9[%add3A_458] : memref<272xi32, #tpu.memory_space<vmem>>[vector<16xi32>], vector<16xi32>,
    %add3A_460 = arith.addi %add3A_450, %gather3A_459 : vector<16xi32>
    %add3A_461 = arith.constant 12 : i32
    %add3A_462 = vector.broadcast %add3A_461 : i32 to vector<16xi32>
    %add3A_463 = arith.addi %mul3A_5, %add3A_462 : vector<16xi32>
    %gather3A_464 = tpu.vector_load_idx %arg8[%add3A_463] : memref<272xf32, #tpu.memory_space<vmem>>[vector<16xi32>], vector<16xf32>,
    %add3A_465 = arith.addf %add3A_455, %gather3A_464 : vector<16xf32>
    %add3A_466 = arith.constant 12 : i32
    %add3A_467 = vector.broadcast %add3A_466 : i32 to vector<16xi32>
    %add3A_468 = arith.addi %mul3A_5, %add3A_467 : vector<16xi32>
    %gather3A_469 = tpu.vector_load_idx %arg9[%add3A_468] : memref<272xi32, #tpu.memory_space<vmem>>[vector<16xi32>], vector<16xi32>,
    %add3A_470 = arith.addi %add3A_460, %gather3A_469 : vector<16xi32>
    %add3A_471 = arith.constant 13 : i32
    %add3A_472 = vector.broadcast %add3A_471 : i32 to vector<16xi32>
    %add3A_473 = arith.addi %mul3A_5, %add3A_472 : vector<16xi32>
    %gather3A_474 = tpu.vector_load_idx %arg8[%add3A_473] : memref<272xf32, #tpu.memory_space<vmem>>[vector<16xi32>], vector<16xf32>,
    %add3A_475 = arith.addf %add3A_465, %gather3A_474 : vector<16xf32>
    %add3A_476 = arith.constant 13 : i32
    %add3A_477 = vector.broadcast %add3A_476 : i32 to vector<16xi32>
    %add3A_478 = arith.addi %mul3A_5, %add3A_477 : vector<16xi32>
    %gather3A_479 = tpu.vector_load_idx %arg9[%add3A_478] : memref<272xi32, #tpu.memory_space<vmem>>[vector<16xi32>], vector<16xi32>,
    %add3A_480 = arith.addi %add3A_470, %gather3A_479 : vector<16xi32>
    %add3A_481 = arith.constant 14 : i32
    %add3A_482 = vector.broadcast %add3A_481 : i32 to vector<16xi32>
    %add3A_483 = arith.addi %mul3A_5, %add3A_482 : vector<16xi32>
    %gather3A_484 = tpu.vector_load_idx %arg8[%add3A_483] : memref<272xf32, #tpu.memory_space<vmem>>[vector<16xi32>], vector<16xf32>,
    %add3A_485 = arith.addf %add3A_475, %gather3A_484 : vector<16xf32>
    %add3A_486 = arith.constant 14 : i32
    %add3A_487 = vector.broadcast %add3A_486 : i32 to vector<16xi32>
    %add3A_488 = arith.addi %mul3A_5, %add3A_487 : vector<16xi32>
    %gather3A_489 = tpu.vector_load_idx %arg9[%add3A_488] : memref<272xi32, #tpu.memory_space<vmem>>[vector<16xi32>], vector<16xi32>,
    %add3A_490 = arith.addi %add3A_480, %gather3A_489 : vector<16xi32>
    %add3A_491 = arith.constant 15 : i32
    %add3A_492 = vector.broadcast %add3A_491 : i32 to vector<16xi32>
    %add3A_493 = arith.addi %mul3A_5, %add3A_492 : vector<16xi32>
    %gather3A_494 = tpu.vector_load_idx %arg8[%add3A_493] : memref<272xf32, #tpu.memory_space<vmem>>[vector<16xi32>], vector<16xf32>,
    %add3A_495 = arith.addf %add3A_485, %gather3A_494 : vector<16xf32>
    %add3A_496 = arith.constant 15 : i32
    %add3A_497 = vector.broadcast %add3A_496 : i32 to vector<16xi32>
    %add3A_498 = arith.addi %mul3A_5, %add3A_497 : vector<16xi32>
    %gather3A_499 = tpu.vector_load_idx %arg9[%add3A_498] : memref<272xi32, #tpu.memory_space<vmem>>[vector<16xi32>], vector<16xi32>,
    %add3A_500 = arith.addi %add3A_490, %gather3A_499 : vector<16xi32>
    %convert_element_type3A_501 = arith.sitofp %add3A_500 : vector<16xi32> to vector<16xf32>
    %div3A_502 = arith.divf %add3A_495, %convert_element_type3A_501 : vector<16xf32>
    %swap3A_503 = arith.constant 16 : index
    %swap3A_504 = tpu.vector_load %arg10[%swap3A_503] {strides = array<i32>} : memref<128xf32, #tpu.memory_space<vmem>>, vector<16xf32>,
    tpu.vector_store %arg10[%swap3A_503], %div3A_502 {strides = array<i32>} : memref<128xf32, #tpu.memory_space<vmem>>, vector<16xf32>,
    %scan3A_505 = arith.constant 0 : i32
    %scan3A_506 = arith.constant 0 : i32
    %scan3A_507 = arith.constant 16 : i32
    %scan3A_508 = arith.addi %scan3A_506, %scan3A_507 : i32
    %scan3A_509 = arith.constant 1 : i32
    %scan3A_510 = scf.for %scan3A_1531 = %scan3A_506 to %scan3A_508 step %scan3A_509 iter_args(%scan3A_1532 = %scan3A_505) -> (i32)  : i32 {
      %mul3A_1533 = arith.constant 2048 : i32
      %mul3A_1534 = arith.muli %scan3A_1531, %mul3A_1533 : i32
      %dma_wait3A = tpu.memref_slice %arg6[%mul3A_1534] : memref<32768xi32, #tpu.memory_space<vmem>> -> memref<2048xi32, #tpu.memory_space<vmem>>
      %dma_wait3A_1535 = arith.constant 0 : i32
      %dma_wait3A_1536 = tpu.memref_slice %arg2[%dma_wait3A_1535] : memref<8388608xi32, #tpu.memory_space<hbm>> -> memref<2048xi32, #tpu.memory_space<hbm>>
      %dma_wait3A_1537 = tpu.memref_slice %arg6[%mul3A_1534] : memref<32768xi32, #tpu.memory_space<vmem>> -> memref<2048xi32, #tpu.memory_space<vmem>>
      %dma_wait3A_1538 = arith.constant 0 : i32
      %dma_wait3A_1539 = tpu.memref_slice %arg2[%dma_wait3A_1538] : memref<8388608xi32, #tpu.memory_space<hbm>> -> memref<2048xi32, #tpu.memory_space<hbm>>
      tpu.wait_dma2 semaphore(%arg11 : memref<!tpu.dma_semaphore, #tpu.memory_space<semaphore_mem>>) src(%dma_wait3A_1539 : memref<2048xi32, #tpu.memory_space<hbm>>) dst(%dma_wait3A_1537 : memref<2048xi32, #tpu.memory_space<vmem>>)
      %add3A_1540 = arith.constant 48 : i32
      %add3A_1541 = arith.addi %mul3A_2, %add3A_1540 : i32
      %mul3A_1542 = arith.constant 2048 : i32
      %mul3A_1543 = arith.muli %add3A_1541, %mul3A_1542 : i32
      %mul3A_1544 = arith.constant 2048 : i32
      %mul3A_1545 = arith.muli %scan3A_1531, %mul3A_1544 : i32
      %add3A_1546 = arith.addi %mul3A_1543, %mul3A_1545 : i32
      %mul3A_1547 = arith.constant 2048 : i32
      %mul3A_1548 = arith.muli %scan3A_1531, %mul3A_1547 : i32
      %dma_start3A_1549 = tpu.memref_slice %arg7[%mul3A_1548] : memref<32768xi32, #tpu.memory_space<vmem>> -> memref<2048xi32, #tpu.memory_space<vmem>>
      %dma_start3A_1550 = tpu.memref_slice %arg2[%add3A_1546] : memref<8388608xi32, #tpu.memory_space<hbm>> -> memref<2048xi32, #tpu.memory_space<hbm>>
      %dma_start3A_1551 = tpu.memref_slice %arg7[%mul3A_1548] : memref<32768xi32, #tpu.memory_space<vmem>> -> memref<2048xi32, #tpu.memory_space<vmem>>
      %dma_start3A_1552 = tpu.memref_slice %arg2[%add3A_1546] : memref<8388608xi32, #tpu.memory_space<hbm>> -> memref<2048xi32, #tpu.memory_space<hbm>>
      tpu.enqueue_dma source(%dma_start3A_1552 : memref<2048xi32, #tpu.memory_space<hbm>>) target(%dma_start3A_1551 : memref<2048xi32, #tpu.memory_space<vmem>>) target_semaphore(%arg12 : memref<!tpu.dma_semaphore, #tpu.memory_space<semaphore_mem>>)
      %mul3A_1553 = arith.constant 2048 : i32
      %mul3A_1554 = arith.muli %scan3A_1531, %mul3A_1553 : i32
      %parallel_loop3A = arith.constant 0 : i32
      %parallel_loop3A_1555 = arith.constant 32 : i32
      %parallel_loop3A_1556 = arith.constant 1 : i32
      %parallel_loop3A_1557:8 = scf.for %parallel_loop3A_1573 = %parallel_loop3A to %parallel_loop3A_1555 step %parallel_loop3A_1556 iter_args(%parallel_loop3A_1574 = %broadcast_in_dim3A_6, %parallel_loop3A_1575 = %broadcast_in_dim3A_6, %parallel_loop3A_1576 = %broadcast_in_dim3A_6, %parallel_loop3A_1577 = %broadcast_in_dim3A_6, %parallel_loop3A_1578 = %broadcast_in_dim3A_8, %parallel_loop3A_1579 = %broadcast_in_dim3A_8, %parallel_loop3A_1580 = %broadcast_in_dim3A_8, %parallel_loop3A_1581 = %broadcast_in_dim3A_8) -> (vector<16xf32>, vector<16xf32>, vector<16xf32>, vector<16xf32>, vector<16xi32>, vector<16xi32>, vector<16xi32>, vector<16xi32>)  : i32 {
        %parallel_loop3A_1582 = arith.constant 64 : i32
        %parallel_loop3A_1583 = arith.muli %parallel_loop3A_1573, %parallel_loop3A_1582 : i32
        %parallel_loop3A_1584 = arith.addi %mul3A_1554, %parallel_loop3A_1583 : i32
        %parallel_loop3A_1585 = arith.constant 0 : i32
        %parallel_loop3A_1586 = arith.addi %parallel_loop3A_1584, %parallel_loop3A_1585 : i32
        %parallel_loop3A_1587 = arith.index_cast %parallel_loop3A_1586 : i32 to index
        %parallel_loop3A_1588 = tpu.vector_load %arg6[%parallel_loop3A_1587] {strides = array<i32>} : memref<32768xi32, #tpu.memory_space<vmem>>, vector<16xi32>,
        %parallel_loop3A_1589 = arith.constant 4 : i32
        %parallel_loop3A_1590 = vector.broadcast %parallel_loop3A_1589 : i32 to vector<16xi32>
        %parallel_loop3A_1591 = arith.shli %parallel_loop3A_1588, %parallel_loop3A_1590 : vector<16xi32>
        %parallel_loop3A_1592 = arith.addi %parallel_loop3A_1591, %iota3A : vector<16xi32>
        %parallel_loop3A_1593 = tpu.vector_load_idx %arg5[%parallel_loop3A_1592] : memref<1280xf32, #tpu.memory_space<vmem>>[vector<16xi32>], vector<16xf32>,
        %parallel_loop3A_1594 = arith.addf %parallel_loop3A_1574, %parallel_loop3A_1593 : vector<16xf32>
        %parallel_loop3A_1595 = arith.constant 63 : i32
        %parallel_loop3A_1596 = vector.broadcast %parallel_loop3A_1595 : i32 to vector<16xi32>
        %parallel_loop3A_1597 = arith.addi %parallel_loop3A_1588, %parallel_loop3A_1596 : vector<16xi32>
        %parallel_loop3A_1598 = arith.constant 6 : i32
        %parallel_loop3A_1599 = vector.broadcast %parallel_loop3A_1598 : i32 to vector<16xi32>
        %parallel_loop3A_1600 = arith.shrsi %parallel_loop3A_1597, %parallel_loop3A_1599 : vector<16xi32>
        %parallel_loop3A_1601 = arith.addi %parallel_loop3A_1578, %parallel_loop3A_1600 : vector<16xi32>
        %parallel_loop3A_1602 = arith.constant 16 : i32
        %parallel_loop3A_1603 = arith.addi %parallel_loop3A_1584, %parallel_loop3A_1602 : i32
        %parallel_loop3A_1604 = arith.index_cast %parallel_loop3A_1603 : i32 to index
        %parallel_loop3A_1605 = tpu.vector_load %arg6[%parallel_loop3A_1604] {strides = array<i32>} : memref<32768xi32, #tpu.memory_space<vmem>>, vector<16xi32>,
        %parallel_loop3A_1606 = arith.constant 4 : i32
        %parallel_loop3A_1607 = vector.broadcast %parallel_loop3A_1606 : i32 to vector<16xi32>
        %parallel_loop3A_1608 = arith.shli %parallel_loop3A_1605, %parallel_loop3A_1607 : vector<16xi32>
        %parallel_loop3A_1609 = arith.addi %parallel_loop3A_1608, %iota3A : vector<16xi32>
        %parallel_loop3A_1610 = tpu.vector_load_idx %arg5[%parallel_loop3A_1609] : memref<1280xf32, #tpu.memory_space<vmem>>[vector<16xi32>], vector<16xf32>,
        %parallel_loop3A_1611 = arith.addf %parallel_loop3A_1575, %parallel_loop3A_1610 : vector<16xf32>
        %parallel_loop3A_1612 = arith.constant 63 : i32
        %parallel_loop3A_1613 = vector.broadcast %parallel_loop3A_1612 : i32 to vector<16xi32>
        %parallel_loop3A_1614 = arith.addi %parallel_loop3A_1605, %parallel_loop3A_1613 : vector<16xi32>
        %parallel_loop3A_1615 = arith.constant 6 : i32
        %parallel_loop3A_1616 = vector.broadcast %parallel_loop3A_1615 : i32 to vector<16xi32>
        %parallel_loop3A_1617 = arith.shrsi %parallel_loop3A_1614, %parallel_loop3A_1616 : vector<16xi32>
        %parallel_loop3A_1618 = arith.addi %parallel_loop3A_1579, %parallel_loop3A_1617 : vector<16xi32>
        %parallel_loop3A_1619 = arith.constant 32 : i32
        %parallel_loop3A_1620 = arith.addi %parallel_loop3A_1584, %parallel_loop3A_1619 : i32
        %parallel_loop3A_1621 = arith.index_cast %parallel_loop3A_1620 : i32 to index
        %parallel_loop3A_1622 = tpu.vector_load %arg6[%parallel_loop3A_1621] {strides = array<i32>} : memref<32768xi32, #tpu.memory_space<vmem>>, vector<16xi32>,
        %parallel_loop3A_1623 = arith.constant 4 : i32
        %parallel_loop3A_1624 = vector.broadcast %parallel_loop3A_1623 : i32 to vector<16xi32>
        %parallel_loop3A_1625 = arith.shli %parallel_loop3A_1622, %parallel_loop3A_1624 : vector<16xi32>
        %parallel_loop3A_1626 = arith.addi %parallel_loop3A_1625, %iota3A : vector<16xi32>
        %parallel_loop3A_1627 = tpu.vector_load_idx %arg5[%parallel_loop3A_1626] : memref<1280xf32, #tpu.memory_space<vmem>>[vector<16xi32>], vector<16xf32>,
        %parallel_loop3A_1628 = arith.addf %parallel_loop3A_1576, %parallel_loop3A_1627 : vector<16xf32>
        %parallel_loop3A_1629 = arith.constant 63 : i32
        %parallel_loop3A_1630 = vector.broadcast %parallel_loop3A_1629 : i32 to vector<16xi32>
        %parallel_loop3A_1631 = arith.addi %parallel_loop3A_1622, %parallel_loop3A_1630 : vector<16xi32>
        %parallel_loop3A_1632 = arith.constant 6 : i32
        %parallel_loop3A_1633 = vector.broadcast %parallel_loop3A_1632 : i32 to vector<16xi32>
        %parallel_loop3A_1634 = arith.shrsi %parallel_loop3A_1631, %parallel_loop3A_1633 : vector<16xi32>
        %parallel_loop3A_1635 = arith.addi %parallel_loop3A_1580, %parallel_loop3A_1634 : vector<16xi32>
        %parallel_loop3A_1636 = arith.constant 48 : i32
        %parallel_loop3A_1637 = arith.addi %parallel_loop3A_1584, %parallel_loop3A_1636 : i32
        %parallel_loop3A_1638 = arith.index_cast %parallel_loop3A_1637 : i32 to index
        %parallel_loop3A_1639 = tpu.vector_load %arg6[%parallel_loop3A_1638] {strides = array<i32>} : memref<32768xi32, #tpu.memory_space<vmem>>, vector<16xi32>,
        %parallel_loop3A_1640 = arith.constant 4 : i32
        %parallel_loop3A_1641 = vector.broadcast %parallel_loop3A_1640 : i32 to vector<16xi32>
        %parallel_loop3A_1642 = arith.shli %parallel_loop3A_1639, %parallel_loop3A_1641 : vector<16xi32>
        %parallel_loop3A_1643 = arith.addi %parallel_loop3A_1642, %iota3A : vector<16xi32>
        %parallel_loop3A_1644 = tpu.vector_load_idx %arg5[%parallel_loop3A_1643] : memref<1280xf32, #tpu.memory_space<vmem>>[vector<16xi32>], vector<16xf32>,
        %parallel_loop3A_1645 = arith.addf %parallel_loop3A_1577, %parallel_loop3A_1644 : vector<16xf32>
        %parallel_loop3A_1646 = arith.constant 63 : i32
        %parallel_loop3A_1647 = vector.broadcast %parallel_loop3A_1646 : i32 to vector<16xi32>
        %parallel_loop3A_1648 = arith.addi %parallel_loop3A_1639, %parallel_loop3A_1647 : vector<16xi32>
        %parallel_loop3A_1649 = arith.constant 6 : i32
        %parallel_loop3A_1650 = vector.broadcast %parallel_loop3A_1649 : i32 to vector<16xi32>
        %parallel_loop3A_1651 = arith.shrsi %parallel_loop3A_1648, %parallel_loop3A_1650 : vector<16xi32>
        %parallel_loop3A_1652 = arith.addi %parallel_loop3A_1581, %parallel_loop3A_1651 : vector<16xi32>
        scf.yield %parallel_loop3A_1594, %parallel_loop3A_1611, %parallel_loop3A_1628, %parallel_loop3A_1645, %parallel_loop3A_1601, %parallel_loop3A_1618, %parallel_loop3A_1635, %parallel_loop3A_1652 : vector<16xf32>, vector<16xf32>, vector<16xf32>, vector<16xf32>, vector<16xi32>, vector<16xi32>, vector<16xi32>, vector<16xi32>
      } {sc.loop_unroll_factor = 4 : i64, sc.parallel_access}
      %add3A_1558 = arith.addf %parallel_loop3A_1557#0, %parallel_loop3A_1557#1 : vector<16xf32>
      %add3A_1559 = arith.addf %parallel_loop3A_1557#2, %parallel_loop3A_1557#3 : vector<16xf32>
      %add3A_1560 = arith.addf %add3A_1558, %add3A_1559 : vector<16xf32>
      %add3A_1561 = arith.addi %parallel_loop3A_1557#4, %parallel_loop3A_1557#5 : vector<16xi32>
      %add3A_1562 = arith.addi %parallel_loop3A_1557#6, %parallel_loop3A_1557#7 : vector<16xi32>
      %add3A_1563 = arith.addi %add3A_1561, %add3A_1562 : vector<16xi32>
      %mul3A_1564 = arith.constant 17 : i32
      %mul3A_1565 = arith.muli %scan3A_1531, %mul3A_1564 : i32
      %swap3A_1566 = arith.index_cast %mul3A_1565 : i32 to index
      %swap3A_1567 = tpu.vector_load %arg8[%swap3A_1566] {strides = array<i32>} : memref<272xf32, #tpu.memory_space<vmem>>, vector<16xf32>,
      tpu.vector_store %arg8[%swap3A_1566], %add3A_1560 {strides = array<i32>} : memref<272xf32, #tpu.memory_space<vmem>>, vector<16xf32>,
      %mul3A_1568 = arith.constant 17 : i32
      %mul3A_1569 = arith.muli %scan3A_1531, %mul3A_1568 : i32
      %swap3A_1570 = arith.index_cast %mul3A_1569 : i32 to index
      %swap3A_1571 = tpu.vector_load %arg9[%swap3A_1570] {strides = array<i32>} : memref<272xi32, #tpu.memory_space<vmem>>, vector<16xi32>,
      tpu.vector_store %arg9[%swap3A_1570], %add3A_1563 {strides = array<i32>} : memref<272xi32, #tpu.memory_space<vmem>>, vector<16xi32>,
      %scan3A_1572 = arith.constant 0 : i32
      scf.yield %scan3A_1572 : i32
    }
    %scan3A_511 = arith.constant 16 : i32
    %add3A_512 = arith.constant 0 : i32
    %add3A_513 = vector.broadcast %add3A_512 : i32 to vector<16xi32>
    %add3A_514 = arith.addi %mul3A_5, %add3A_513 : vector<16xi32>
    %gather3A_515 = tpu.vector_load_idx %arg8[%add3A_514] : memref<272xf32, #tpu.memory_space<vmem>>[vector<16xi32>], vector<16xf32>,
    %add3A_516 = arith.addf %broadcast_in_dim3A_6, %gather3A_515 : vector<16xf32>
    %add3A_517 = arith.constant 0 : i32
    %add3A_518 = vector.broadcast %add3A_517 : i32 to vector<16xi32>
    %add3A_519 = arith.addi %mul3A_5, %add3A_518 : vector<16xi32>
    %gather3A_520 = tpu.vector_load_idx %arg9[%add3A_519] : memref<272xi32, #tpu.memory_space<vmem>>[vector<16xi32>], vector<16xi32>,
    %add3A_521 = arith.addi %broadcast_in_dim3A_8, %gather3A_520 : vector<16xi32>
    %add3A_522 = arith.constant 1 : i32
    %add3A_523 = vector.broadcast %add3A_522 : i32 to vector<16xi32>
    %add3A_524 = arith.addi %mul3A_5, %add3A_523 : vector<16xi32>
    %gather3A_525 = tpu.vector_load_idx %arg8[%add3A_524] : memref<272xf32, #tpu.memory_space<vmem>>[vector<16xi32>], vector<16xf32>,
    %add3A_526 = arith.addf %add3A_516, %gather3A_525 : vector<16xf32>
    %add3A_527 = arith.constant 1 : i32
    %add3A_528 = vector.broadcast %add3A_527 : i32 to vector<16xi32>
    %add3A_529 = arith.addi %mul3A_5, %add3A_528 : vector<16xi32>
    %gather3A_530 = tpu.vector_load_idx %arg9[%add3A_529] : memref<272xi32, #tpu.memory_space<vmem>>[vector<16xi32>], vector<16xi32>,
    %add3A_531 = arith.addi %add3A_521, %gather3A_530 : vector<16xi32>
    %add3A_532 = arith.constant 2 : i32
    %add3A_533 = vector.broadcast %add3A_532 : i32 to vector<16xi32>
    %add3A_534 = arith.addi %mul3A_5, %add3A_533 : vector<16xi32>
    %gather3A_535 = tpu.vector_load_idx %arg8[%add3A_534] : memref<272xf32, #tpu.memory_space<vmem>>[vector<16xi32>], vector<16xf32>,
    %add3A_536 = arith.addf %add3A_526, %gather3A_535 : vector<16xf32>
    %add3A_537 = arith.constant 2 : i32
    %add3A_538 = vector.broadcast %add3A_537 : i32 to vector<16xi32>
    %add3A_539 = arith.addi %mul3A_5, %add3A_538 : vector<16xi32>
    %gather3A_540 = tpu.vector_load_idx %arg9[%add3A_539] : memref<272xi32, #tpu.memory_space<vmem>>[vector<16xi32>], vector<16xi32>,
    %add3A_541 = arith.addi %add3A_531, %gather3A_540 : vector<16xi32>
    %add3A_542 = arith.constant 3 : i32
    %add3A_543 = vector.broadcast %add3A_542 : i32 to vector<16xi32>
    %add3A_544 = arith.addi %mul3A_5, %add3A_543 : vector<16xi32>
    %gather3A_545 = tpu.vector_load_idx %arg8[%add3A_544] : memref<272xf32, #tpu.memory_space<vmem>>[vector<16xi32>], vector<16xf32>,
    %add3A_546 = arith.addf %add3A_536, %gather3A_545 : vector<16xf32>
    %add3A_547 = arith.constant 3 : i32
    %add3A_548 = vector.broadcast %add3A_547 : i32 to vector<16xi32>
    %add3A_549 = arith.addi %mul3A_5, %add3A_548 : vector<16xi32>
    %gather3A_550 = tpu.vector_load_idx %arg9[%add3A_549] : memref<272xi32, #tpu.memory_space<vmem>>[vector<16xi32>], vector<16xi32>,
    %add3A_551 = arith.addi %add3A_541, %gather3A_550 : vector<16xi32>
    %add3A_552 = arith.constant 4 : i32
    %add3A_553 = vector.broadcast %add3A_552 : i32 to vector<16xi32>
    %add3A_554 = arith.addi %mul3A_5, %add3A_553 : vector<16xi32>
    %gather3A_555 = tpu.vector_load_idx %arg8[%add3A_554] : memref<272xf32, #tpu.memory_space<vmem>>[vector<16xi32>], vector<16xf32>,
    %add3A_556 = arith.addf %add3A_546, %gather3A_555 : vector<16xf32>
    %add3A_557 = arith.constant 4 : i32
    %add3A_558 = vector.broadcast %add3A_557 : i32 to vector<16xi32>
    %add3A_559 = arith.addi %mul3A_5, %add3A_558 : vector<16xi32>
    %gather3A_560 = tpu.vector_load_idx %arg9[%add3A_559] : memref<272xi32, #tpu.memory_space<vmem>>[vector<16xi32>], vector<16xi32>,
    %add3A_561 = arith.addi %add3A_551, %gather3A_560 : vector<16xi32>
    %add3A_562 = arith.constant 5 : i32
    %add3A_563 = vector.broadcast %add3A_562 : i32 to vector<16xi32>
    %add3A_564 = arith.addi %mul3A_5, %add3A_563 : vector<16xi32>
    %gather3A_565 = tpu.vector_load_idx %arg8[%add3A_564] : memref<272xf32, #tpu.memory_space<vmem>>[vector<16xi32>], vector<16xf32>,
    %add3A_566 = arith.addf %add3A_556, %gather3A_565 : vector<16xf32>
    %add3A_567 = arith.constant 5 : i32
    %add3A_568 = vector.broadcast %add3A_567 : i32 to vector<16xi32>
    %add3A_569 = arith.addi %mul3A_5, %add3A_568 : vector<16xi32>
    %gather3A_570 = tpu.vector_load_idx %arg9[%add3A_569] : memref<272xi32, #tpu.memory_space<vmem>>[vector<16xi32>], vector<16xi32>,
    %add3A_571 = arith.addi %add3A_561, %gather3A_570 : vector<16xi32>
    %add3A_572 = arith.constant 6 : i32
    %add3A_573 = vector.broadcast %add3A_572 : i32 to vector<16xi32>
    %add3A_574 = arith.addi %mul3A_5, %add3A_573 : vector<16xi32>
    %gather3A_575 = tpu.vector_load_idx %arg8[%add3A_574] : memref<272xf32, #tpu.memory_space<vmem>>[vector<16xi32>], vector<16xf32>,
    %add3A_576 = arith.addf %add3A_566, %gather3A_575 : vector<16xf32>
    %add3A_577 = arith.constant 6 : i32
    %add3A_578 = vector.broadcast %add3A_577 : i32 to vector<16xi32>
    %add3A_579 = arith.addi %mul3A_5, %add3A_578 : vector<16xi32>
    %gather3A_580 = tpu.vector_load_idx %arg9[%add3A_579] : memref<272xi32, #tpu.memory_space<vmem>>[vector<16xi32>], vector<16xi32>,
    %add3A_581 = arith.addi %add3A_571, %gather3A_580 : vector<16xi32>
    %add3A_582 = arith.constant 7 : i32
    %add3A_583 = vector.broadcast %add3A_582 : i32 to vector<16xi32>
    %add3A_584 = arith.addi %mul3A_5, %add3A_583 : vector<16xi32>
    %gather3A_585 = tpu.vector_load_idx %arg8[%add3A_584] : memref<272xf32, #tpu.memory_space<vmem>>[vector<16xi32>], vector<16xf32>,
    %add3A_586 = arith.addf %add3A_576, %gather3A_585 : vector<16xf32>
    %add3A_587 = arith.constant 7 : i32
    %add3A_588 = vector.broadcast %add3A_587 : i32 to vector<16xi32>
    %add3A_589 = arith.addi %mul3A_5, %add3A_588 : vector<16xi32>
    %gather3A_590 = tpu.vector_load_idx %arg9[%add3A_589] : memref<272xi32, #tpu.memory_space<vmem>>[vector<16xi32>], vector<16xi32>,
    %add3A_591 = arith.addi %add3A_581, %gather3A_590 : vector<16xi32>
    %add3A_592 = arith.constant 8 : i32
    %add3A_593 = vector.broadcast %add3A_592 : i32 to vector<16xi32>
    %add3A_594 = arith.addi %mul3A_5, %add3A_593 : vector<16xi32>
    %gather3A_595 = tpu.vector_load_idx %arg8[%add3A_594] : memref<272xf32, #tpu.memory_space<vmem>>[vector<16xi32>], vector<16xf32>,
    %add3A_596 = arith.addf %add3A_586, %gather3A_595 : vector<16xf32>
    %add3A_597 = arith.constant 8 : i32
    %add3A_598 = vector.broadcast %add3A_597 : i32 to vector<16xi32>
    %add3A_599 = arith.addi %mul3A_5, %add3A_598 : vector<16xi32>
    %gather3A_600 = tpu.vector_load_idx %arg9[%add3A_599] : memref<272xi32, #tpu.memory_space<vmem>>[vector<16xi32>], vector<16xi32>,
    %add3A_601 = arith.addi %add3A_591, %gather3A_600 : vector<16xi32>
    %add3A_602 = arith.constant 9 : i32
    %add3A_603 = vector.broadcast %add3A_602 : i32 to vector<16xi32>
    %add3A_604 = arith.addi %mul3A_5, %add3A_603 : vector<16xi32>
    %gather3A_605 = tpu.vector_load_idx %arg8[%add3A_604] : memref<272xf32, #tpu.memory_space<vmem>>[vector<16xi32>], vector<16xf32>,
    %add3A_606 = arith.addf %add3A_596, %gather3A_605 : vector<16xf32>
    %add3A_607 = arith.constant 9 : i32
    %add3A_608 = vector.broadcast %add3A_607 : i32 to vector<16xi32>
    %add3A_609 = arith.addi %mul3A_5, %add3A_608 : vector<16xi32>
    %gather3A_610 = tpu.vector_load_idx %arg9[%add3A_609] : memref<272xi32, #tpu.memory_space<vmem>>[vector<16xi32>], vector<16xi32>,
    %add3A_611 = arith.addi %add3A_601, %gather3A_610 : vector<16xi32>
    %add3A_612 = arith.constant 10 : i32
    %add3A_613 = vector.broadcast %add3A_612 : i32 to vector<16xi32>
    %add3A_614 = arith.addi %mul3A_5, %add3A_613 : vector<16xi32>
    %gather3A_615 = tpu.vector_load_idx %arg8[%add3A_614] : memref<272xf32, #tpu.memory_space<vmem>>[vector<16xi32>], vector<16xf32>,
    %add3A_616 = arith.addf %add3A_606, %gather3A_615 : vector<16xf32>
    %add3A_617 = arith.constant 10 : i32
    %add3A_618 = vector.broadcast %add3A_617 : i32 to vector<16xi32>
    %add3A_619 = arith.addi %mul3A_5, %add3A_618 : vector<16xi32>
    %gather3A_620 = tpu.vector_load_idx %arg9[%add3A_619] : memref<272xi32, #tpu.memory_space<vmem>>[vector<16xi32>], vector<16xi32>,
    %add3A_621 = arith.addi %add3A_611, %gather3A_620 : vector<16xi32>
    %add3A_622 = arith.constant 11 : i32
    %add3A_623 = vector.broadcast %add3A_622 : i32 to vector<16xi32>
    %add3A_624 = arith.addi %mul3A_5, %add3A_623 : vector<16xi32>
    %gather3A_625 = tpu.vector_load_idx %arg8[%add3A_624] : memref<272xf32, #tpu.memory_space<vmem>>[vector<16xi32>], vector<16xf32>,
    %add3A_626 = arith.addf %add3A_616, %gather3A_625 : vector<16xf32>
    %add3A_627 = arith.constant 11 : i32
    %add3A_628 = vector.broadcast %add3A_627 : i32 to vector<16xi32>
    %add3A_629 = arith.addi %mul3A_5, %add3A_628 : vector<16xi32>
    %gather3A_630 = tpu.vector_load_idx %arg9[%add3A_629] : memref<272xi32, #tpu.memory_space<vmem>>[vector<16xi32>], vector<16xi32>,
    %add3A_631 = arith.addi %add3A_621, %gather3A_630 : vector<16xi32>
    %add3A_632 = arith.constant 12 : i32
    %add3A_633 = vector.broadcast %add3A_632 : i32 to vector<16xi32>
    %add3A_634 = arith.addi %mul3A_5, %add3A_633 : vector<16xi32>
    %gather3A_635 = tpu.vector_load_idx %arg8[%add3A_634] : memref<272xf32, #tpu.memory_space<vmem>>[vector<16xi32>], vector<16xf32>,
    %add3A_636 = arith.addf %add3A_626, %gather3A_635 : vector<16xf32>
    %add3A_637 = arith.constant 12 : i32
    %add3A_638 = vector.broadcast %add3A_637 : i32 to vector<16xi32>
    %add3A_639 = arith.addi %mul3A_5, %add3A_638 : vector<16xi32>
    %gather3A_640 = tpu.vector_load_idx %arg9[%add3A_639] : memref<272xi32, #tpu.memory_space<vmem>>[vector<16xi32>], vector<16xi32>,
    %add3A_641 = arith.addi %add3A_631, %gather3A_640 : vector<16xi32>
    %add3A_642 = arith.constant 13 : i32
    %add3A_643 = vector.broadcast %add3A_642 : i32 to vector<16xi32>
    %add3A_644 = arith.addi %mul3A_5, %add3A_643 : vector<16xi32>
    %gather3A_645 = tpu.vector_load_idx %arg8[%add3A_644] : memref<272xf32, #tpu.memory_space<vmem>>[vector<16xi32>], vector<16xf32>,
    %add3A_646 = arith.addf %add3A_636, %gather3A_645 : vector<16xf32>
    %add3A_647 = arith.constant 13 : i32
    %add3A_648 = vector.broadcast %add3A_647 : i32 to vector<16xi32>
    %add3A_649 = arith.addi %mul3A_5, %add3A_648 : vector<16xi32>
    %gather3A_650 = tpu.vector_load_idx %arg9[%add3A_649] : memref<272xi32, #tpu.memory_space<vmem>>[vector<16xi32>], vector<16xi32>,
    %add3A_651 = arith.addi %add3A_641, %gather3A_650 : vector<16xi32>
    %add3A_652 = arith.constant 14 : i32
    %add3A_653 = vector.broadcast %add3A_652 : i32 to vector<16xi32>
    %add3A_654 = arith.addi %mul3A_5, %add3A_653 : vector<16xi32>
    %gather3A_655 = tpu.vector_load_idx %arg8[%add3A_654] : memref<272xf32, #tpu.memory_space<vmem>>[vector<16xi32>], vector<16xf32>,
    %add3A_656 = arith.addf %add3A_646, %gather3A_655 : vector<16xf32>
    %add3A_657 = arith.constant 14 : i32
    %add3A_658 = vector.broadcast %add3A_657 : i32 to vector<16xi32>
    %add3A_659 = arith.addi %mul3A_5, %add3A_658 : vector<16xi32>
    %gather3A_660 = tpu.vector_load_idx %arg9[%add3A_659] : memref<272xi32, #tpu.memory_space<vmem>>[vector<16xi32>], vector<16xi32>,
    %add3A_661 = arith.addi %add3A_651, %gather3A_660 : vector<16xi32>
    %add3A_662 = arith.constant 15 : i32
    %add3A_663 = vector.broadcast %add3A_662 : i32 to vector<16xi32>
    %add3A_664 = arith.addi %mul3A_5, %add3A_663 : vector<16xi32>
    %gather3A_665 = tpu.vector_load_idx %arg8[%add3A_664] : memref<272xf32, #tpu.memory_space<vmem>>[vector<16xi32>], vector<16xf32>,
    %add3A_666 = arith.addf %add3A_656, %gather3A_665 : vector<16xf32>
    %add3A_667 = arith.constant 15 : i32
    %add3A_668 = vector.broadcast %add3A_667 : i32 to vector<16xi32>
    %add3A_669 = arith.addi %mul3A_5, %add3A_668 : vector<16xi32>
    %gather3A_670 = tpu.vector_load_idx %arg9[%add3A_669] : memref<272xi32, #tpu.memory_space<vmem>>[vector<16xi32>], vector<16xi32>,
    %add3A_671 = arith.addi %add3A_661, %gather3A_670 : vector<16xi32>
    %convert_element_type3A_672 = arith.sitofp %add3A_671 : vector<16xi32> to vector<16xf32>
    %div3A_673 = arith.divf %add3A_666, %convert_element_type3A_672 : vector<16xf32>
    %swap3A_674 = arith.constant 32 : index
    %swap3A_675 = tpu.vector_load %arg10[%swap3A_674] {strides = array<i32>} : memref<128xf32, #tpu.memory_space<vmem>>, vector<16xf32>,
    tpu.vector_store %arg10[%swap3A_674], %div3A_673 {strides = array<i32>} : memref<128xf32, #tpu.memory_space<vmem>>, vector<16xf32>,
    %scan3A_676 = arith.constant 0 : i32
    %scan3A_677 = arith.constant 0 : i32
    %scan3A_678 = arith.constant 16 : i32
    %scan3A_679 = arith.addi %scan3A_677, %scan3A_678 : i32
    %scan3A_680 = arith.constant 1 : i32
    %scan3A_681 = scf.for %scan3A_1531 = %scan3A_677 to %scan3A_679 step %scan3A_680 iter_args(%scan3A_1532 = %scan3A_676) -> (i32)  : i32 {
      %mul3A_1533 = arith.constant 2048 : i32
      %mul3A_1534 = arith.muli %scan3A_1531, %mul3A_1533 : i32
      %dma_wait3A = tpu.memref_slice %arg7[%mul3A_1534] : memref<32768xi32, #tpu.memory_space<vmem>> -> memref<2048xi32, #tpu.memory_space<vmem>>
      %dma_wait3A_1535 = arith.constant 0 : i32
      %dma_wait3A_1536 = tpu.memref_slice %arg2[%dma_wait3A_1535] : memref<8388608xi32, #tpu.memory_space<hbm>> -> memref<2048xi32, #tpu.memory_space<hbm>>
      %dma_wait3A_1537 = tpu.memref_slice %arg7[%mul3A_1534] : memref<32768xi32, #tpu.memory_space<vmem>> -> memref<2048xi32, #tpu.memory_space<vmem>>
      %dma_wait3A_1538 = arith.constant 0 : i32
      %dma_wait3A_1539 = tpu.memref_slice %arg2[%dma_wait3A_1538] : memref<8388608xi32, #tpu.memory_space<hbm>> -> memref<2048xi32, #tpu.memory_space<hbm>>
      tpu.wait_dma2 semaphore(%arg12 : memref<!tpu.dma_semaphore, #tpu.memory_space<semaphore_mem>>) src(%dma_wait3A_1539 : memref<2048xi32, #tpu.memory_space<hbm>>) dst(%dma_wait3A_1537 : memref<2048xi32, #tpu.memory_space<vmem>>)
      %add3A_1540 = arith.constant 64 : i32
      %add3A_1541 = arith.addi %mul3A_2, %add3A_1540 : i32
      %mul3A_1542 = arith.constant 2048 : i32
      %mul3A_1543 = arith.muli %add3A_1541, %mul3A_1542 : i32
      %mul3A_1544 = arith.constant 2048 : i32
      %mul3A_1545 = arith.muli %scan3A_1531, %mul3A_1544 : i32
      %add3A_1546 = arith.addi %mul3A_1543, %mul3A_1545 : i32
      %mul3A_1547 = arith.constant 2048 : i32
      %mul3A_1548 = arith.muli %scan3A_1531, %mul3A_1547 : i32
      %dma_start3A_1549 = tpu.memref_slice %arg6[%mul3A_1548] : memref<32768xi32, #tpu.memory_space<vmem>> -> memref<2048xi32, #tpu.memory_space<vmem>>
      %dma_start3A_1550 = tpu.memref_slice %arg2[%add3A_1546] : memref<8388608xi32, #tpu.memory_space<hbm>> -> memref<2048xi32, #tpu.memory_space<hbm>>
      %dma_start3A_1551 = tpu.memref_slice %arg6[%mul3A_1548] : memref<32768xi32, #tpu.memory_space<vmem>> -> memref<2048xi32, #tpu.memory_space<vmem>>
      %dma_start3A_1552 = tpu.memref_slice %arg2[%add3A_1546] : memref<8388608xi32, #tpu.memory_space<hbm>> -> memref<2048xi32, #tpu.memory_space<hbm>>
      tpu.enqueue_dma source(%dma_start3A_1552 : memref<2048xi32, #tpu.memory_space<hbm>>) target(%dma_start3A_1551 : memref<2048xi32, #tpu.memory_space<vmem>>) target_semaphore(%arg11 : memref<!tpu.dma_semaphore, #tpu.memory_space<semaphore_mem>>)
      %mul3A_1553 = arith.constant 2048 : i32
      %mul3A_1554 = arith.muli %scan3A_1531, %mul3A_1553 : i32
      %parallel_loop3A = arith.constant 0 : i32
      %parallel_loop3A_1555 = arith.constant 32 : i32
      %parallel_loop3A_1556 = arith.constant 1 : i32
      %parallel_loop3A_1557:8 = scf.for %parallel_loop3A_1573 = %parallel_loop3A to %parallel_loop3A_1555 step %parallel_loop3A_1556 iter_args(%parallel_loop3A_1574 = %broadcast_in_dim3A_6, %parallel_loop3A_1575 = %broadcast_in_dim3A_6, %parallel_loop3A_1576 = %broadcast_in_dim3A_6, %parallel_loop3A_1577 = %broadcast_in_dim3A_6, %parallel_loop3A_1578 = %broadcast_in_dim3A_8, %parallel_loop3A_1579 = %broadcast_in_dim3A_8, %parallel_loop3A_1580 = %broadcast_in_dim3A_8, %parallel_loop3A_1581 = %broadcast_in_dim3A_8) -> (vector<16xf32>, vector<16xf32>, vector<16xf32>, vector<16xf32>, vector<16xi32>, vector<16xi32>, vector<16xi32>, vector<16xi32>)  : i32 {
        %parallel_loop3A_1582 = arith.constant 64 : i32
        %parallel_loop3A_1583 = arith.muli %parallel_loop3A_1573, %parallel_loop3A_1582 : i32
        %parallel_loop3A_1584 = arith.addi %mul3A_1554, %parallel_loop3A_1583 : i32
        %parallel_loop3A_1585 = arith.constant 0 : i32
        %parallel_loop3A_1586 = arith.addi %parallel_loop3A_1584, %parallel_loop3A_1585 : i32
        %parallel_loop3A_1587 = arith.index_cast %parallel_loop3A_1586 : i32 to index
        %parallel_loop3A_1588 = tpu.vector_load %arg7[%parallel_loop3A_1587] {strides = array<i32>} : memref<32768xi32, #tpu.memory_space<vmem>>, vector<16xi32>,
        %parallel_loop3A_1589 = arith.constant 4 : i32
        %parallel_loop3A_1590 = vector.broadcast %parallel_loop3A_1589 : i32 to vector<16xi32>
        %parallel_loop3A_1591 = arith.shli %parallel_loop3A_1588, %parallel_loop3A_1590 : vector<16xi32>
        %parallel_loop3A_1592 = arith.addi %parallel_loop3A_1591, %iota3A : vector<16xi32>
        %parallel_loop3A_1593 = tpu.vector_load_idx %arg5[%parallel_loop3A_1592] : memref<1280xf32, #tpu.memory_space<vmem>>[vector<16xi32>], vector<16xf32>,
        %parallel_loop3A_1594 = arith.addf %parallel_loop3A_1574, %parallel_loop3A_1593 : vector<16xf32>
        %parallel_loop3A_1595 = arith.constant 63 : i32
        %parallel_loop3A_1596 = vector.broadcast %parallel_loop3A_1595 : i32 to vector<16xi32>
        %parallel_loop3A_1597 = arith.addi %parallel_loop3A_1588, %parallel_loop3A_1596 : vector<16xi32>
        %parallel_loop3A_1598 = arith.constant 6 : i32
        %parallel_loop3A_1599 = vector.broadcast %parallel_loop3A_1598 : i32 to vector<16xi32>
        %parallel_loop3A_1600 = arith.shrsi %parallel_loop3A_1597, %parallel_loop3A_1599 : vector<16xi32>
        %parallel_loop3A_1601 = arith.addi %parallel_loop3A_1578, %parallel_loop3A_1600 : vector<16xi32>
        %parallel_loop3A_1602 = arith.constant 16 : i32
        %parallel_loop3A_1603 = arith.addi %parallel_loop3A_1584, %parallel_loop3A_1602 : i32
        %parallel_loop3A_1604 = arith.index_cast %parallel_loop3A_1603 : i32 to index
        %parallel_loop3A_1605 = tpu.vector_load %arg7[%parallel_loop3A_1604] {strides = array<i32>} : memref<32768xi32, #tpu.memory_space<vmem>>, vector<16xi32>,
        %parallel_loop3A_1606 = arith.constant 4 : i32
        %parallel_loop3A_1607 = vector.broadcast %parallel_loop3A_1606 : i32 to vector<16xi32>
        %parallel_loop3A_1608 = arith.shli %parallel_loop3A_1605, %parallel_loop3A_1607 : vector<16xi32>
        %parallel_loop3A_1609 = arith.addi %parallel_loop3A_1608, %iota3A : vector<16xi32>
        %parallel_loop3A_1610 = tpu.vector_load_idx %arg5[%parallel_loop3A_1609] : memref<1280xf32, #tpu.memory_space<vmem>>[vector<16xi32>], vector<16xf32>,
        %parallel_loop3A_1611 = arith.addf %parallel_loop3A_1575, %parallel_loop3A_1610 : vector<16xf32>
        %parallel_loop3A_1612 = arith.constant 63 : i32
        %parallel_loop3A_1613 = vector.broadcast %parallel_loop3A_1612 : i32 to vector<16xi32>
        %parallel_loop3A_1614 = arith.addi %parallel_loop3A_1605, %parallel_loop3A_1613 : vector<16xi32>
        %parallel_loop3A_1615 = arith.constant 6 : i32
        %parallel_loop3A_1616 = vector.broadcast %parallel_loop3A_1615 : i32 to vector<16xi32>
        %parallel_loop3A_1617 = arith.shrsi %parallel_loop3A_1614, %parallel_loop3A_1616 : vector<16xi32>
        %parallel_loop3A_1618 = arith.addi %parallel_loop3A_1579, %parallel_loop3A_1617 : vector<16xi32>
        %parallel_loop3A_1619 = arith.constant 32 : i32
        %parallel_loop3A_1620 = arith.addi %parallel_loop3A_1584, %parallel_loop3A_1619 : i32
        %parallel_loop3A_1621 = arith.index_cast %parallel_loop3A_1620 : i32 to index
        %parallel_loop3A_1622 = tpu.vector_load %arg7[%parallel_loop3A_1621] {strides = array<i32>} : memref<32768xi32, #tpu.memory_space<vmem>>, vector<16xi32>,
        %parallel_loop3A_1623 = arith.constant 4 : i32
        %parallel_loop3A_1624 = vector.broadcast %parallel_loop3A_1623 : i32 to vector<16xi32>
        %parallel_loop3A_1625 = arith.shli %parallel_loop3A_1622, %parallel_loop3A_1624 : vector<16xi32>
        %parallel_loop3A_1626 = arith.addi %parallel_loop3A_1625, %iota3A : vector<16xi32>
        %parallel_loop3A_1627 = tpu.vector_load_idx %arg5[%parallel_loop3A_1626] : memref<1280xf32, #tpu.memory_space<vmem>>[vector<16xi32>], vector<16xf32>,
        %parallel_loop3A_1628 = arith.addf %parallel_loop3A_1576, %parallel_loop3A_1627 : vector<16xf32>
        %parallel_loop3A_1629 = arith.constant 63 : i32
        %parallel_loop3A_1630 = vector.broadcast %parallel_loop3A_1629 : i32 to vector<16xi32>
        %parallel_loop3A_1631 = arith.addi %parallel_loop3A_1622, %parallel_loop3A_1630 : vector<16xi32>
        %parallel_loop3A_1632 = arith.constant 6 : i32
        %parallel_loop3A_1633 = vector.broadcast %parallel_loop3A_1632 : i32 to vector<16xi32>
        %parallel_loop3A_1634 = arith.shrsi %parallel_loop3A_1631, %parallel_loop3A_1633 : vector<16xi32>
        %parallel_loop3A_1635 = arith.addi %parallel_loop3A_1580, %parallel_loop3A_1634 : vector<16xi32>
        %parallel_loop3A_1636 = arith.constant 48 : i32
        %parallel_loop3A_1637 = arith.addi %parallel_loop3A_1584, %parallel_loop3A_1636 : i32
        %parallel_loop3A_1638 = arith.index_cast %parallel_loop3A_1637 : i32 to index
        %parallel_loop3A_1639 = tpu.vector_load %arg7[%parallel_loop3A_1638] {strides = array<i32>} : memref<32768xi32, #tpu.memory_space<vmem>>, vector<16xi32>,
        %parallel_loop3A_1640 = arith.constant 4 : i32
        %parallel_loop3A_1641 = vector.broadcast %parallel_loop3A_1640 : i32 to vector<16xi32>
        %parallel_loop3A_1642 = arith.shli %parallel_loop3A_1639, %parallel_loop3A_1641 : vector<16xi32>
        %parallel_loop3A_1643 = arith.addi %parallel_loop3A_1642, %iota3A : vector<16xi32>
        %parallel_loop3A_1644 = tpu.vector_load_idx %arg5[%parallel_loop3A_1643] : memref<1280xf32, #tpu.memory_space<vmem>>[vector<16xi32>], vector<16xf32>,
        %parallel_loop3A_1645 = arith.addf %parallel_loop3A_1577, %parallel_loop3A_1644 : vector<16xf32>
        %parallel_loop3A_1646 = arith.constant 63 : i32
        %parallel_loop3A_1647 = vector.broadcast %parallel_loop3A_1646 : i32 to vector<16xi32>
        %parallel_loop3A_1648 = arith.addi %parallel_loop3A_1639, %parallel_loop3A_1647 : vector<16xi32>
        %parallel_loop3A_1649 = arith.constant 6 : i32
        %parallel_loop3A_1650 = vector.broadcast %parallel_loop3A_1649 : i32 to vector<16xi32>
        %parallel_loop3A_1651 = arith.shrsi %parallel_loop3A_1648, %parallel_loop3A_1650 : vector<16xi32>
        %parallel_loop3A_1652 = arith.addi %parallel_loop3A_1581, %parallel_loop3A_1651 : vector<16xi32>
        scf.yield %parallel_loop3A_1594, %parallel_loop3A_1611, %parallel_loop3A_1628, %parallel_loop3A_1645, %parallel_loop3A_1601, %parallel_loop3A_1618, %parallel_loop3A_1635, %parallel_loop3A_1652 : vector<16xf32>, vector<16xf32>, vector<16xf32>, vector<16xf32>, vector<16xi32>, vector<16xi32>, vector<16xi32>, vector<16xi32>
      } {sc.loop_unroll_factor = 4 : i64, sc.parallel_access}
      %add3A_1558 = arith.addf %parallel_loop3A_1557#0, %parallel_loop3A_1557#1 : vector<16xf32>
      %add3A_1559 = arith.addf %parallel_loop3A_1557#2, %parallel_loop3A_1557#3 : vector<16xf32>
      %add3A_1560 = arith.addf %add3A_1558, %add3A_1559 : vector<16xf32>
      %add3A_1561 = arith.addi %parallel_loop3A_1557#4, %parallel_loop3A_1557#5 : vector<16xi32>
      %add3A_1562 = arith.addi %parallel_loop3A_1557#6, %parallel_loop3A_1557#7 : vector<16xi32>
      %add3A_1563 = arith.addi %add3A_1561, %add3A_1562 : vector<16xi32>
      %mul3A_1564 = arith.constant 17 : i32
      %mul3A_1565 = arith.muli %scan3A_1531, %mul3A_1564 : i32
      %swap3A_1566 = arith.index_cast %mul3A_1565 : i32 to index
      %swap3A_1567 = tpu.vector_load %arg8[%swap3A_1566] {strides = array<i32>} : memref<272xf32, #tpu.memory_space<vmem>>, vector<16xf32>,
      tpu.vector_store %arg8[%swap3A_1566], %add3A_1560 {strides = array<i32>} : memref<272xf32, #tpu.memory_space<vmem>>, vector<16xf32>,
      %mul3A_1568 = arith.constant 17 : i32
      %mul3A_1569 = arith.muli %scan3A_1531, %mul3A_1568 : i32
      %swap3A_1570 = arith.index_cast %mul3A_1569 : i32 to index
      %swap3A_1571 = tpu.vector_load %arg9[%swap3A_1570] {strides = array<i32>} : memref<272xi32, #tpu.memory_space<vmem>>, vector<16xi32>,
      tpu.vector_store %arg9[%swap3A_1570], %add3A_1563 {strides = array<i32>} : memref<272xi32, #tpu.memory_space<vmem>>, vector<16xi32>,
      %scan3A_1572 = arith.constant 0 : i32
      scf.yield %scan3A_1572 : i32
    }
    %scan3A_682 = arith.constant 16 : i32
    %add3A_683 = arith.constant 0 : i32
    %add3A_684 = vector.broadcast %add3A_683 : i32 to vector<16xi32>
    %add3A_685 = arith.addi %mul3A_5, %add3A_684 : vector<16xi32>
    %gather3A_686 = tpu.vector_load_idx %arg8[%add3A_685] : memref<272xf32, #tpu.memory_space<vmem>>[vector<16xi32>], vector<16xf32>,
    %add3A_687 = arith.addf %broadcast_in_dim3A_6, %gather3A_686 : vector<16xf32>
    %add3A_688 = arith.constant 0 : i32
    %add3A_689 = vector.broadcast %add3A_688 : i32 to vector<16xi32>
    %add3A_690 = arith.addi %mul3A_5, %add3A_689 : vector<16xi32>
    %gather3A_691 = tpu.vector_load_idx %arg9[%add3A_690] : memref<272xi32, #tpu.memory_space<vmem>>[vector<16xi32>], vector<16xi32>,
    %add3A_692 = arith.addi %broadcast_in_dim3A_8, %gather3A_691 : vector<16xi32>
    %add3A_693 = arith.constant 1 : i32
    %add3A_694 = vector.broadcast %add3A_693 : i32 to vector<16xi32>
    %add3A_695 = arith.addi %mul3A_5, %add3A_694 : vector<16xi32>
    %gather3A_696 = tpu.vector_load_idx %arg8[%add3A_695] : memref<272xf32, #tpu.memory_space<vmem>>[vector<16xi32>], vector<16xf32>,
    %add3A_697 = arith.addf %add3A_687, %gather3A_696 : vector<16xf32>
    %add3A_698 = arith.constant 1 : i32
    %add3A_699 = vector.broadcast %add3A_698 : i32 to vector<16xi32>
    %add3A_700 = arith.addi %mul3A_5, %add3A_699 : vector<16xi32>
    %gather3A_701 = tpu.vector_load_idx %arg9[%add3A_700] : memref<272xi32, #tpu.memory_space<vmem>>[vector<16xi32>], vector<16xi32>,
    %add3A_702 = arith.addi %add3A_692, %gather3A_701 : vector<16xi32>
    %add3A_703 = arith.constant 2 : i32
    %add3A_704 = vector.broadcast %add3A_703 : i32 to vector<16xi32>
    %add3A_705 = arith.addi %mul3A_5, %add3A_704 : vector<16xi32>
    %gather3A_706 = tpu.vector_load_idx %arg8[%add3A_705] : memref<272xf32, #tpu.memory_space<vmem>>[vector<16xi32>], vector<16xf32>,
    %add3A_707 = arith.addf %add3A_697, %gather3A_706 : vector<16xf32>
    %add3A_708 = arith.constant 2 : i32
    %add3A_709 = vector.broadcast %add3A_708 : i32 to vector<16xi32>
    %add3A_710 = arith.addi %mul3A_5, %add3A_709 : vector<16xi32>
    %gather3A_711 = tpu.vector_load_idx %arg9[%add3A_710] : memref<272xi32, #tpu.memory_space<vmem>>[vector<16xi32>], vector<16xi32>,
    %add3A_712 = arith.addi %add3A_702, %gather3A_711 : vector<16xi32>
    %add3A_713 = arith.constant 3 : i32
    %add3A_714 = vector.broadcast %add3A_713 : i32 to vector<16xi32>
    %add3A_715 = arith.addi %mul3A_5, %add3A_714 : vector<16xi32>
    %gather3A_716 = tpu.vector_load_idx %arg8[%add3A_715] : memref<272xf32, #tpu.memory_space<vmem>>[vector<16xi32>], vector<16xf32>,
    %add3A_717 = arith.addf %add3A_707, %gather3A_716 : vector<16xf32>
    %add3A_718 = arith.constant 3 : i32
    %add3A_719 = vector.broadcast %add3A_718 : i32 to vector<16xi32>
    %add3A_720 = arith.addi %mul3A_5, %add3A_719 : vector<16xi32>
    %gather3A_721 = tpu.vector_load_idx %arg9[%add3A_720] : memref<272xi32, #tpu.memory_space<vmem>>[vector<16xi32>], vector<16xi32>,
    %add3A_722 = arith.addi %add3A_712, %gather3A_721 : vector<16xi32>
    %add3A_723 = arith.constant 4 : i32
    %add3A_724 = vector.broadcast %add3A_723 : i32 to vector<16xi32>
    %add3A_725 = arith.addi %mul3A_5, %add3A_724 : vector<16xi32>
    %gather3A_726 = tpu.vector_load_idx %arg8[%add3A_725] : memref<272xf32, #tpu.memory_space<vmem>>[vector<16xi32>], vector<16xf32>,
    %add3A_727 = arith.addf %add3A_717, %gather3A_726 : vector<16xf32>
    %add3A_728 = arith.constant 4 : i32
    %add3A_729 = vector.broadcast %add3A_728 : i32 to vector<16xi32>
    %add3A_730 = arith.addi %mul3A_5, %add3A_729 : vector<16xi32>
    %gather3A_731 = tpu.vector_load_idx %arg9[%add3A_730] : memref<272xi32, #tpu.memory_space<vmem>>[vector<16xi32>], vector<16xi32>,
    %add3A_732 = arith.addi %add3A_722, %gather3A_731 : vector<16xi32>
    %add3A_733 = arith.constant 5 : i32
    %add3A_734 = vector.broadcast %add3A_733 : i32 to vector<16xi32>
    %add3A_735 = arith.addi %mul3A_5, %add3A_734 : vector<16xi32>
    %gather3A_736 = tpu.vector_load_idx %arg8[%add3A_735] : memref<272xf32, #tpu.memory_space<vmem>>[vector<16xi32>], vector<16xf32>,
    %add3A_737 = arith.addf %add3A_727, %gather3A_736 : vector<16xf32>
    %add3A_738 = arith.constant 5 : i32
    %add3A_739 = vector.broadcast %add3A_738 : i32 to vector<16xi32>
    %add3A_740 = arith.addi %mul3A_5, %add3A_739 : vector<16xi32>
    %gather3A_741 = tpu.vector_load_idx %arg9[%add3A_740] : memref<272xi32, #tpu.memory_space<vmem>>[vector<16xi32>], vector<16xi32>,
    %add3A_742 = arith.addi %add3A_732, %gather3A_741 : vector<16xi32>
    %add3A_743 = arith.constant 6 : i32
    %add3A_744 = vector.broadcast %add3A_743 : i32 to vector<16xi32>
    %add3A_745 = arith.addi %mul3A_5, %add3A_744 : vector<16xi32>
    %gather3A_746 = tpu.vector_load_idx %arg8[%add3A_745] : memref<272xf32, #tpu.memory_space<vmem>>[vector<16xi32>], vector<16xf32>,
    %add3A_747 = arith.addf %add3A_737, %gather3A_746 : vector<16xf32>
    %add3A_748 = arith.constant 6 : i32
    %add3A_749 = vector.broadcast %add3A_748 : i32 to vector<16xi32>
    %add3A_750 = arith.addi %mul3A_5, %add3A_749 : vector<16xi32>
    %gather3A_751 = tpu.vector_load_idx %arg9[%add3A_750] : memref<272xi32, #tpu.memory_space<vmem>>[vector<16xi32>], vector<16xi32>,
    %add3A_752 = arith.addi %add3A_742, %gather3A_751 : vector<16xi32>
    %add3A_753 = arith.constant 7 : i32
    %add3A_754 = vector.broadcast %add3A_753 : i32 to vector<16xi32>
    %add3A_755 = arith.addi %mul3A_5, %add3A_754 : vector<16xi32>
    %gather3A_756 = tpu.vector_load_idx %arg8[%add3A_755] : memref<272xf32, #tpu.memory_space<vmem>>[vector<16xi32>], vector<16xf32>,
    %add3A_757 = arith.addf %add3A_747, %gather3A_756 : vector<16xf32>
    %add3A_758 = arith.constant 7 : i32
    %add3A_759 = vector.broadcast %add3A_758 : i32 to vector<16xi32>
    %add3A_760 = arith.addi %mul3A_5, %add3A_759 : vector<16xi32>
    %gather3A_761 = tpu.vector_load_idx %arg9[%add3A_760] : memref<272xi32, #tpu.memory_space<vmem>>[vector<16xi32>], vector<16xi32>,
    %add3A_762 = arith.addi %add3A_752, %gather3A_761 : vector<16xi32>
    %add3A_763 = arith.constant 8 : i32
    %add3A_764 = vector.broadcast %add3A_763 : i32 to vector<16xi32>
    %add3A_765 = arith.addi %mul3A_5, %add3A_764 : vector<16xi32>
    %gather3A_766 = tpu.vector_load_idx %arg8[%add3A_765] : memref<272xf32, #tpu.memory_space<vmem>>[vector<16xi32>], vector<16xf32>,
    %add3A_767 = arith.addf %add3A_757, %gather3A_766 : vector<16xf32>
    %add3A_768 = arith.constant 8 : i32
    %add3A_769 = vector.broadcast %add3A_768 : i32 to vector<16xi32>
    %add3A_770 = arith.addi %mul3A_5, %add3A_769 : vector<16xi32>
    %gather3A_771 = tpu.vector_load_idx %arg9[%add3A_770] : memref<272xi32, #tpu.memory_space<vmem>>[vector<16xi32>], vector<16xi32>,
    %add3A_772 = arith.addi %add3A_762, %gather3A_771 : vector<16xi32>
    %add3A_773 = arith.constant 9 : i32
    %add3A_774 = vector.broadcast %add3A_773 : i32 to vector<16xi32>
    %add3A_775 = arith.addi %mul3A_5, %add3A_774 : vector<16xi32>
    %gather3A_776 = tpu.vector_load_idx %arg8[%add3A_775] : memref<272xf32, #tpu.memory_space<vmem>>[vector<16xi32>], vector<16xf32>,
    %add3A_777 = arith.addf %add3A_767, %gather3A_776 : vector<16xf32>
    %add3A_778 = arith.constant 9 : i32
    %add3A_779 = vector.broadcast %add3A_778 : i32 to vector<16xi32>
    %add3A_780 = arith.addi %mul3A_5, %add3A_779 : vector<16xi32>
    %gather3A_781 = tpu.vector_load_idx %arg9[%add3A_780] : memref<272xi32, #tpu.memory_space<vmem>>[vector<16xi32>], vector<16xi32>,
    %add3A_782 = arith.addi %add3A_772, %gather3A_781 : vector<16xi32>
    %add3A_783 = arith.constant 10 : i32
    %add3A_784 = vector.broadcast %add3A_783 : i32 to vector<16xi32>
    %add3A_785 = arith.addi %mul3A_5, %add3A_784 : vector<16xi32>
    %gather3A_786 = tpu.vector_load_idx %arg8[%add3A_785] : memref<272xf32, #tpu.memory_space<vmem>>[vector<16xi32>], vector<16xf32>,
    %add3A_787 = arith.addf %add3A_777, %gather3A_786 : vector<16xf32>
    %add3A_788 = arith.constant 10 : i32
    %add3A_789 = vector.broadcast %add3A_788 : i32 to vector<16xi32>
    %add3A_790 = arith.addi %mul3A_5, %add3A_789 : vector<16xi32>
    %gather3A_791 = tpu.vector_load_idx %arg9[%add3A_790] : memref<272xi32, #tpu.memory_space<vmem>>[vector<16xi32>], vector<16xi32>,
    %add3A_792 = arith.addi %add3A_782, %gather3A_791 : vector<16xi32>
    %add3A_793 = arith.constant 11 : i32
    %add3A_794 = vector.broadcast %add3A_793 : i32 to vector<16xi32>
    %add3A_795 = arith.addi %mul3A_5, %add3A_794 : vector<16xi32>
    %gather3A_796 = tpu.vector_load_idx %arg8[%add3A_795] : memref<272xf32, #tpu.memory_space<vmem>>[vector<16xi32>], vector<16xf32>,
    %add3A_797 = arith.addf %add3A_787, %gather3A_796 : vector<16xf32>
    %add3A_798 = arith.constant 11 : i32
    %add3A_799 = vector.broadcast %add3A_798 : i32 to vector<16xi32>
    %add3A_800 = arith.addi %mul3A_5, %add3A_799 : vector<16xi32>
    %gather3A_801 = tpu.vector_load_idx %arg9[%add3A_800] : memref<272xi32, #tpu.memory_space<vmem>>[vector<16xi32>], vector<16xi32>,
    %add3A_802 = arith.addi %add3A_792, %gather3A_801 : vector<16xi32>
    %add3A_803 = arith.constant 12 : i32
    %add3A_804 = vector.broadcast %add3A_803 : i32 to vector<16xi32>
    %add3A_805 = arith.addi %mul3A_5, %add3A_804 : vector<16xi32>
    %gather3A_806 = tpu.vector_load_idx %arg8[%add3A_805] : memref<272xf32, #tpu.memory_space<vmem>>[vector<16xi32>], vector<16xf32>,
    %add3A_807 = arith.addf %add3A_797, %gather3A_806 : vector<16xf32>
    %add3A_808 = arith.constant 12 : i32
    %add3A_809 = vector.broadcast %add3A_808 : i32 to vector<16xi32>
    %add3A_810 = arith.addi %mul3A_5, %add3A_809 : vector<16xi32>
    %gather3A_811 = tpu.vector_load_idx %arg9[%add3A_810] : memref<272xi32, #tpu.memory_space<vmem>>[vector<16xi32>], vector<16xi32>,
    %add3A_812 = arith.addi %add3A_802, %gather3A_811 : vector<16xi32>
    %add3A_813 = arith.constant 13 : i32
    %add3A_814 = vector.broadcast %add3A_813 : i32 to vector<16xi32>
    %add3A_815 = arith.addi %mul3A_5, %add3A_814 : vector<16xi32>
    %gather3A_816 = tpu.vector_load_idx %arg8[%add3A_815] : memref<272xf32, #tpu.memory_space<vmem>>[vector<16xi32>], vector<16xf32>,
    %add3A_817 = arith.addf %add3A_807, %gather3A_816 : vector<16xf32>
    %add3A_818 = arith.constant 13 : i32
    %add3A_819 = vector.broadcast %add3A_818 : i32 to vector<16xi32>
    %add3A_820 = arith.addi %mul3A_5, %add3A_819 : vector<16xi32>
    %gather3A_821 = tpu.vector_load_idx %arg9[%add3A_820] : memref<272xi32, #tpu.memory_space<vmem>>[vector<16xi32>], vector<16xi32>,
    %add3A_822 = arith.addi %add3A_812, %gather3A_821 : vector<16xi32>
    %add3A_823 = arith.constant 14 : i32
    %add3A_824 = vector.broadcast %add3A_823 : i32 to vector<16xi32>
    %add3A_825 = arith.addi %mul3A_5, %add3A_824 : vector<16xi32>
    %gather3A_826 = tpu.vector_load_idx %arg8[%add3A_825] : memref<272xf32, #tpu.memory_space<vmem>>[vector<16xi32>], vector<16xf32>,
    %add3A_827 = arith.addf %add3A_817, %gather3A_826 : vector<16xf32>
    %add3A_828 = arith.constant 14 : i32
    %add3A_829 = vector.broadcast %add3A_828 : i32 to vector<16xi32>
    %add3A_830 = arith.addi %mul3A_5, %add3A_829 : vector<16xi32>
    %gather3A_831 = tpu.vector_load_idx %arg9[%add3A_830] : memref<272xi32, #tpu.memory_space<vmem>>[vector<16xi32>], vector<16xi32>,
    %add3A_832 = arith.addi %add3A_822, %gather3A_831 : vector<16xi32>
    %add3A_833 = arith.constant 15 : i32
    %add3A_834 = vector.broadcast %add3A_833 : i32 to vector<16xi32>
    %add3A_835 = arith.addi %mul3A_5, %add3A_834 : vector<16xi32>
    %gather3A_836 = tpu.vector_load_idx %arg8[%add3A_835] : memref<272xf32, #tpu.memory_space<vmem>>[vector<16xi32>], vector<16xf32>,
    %add3A_837 = arith.addf %add3A_827, %gather3A_836 : vector<16xf32>
    %add3A_838 = arith.constant 15 : i32
    %add3A_839 = vector.broadcast %add3A_838 : i32 to vector<16xi32>
    %add3A_840 = arith.addi %mul3A_5, %add3A_839 : vector<16xi32>
    %gather3A_841 = tpu.vector_load_idx %arg9[%add3A_840] : memref<272xi32, #tpu.memory_space<vmem>>[vector<16xi32>], vector<16xi32>,
    %add3A_842 = arith.addi %add3A_832, %gather3A_841 : vector<16xi32>
    %convert_element_type3A_843 = arith.sitofp %add3A_842 : vector<16xi32> to vector<16xf32>
    %div3A_844 = arith.divf %add3A_837, %convert_element_type3A_843 : vector<16xf32>
    %swap3A_845 = arith.constant 48 : index
    %swap3A_846 = tpu.vector_load %arg10[%swap3A_845] {strides = array<i32>} : memref<128xf32, #tpu.memory_space<vmem>>, vector<16xf32>,
    tpu.vector_store %arg10[%swap3A_845], %div3A_844 {strides = array<i32>} : memref<128xf32, #tpu.memory_space<vmem>>, vector<16xf32>,
    %scan3A_847 = arith.constant 0 : i32
    %scan3A_848 = arith.constant 0 : i32
    %scan3A_849 = arith.constant 16 : i32
    %scan3A_850 = arith.addi %scan3A_848, %scan3A_849 : i32
    %scan3A_851 = arith.constant 1 : i32
    %scan3A_852 = scf.for %scan3A_1531 = %scan3A_848 to %scan3A_850 step %scan3A_851 iter_args(%scan3A_1532 = %scan3A_847) -> (i32)  : i32 {
      %mul3A_1533 = arith.constant 2048 : i32
      %mul3A_1534 = arith.muli %scan3A_1531, %mul3A_1533 : i32
      %dma_wait3A = tpu.memref_slice %arg6[%mul3A_1534] : memref<32768xi32, #tpu.memory_space<vmem>> -> memref<2048xi32, #tpu.memory_space<vmem>>
      %dma_wait3A_1535 = arith.constant 0 : i32
      %dma_wait3A_1536 = tpu.memref_slice %arg2[%dma_wait3A_1535] : memref<8388608xi32, #tpu.memory_space<hbm>> -> memref<2048xi32, #tpu.memory_space<hbm>>
      %dma_wait3A_1537 = tpu.memref_slice %arg6[%mul3A_1534] : memref<32768xi32, #tpu.memory_space<vmem>> -> memref<2048xi32, #tpu.memory_space<vmem>>
      %dma_wait3A_1538 = arith.constant 0 : i32
      %dma_wait3A_1539 = tpu.memref_slice %arg2[%dma_wait3A_1538] : memref<8388608xi32, #tpu.memory_space<hbm>> -> memref<2048xi32, #tpu.memory_space<hbm>>
      tpu.wait_dma2 semaphore(%arg11 : memref<!tpu.dma_semaphore, #tpu.memory_space<semaphore_mem>>) src(%dma_wait3A_1539 : memref<2048xi32, #tpu.memory_space<hbm>>) dst(%dma_wait3A_1537 : memref<2048xi32, #tpu.memory_space<vmem>>)
      %add3A_1540 = arith.constant 80 : i32
      %add3A_1541 = arith.addi %mul3A_2, %add3A_1540 : i32
      %mul3A_1542 = arith.constant 2048 : i32
      %mul3A_1543 = arith.muli %add3A_1541, %mul3A_1542 : i32
      %mul3A_1544 = arith.constant 2048 : i32
      %mul3A_1545 = arith.muli %scan3A_1531, %mul3A_1544 : i32
      %add3A_1546 = arith.addi %mul3A_1543, %mul3A_1545 : i32
      %mul3A_1547 = arith.constant 2048 : i32
      %mul3A_1548 = arith.muli %scan3A_1531, %mul3A_1547 : i32
      %dma_start3A_1549 = tpu.memref_slice %arg7[%mul3A_1548] : memref<32768xi32, #tpu.memory_space<vmem>> -> memref<2048xi32, #tpu.memory_space<vmem>>
      %dma_start3A_1550 = tpu.memref_slice %arg2[%add3A_1546] : memref<8388608xi32, #tpu.memory_space<hbm>> -> memref<2048xi32, #tpu.memory_space<hbm>>
      %dma_start3A_1551 = tpu.memref_slice %arg7[%mul3A_1548] : memref<32768xi32, #tpu.memory_space<vmem>> -> memref<2048xi32, #tpu.memory_space<vmem>>
      %dma_start3A_1552 = tpu.memref_slice %arg2[%add3A_1546] : memref<8388608xi32, #tpu.memory_space<hbm>> -> memref<2048xi32, #tpu.memory_space<hbm>>
      tpu.enqueue_dma source(%dma_start3A_1552 : memref<2048xi32, #tpu.memory_space<hbm>>) target(%dma_start3A_1551 : memref<2048xi32, #tpu.memory_space<vmem>>) target_semaphore(%arg12 : memref<!tpu.dma_semaphore, #tpu.memory_space<semaphore_mem>>)
      %mul3A_1553 = arith.constant 2048 : i32
      %mul3A_1554 = arith.muli %scan3A_1531, %mul3A_1553 : i32
      %parallel_loop3A = arith.constant 0 : i32
      %parallel_loop3A_1555 = arith.constant 32 : i32
      %parallel_loop3A_1556 = arith.constant 1 : i32
      %parallel_loop3A_1557:8 = scf.for %parallel_loop3A_1573 = %parallel_loop3A to %parallel_loop3A_1555 step %parallel_loop3A_1556 iter_args(%parallel_loop3A_1574 = %broadcast_in_dim3A_6, %parallel_loop3A_1575 = %broadcast_in_dim3A_6, %parallel_loop3A_1576 = %broadcast_in_dim3A_6, %parallel_loop3A_1577 = %broadcast_in_dim3A_6, %parallel_loop3A_1578 = %broadcast_in_dim3A_8, %parallel_loop3A_1579 = %broadcast_in_dim3A_8, %parallel_loop3A_1580 = %broadcast_in_dim3A_8, %parallel_loop3A_1581 = %broadcast_in_dim3A_8) -> (vector<16xf32>, vector<16xf32>, vector<16xf32>, vector<16xf32>, vector<16xi32>, vector<16xi32>, vector<16xi32>, vector<16xi32>)  : i32 {
        %parallel_loop3A_1582 = arith.constant 64 : i32
        %parallel_loop3A_1583 = arith.muli %parallel_loop3A_1573, %parallel_loop3A_1582 : i32
        %parallel_loop3A_1584 = arith.addi %mul3A_1554, %parallel_loop3A_1583 : i32
        %parallel_loop3A_1585 = arith.constant 0 : i32
        %parallel_loop3A_1586 = arith.addi %parallel_loop3A_1584, %parallel_loop3A_1585 : i32
        %parallel_loop3A_1587 = arith.index_cast %parallel_loop3A_1586 : i32 to index
        %parallel_loop3A_1588 = tpu.vector_load %arg6[%parallel_loop3A_1587] {strides = array<i32>} : memref<32768xi32, #tpu.memory_space<vmem>>, vector<16xi32>,
        %parallel_loop3A_1589 = arith.constant 4 : i32
        %parallel_loop3A_1590 = vector.broadcast %parallel_loop3A_1589 : i32 to vector<16xi32>
        %parallel_loop3A_1591 = arith.shli %parallel_loop3A_1588, %parallel_loop3A_1590 : vector<16xi32>
        %parallel_loop3A_1592 = arith.addi %parallel_loop3A_1591, %iota3A : vector<16xi32>
        %parallel_loop3A_1593 = tpu.vector_load_idx %arg5[%parallel_loop3A_1592] : memref<1280xf32, #tpu.memory_space<vmem>>[vector<16xi32>], vector<16xf32>,
        %parallel_loop3A_1594 = arith.addf %parallel_loop3A_1574, %parallel_loop3A_1593 : vector<16xf32>
        %parallel_loop3A_1595 = arith.constant 63 : i32
        %parallel_loop3A_1596 = vector.broadcast %parallel_loop3A_1595 : i32 to vector<16xi32>
        %parallel_loop3A_1597 = arith.addi %parallel_loop3A_1588, %parallel_loop3A_1596 : vector<16xi32>
        %parallel_loop3A_1598 = arith.constant 6 : i32
        %parallel_loop3A_1599 = vector.broadcast %parallel_loop3A_1598 : i32 to vector<16xi32>
        %parallel_loop3A_1600 = arith.shrsi %parallel_loop3A_1597, %parallel_loop3A_1599 : vector<16xi32>
        %parallel_loop3A_1601 = arith.addi %parallel_loop3A_1578, %parallel_loop3A_1600 : vector<16xi32>
        %parallel_loop3A_1602 = arith.constant 16 : i32
        %parallel_loop3A_1603 = arith.addi %parallel_loop3A_1584, %parallel_loop3A_1602 : i32
        %parallel_loop3A_1604 = arith.index_cast %parallel_loop3A_1603 : i32 to index
        %parallel_loop3A_1605 = tpu.vector_load %arg6[%parallel_loop3A_1604] {strides = array<i32>} : memref<32768xi32, #tpu.memory_space<vmem>>, vector<16xi32>,
        %parallel_loop3A_1606 = arith.constant 4 : i32
        %parallel_loop3A_1607 = vector.broadcast %parallel_loop3A_1606 : i32 to vector<16xi32>
        %parallel_loop3A_1608 = arith.shli %parallel_loop3A_1605, %parallel_loop3A_1607 : vector<16xi32>
        %parallel_loop3A_1609 = arith.addi %parallel_loop3A_1608, %iota3A : vector<16xi32>
        %parallel_loop3A_1610 = tpu.vector_load_idx %arg5[%parallel_loop3A_1609] : memref<1280xf32, #tpu.memory_space<vmem>>[vector<16xi32>], vector<16xf32>,
        %parallel_loop3A_1611 = arith.addf %parallel_loop3A_1575, %parallel_loop3A_1610 : vector<16xf32>
        %parallel_loop3A_1612 = arith.constant 63 : i32
        %parallel_loop3A_1613 = vector.broadcast %parallel_loop3A_1612 : i32 to vector<16xi32>
        %parallel_loop3A_1614 = arith.addi %parallel_loop3A_1605, %parallel_loop3A_1613 : vector<16xi32>
        %parallel_loop3A_1615 = arith.constant 6 : i32
        %parallel_loop3A_1616 = vector.broadcast %parallel_loop3A_1615 : i32 to vector<16xi32>
        %parallel_loop3A_1617 = arith.shrsi %parallel_loop3A_1614, %parallel_loop3A_1616 : vector<16xi32>
        %parallel_loop3A_1618 = arith.addi %parallel_loop3A_1579, %parallel_loop3A_1617 : vector<16xi32>
        %parallel_loop3A_1619 = arith.constant 32 : i32
        %parallel_loop3A_1620 = arith.addi %parallel_loop3A_1584, %parallel_loop3A_1619 : i32
        %parallel_loop3A_1621 = arith.index_cast %parallel_loop3A_1620 : i32 to index
        %parallel_loop3A_1622 = tpu.vector_load %arg6[%parallel_loop3A_1621] {strides = array<i32>} : memref<32768xi32, #tpu.memory_space<vmem>>, vector<16xi32>,
        %parallel_loop3A_1623 = arith.constant 4 : i32
        %parallel_loop3A_1624 = vector.broadcast %parallel_loop3A_1623 : i32 to vector<16xi32>
        %parallel_loop3A_1625 = arith.shli %parallel_loop3A_1622, %parallel_loop3A_1624 : vector<16xi32>
        %parallel_loop3A_1626 = arith.addi %parallel_loop3A_1625, %iota3A : vector<16xi32>
        %parallel_loop3A_1627 = tpu.vector_load_idx %arg5[%parallel_loop3A_1626] : memref<1280xf32, #tpu.memory_space<vmem>>[vector<16xi32>], vector<16xf32>,
        %parallel_loop3A_1628 = arith.addf %parallel_loop3A_1576, %parallel_loop3A_1627 : vector<16xf32>
        %parallel_loop3A_1629 = arith.constant 63 : i32
        %parallel_loop3A_1630 = vector.broadcast %parallel_loop3A_1629 : i32 to vector<16xi32>
        %parallel_loop3A_1631 = arith.addi %parallel_loop3A_1622, %parallel_loop3A_1630 : vector<16xi32>
        %parallel_loop3A_1632 = arith.constant 6 : i32
        %parallel_loop3A_1633 = vector.broadcast %parallel_loop3A_1632 : i32 to vector<16xi32>
        %parallel_loop3A_1634 = arith.shrsi %parallel_loop3A_1631, %parallel_loop3A_1633 : vector<16xi32>
        %parallel_loop3A_1635 = arith.addi %parallel_loop3A_1580, %parallel_loop3A_1634 : vector<16xi32>
        %parallel_loop3A_1636 = arith.constant 48 : i32
        %parallel_loop3A_1637 = arith.addi %parallel_loop3A_1584, %parallel_loop3A_1636 : i32
        %parallel_loop3A_1638 = arith.index_cast %parallel_loop3A_1637 : i32 to index
        %parallel_loop3A_1639 = tpu.vector_load %arg6[%parallel_loop3A_1638] {strides = array<i32>} : memref<32768xi32, #tpu.memory_space<vmem>>, vector<16xi32>,
        %parallel_loop3A_1640 = arith.constant 4 : i32
        %parallel_loop3A_1641 = vector.broadcast %parallel_loop3A_1640 : i32 to vector<16xi32>
        %parallel_loop3A_1642 = arith.shli %parallel_loop3A_1639, %parallel_loop3A_1641 : vector<16xi32>
        %parallel_loop3A_1643 = arith.addi %parallel_loop3A_1642, %iota3A : vector<16xi32>
        %parallel_loop3A_1644 = tpu.vector_load_idx %arg5[%parallel_loop3A_1643] : memref<1280xf32, #tpu.memory_space<vmem>>[vector<16xi32>], vector<16xf32>,
        %parallel_loop3A_1645 = arith.addf %parallel_loop3A_1577, %parallel_loop3A_1644 : vector<16xf32>
        %parallel_loop3A_1646 = arith.constant 63 : i32
        %parallel_loop3A_1647 = vector.broadcast %parallel_loop3A_1646 : i32 to vector<16xi32>
        %parallel_loop3A_1648 = arith.addi %parallel_loop3A_1639, %parallel_loop3A_1647 : vector<16xi32>
        %parallel_loop3A_1649 = arith.constant 6 : i32
        %parallel_loop3A_1650 = vector.broadcast %parallel_loop3A_1649 : i32 to vector<16xi32>
        %parallel_loop3A_1651 = arith.shrsi %parallel_loop3A_1648, %parallel_loop3A_1650 : vector<16xi32>
        %parallel_loop3A_1652 = arith.addi %parallel_loop3A_1581, %parallel_loop3A_1651 : vector<16xi32>
        scf.yield %parallel_loop3A_1594, %parallel_loop3A_1611, %parallel_loop3A_1628, %parallel_loop3A_1645, %parallel_loop3A_1601, %parallel_loop3A_1618, %parallel_loop3A_1635, %parallel_loop3A_1652 : vector<16xf32>, vector<16xf32>, vector<16xf32>, vector<16xf32>, vector<16xi32>, vector<16xi32>, vector<16xi32>, vector<16xi32>
      } {sc.loop_unroll_factor = 4 : i64, sc.parallel_access}
      %add3A_1558 = arith.addf %parallel_loop3A_1557#0, %parallel_loop3A_1557#1 : vector<16xf32>
      %add3A_1559 = arith.addf %parallel_loop3A_1557#2, %parallel_loop3A_1557#3 : vector<16xf32>
      %add3A_1560 = arith.addf %add3A_1558, %add3A_1559 : vector<16xf32>
      %add3A_1561 = arith.addi %parallel_loop3A_1557#4, %parallel_loop3A_1557#5 : vector<16xi32>
      %add3A_1562 = arith.addi %parallel_loop3A_1557#6, %parallel_loop3A_1557#7 : vector<16xi32>
      %add3A_1563 = arith.addi %add3A_1561, %add3A_1562 : vector<16xi32>
      %mul3A_1564 = arith.constant 17 : i32
      %mul3A_1565 = arith.muli %scan3A_1531, %mul3A_1564 : i32
      %swap3A_1566 = arith.index_cast %mul3A_1565 : i32 to index
      %swap3A_1567 = tpu.vector_load %arg8[%swap3A_1566] {strides = array<i32>} : memref<272xf32, #tpu.memory_space<vmem>>, vector<16xf32>,
      tpu.vector_store %arg8[%swap3A_1566], %add3A_1560 {strides = array<i32>} : memref<272xf32, #tpu.memory_space<vmem>>, vector<16xf32>,
      %mul3A_1568 = arith.constant 17 : i32
      %mul3A_1569 = arith.muli %scan3A_1531, %mul3A_1568 : i32
      %swap3A_1570 = arith.index_cast %mul3A_1569 : i32 to index
      %swap3A_1571 = tpu.vector_load %arg9[%swap3A_1570] {strides = array<i32>} : memref<272xi32, #tpu.memory_space<vmem>>, vector<16xi32>,
      tpu.vector_store %arg9[%swap3A_1570], %add3A_1563 {strides = array<i32>} : memref<272xi32, #tpu.memory_space<vmem>>, vector<16xi32>,
      %scan3A_1572 = arith.constant 0 : i32
      scf.yield %scan3A_1572 : i32
    }
    %scan3A_853 = arith.constant 16 : i32
    %add3A_854 = arith.constant 0 : i32
    %add3A_855 = vector.broadcast %add3A_854 : i32 to vector<16xi32>
    %add3A_856 = arith.addi %mul3A_5, %add3A_855 : vector<16xi32>
    %gather3A_857 = tpu.vector_load_idx %arg8[%add3A_856] : memref<272xf32, #tpu.memory_space<vmem>>[vector<16xi32>], vector<16xf32>,
    %add3A_858 = arith.addf %broadcast_in_dim3A_6, %gather3A_857 : vector<16xf32>
    %add3A_859 = arith.constant 0 : i32
    %add3A_860 = vector.broadcast %add3A_859 : i32 to vector<16xi32>
    %add3A_861 = arith.addi %mul3A_5, %add3A_860 : vector<16xi32>
    %gather3A_862 = tpu.vector_load_idx %arg9[%add3A_861] : memref<272xi32, #tpu.memory_space<vmem>>[vector<16xi32>], vector<16xi32>,
    %add3A_863 = arith.addi %broadcast_in_dim3A_8, %gather3A_862 : vector<16xi32>
    %add3A_864 = arith.constant 1 : i32
    %add3A_865 = vector.broadcast %add3A_864 : i32 to vector<16xi32>
    %add3A_866 = arith.addi %mul3A_5, %add3A_865 : vector<16xi32>
    %gather3A_867 = tpu.vector_load_idx %arg8[%add3A_866] : memref<272xf32, #tpu.memory_space<vmem>>[vector<16xi32>], vector<16xf32>,
    %add3A_868 = arith.addf %add3A_858, %gather3A_867 : vector<16xf32>
    %add3A_869 = arith.constant 1 : i32
    %add3A_870 = vector.broadcast %add3A_869 : i32 to vector<16xi32>
    %add3A_871 = arith.addi %mul3A_5, %add3A_870 : vector<16xi32>
    %gather3A_872 = tpu.vector_load_idx %arg9[%add3A_871] : memref<272xi32, #tpu.memory_space<vmem>>[vector<16xi32>], vector<16xi32>,
    %add3A_873 = arith.addi %add3A_863, %gather3A_872 : vector<16xi32>
    %add3A_874 = arith.constant 2 : i32
    %add3A_875 = vector.broadcast %add3A_874 : i32 to vector<16xi32>
    %add3A_876 = arith.addi %mul3A_5, %add3A_875 : vector<16xi32>
    %gather3A_877 = tpu.vector_load_idx %arg8[%add3A_876] : memref<272xf32, #tpu.memory_space<vmem>>[vector<16xi32>], vector<16xf32>,
    %add3A_878 = arith.addf %add3A_868, %gather3A_877 : vector<16xf32>
    %add3A_879 = arith.constant 2 : i32
    %add3A_880 = vector.broadcast %add3A_879 : i32 to vector<16xi32>
    %add3A_881 = arith.addi %mul3A_5, %add3A_880 : vector<16xi32>
    %gather3A_882 = tpu.vector_load_idx %arg9[%add3A_881] : memref<272xi32, #tpu.memory_space<vmem>>[vector<16xi32>], vector<16xi32>,
    %add3A_883 = arith.addi %add3A_873, %gather3A_882 : vector<16xi32>
    %add3A_884 = arith.constant 3 : i32
    %add3A_885 = vector.broadcast %add3A_884 : i32 to vector<16xi32>
    %add3A_886 = arith.addi %mul3A_5, %add3A_885 : vector<16xi32>
    %gather3A_887 = tpu.vector_load_idx %arg8[%add3A_886] : memref<272xf32, #tpu.memory_space<vmem>>[vector<16xi32>], vector<16xf32>,
    %add3A_888 = arith.addf %add3A_878, %gather3A_887 : vector<16xf32>
    %add3A_889 = arith.constant 3 : i32
    %add3A_890 = vector.broadcast %add3A_889 : i32 to vector<16xi32>
    %add3A_891 = arith.addi %mul3A_5, %add3A_890 : vector<16xi32>
    %gather3A_892 = tpu.vector_load_idx %arg9[%add3A_891] : memref<272xi32, #tpu.memory_space<vmem>>[vector<16xi32>], vector<16xi32>,
    %add3A_893 = arith.addi %add3A_883, %gather3A_892 : vector<16xi32>
    %add3A_894 = arith.constant 4 : i32
    %add3A_895 = vector.broadcast %add3A_894 : i32 to vector<16xi32>
    %add3A_896 = arith.addi %mul3A_5, %add3A_895 : vector<16xi32>
    %gather3A_897 = tpu.vector_load_idx %arg8[%add3A_896] : memref<272xf32, #tpu.memory_space<vmem>>[vector<16xi32>], vector<16xf32>,
    %add3A_898 = arith.addf %add3A_888, %gather3A_897 : vector<16xf32>
    %add3A_899 = arith.constant 4 : i32
    %add3A_900 = vector.broadcast %add3A_899 : i32 to vector<16xi32>
    %add3A_901 = arith.addi %mul3A_5, %add3A_900 : vector<16xi32>
    %gather3A_902 = tpu.vector_load_idx %arg9[%add3A_901] : memref<272xi32, #tpu.memory_space<vmem>>[vector<16xi32>], vector<16xi32>,
    %add3A_903 = arith.addi %add3A_893, %gather3A_902 : vector<16xi32>
    %add3A_904 = arith.constant 5 : i32
    %add3A_905 = vector.broadcast %add3A_904 : i32 to vector<16xi32>
    %add3A_906 = arith.addi %mul3A_5, %add3A_905 : vector<16xi32>
    %gather3A_907 = tpu.vector_load_idx %arg8[%add3A_906] : memref<272xf32, #tpu.memory_space<vmem>>[vector<16xi32>], vector<16xf32>,
    %add3A_908 = arith.addf %add3A_898, %gather3A_907 : vector<16xf32>
    %add3A_909 = arith.constant 5 : i32
    %add3A_910 = vector.broadcast %add3A_909 : i32 to vector<16xi32>
    %add3A_911 = arith.addi %mul3A_5, %add3A_910 : vector<16xi32>
    %gather3A_912 = tpu.vector_load_idx %arg9[%add3A_911] : memref<272xi32, #tpu.memory_space<vmem>>[vector<16xi32>], vector<16xi32>,
    %add3A_913 = arith.addi %add3A_903, %gather3A_912 : vector<16xi32>
    %add3A_914 = arith.constant 6 : i32
    %add3A_915 = vector.broadcast %add3A_914 : i32 to vector<16xi32>
    %add3A_916 = arith.addi %mul3A_5, %add3A_915 : vector<16xi32>
    %gather3A_917 = tpu.vector_load_idx %arg8[%add3A_916] : memref<272xf32, #tpu.memory_space<vmem>>[vector<16xi32>], vector<16xf32>,
    %add3A_918 = arith.addf %add3A_908, %gather3A_917 : vector<16xf32>
    %add3A_919 = arith.constant 6 : i32
    %add3A_920 = vector.broadcast %add3A_919 : i32 to vector<16xi32>
    %add3A_921 = arith.addi %mul3A_5, %add3A_920 : vector<16xi32>
    %gather3A_922 = tpu.vector_load_idx %arg9[%add3A_921] : memref<272xi32, #tpu.memory_space<vmem>>[vector<16xi32>], vector<16xi32>,
    %add3A_923 = arith.addi %add3A_913, %gather3A_922 : vector<16xi32>
    %add3A_924 = arith.constant 7 : i32
    %add3A_925 = vector.broadcast %add3A_924 : i32 to vector<16xi32>
    %add3A_926 = arith.addi %mul3A_5, %add3A_925 : vector<16xi32>
    %gather3A_927 = tpu.vector_load_idx %arg8[%add3A_926] : memref<272xf32, #tpu.memory_space<vmem>>[vector<16xi32>], vector<16xf32>,
    %add3A_928 = arith.addf %add3A_918, %gather3A_927 : vector<16xf32>
    %add3A_929 = arith.constant 7 : i32
    %add3A_930 = vector.broadcast %add3A_929 : i32 to vector<16xi32>
    %add3A_931 = arith.addi %mul3A_5, %add3A_930 : vector<16xi32>
    %gather3A_932 = tpu.vector_load_idx %arg9[%add3A_931] : memref<272xi32, #tpu.memory_space<vmem>>[vector<16xi32>], vector<16xi32>,
    %add3A_933 = arith.addi %add3A_923, %gather3A_932 : vector<16xi32>
    %add3A_934 = arith.constant 8 : i32
    %add3A_935 = vector.broadcast %add3A_934 : i32 to vector<16xi32>
    %add3A_936 = arith.addi %mul3A_5, %add3A_935 : vector<16xi32>
    %gather3A_937 = tpu.vector_load_idx %arg8[%add3A_936] : memref<272xf32, #tpu.memory_space<vmem>>[vector<16xi32>], vector<16xf32>,
    %add3A_938 = arith.addf %add3A_928, %gather3A_937 : vector<16xf32>
    %add3A_939 = arith.constant 8 : i32
    %add3A_940 = vector.broadcast %add3A_939 : i32 to vector<16xi32>
    %add3A_941 = arith.addi %mul3A_5, %add3A_940 : vector<16xi32>
    %gather3A_942 = tpu.vector_load_idx %arg9[%add3A_941] : memref<272xi32, #tpu.memory_space<vmem>>[vector<16xi32>], vector<16xi32>,
    %add3A_943 = arith.addi %add3A_933, %gather3A_942 : vector<16xi32>
    %add3A_944 = arith.constant 9 : i32
    %add3A_945 = vector.broadcast %add3A_944 : i32 to vector<16xi32>
    %add3A_946 = arith.addi %mul3A_5, %add3A_945 : vector<16xi32>
    %gather3A_947 = tpu.vector_load_idx %arg8[%add3A_946] : memref<272xf32, #tpu.memory_space<vmem>>[vector<16xi32>], vector<16xf32>,
    %add3A_948 = arith.addf %add3A_938, %gather3A_947 : vector<16xf32>
    %add3A_949 = arith.constant 9 : i32
    %add3A_950 = vector.broadcast %add3A_949 : i32 to vector<16xi32>
    %add3A_951 = arith.addi %mul3A_5, %add3A_950 : vector<16xi32>
    %gather3A_952 = tpu.vector_load_idx %arg9[%add3A_951] : memref<272xi32, #tpu.memory_space<vmem>>[vector<16xi32>], vector<16xi32>,
    %add3A_953 = arith.addi %add3A_943, %gather3A_952 : vector<16xi32>
    %add3A_954 = arith.constant 10 : i32
    %add3A_955 = vector.broadcast %add3A_954 : i32 to vector<16xi32>
    %add3A_956 = arith.addi %mul3A_5, %add3A_955 : vector<16xi32>
    %gather3A_957 = tpu.vector_load_idx %arg8[%add3A_956] : memref<272xf32, #tpu.memory_space<vmem>>[vector<16xi32>], vector<16xf32>,
    %add3A_958 = arith.addf %add3A_948, %gather3A_957 : vector<16xf32>
    %add3A_959 = arith.constant 10 : i32
    %add3A_960 = vector.broadcast %add3A_959 : i32 to vector<16xi32>
    %add3A_961 = arith.addi %mul3A_5, %add3A_960 : vector<16xi32>
    %gather3A_962 = tpu.vector_load_idx %arg9[%add3A_961] : memref<272xi32, #tpu.memory_space<vmem>>[vector<16xi32>], vector<16xi32>,
    %add3A_963 = arith.addi %add3A_953, %gather3A_962 : vector<16xi32>
    %add3A_964 = arith.constant 11 : i32
    %add3A_965 = vector.broadcast %add3A_964 : i32 to vector<16xi32>
    %add3A_966 = arith.addi %mul3A_5, %add3A_965 : vector<16xi32>
    %gather3A_967 = tpu.vector_load_idx %arg8[%add3A_966] : memref<272xf32, #tpu.memory_space<vmem>>[vector<16xi32>], vector<16xf32>,
    %add3A_968 = arith.addf %add3A_958, %gather3A_967 : vector<16xf32>
    %add3A_969 = arith.constant 11 : i32
    %add3A_970 = vector.broadcast %add3A_969 : i32 to vector<16xi32>
    %add3A_971 = arith.addi %mul3A_5, %add3A_970 : vector<16xi32>
    %gather3A_972 = tpu.vector_load_idx %arg9[%add3A_971] : memref<272xi32, #tpu.memory_space<vmem>>[vector<16xi32>], vector<16xi32>,
    %add3A_973 = arith.addi %add3A_963, %gather3A_972 : vector<16xi32>
    %add3A_974 = arith.constant 12 : i32
    %add3A_975 = vector.broadcast %add3A_974 : i32 to vector<16xi32>
    %add3A_976 = arith.addi %mul3A_5, %add3A_975 : vector<16xi32>
    %gather3A_977 = tpu.vector_load_idx %arg8[%add3A_976] : memref<272xf32, #tpu.memory_space<vmem>>[vector<16xi32>], vector<16xf32>,
    %add3A_978 = arith.addf %add3A_968, %gather3A_977 : vector<16xf32>
    %add3A_979 = arith.constant 12 : i32
    %add3A_980 = vector.broadcast %add3A_979 : i32 to vector<16xi32>
    %add3A_981 = arith.addi %mul3A_5, %add3A_980 : vector<16xi32>
    %gather3A_982 = tpu.vector_load_idx %arg9[%add3A_981] : memref<272xi32, #tpu.memory_space<vmem>>[vector<16xi32>], vector<16xi32>,
    %add3A_983 = arith.addi %add3A_973, %gather3A_982 : vector<16xi32>
    %add3A_984 = arith.constant 13 : i32
    %add3A_985 = vector.broadcast %add3A_984 : i32 to vector<16xi32>
    %add3A_986 = arith.addi %mul3A_5, %add3A_985 : vector<16xi32>
    %gather3A_987 = tpu.vector_load_idx %arg8[%add3A_986] : memref<272xf32, #tpu.memory_space<vmem>>[vector<16xi32>], vector<16xf32>,
    %add3A_988 = arith.addf %add3A_978, %gather3A_987 : vector<16xf32>
    %add3A_989 = arith.constant 13 : i32
    %add3A_990 = vector.broadcast %add3A_989 : i32 to vector<16xi32>
    %add3A_991 = arith.addi %mul3A_5, %add3A_990 : vector<16xi32>
    %gather3A_992 = tpu.vector_load_idx %arg9[%add3A_991] : memref<272xi32, #tpu.memory_space<vmem>>[vector<16xi32>], vector<16xi32>,
    %add3A_993 = arith.addi %add3A_983, %gather3A_992 : vector<16xi32>
    %add3A_994 = arith.constant 14 : i32
    %add3A_995 = vector.broadcast %add3A_994 : i32 to vector<16xi32>
    %add3A_996 = arith.addi %mul3A_5, %add3A_995 : vector<16xi32>
    %gather3A_997 = tpu.vector_load_idx %arg8[%add3A_996] : memref<272xf32, #tpu.memory_space<vmem>>[vector<16xi32>], vector<16xf32>,
    %add3A_998 = arith.addf %add3A_988, %gather3A_997 : vector<16xf32>
    %add3A_999 = arith.constant 14 : i32
    %add3A_1000 = vector.broadcast %add3A_999 : i32 to vector<16xi32>
    %add3A_1001 = arith.addi %mul3A_5, %add3A_1000 : vector<16xi32>
    %gather3A_1002 = tpu.vector_load_idx %arg9[%add3A_1001] : memref<272xi32, #tpu.memory_space<vmem>>[vector<16xi32>], vector<16xi32>,
    %add3A_1003 = arith.addi %add3A_993, %gather3A_1002 : vector<16xi32>
    %add3A_1004 = arith.constant 15 : i32
    %add3A_1005 = vector.broadcast %add3A_1004 : i32 to vector<16xi32>
    %add3A_1006 = arith.addi %mul3A_5, %add3A_1005 : vector<16xi32>
    %gather3A_1007 = tpu.vector_load_idx %arg8[%add3A_1006] : memref<272xf32, #tpu.memory_space<vmem>>[vector<16xi32>], vector<16xf32>,
    %add3A_1008 = arith.addf %add3A_998, %gather3A_1007 : vector<16xf32>
    %add3A_1009 = arith.constant 15 : i32
    %add3A_1010 = vector.broadcast %add3A_1009 : i32 to vector<16xi32>
    %add3A_1011 = arith.addi %mul3A_5, %add3A_1010 : vector<16xi32>
    %gather3A_1012 = tpu.vector_load_idx %arg9[%add3A_1011] : memref<272xi32, #tpu.memory_space<vmem>>[vector<16xi32>], vector<16xi32>,
    %add3A_1013 = arith.addi %add3A_1003, %gather3A_1012 : vector<16xi32>
    %convert_element_type3A_1014 = arith.sitofp %add3A_1013 : vector<16xi32> to vector<16xf32>
    %div3A_1015 = arith.divf %add3A_1008, %convert_element_type3A_1014 : vector<16xf32>
    %swap3A_1016 = arith.constant 64 : index
    %swap3A_1017 = tpu.vector_load %arg10[%swap3A_1016] {strides = array<i32>} : memref<128xf32, #tpu.memory_space<vmem>>, vector<16xf32>,
    tpu.vector_store %arg10[%swap3A_1016], %div3A_1015 {strides = array<i32>} : memref<128xf32, #tpu.memory_space<vmem>>, vector<16xf32>,
    %scan3A_1018 = arith.constant 0 : i32
    %scan3A_1019 = arith.constant 0 : i32
    %scan3A_1020 = arith.constant 16 : i32
    %scan3A_1021 = arith.addi %scan3A_1019, %scan3A_1020 : i32
    %scan3A_1022 = arith.constant 1 : i32
    %scan3A_1023 = scf.for %scan3A_1531 = %scan3A_1019 to %scan3A_1021 step %scan3A_1022 iter_args(%scan3A_1532 = %scan3A_1018) -> (i32)  : i32 {
      %mul3A_1533 = arith.constant 2048 : i32
      %mul3A_1534 = arith.muli %scan3A_1531, %mul3A_1533 : i32
      %dma_wait3A = tpu.memref_slice %arg7[%mul3A_1534] : memref<32768xi32, #tpu.memory_space<vmem>> -> memref<2048xi32, #tpu.memory_space<vmem>>
      %dma_wait3A_1535 = arith.constant 0 : i32
      %dma_wait3A_1536 = tpu.memref_slice %arg2[%dma_wait3A_1535] : memref<8388608xi32, #tpu.memory_space<hbm>> -> memref<2048xi32, #tpu.memory_space<hbm>>
      %dma_wait3A_1537 = tpu.memref_slice %arg7[%mul3A_1534] : memref<32768xi32, #tpu.memory_space<vmem>> -> memref<2048xi32, #tpu.memory_space<vmem>>
      %dma_wait3A_1538 = arith.constant 0 : i32
      %dma_wait3A_1539 = tpu.memref_slice %arg2[%dma_wait3A_1538] : memref<8388608xi32, #tpu.memory_space<hbm>> -> memref<2048xi32, #tpu.memory_space<hbm>>
      tpu.wait_dma2 semaphore(%arg12 : memref<!tpu.dma_semaphore, #tpu.memory_space<semaphore_mem>>) src(%dma_wait3A_1539 : memref<2048xi32, #tpu.memory_space<hbm>>) dst(%dma_wait3A_1537 : memref<2048xi32, #tpu.memory_space<vmem>>)
      %add3A_1540 = arith.constant 96 : i32
      %add3A_1541 = arith.addi %mul3A_2, %add3A_1540 : i32
      %mul3A_1542 = arith.constant 2048 : i32
      %mul3A_1543 = arith.muli %add3A_1541, %mul3A_1542 : i32
      %mul3A_1544 = arith.constant 2048 : i32
      %mul3A_1545 = arith.muli %scan3A_1531, %mul3A_1544 : i32
      %add3A_1546 = arith.addi %mul3A_1543, %mul3A_1545 : i32
      %mul3A_1547 = arith.constant 2048 : i32
      %mul3A_1548 = arith.muli %scan3A_1531, %mul3A_1547 : i32
      %dma_start3A_1549 = tpu.memref_slice %arg6[%mul3A_1548] : memref<32768xi32, #tpu.memory_space<vmem>> -> memref<2048xi32, #tpu.memory_space<vmem>>
      %dma_start3A_1550 = tpu.memref_slice %arg2[%add3A_1546] : memref<8388608xi32, #tpu.memory_space<hbm>> -> memref<2048xi32, #tpu.memory_space<hbm>>
      %dma_start3A_1551 = tpu.memref_slice %arg6[%mul3A_1548] : memref<32768xi32, #tpu.memory_space<vmem>> -> memref<2048xi32, #tpu.memory_space<vmem>>
      %dma_start3A_1552 = tpu.memref_slice %arg2[%add3A_1546] : memref<8388608xi32, #tpu.memory_space<hbm>> -> memref<2048xi32, #tpu.memory_space<hbm>>
      tpu.enqueue_dma source(%dma_start3A_1552 : memref<2048xi32, #tpu.memory_space<hbm>>) target(%dma_start3A_1551 : memref<2048xi32, #tpu.memory_space<vmem>>) target_semaphore(%arg11 : memref<!tpu.dma_semaphore, #tpu.memory_space<semaphore_mem>>)
      %mul3A_1553 = arith.constant 2048 : i32
      %mul3A_1554 = arith.muli %scan3A_1531, %mul3A_1553 : i32
      %parallel_loop3A = arith.constant 0 : i32
      %parallel_loop3A_1555 = arith.constant 32 : i32
      %parallel_loop3A_1556 = arith.constant 1 : i32
      %parallel_loop3A_1557:8 = scf.for %parallel_loop3A_1573 = %parallel_loop3A to %parallel_loop3A_1555 step %parallel_loop3A_1556 iter_args(%parallel_loop3A_1574 = %broadcast_in_dim3A_6, %parallel_loop3A_1575 = %broadcast_in_dim3A_6, %parallel_loop3A_1576 = %broadcast_in_dim3A_6, %parallel_loop3A_1577 = %broadcast_in_dim3A_6, %parallel_loop3A_1578 = %broadcast_in_dim3A_8, %parallel_loop3A_1579 = %broadcast_in_dim3A_8, %parallel_loop3A_1580 = %broadcast_in_dim3A_8, %parallel_loop3A_1581 = %broadcast_in_dim3A_8) -> (vector<16xf32>, vector<16xf32>, vector<16xf32>, vector<16xf32>, vector<16xi32>, vector<16xi32>, vector<16xi32>, vector<16xi32>)  : i32 {
        %parallel_loop3A_1582 = arith.constant 64 : i32
        %parallel_loop3A_1583 = arith.muli %parallel_loop3A_1573, %parallel_loop3A_1582 : i32
        %parallel_loop3A_1584 = arith.addi %mul3A_1554, %parallel_loop3A_1583 : i32
        %parallel_loop3A_1585 = arith.constant 0 : i32
        %parallel_loop3A_1586 = arith.addi %parallel_loop3A_1584, %parallel_loop3A_1585 : i32
        %parallel_loop3A_1587 = arith.index_cast %parallel_loop3A_1586 : i32 to index
        %parallel_loop3A_1588 = tpu.vector_load %arg7[%parallel_loop3A_1587] {strides = array<i32>} : memref<32768xi32, #tpu.memory_space<vmem>>, vector<16xi32>,
        %parallel_loop3A_1589 = arith.constant 4 : i32
        %parallel_loop3A_1590 = vector.broadcast %parallel_loop3A_1589 : i32 to vector<16xi32>
        %parallel_loop3A_1591 = arith.shli %parallel_loop3A_1588, %parallel_loop3A_1590 : vector<16xi32>
        %parallel_loop3A_1592 = arith.addi %parallel_loop3A_1591, %iota3A : vector<16xi32>
        %parallel_loop3A_1593 = tpu.vector_load_idx %arg5[%parallel_loop3A_1592] : memref<1280xf32, #tpu.memory_space<vmem>>[vector<16xi32>], vector<16xf32>,
        %parallel_loop3A_1594 = arith.addf %parallel_loop3A_1574, %parallel_loop3A_1593 : vector<16xf32>
        %parallel_loop3A_1595 = arith.constant 63 : i32
        %parallel_loop3A_1596 = vector.broadcast %parallel_loop3A_1595 : i32 to vector<16xi32>
        %parallel_loop3A_1597 = arith.addi %parallel_loop3A_1588, %parallel_loop3A_1596 : vector<16xi32>
        %parallel_loop3A_1598 = arith.constant 6 : i32
        %parallel_loop3A_1599 = vector.broadcast %parallel_loop3A_1598 : i32 to vector<16xi32>
        %parallel_loop3A_1600 = arith.shrsi %parallel_loop3A_1597, %parallel_loop3A_1599 : vector<16xi32>
        %parallel_loop3A_1601 = arith.addi %parallel_loop3A_1578, %parallel_loop3A_1600 : vector<16xi32>
        %parallel_loop3A_1602 = arith.constant 16 : i32
        %parallel_loop3A_1603 = arith.addi %parallel_loop3A_1584, %parallel_loop3A_1602 : i32
        %parallel_loop3A_1604 = arith.index_cast %parallel_loop3A_1603 : i32 to index
        %parallel_loop3A_1605 = tpu.vector_load %arg7[%parallel_loop3A_1604] {strides = array<i32>} : memref<32768xi32, #tpu.memory_space<vmem>>, vector<16xi32>,
        %parallel_loop3A_1606 = arith.constant 4 : i32
        %parallel_loop3A_1607 = vector.broadcast %parallel_loop3A_1606 : i32 to vector<16xi32>
        %parallel_loop3A_1608 = arith.shli %parallel_loop3A_1605, %parallel_loop3A_1607 : vector<16xi32>
        %parallel_loop3A_1609 = arith.addi %parallel_loop3A_1608, %iota3A : vector<16xi32>
        %parallel_loop3A_1610 = tpu.vector_load_idx %arg5[%parallel_loop3A_1609] : memref<1280xf32, #tpu.memory_space<vmem>>[vector<16xi32>], vector<16xf32>,
        %parallel_loop3A_1611 = arith.addf %parallel_loop3A_1575, %parallel_loop3A_1610 : vector<16xf32>
        %parallel_loop3A_1612 = arith.constant 63 : i32
        %parallel_loop3A_1613 = vector.broadcast %parallel_loop3A_1612 : i32 to vector<16xi32>
        %parallel_loop3A_1614 = arith.addi %parallel_loop3A_1605, %parallel_loop3A_1613 : vector<16xi32>
        %parallel_loop3A_1615 = arith.constant 6 : i32
        %parallel_loop3A_1616 = vector.broadcast %parallel_loop3A_1615 : i32 to vector<16xi32>
        %parallel_loop3A_1617 = arith.shrsi %parallel_loop3A_1614, %parallel_loop3A_1616 : vector<16xi32>
        %parallel_loop3A_1618 = arith.addi %parallel_loop3A_1579, %parallel_loop3A_1617 : vector<16xi32>
        %parallel_loop3A_1619 = arith.constant 32 : i32
        %parallel_loop3A_1620 = arith.addi %parallel_loop3A_1584, %parallel_loop3A_1619 : i32
        %parallel_loop3A_1621 = arith.index_cast %parallel_loop3A_1620 : i32 to index
        %parallel_loop3A_1622 = tpu.vector_load %arg7[%parallel_loop3A_1621] {strides = array<i32>} : memref<32768xi32, #tpu.memory_space<vmem>>, vector<16xi32>,
        %parallel_loop3A_1623 = arith.constant 4 : i32
        %parallel_loop3A_1624 = vector.broadcast %parallel_loop3A_1623 : i32 to vector<16xi32>
        %parallel_loop3A_1625 = arith.shli %parallel_loop3A_1622, %parallel_loop3A_1624 : vector<16xi32>
        %parallel_loop3A_1626 = arith.addi %parallel_loop3A_1625, %iota3A : vector<16xi32>
        %parallel_loop3A_1627 = tpu.vector_load_idx %arg5[%parallel_loop3A_1626] : memref<1280xf32, #tpu.memory_space<vmem>>[vector<16xi32>], vector<16xf32>,
        %parallel_loop3A_1628 = arith.addf %parallel_loop3A_1576, %parallel_loop3A_1627 : vector<16xf32>
        %parallel_loop3A_1629 = arith.constant 63 : i32
        %parallel_loop3A_1630 = vector.broadcast %parallel_loop3A_1629 : i32 to vector<16xi32>
        %parallel_loop3A_1631 = arith.addi %parallel_loop3A_1622, %parallel_loop3A_1630 : vector<16xi32>
        %parallel_loop3A_1632 = arith.constant 6 : i32
        %parallel_loop3A_1633 = vector.broadcast %parallel_loop3A_1632 : i32 to vector<16xi32>
        %parallel_loop3A_1634 = arith.shrsi %parallel_loop3A_1631, %parallel_loop3A_1633 : vector<16xi32>
        %parallel_loop3A_1635 = arith.addi %parallel_loop3A_1580, %parallel_loop3A_1634 : vector<16xi32>
        %parallel_loop3A_1636 = arith.constant 48 : i32
        %parallel_loop3A_1637 = arith.addi %parallel_loop3A_1584, %parallel_loop3A_1636 : i32
        %parallel_loop3A_1638 = arith.index_cast %parallel_loop3A_1637 : i32 to index
        %parallel_loop3A_1639 = tpu.vector_load %arg7[%parallel_loop3A_1638] {strides = array<i32>} : memref<32768xi32, #tpu.memory_space<vmem>>, vector<16xi32>,
        %parallel_loop3A_1640 = arith.constant 4 : i32
        %parallel_loop3A_1641 = vector.broadcast %parallel_loop3A_1640 : i32 to vector<16xi32>
        %parallel_loop3A_1642 = arith.shli %parallel_loop3A_1639, %parallel_loop3A_1641 : vector<16xi32>
        %parallel_loop3A_1643 = arith.addi %parallel_loop3A_1642, %iota3A : vector<16xi32>
        %parallel_loop3A_1644 = tpu.vector_load_idx %arg5[%parallel_loop3A_1643] : memref<1280xf32, #tpu.memory_space<vmem>>[vector<16xi32>], vector<16xf32>,
        %parallel_loop3A_1645 = arith.addf %parallel_loop3A_1577, %parallel_loop3A_1644 : vector<16xf32>
        %parallel_loop3A_1646 = arith.constant 63 : i32
        %parallel_loop3A_1647 = vector.broadcast %parallel_loop3A_1646 : i32 to vector<16xi32>
        %parallel_loop3A_1648 = arith.addi %parallel_loop3A_1639, %parallel_loop3A_1647 : vector<16xi32>
        %parallel_loop3A_1649 = arith.constant 6 : i32
        %parallel_loop3A_1650 = vector.broadcast %parallel_loop3A_1649 : i32 to vector<16xi32>
        %parallel_loop3A_1651 = arith.shrsi %parallel_loop3A_1648, %parallel_loop3A_1650 : vector<16xi32>
        %parallel_loop3A_1652 = arith.addi %parallel_loop3A_1581, %parallel_loop3A_1651 : vector<16xi32>
        scf.yield %parallel_loop3A_1594, %parallel_loop3A_1611, %parallel_loop3A_1628, %parallel_loop3A_1645, %parallel_loop3A_1601, %parallel_loop3A_1618, %parallel_loop3A_1635, %parallel_loop3A_1652 : vector<16xf32>, vector<16xf32>, vector<16xf32>, vector<16xf32>, vector<16xi32>, vector<16xi32>, vector<16xi32>, vector<16xi32>
      } {sc.loop_unroll_factor = 4 : i64, sc.parallel_access}
      %add3A_1558 = arith.addf %parallel_loop3A_1557#0, %parallel_loop3A_1557#1 : vector<16xf32>
      %add3A_1559 = arith.addf %parallel_loop3A_1557#2, %parallel_loop3A_1557#3 : vector<16xf32>
      %add3A_1560 = arith.addf %add3A_1558, %add3A_1559 : vector<16xf32>
      %add3A_1561 = arith.addi %parallel_loop3A_1557#4, %parallel_loop3A_1557#5 : vector<16xi32>
      %add3A_1562 = arith.addi %parallel_loop3A_1557#6, %parallel_loop3A_1557#7 : vector<16xi32>
      %add3A_1563 = arith.addi %add3A_1561, %add3A_1562 : vector<16xi32>
      %mul3A_1564 = arith.constant 17 : i32
      %mul3A_1565 = arith.muli %scan3A_1531, %mul3A_1564 : i32
      %swap3A_1566 = arith.index_cast %mul3A_1565 : i32 to index
      %swap3A_1567 = tpu.vector_load %arg8[%swap3A_1566] {strides = array<i32>} : memref<272xf32, #tpu.memory_space<vmem>>, vector<16xf32>,
      tpu.vector_store %arg8[%swap3A_1566], %add3A_1560 {strides = array<i32>} : memref<272xf32, #tpu.memory_space<vmem>>, vector<16xf32>,
      %mul3A_1568 = arith.constant 17 : i32
      %mul3A_1569 = arith.muli %scan3A_1531, %mul3A_1568 : i32
      %swap3A_1570 = arith.index_cast %mul3A_1569 : i32 to index
      %swap3A_1571 = tpu.vector_load %arg9[%swap3A_1570] {strides = array<i32>} : memref<272xi32, #tpu.memory_space<vmem>>, vector<16xi32>,
      tpu.vector_store %arg9[%swap3A_1570], %add3A_1563 {strides = array<i32>} : memref<272xi32, #tpu.memory_space<vmem>>, vector<16xi32>,
      %scan3A_1572 = arith.constant 0 : i32
      scf.yield %scan3A_1572 : i32
    }
    %scan3A_1024 = arith.constant 16 : i32
    %add3A_1025 = arith.constant 0 : i32
    %add3A_1026 = vector.broadcast %add3A_1025 : i32 to vector<16xi32>
    %add3A_1027 = arith.addi %mul3A_5, %add3A_1026 : vector<16xi32>
    %gather3A_1028 = tpu.vector_load_idx %arg8[%add3A_1027] : memref<272xf32, #tpu.memory_space<vmem>>[vector<16xi32>], vector<16xf32>,
    %add3A_1029 = arith.addf %broadcast_in_dim3A_6, %gather3A_1028 : vector<16xf32>
    %add3A_1030 = arith.constant 0 : i32
    %add3A_1031 = vector.broadcast %add3A_1030 : i32 to vector<16xi32>
    %add3A_1032 = arith.addi %mul3A_5, %add3A_1031 : vector<16xi32>
    %gather3A_1033 = tpu.vector_load_idx %arg9[%add3A_1032] : memref<272xi32, #tpu.memory_space<vmem>>[vector<16xi32>], vector<16xi32>,
    %add3A_1034 = arith.addi %broadcast_in_dim3A_8, %gather3A_1033 : vector<16xi32>
    %add3A_1035 = arith.constant 1 : i32
    %add3A_1036 = vector.broadcast %add3A_1035 : i32 to vector<16xi32>
    %add3A_1037 = arith.addi %mul3A_5, %add3A_1036 : vector<16xi32>
    %gather3A_1038 = tpu.vector_load_idx %arg8[%add3A_1037] : memref<272xf32, #tpu.memory_space<vmem>>[vector<16xi32>], vector<16xf32>,
    %add3A_1039 = arith.addf %add3A_1029, %gather3A_1038 : vector<16xf32>
    %add3A_1040 = arith.constant 1 : i32
    %add3A_1041 = vector.broadcast %add3A_1040 : i32 to vector<16xi32>
    %add3A_1042 = arith.addi %mul3A_5, %add3A_1041 : vector<16xi32>
    %gather3A_1043 = tpu.vector_load_idx %arg9[%add3A_1042] : memref<272xi32, #tpu.memory_space<vmem>>[vector<16xi32>], vector<16xi32>,
    %add3A_1044 = arith.addi %add3A_1034, %gather3A_1043 : vector<16xi32>
    %add3A_1045 = arith.constant 2 : i32
    %add3A_1046 = vector.broadcast %add3A_1045 : i32 to vector<16xi32>
    %add3A_1047 = arith.addi %mul3A_5, %add3A_1046 : vector<16xi32>
    %gather3A_1048 = tpu.vector_load_idx %arg8[%add3A_1047] : memref<272xf32, #tpu.memory_space<vmem>>[vector<16xi32>], vector<16xf32>,
    %add3A_1049 = arith.addf %add3A_1039, %gather3A_1048 : vector<16xf32>
    %add3A_1050 = arith.constant 2 : i32
    %add3A_1051 = vector.broadcast %add3A_1050 : i32 to vector<16xi32>
    %add3A_1052 = arith.addi %mul3A_5, %add3A_1051 : vector<16xi32>
    %gather3A_1053 = tpu.vector_load_idx %arg9[%add3A_1052] : memref<272xi32, #tpu.memory_space<vmem>>[vector<16xi32>], vector<16xi32>,
    %add3A_1054 = arith.addi %add3A_1044, %gather3A_1053 : vector<16xi32>
    %add3A_1055 = arith.constant 3 : i32
    %add3A_1056 = vector.broadcast %add3A_1055 : i32 to vector<16xi32>
    %add3A_1057 = arith.addi %mul3A_5, %add3A_1056 : vector<16xi32>
    %gather3A_1058 = tpu.vector_load_idx %arg8[%add3A_1057] : memref<272xf32, #tpu.memory_space<vmem>>[vector<16xi32>], vector<16xf32>,
    %add3A_1059 = arith.addf %add3A_1049, %gather3A_1058 : vector<16xf32>
    %add3A_1060 = arith.constant 3 : i32
    %add3A_1061 = vector.broadcast %add3A_1060 : i32 to vector<16xi32>
    %add3A_1062 = arith.addi %mul3A_5, %add3A_1061 : vector<16xi32>
    %gather3A_1063 = tpu.vector_load_idx %arg9[%add3A_1062] : memref<272xi32, #tpu.memory_space<vmem>>[vector<16xi32>], vector<16xi32>,
    %add3A_1064 = arith.addi %add3A_1054, %gather3A_1063 : vector<16xi32>
    %add3A_1065 = arith.constant 4 : i32
    %add3A_1066 = vector.broadcast %add3A_1065 : i32 to vector<16xi32>
    %add3A_1067 = arith.addi %mul3A_5, %add3A_1066 : vector<16xi32>
    %gather3A_1068 = tpu.vector_load_idx %arg8[%add3A_1067] : memref<272xf32, #tpu.memory_space<vmem>>[vector<16xi32>], vector<16xf32>,
    %add3A_1069 = arith.addf %add3A_1059, %gather3A_1068 : vector<16xf32>
    %add3A_1070 = arith.constant 4 : i32
    %add3A_1071 = vector.broadcast %add3A_1070 : i32 to vector<16xi32>
    %add3A_1072 = arith.addi %mul3A_5, %add3A_1071 : vector<16xi32>
    %gather3A_1073 = tpu.vector_load_idx %arg9[%add3A_1072] : memref<272xi32, #tpu.memory_space<vmem>>[vector<16xi32>], vector<16xi32>,
    %add3A_1074 = arith.addi %add3A_1064, %gather3A_1073 : vector<16xi32>
    %add3A_1075 = arith.constant 5 : i32
    %add3A_1076 = vector.broadcast %add3A_1075 : i32 to vector<16xi32>
    %add3A_1077 = arith.addi %mul3A_5, %add3A_1076 : vector<16xi32>
    %gather3A_1078 = tpu.vector_load_idx %arg8[%add3A_1077] : memref<272xf32, #tpu.memory_space<vmem>>[vector<16xi32>], vector<16xf32>,
    %add3A_1079 = arith.addf %add3A_1069, %gather3A_1078 : vector<16xf32>
    %add3A_1080 = arith.constant 5 : i32
    %add3A_1081 = vector.broadcast %add3A_1080 : i32 to vector<16xi32>
    %add3A_1082 = arith.addi %mul3A_5, %add3A_1081 : vector<16xi32>
    %gather3A_1083 = tpu.vector_load_idx %arg9[%add3A_1082] : memref<272xi32, #tpu.memory_space<vmem>>[vector<16xi32>], vector<16xi32>,
    %add3A_1084 = arith.addi %add3A_1074, %gather3A_1083 : vector<16xi32>
    %add3A_1085 = arith.constant 6 : i32
    %add3A_1086 = vector.broadcast %add3A_1085 : i32 to vector<16xi32>
    %add3A_1087 = arith.addi %mul3A_5, %add3A_1086 : vector<16xi32>
    %gather3A_1088 = tpu.vector_load_idx %arg8[%add3A_1087] : memref<272xf32, #tpu.memory_space<vmem>>[vector<16xi32>], vector<16xf32>,
    %add3A_1089 = arith.addf %add3A_1079, %gather3A_1088 : vector<16xf32>
    %add3A_1090 = arith.constant 6 : i32
    %add3A_1091 = vector.broadcast %add3A_1090 : i32 to vector<16xi32>
    %add3A_1092 = arith.addi %mul3A_5, %add3A_1091 : vector<16xi32>
    %gather3A_1093 = tpu.vector_load_idx %arg9[%add3A_1092] : memref<272xi32, #tpu.memory_space<vmem>>[vector<16xi32>], vector<16xi32>,
    %add3A_1094 = arith.addi %add3A_1084, %gather3A_1093 : vector<16xi32>
    %add3A_1095 = arith.constant 7 : i32
    %add3A_1096 = vector.broadcast %add3A_1095 : i32 to vector<16xi32>
    %add3A_1097 = arith.addi %mul3A_5, %add3A_1096 : vector<16xi32>
    %gather3A_1098 = tpu.vector_load_idx %arg8[%add3A_1097] : memref<272xf32, #tpu.memory_space<vmem>>[vector<16xi32>], vector<16xf32>,
    %add3A_1099 = arith.addf %add3A_1089, %gather3A_1098 : vector<16xf32>
    %add3A_1100 = arith.constant 7 : i32
    %add3A_1101 = vector.broadcast %add3A_1100 : i32 to vector<16xi32>
    %add3A_1102 = arith.addi %mul3A_5, %add3A_1101 : vector<16xi32>
    %gather3A_1103 = tpu.vector_load_idx %arg9[%add3A_1102] : memref<272xi32, #tpu.memory_space<vmem>>[vector<16xi32>], vector<16xi32>,
    %add3A_1104 = arith.addi %add3A_1094, %gather3A_1103 : vector<16xi32>
    %add3A_1105 = arith.constant 8 : i32
    %add3A_1106 = vector.broadcast %add3A_1105 : i32 to vector<16xi32>
    %add3A_1107 = arith.addi %mul3A_5, %add3A_1106 : vector<16xi32>
    %gather3A_1108 = tpu.vector_load_idx %arg8[%add3A_1107] : memref<272xf32, #tpu.memory_space<vmem>>[vector<16xi32>], vector<16xf32>,
    %add3A_1109 = arith.addf %add3A_1099, %gather3A_1108 : vector<16xf32>
    %add3A_1110 = arith.constant 8 : i32
    %add3A_1111 = vector.broadcast %add3A_1110 : i32 to vector<16xi32>
    %add3A_1112 = arith.addi %mul3A_5, %add3A_1111 : vector<16xi32>
    %gather3A_1113 = tpu.vector_load_idx %arg9[%add3A_1112] : memref<272xi32, #tpu.memory_space<vmem>>[vector<16xi32>], vector<16xi32>,
    %add3A_1114 = arith.addi %add3A_1104, %gather3A_1113 : vector<16xi32>
    %add3A_1115 = arith.constant 9 : i32
    %add3A_1116 = vector.broadcast %add3A_1115 : i32 to vector<16xi32>
    %add3A_1117 = arith.addi %mul3A_5, %add3A_1116 : vector<16xi32>
    %gather3A_1118 = tpu.vector_load_idx %arg8[%add3A_1117] : memref<272xf32, #tpu.memory_space<vmem>>[vector<16xi32>], vector<16xf32>,
    %add3A_1119 = arith.addf %add3A_1109, %gather3A_1118 : vector<16xf32>
    %add3A_1120 = arith.constant 9 : i32
    %add3A_1121 = vector.broadcast %add3A_1120 : i32 to vector<16xi32>
    %add3A_1122 = arith.addi %mul3A_5, %add3A_1121 : vector<16xi32>
    %gather3A_1123 = tpu.vector_load_idx %arg9[%add3A_1122] : memref<272xi32, #tpu.memory_space<vmem>>[vector<16xi32>], vector<16xi32>,
    %add3A_1124 = arith.addi %add3A_1114, %gather3A_1123 : vector<16xi32>
    %add3A_1125 = arith.constant 10 : i32
    %add3A_1126 = vector.broadcast %add3A_1125 : i32 to vector<16xi32>
    %add3A_1127 = arith.addi %mul3A_5, %add3A_1126 : vector<16xi32>
    %gather3A_1128 = tpu.vector_load_idx %arg8[%add3A_1127] : memref<272xf32, #tpu.memory_space<vmem>>[vector<16xi32>], vector<16xf32>,
    %add3A_1129 = arith.addf %add3A_1119, %gather3A_1128 : vector<16xf32>
    %add3A_1130 = arith.constant 10 : i32
    %add3A_1131 = vector.broadcast %add3A_1130 : i32 to vector<16xi32>
    %add3A_1132 = arith.addi %mul3A_5, %add3A_1131 : vector<16xi32>
    %gather3A_1133 = tpu.vector_load_idx %arg9[%add3A_1132] : memref<272xi32, #tpu.memory_space<vmem>>[vector<16xi32>], vector<16xi32>,
    %add3A_1134 = arith.addi %add3A_1124, %gather3A_1133 : vector<16xi32>
    %add3A_1135 = arith.constant 11 : i32
    %add3A_1136 = vector.broadcast %add3A_1135 : i32 to vector<16xi32>
    %add3A_1137 = arith.addi %mul3A_5, %add3A_1136 : vector<16xi32>
    %gather3A_1138 = tpu.vector_load_idx %arg8[%add3A_1137] : memref<272xf32, #tpu.memory_space<vmem>>[vector<16xi32>], vector<16xf32>,
    %add3A_1139 = arith.addf %add3A_1129, %gather3A_1138 : vector<16xf32>
    %add3A_1140 = arith.constant 11 : i32
    %add3A_1141 = vector.broadcast %add3A_1140 : i32 to vector<16xi32>
    %add3A_1142 = arith.addi %mul3A_5, %add3A_1141 : vector<16xi32>
    %gather3A_1143 = tpu.vector_load_idx %arg9[%add3A_1142] : memref<272xi32, #tpu.memory_space<vmem>>[vector<16xi32>], vector<16xi32>,
    %add3A_1144 = arith.addi %add3A_1134, %gather3A_1143 : vector<16xi32>
    %add3A_1145 = arith.constant 12 : i32
    %add3A_1146 = vector.broadcast %add3A_1145 : i32 to vector<16xi32>
    %add3A_1147 = arith.addi %mul3A_5, %add3A_1146 : vector<16xi32>
    %gather3A_1148 = tpu.vector_load_idx %arg8[%add3A_1147] : memref<272xf32, #tpu.memory_space<vmem>>[vector<16xi32>], vector<16xf32>,
    %add3A_1149 = arith.addf %add3A_1139, %gather3A_1148 : vector<16xf32>
    %add3A_1150 = arith.constant 12 : i32
    %add3A_1151 = vector.broadcast %add3A_1150 : i32 to vector<16xi32>
    %add3A_1152 = arith.addi %mul3A_5, %add3A_1151 : vector<16xi32>
    %gather3A_1153 = tpu.vector_load_idx %arg9[%add3A_1152] : memref<272xi32, #tpu.memory_space<vmem>>[vector<16xi32>], vector<16xi32>,
    %add3A_1154 = arith.addi %add3A_1144, %gather3A_1153 : vector<16xi32>
    %add3A_1155 = arith.constant 13 : i32
    %add3A_1156 = vector.broadcast %add3A_1155 : i32 to vector<16xi32>
    %add3A_1157 = arith.addi %mul3A_5, %add3A_1156 : vector<16xi32>
    %gather3A_1158 = tpu.vector_load_idx %arg8[%add3A_1157] : memref<272xf32, #tpu.memory_space<vmem>>[vector<16xi32>], vector<16xf32>,
    %add3A_1159 = arith.addf %add3A_1149, %gather3A_1158 : vector<16xf32>
    %add3A_1160 = arith.constant 13 : i32
    %add3A_1161 = vector.broadcast %add3A_1160 : i32 to vector<16xi32>
    %add3A_1162 = arith.addi %mul3A_5, %add3A_1161 : vector<16xi32>
    %gather3A_1163 = tpu.vector_load_idx %arg9[%add3A_1162] : memref<272xi32, #tpu.memory_space<vmem>>[vector<16xi32>], vector<16xi32>,
    %add3A_1164 = arith.addi %add3A_1154, %gather3A_1163 : vector<16xi32>
    %add3A_1165 = arith.constant 14 : i32
    %add3A_1166 = vector.broadcast %add3A_1165 : i32 to vector<16xi32>
    %add3A_1167 = arith.addi %mul3A_5, %add3A_1166 : vector<16xi32>
    %gather3A_1168 = tpu.vector_load_idx %arg8[%add3A_1167] : memref<272xf32, #tpu.memory_space<vmem>>[vector<16xi32>], vector<16xf32>,
    %add3A_1169 = arith.addf %add3A_1159, %gather3A_1168 : vector<16xf32>
    %add3A_1170 = arith.constant 14 : i32
    %add3A_1171 = vector.broadcast %add3A_1170 : i32 to vector<16xi32>
    %add3A_1172 = arith.addi %mul3A_5, %add3A_1171 : vector<16xi32>
    %gather3A_1173 = tpu.vector_load_idx %arg9[%add3A_1172] : memref<272xi32, #tpu.memory_space<vmem>>[vector<16xi32>], vector<16xi32>,
    %add3A_1174 = arith.addi %add3A_1164, %gather3A_1173 : vector<16xi32>
    %add3A_1175 = arith.constant 15 : i32
    %add3A_1176 = vector.broadcast %add3A_1175 : i32 to vector<16xi32>
    %add3A_1177 = arith.addi %mul3A_5, %add3A_1176 : vector<16xi32>
    %gather3A_1178 = tpu.vector_load_idx %arg8[%add3A_1177] : memref<272xf32, #tpu.memory_space<vmem>>[vector<16xi32>], vector<16xf32>,
    %add3A_1179 = arith.addf %add3A_1169, %gather3A_1178 : vector<16xf32>
    %add3A_1180 = arith.constant 15 : i32
    %add3A_1181 = vector.broadcast %add3A_1180 : i32 to vector<16xi32>
    %add3A_1182 = arith.addi %mul3A_5, %add3A_1181 : vector<16xi32>
    %gather3A_1183 = tpu.vector_load_idx %arg9[%add3A_1182] : memref<272xi32, #tpu.memory_space<vmem>>[vector<16xi32>], vector<16xi32>,
    %add3A_1184 = arith.addi %add3A_1174, %gather3A_1183 : vector<16xi32>
    %convert_element_type3A_1185 = arith.sitofp %add3A_1184 : vector<16xi32> to vector<16xf32>
    %div3A_1186 = arith.divf %add3A_1179, %convert_element_type3A_1185 : vector<16xf32>
    %swap3A_1187 = arith.constant 80 : index
    %swap3A_1188 = tpu.vector_load %arg10[%swap3A_1187] {strides = array<i32>} : memref<128xf32, #tpu.memory_space<vmem>>, vector<16xf32>,
    tpu.vector_store %arg10[%swap3A_1187], %div3A_1186 {strides = array<i32>} : memref<128xf32, #tpu.memory_space<vmem>>, vector<16xf32>,
    %scan3A_1189 = arith.constant 0 : i32
    %scan3A_1190 = arith.constant 0 : i32
    %scan3A_1191 = arith.constant 16 : i32
    %scan3A_1192 = arith.addi %scan3A_1190, %scan3A_1191 : i32
    %scan3A_1193 = arith.constant 1 : i32
    %scan3A_1194 = scf.for %scan3A_1531 = %scan3A_1190 to %scan3A_1192 step %scan3A_1193 iter_args(%scan3A_1532 = %scan3A_1189) -> (i32)  : i32 {
      %mul3A_1533 = arith.constant 2048 : i32
      %mul3A_1534 = arith.muli %scan3A_1531, %mul3A_1533 : i32
      %dma_wait3A = tpu.memref_slice %arg6[%mul3A_1534] : memref<32768xi32, #tpu.memory_space<vmem>> -> memref<2048xi32, #tpu.memory_space<vmem>>
      %dma_wait3A_1535 = arith.constant 0 : i32
      %dma_wait3A_1536 = tpu.memref_slice %arg2[%dma_wait3A_1535] : memref<8388608xi32, #tpu.memory_space<hbm>> -> memref<2048xi32, #tpu.memory_space<hbm>>
      %dma_wait3A_1537 = tpu.memref_slice %arg6[%mul3A_1534] : memref<32768xi32, #tpu.memory_space<vmem>> -> memref<2048xi32, #tpu.memory_space<vmem>>
      %dma_wait3A_1538 = arith.constant 0 : i32
      %dma_wait3A_1539 = tpu.memref_slice %arg2[%dma_wait3A_1538] : memref<8388608xi32, #tpu.memory_space<hbm>> -> memref<2048xi32, #tpu.memory_space<hbm>>
      tpu.wait_dma2 semaphore(%arg11 : memref<!tpu.dma_semaphore, #tpu.memory_space<semaphore_mem>>) src(%dma_wait3A_1539 : memref<2048xi32, #tpu.memory_space<hbm>>) dst(%dma_wait3A_1537 : memref<2048xi32, #tpu.memory_space<vmem>>)
      %add3A_1540 = arith.constant 112 : i32
      %add3A_1541 = arith.addi %mul3A_2, %add3A_1540 : i32
      %mul3A_1542 = arith.constant 2048 : i32
      %mul3A_1543 = arith.muli %add3A_1541, %mul3A_1542 : i32
      %mul3A_1544 = arith.constant 2048 : i32
      %mul3A_1545 = arith.muli %scan3A_1531, %mul3A_1544 : i32
      %add3A_1546 = arith.addi %mul3A_1543, %mul3A_1545 : i32
      %mul3A_1547 = arith.constant 2048 : i32
      %mul3A_1548 = arith.muli %scan3A_1531, %mul3A_1547 : i32
      %dma_start3A_1549 = tpu.memref_slice %arg7[%mul3A_1548] : memref<32768xi32, #tpu.memory_space<vmem>> -> memref<2048xi32, #tpu.memory_space<vmem>>
      %dma_start3A_1550 = tpu.memref_slice %arg2[%add3A_1546] : memref<8388608xi32, #tpu.memory_space<hbm>> -> memref<2048xi32, #tpu.memory_space<hbm>>
      %dma_start3A_1551 = tpu.memref_slice %arg7[%mul3A_1548] : memref<32768xi32, #tpu.memory_space<vmem>> -> memref<2048xi32, #tpu.memory_space<vmem>>
      %dma_start3A_1552 = tpu.memref_slice %arg2[%add3A_1546] : memref<8388608xi32, #tpu.memory_space<hbm>> -> memref<2048xi32, #tpu.memory_space<hbm>>
      tpu.enqueue_dma source(%dma_start3A_1552 : memref<2048xi32, #tpu.memory_space<hbm>>) target(%dma_start3A_1551 : memref<2048xi32, #tpu.memory_space<vmem>>) target_semaphore(%arg12 : memref<!tpu.dma_semaphore, #tpu.memory_space<semaphore_mem>>)
      %mul3A_1553 = arith.constant 2048 : i32
      %mul3A_1554 = arith.muli %scan3A_1531, %mul3A_1553 : i32
      %parallel_loop3A = arith.constant 0 : i32
      %parallel_loop3A_1555 = arith.constant 32 : i32
      %parallel_loop3A_1556 = arith.constant 1 : i32
      %parallel_loop3A_1557:8 = scf.for %parallel_loop3A_1573 = %parallel_loop3A to %parallel_loop3A_1555 step %parallel_loop3A_1556 iter_args(%parallel_loop3A_1574 = %broadcast_in_dim3A_6, %parallel_loop3A_1575 = %broadcast_in_dim3A_6, %parallel_loop3A_1576 = %broadcast_in_dim3A_6, %parallel_loop3A_1577 = %broadcast_in_dim3A_6, %parallel_loop3A_1578 = %broadcast_in_dim3A_8, %parallel_loop3A_1579 = %broadcast_in_dim3A_8, %parallel_loop3A_1580 = %broadcast_in_dim3A_8, %parallel_loop3A_1581 = %broadcast_in_dim3A_8) -> (vector<16xf32>, vector<16xf32>, vector<16xf32>, vector<16xf32>, vector<16xi32>, vector<16xi32>, vector<16xi32>, vector<16xi32>)  : i32 {
        %parallel_loop3A_1582 = arith.constant 64 : i32
        %parallel_loop3A_1583 = arith.muli %parallel_loop3A_1573, %parallel_loop3A_1582 : i32
        %parallel_loop3A_1584 = arith.addi %mul3A_1554, %parallel_loop3A_1583 : i32
        %parallel_loop3A_1585 = arith.constant 0 : i32
        %parallel_loop3A_1586 = arith.addi %parallel_loop3A_1584, %parallel_loop3A_1585 : i32
        %parallel_loop3A_1587 = arith.index_cast %parallel_loop3A_1586 : i32 to index
        %parallel_loop3A_1588 = tpu.vector_load %arg6[%parallel_loop3A_1587] {strides = array<i32>} : memref<32768xi32, #tpu.memory_space<vmem>>, vector<16xi32>,
        %parallel_loop3A_1589 = arith.constant 4 : i32
        %parallel_loop3A_1590 = vector.broadcast %parallel_loop3A_1589 : i32 to vector<16xi32>
        %parallel_loop3A_1591 = arith.shli %parallel_loop3A_1588, %parallel_loop3A_1590 : vector<16xi32>
        %parallel_loop3A_1592 = arith.addi %parallel_loop3A_1591, %iota3A : vector<16xi32>
        %parallel_loop3A_1593 = tpu.vector_load_idx %arg5[%parallel_loop3A_1592] : memref<1280xf32, #tpu.memory_space<vmem>>[vector<16xi32>], vector<16xf32>,
        %parallel_loop3A_1594 = arith.addf %parallel_loop3A_1574, %parallel_loop3A_1593 : vector<16xf32>
        %parallel_loop3A_1595 = arith.constant 63 : i32
        %parallel_loop3A_1596 = vector.broadcast %parallel_loop3A_1595 : i32 to vector<16xi32>
        %parallel_loop3A_1597 = arith.addi %parallel_loop3A_1588, %parallel_loop3A_1596 : vector<16xi32>
        %parallel_loop3A_1598 = arith.constant 6 : i32
        %parallel_loop3A_1599 = vector.broadcast %parallel_loop3A_1598 : i32 to vector<16xi32>
        %parallel_loop3A_1600 = arith.shrsi %parallel_loop3A_1597, %parallel_loop3A_1599 : vector<16xi32>
        %parallel_loop3A_1601 = arith.addi %parallel_loop3A_1578, %parallel_loop3A_1600 : vector<16xi32>
        %parallel_loop3A_1602 = arith.constant 16 : i32
        %parallel_loop3A_1603 = arith.addi %parallel_loop3A_1584, %parallel_loop3A_1602 : i32
        %parallel_loop3A_1604 = arith.index_cast %parallel_loop3A_1603 : i32 to index
        %parallel_loop3A_1605 = tpu.vector_load %arg6[%parallel_loop3A_1604] {strides = array<i32>} : memref<32768xi32, #tpu.memory_space<vmem>>, vector<16xi32>,
        %parallel_loop3A_1606 = arith.constant 4 : i32
        %parallel_loop3A_1607 = vector.broadcast %parallel_loop3A_1606 : i32 to vector<16xi32>
        %parallel_loop3A_1608 = arith.shli %parallel_loop3A_1605, %parallel_loop3A_1607 : vector<16xi32>
        %parallel_loop3A_1609 = arith.addi %parallel_loop3A_1608, %iota3A : vector<16xi32>
        %parallel_loop3A_1610 = tpu.vector_load_idx %arg5[%parallel_loop3A_1609] : memref<1280xf32, #tpu.memory_space<vmem>>[vector<16xi32>], vector<16xf32>,
        %parallel_loop3A_1611 = arith.addf %parallel_loop3A_1575, %parallel_loop3A_1610 : vector<16xf32>
        %parallel_loop3A_1612 = arith.constant 63 : i32
        %parallel_loop3A_1613 = vector.broadcast %parallel_loop3A_1612 : i32 to vector<16xi32>
        %parallel_loop3A_1614 = arith.addi %parallel_loop3A_1605, %parallel_loop3A_1613 : vector<16xi32>
        %parallel_loop3A_1615 = arith.constant 6 : i32
        %parallel_loop3A_1616 = vector.broadcast %parallel_loop3A_1615 : i32 to vector<16xi32>
        %parallel_loop3A_1617 = arith.shrsi %parallel_loop3A_1614, %parallel_loop3A_1616 : vector<16xi32>
        %parallel_loop3A_1618 = arith.addi %parallel_loop3A_1579, %parallel_loop3A_1617 : vector<16xi32>
        %parallel_loop3A_1619 = arith.constant 32 : i32
        %parallel_loop3A_1620 = arith.addi %parallel_loop3A_1584, %parallel_loop3A_1619 : i32
        %parallel_loop3A_1621 = arith.index_cast %parallel_loop3A_1620 : i32 to index
        %parallel_loop3A_1622 = tpu.vector_load %arg6[%parallel_loop3A_1621] {strides = array<i32>} : memref<32768xi32, #tpu.memory_space<vmem>>, vector<16xi32>,
        %parallel_loop3A_1623 = arith.constant 4 : i32
        %parallel_loop3A_1624 = vector.broadcast %parallel_loop3A_1623 : i32 to vector<16xi32>
        %parallel_loop3A_1625 = arith.shli %parallel_loop3A_1622, %parallel_loop3A_1624 : vector<16xi32>
        %parallel_loop3A_1626 = arith.addi %parallel_loop3A_1625, %iota3A : vector<16xi32>
        %parallel_loop3A_1627 = tpu.vector_load_idx %arg5[%parallel_loop3A_1626] : memref<1280xf32, #tpu.memory_space<vmem>>[vector<16xi32>], vector<16xf32>,
        %parallel_loop3A_1628 = arith.addf %parallel_loop3A_1576, %parallel_loop3A_1627 : vector<16xf32>
        %parallel_loop3A_1629 = arith.constant 63 : i32
        %parallel_loop3A_1630 = vector.broadcast %parallel_loop3A_1629 : i32 to vector<16xi32>
        %parallel_loop3A_1631 = arith.addi %parallel_loop3A_1622, %parallel_loop3A_1630 : vector<16xi32>
        %parallel_loop3A_1632 = arith.constant 6 : i32
        %parallel_loop3A_1633 = vector.broadcast %parallel_loop3A_1632 : i32 to vector<16xi32>
        %parallel_loop3A_1634 = arith.shrsi %parallel_loop3A_1631, %parallel_loop3A_1633 : vector<16xi32>
        %parallel_loop3A_1635 = arith.addi %parallel_loop3A_1580, %parallel_loop3A_1634 : vector<16xi32>
        %parallel_loop3A_1636 = arith.constant 48 : i32
        %parallel_loop3A_1637 = arith.addi %parallel_loop3A_1584, %parallel_loop3A_1636 : i32
        %parallel_loop3A_1638 = arith.index_cast %parallel_loop3A_1637 : i32 to index
        %parallel_loop3A_1639 = tpu.vector_load %arg6[%parallel_loop3A_1638] {strides = array<i32>} : memref<32768xi32, #tpu.memory_space<vmem>>, vector<16xi32>,
        %parallel_loop3A_1640 = arith.constant 4 : i32
        %parallel_loop3A_1641 = vector.broadcast %parallel_loop3A_1640 : i32 to vector<16xi32>
        %parallel_loop3A_1642 = arith.shli %parallel_loop3A_1639, %parallel_loop3A_1641 : vector<16xi32>
        %parallel_loop3A_1643 = arith.addi %parallel_loop3A_1642, %iota3A : vector<16xi32>
        %parallel_loop3A_1644 = tpu.vector_load_idx %arg5[%parallel_loop3A_1643] : memref<1280xf32, #tpu.memory_space<vmem>>[vector<16xi32>], vector<16xf32>,
        %parallel_loop3A_1645 = arith.addf %parallel_loop3A_1577, %parallel_loop3A_1644 : vector<16xf32>
        %parallel_loop3A_1646 = arith.constant 63 : i32
        %parallel_loop3A_1647 = vector.broadcast %parallel_loop3A_1646 : i32 to vector<16xi32>
        %parallel_loop3A_1648 = arith.addi %parallel_loop3A_1639, %parallel_loop3A_1647 : vector<16xi32>
        %parallel_loop3A_1649 = arith.constant 6 : i32
        %parallel_loop3A_1650 = vector.broadcast %parallel_loop3A_1649 : i32 to vector<16xi32>
        %parallel_loop3A_1651 = arith.shrsi %parallel_loop3A_1648, %parallel_loop3A_1650 : vector<16xi32>
        %parallel_loop3A_1652 = arith.addi %parallel_loop3A_1581, %parallel_loop3A_1651 : vector<16xi32>
        scf.yield %parallel_loop3A_1594, %parallel_loop3A_1611, %parallel_loop3A_1628, %parallel_loop3A_1645, %parallel_loop3A_1601, %parallel_loop3A_1618, %parallel_loop3A_1635, %parallel_loop3A_1652 : vector<16xf32>, vector<16xf32>, vector<16xf32>, vector<16xf32>, vector<16xi32>, vector<16xi32>, vector<16xi32>, vector<16xi32>
      } {sc.loop_unroll_factor = 4 : i64, sc.parallel_access}
      %add3A_1558 = arith.addf %parallel_loop3A_1557#0, %parallel_loop3A_1557#1 : vector<16xf32>
      %add3A_1559 = arith.addf %parallel_loop3A_1557#2, %parallel_loop3A_1557#3 : vector<16xf32>
      %add3A_1560 = arith.addf %add3A_1558, %add3A_1559 : vector<16xf32>
      %add3A_1561 = arith.addi %parallel_loop3A_1557#4, %parallel_loop3A_1557#5 : vector<16xi32>
      %add3A_1562 = arith.addi %parallel_loop3A_1557#6, %parallel_loop3A_1557#7 : vector<16xi32>
      %add3A_1563 = arith.addi %add3A_1561, %add3A_1562 : vector<16xi32>
      %mul3A_1564 = arith.constant 17 : i32
      %mul3A_1565 = arith.muli %scan3A_1531, %mul3A_1564 : i32
      %swap3A_1566 = arith.index_cast %mul3A_1565 : i32 to index
      %swap3A_1567 = tpu.vector_load %arg8[%swap3A_1566] {strides = array<i32>} : memref<272xf32, #tpu.memory_space<vmem>>, vector<16xf32>,
      tpu.vector_store %arg8[%swap3A_1566], %add3A_1560 {strides = array<i32>} : memref<272xf32, #tpu.memory_space<vmem>>, vector<16xf32>,
      %mul3A_1568 = arith.constant 17 : i32
      %mul3A_1569 = arith.muli %scan3A_1531, %mul3A_1568 : i32
      %swap3A_1570 = arith.index_cast %mul3A_1569 : i32 to index
      %swap3A_1571 = tpu.vector_load %arg9[%swap3A_1570] {strides = array<i32>} : memref<272xi32, #tpu.memory_space<vmem>>, vector<16xi32>,
      tpu.vector_store %arg9[%swap3A_1570], %add3A_1563 {strides = array<i32>} : memref<272xi32, #tpu.memory_space<vmem>>, vector<16xi32>,
      %scan3A_1572 = arith.constant 0 : i32
      scf.yield %scan3A_1572 : i32
    }
    %scan3A_1195 = arith.constant 16 : i32
    %add3A_1196 = arith.constant 0 : i32
    %add3A_1197 = vector.broadcast %add3A_1196 : i32 to vector<16xi32>
    %add3A_1198 = arith.addi %mul3A_5, %add3A_1197 : vector<16xi32>
    %gather3A_1199 = tpu.vector_load_idx %arg8[%add3A_1198] : memref<272xf32, #tpu.memory_space<vmem>>[vector<16xi32>], vector<16xf32>,
    %add3A_1200 = arith.addf %broadcast_in_dim3A_6, %gather3A_1199 : vector<16xf32>
    %add3A_1201 = arith.constant 0 : i32
    %add3A_1202 = vector.broadcast %add3A_1201 : i32 to vector<16xi32>
    %add3A_1203 = arith.addi %mul3A_5, %add3A_1202 : vector<16xi32>
    %gather3A_1204 = tpu.vector_load_idx %arg9[%add3A_1203] : memref<272xi32, #tpu.memory_space<vmem>>[vector<16xi32>], vector<16xi32>,
    %add3A_1205 = arith.addi %broadcast_in_dim3A_8, %gather3A_1204 : vector<16xi32>
    %add3A_1206 = arith.constant 1 : i32
    %add3A_1207 = vector.broadcast %add3A_1206 : i32 to vector<16xi32>
    %add3A_1208 = arith.addi %mul3A_5, %add3A_1207 : vector<16xi32>
    %gather3A_1209 = tpu.vector_load_idx %arg8[%add3A_1208] : memref<272xf32, #tpu.memory_space<vmem>>[vector<16xi32>], vector<16xf32>,
    %add3A_1210 = arith.addf %add3A_1200, %gather3A_1209 : vector<16xf32>
    %add3A_1211 = arith.constant 1 : i32
    %add3A_1212 = vector.broadcast %add3A_1211 : i32 to vector<16xi32>
    %add3A_1213 = arith.addi %mul3A_5, %add3A_1212 : vector<16xi32>
    %gather3A_1214 = tpu.vector_load_idx %arg9[%add3A_1213] : memref<272xi32, #tpu.memory_space<vmem>>[vector<16xi32>], vector<16xi32>,
    %add3A_1215 = arith.addi %add3A_1205, %gather3A_1214 : vector<16xi32>
    %add3A_1216 = arith.constant 2 : i32
    %add3A_1217 = vector.broadcast %add3A_1216 : i32 to vector<16xi32>
    %add3A_1218 = arith.addi %mul3A_5, %add3A_1217 : vector<16xi32>
    %gather3A_1219 = tpu.vector_load_idx %arg8[%add3A_1218] : memref<272xf32, #tpu.memory_space<vmem>>[vector<16xi32>], vector<16xf32>,
    %add3A_1220 = arith.addf %add3A_1210, %gather3A_1219 : vector<16xf32>
    %add3A_1221 = arith.constant 2 : i32
    %add3A_1222 = vector.broadcast %add3A_1221 : i32 to vector<16xi32>
    %add3A_1223 = arith.addi %mul3A_5, %add3A_1222 : vector<16xi32>
    %gather3A_1224 = tpu.vector_load_idx %arg9[%add3A_1223] : memref<272xi32, #tpu.memory_space<vmem>>[vector<16xi32>], vector<16xi32>,
    %add3A_1225 = arith.addi %add3A_1215, %gather3A_1224 : vector<16xi32>
    %add3A_1226 = arith.constant 3 : i32
    %add3A_1227 = vector.broadcast %add3A_1226 : i32 to vector<16xi32>
    %add3A_1228 = arith.addi %mul3A_5, %add3A_1227 : vector<16xi32>
    %gather3A_1229 = tpu.vector_load_idx %arg8[%add3A_1228] : memref<272xf32, #tpu.memory_space<vmem>>[vector<16xi32>], vector<16xf32>,
    %add3A_1230 = arith.addf %add3A_1220, %gather3A_1229 : vector<16xf32>
    %add3A_1231 = arith.constant 3 : i32
    %add3A_1232 = vector.broadcast %add3A_1231 : i32 to vector<16xi32>
    %add3A_1233 = arith.addi %mul3A_5, %add3A_1232 : vector<16xi32>
    %gather3A_1234 = tpu.vector_load_idx %arg9[%add3A_1233] : memref<272xi32, #tpu.memory_space<vmem>>[vector<16xi32>], vector<16xi32>,
    %add3A_1235 = arith.addi %add3A_1225, %gather3A_1234 : vector<16xi32>
    %add3A_1236 = arith.constant 4 : i32
    %add3A_1237 = vector.broadcast %add3A_1236 : i32 to vector<16xi32>
    %add3A_1238 = arith.addi %mul3A_5, %add3A_1237 : vector<16xi32>
    %gather3A_1239 = tpu.vector_load_idx %arg8[%add3A_1238] : memref<272xf32, #tpu.memory_space<vmem>>[vector<16xi32>], vector<16xf32>,
    %add3A_1240 = arith.addf %add3A_1230, %gather3A_1239 : vector<16xf32>
    %add3A_1241 = arith.constant 4 : i32
    %add3A_1242 = vector.broadcast %add3A_1241 : i32 to vector<16xi32>
    %add3A_1243 = arith.addi %mul3A_5, %add3A_1242 : vector<16xi32>
    %gather3A_1244 = tpu.vector_load_idx %arg9[%add3A_1243] : memref<272xi32, #tpu.memory_space<vmem>>[vector<16xi32>], vector<16xi32>,
    %add3A_1245 = arith.addi %add3A_1235, %gather3A_1244 : vector<16xi32>
    %add3A_1246 = arith.constant 5 : i32
    %add3A_1247 = vector.broadcast %add3A_1246 : i32 to vector<16xi32>
    %add3A_1248 = arith.addi %mul3A_5, %add3A_1247 : vector<16xi32>
    %gather3A_1249 = tpu.vector_load_idx %arg8[%add3A_1248] : memref<272xf32, #tpu.memory_space<vmem>>[vector<16xi32>], vector<16xf32>,
    %add3A_1250 = arith.addf %add3A_1240, %gather3A_1249 : vector<16xf32>
    %add3A_1251 = arith.constant 5 : i32
    %add3A_1252 = vector.broadcast %add3A_1251 : i32 to vector<16xi32>
    %add3A_1253 = arith.addi %mul3A_5, %add3A_1252 : vector<16xi32>
    %gather3A_1254 = tpu.vector_load_idx %arg9[%add3A_1253] : memref<272xi32, #tpu.memory_space<vmem>>[vector<16xi32>], vector<16xi32>,
    %add3A_1255 = arith.addi %add3A_1245, %gather3A_1254 : vector<16xi32>
    %add3A_1256 = arith.constant 6 : i32
    %add3A_1257 = vector.broadcast %add3A_1256 : i32 to vector<16xi32>
    %add3A_1258 = arith.addi %mul3A_5, %add3A_1257 : vector<16xi32>
    %gather3A_1259 = tpu.vector_load_idx %arg8[%add3A_1258] : memref<272xf32, #tpu.memory_space<vmem>>[vector<16xi32>], vector<16xf32>,
    %add3A_1260 = arith.addf %add3A_1250, %gather3A_1259 : vector<16xf32>
    %add3A_1261 = arith.constant 6 : i32
    %add3A_1262 = vector.broadcast %add3A_1261 : i32 to vector<16xi32>
    %add3A_1263 = arith.addi %mul3A_5, %add3A_1262 : vector<16xi32>
    %gather3A_1264 = tpu.vector_load_idx %arg9[%add3A_1263] : memref<272xi32, #tpu.memory_space<vmem>>[vector<16xi32>], vector<16xi32>,
    %add3A_1265 = arith.addi %add3A_1255, %gather3A_1264 : vector<16xi32>
    %add3A_1266 = arith.constant 7 : i32
    %add3A_1267 = vector.broadcast %add3A_1266 : i32 to vector<16xi32>
    %add3A_1268 = arith.addi %mul3A_5, %add3A_1267 : vector<16xi32>
    %gather3A_1269 = tpu.vector_load_idx %arg8[%add3A_1268] : memref<272xf32, #tpu.memory_space<vmem>>[vector<16xi32>], vector<16xf32>,
    %add3A_1270 = arith.addf %add3A_1260, %gather3A_1269 : vector<16xf32>
    %add3A_1271 = arith.constant 7 : i32
    %add3A_1272 = vector.broadcast %add3A_1271 : i32 to vector<16xi32>
    %add3A_1273 = arith.addi %mul3A_5, %add3A_1272 : vector<16xi32>
    %gather3A_1274 = tpu.vector_load_idx %arg9[%add3A_1273] : memref<272xi32, #tpu.memory_space<vmem>>[vector<16xi32>], vector<16xi32>,
    %add3A_1275 = arith.addi %add3A_1265, %gather3A_1274 : vector<16xi32>
    %add3A_1276 = arith.constant 8 : i32
    %add3A_1277 = vector.broadcast %add3A_1276 : i32 to vector<16xi32>
    %add3A_1278 = arith.addi %mul3A_5, %add3A_1277 : vector<16xi32>
    %gather3A_1279 = tpu.vector_load_idx %arg8[%add3A_1278] : memref<272xf32, #tpu.memory_space<vmem>>[vector<16xi32>], vector<16xf32>,
    %add3A_1280 = arith.addf %add3A_1270, %gather3A_1279 : vector<16xf32>
    %add3A_1281 = arith.constant 8 : i32
    %add3A_1282 = vector.broadcast %add3A_1281 : i32 to vector<16xi32>
    %add3A_1283 = arith.addi %mul3A_5, %add3A_1282 : vector<16xi32>
    %gather3A_1284 = tpu.vector_load_idx %arg9[%add3A_1283] : memref<272xi32, #tpu.memory_space<vmem>>[vector<16xi32>], vector<16xi32>,
    %add3A_1285 = arith.addi %add3A_1275, %gather3A_1284 : vector<16xi32>
    %add3A_1286 = arith.constant 9 : i32
    %add3A_1287 = vector.broadcast %add3A_1286 : i32 to vector<16xi32>
    %add3A_1288 = arith.addi %mul3A_5, %add3A_1287 : vector<16xi32>
    %gather3A_1289 = tpu.vector_load_idx %arg8[%add3A_1288] : memref<272xf32, #tpu.memory_space<vmem>>[vector<16xi32>], vector<16xf32>,
    %add3A_1290 = arith.addf %add3A_1280, %gather3A_1289 : vector<16xf32>
    %add3A_1291 = arith.constant 9 : i32
    %add3A_1292 = vector.broadcast %add3A_1291 : i32 to vector<16xi32>
    %add3A_1293 = arith.addi %mul3A_5, %add3A_1292 : vector<16xi32>
    %gather3A_1294 = tpu.vector_load_idx %arg9[%add3A_1293] : memref<272xi32, #tpu.memory_space<vmem>>[vector<16xi32>], vector<16xi32>,
    %add3A_1295 = arith.addi %add3A_1285, %gather3A_1294 : vector<16xi32>
    %add3A_1296 = arith.constant 10 : i32
    %add3A_1297 = vector.broadcast %add3A_1296 : i32 to vector<16xi32>
    %add3A_1298 = arith.addi %mul3A_5, %add3A_1297 : vector<16xi32>
    %gather3A_1299 = tpu.vector_load_idx %arg8[%add3A_1298] : memref<272xf32, #tpu.memory_space<vmem>>[vector<16xi32>], vector<16xf32>,
    %add3A_1300 = arith.addf %add3A_1290, %gather3A_1299 : vector<16xf32>
    %add3A_1301 = arith.constant 10 : i32
    %add3A_1302 = vector.broadcast %add3A_1301 : i32 to vector<16xi32>
    %add3A_1303 = arith.addi %mul3A_5, %add3A_1302 : vector<16xi32>
    %gather3A_1304 = tpu.vector_load_idx %arg9[%add3A_1303] : memref<272xi32, #tpu.memory_space<vmem>>[vector<16xi32>], vector<16xi32>,
    %add3A_1305 = arith.addi %add3A_1295, %gather3A_1304 : vector<16xi32>
    %add3A_1306 = arith.constant 11 : i32
    %add3A_1307 = vector.broadcast %add3A_1306 : i32 to vector<16xi32>
    %add3A_1308 = arith.addi %mul3A_5, %add3A_1307 : vector<16xi32>
    %gather3A_1309 = tpu.vector_load_idx %arg8[%add3A_1308] : memref<272xf32, #tpu.memory_space<vmem>>[vector<16xi32>], vector<16xf32>,
    %add3A_1310 = arith.addf %add3A_1300, %gather3A_1309 : vector<16xf32>
    %add3A_1311 = arith.constant 11 : i32
    %add3A_1312 = vector.broadcast %add3A_1311 : i32 to vector<16xi32>
    %add3A_1313 = arith.addi %mul3A_5, %add3A_1312 : vector<16xi32>
    %gather3A_1314 = tpu.vector_load_idx %arg9[%add3A_1313] : memref<272xi32, #tpu.memory_space<vmem>>[vector<16xi32>], vector<16xi32>,
    %add3A_1315 = arith.addi %add3A_1305, %gather3A_1314 : vector<16xi32>
    %add3A_1316 = arith.constant 12 : i32
    %add3A_1317 = vector.broadcast %add3A_1316 : i32 to vector<16xi32>
    %add3A_1318 = arith.addi %mul3A_5, %add3A_1317 : vector<16xi32>
    %gather3A_1319 = tpu.vector_load_idx %arg8[%add3A_1318] : memref<272xf32, #tpu.memory_space<vmem>>[vector<16xi32>], vector<16xf32>,
    %add3A_1320 = arith.addf %add3A_1310, %gather3A_1319 : vector<16xf32>
    %add3A_1321 = arith.constant 12 : i32
    %add3A_1322 = vector.broadcast %add3A_1321 : i32 to vector<16xi32>
    %add3A_1323 = arith.addi %mul3A_5, %add3A_1322 : vector<16xi32>
    %gather3A_1324 = tpu.vector_load_idx %arg9[%add3A_1323] : memref<272xi32, #tpu.memory_space<vmem>>[vector<16xi32>], vector<16xi32>,
    %add3A_1325 = arith.addi %add3A_1315, %gather3A_1324 : vector<16xi32>
    %add3A_1326 = arith.constant 13 : i32
    %add3A_1327 = vector.broadcast %add3A_1326 : i32 to vector<16xi32>
    %add3A_1328 = arith.addi %mul3A_5, %add3A_1327 : vector<16xi32>
    %gather3A_1329 = tpu.vector_load_idx %arg8[%add3A_1328] : memref<272xf32, #tpu.memory_space<vmem>>[vector<16xi32>], vector<16xf32>,
    %add3A_1330 = arith.addf %add3A_1320, %gather3A_1329 : vector<16xf32>
    %add3A_1331 = arith.constant 13 : i32
    %add3A_1332 = vector.broadcast %add3A_1331 : i32 to vector<16xi32>
    %add3A_1333 = arith.addi %mul3A_5, %add3A_1332 : vector<16xi32>
    %gather3A_1334 = tpu.vector_load_idx %arg9[%add3A_1333] : memref<272xi32, #tpu.memory_space<vmem>>[vector<16xi32>], vector<16xi32>,
    %add3A_1335 = arith.addi %add3A_1325, %gather3A_1334 : vector<16xi32>
    %add3A_1336 = arith.constant 14 : i32
    %add3A_1337 = vector.broadcast %add3A_1336 : i32 to vector<16xi32>
    %add3A_1338 = arith.addi %mul3A_5, %add3A_1337 : vector<16xi32>
    %gather3A_1339 = tpu.vector_load_idx %arg8[%add3A_1338] : memref<272xf32, #tpu.memory_space<vmem>>[vector<16xi32>], vector<16xf32>,
    %add3A_1340 = arith.addf %add3A_1330, %gather3A_1339 : vector<16xf32>
    %add3A_1341 = arith.constant 14 : i32
    %add3A_1342 = vector.broadcast %add3A_1341 : i32 to vector<16xi32>
    %add3A_1343 = arith.addi %mul3A_5, %add3A_1342 : vector<16xi32>
    %gather3A_1344 = tpu.vector_load_idx %arg9[%add3A_1343] : memref<272xi32, #tpu.memory_space<vmem>>[vector<16xi32>], vector<16xi32>,
    %add3A_1345 = arith.addi %add3A_1335, %gather3A_1344 : vector<16xi32>
    %add3A_1346 = arith.constant 15 : i32
    %add3A_1347 = vector.broadcast %add3A_1346 : i32 to vector<16xi32>
    %add3A_1348 = arith.addi %mul3A_5, %add3A_1347 : vector<16xi32>
    %gather3A_1349 = tpu.vector_load_idx %arg8[%add3A_1348] : memref<272xf32, #tpu.memory_space<vmem>>[vector<16xi32>], vector<16xf32>,
    %add3A_1350 = arith.addf %add3A_1340, %gather3A_1349 : vector<16xf32>
    %add3A_1351 = arith.constant 15 : i32
    %add3A_1352 = vector.broadcast %add3A_1351 : i32 to vector<16xi32>
    %add3A_1353 = arith.addi %mul3A_5, %add3A_1352 : vector<16xi32>
    %gather3A_1354 = tpu.vector_load_idx %arg9[%add3A_1353] : memref<272xi32, #tpu.memory_space<vmem>>[vector<16xi32>], vector<16xi32>,
    %add3A_1355 = arith.addi %add3A_1345, %gather3A_1354 : vector<16xi32>
    %convert_element_type3A_1356 = arith.sitofp %add3A_1355 : vector<16xi32> to vector<16xf32>
    %div3A_1357 = arith.divf %add3A_1350, %convert_element_type3A_1356 : vector<16xf32>
    %swap3A_1358 = arith.constant 96 : index
    %swap3A_1359 = tpu.vector_load %arg10[%swap3A_1358] {strides = array<i32>} : memref<128xf32, #tpu.memory_space<vmem>>, vector<16xf32>,
    tpu.vector_store %arg10[%swap3A_1358], %div3A_1357 {strides = array<i32>} : memref<128xf32, #tpu.memory_space<vmem>>, vector<16xf32>,
    %scan3A_1360 = arith.constant 0 : i32
    %scan3A_1361 = arith.constant 0 : i32
    %scan3A_1362 = arith.constant 16 : i32
    %scan3A_1363 = arith.addi %scan3A_1361, %scan3A_1362 : i32
    %scan3A_1364 = arith.constant 1 : i32
    %scan3A_1365 = scf.for %scan3A_1531 = %scan3A_1361 to %scan3A_1363 step %scan3A_1364 iter_args(%scan3A_1532 = %scan3A_1360) -> (i32)  : i32 {
      %mul3A_1533 = arith.constant 2048 : i32
      %mul3A_1534 = arith.muli %scan3A_1531, %mul3A_1533 : i32
      %dma_wait3A = tpu.memref_slice %arg7[%mul3A_1534] : memref<32768xi32, #tpu.memory_space<vmem>> -> memref<2048xi32, #tpu.memory_space<vmem>>
      %dma_wait3A_1535 = arith.constant 0 : i32
      %dma_wait3A_1536 = tpu.memref_slice %arg2[%dma_wait3A_1535] : memref<8388608xi32, #tpu.memory_space<hbm>> -> memref<2048xi32, #tpu.memory_space<hbm>>
      %dma_wait3A_1537 = tpu.memref_slice %arg7[%mul3A_1534] : memref<32768xi32, #tpu.memory_space<vmem>> -> memref<2048xi32, #tpu.memory_space<vmem>>
      %dma_wait3A_1538 = arith.constant 0 : i32
      %dma_wait3A_1539 = tpu.memref_slice %arg2[%dma_wait3A_1538] : memref<8388608xi32, #tpu.memory_space<hbm>> -> memref<2048xi32, #tpu.memory_space<hbm>>
      tpu.wait_dma2 semaphore(%arg12 : memref<!tpu.dma_semaphore, #tpu.memory_space<semaphore_mem>>) src(%dma_wait3A_1539 : memref<2048xi32, #tpu.memory_space<hbm>>) dst(%dma_wait3A_1537 : memref<2048xi32, #tpu.memory_space<vmem>>)
      %mul3A_1540 = arith.constant 2048 : i32
      %mul3A_1541 = arith.muli %scan3A_1531, %mul3A_1540 : i32
      %parallel_loop3A = arith.constant 0 : i32
      %parallel_loop3A_1542 = arith.constant 32 : i32
      %parallel_loop3A_1543 = arith.constant 1 : i32
      %parallel_loop3A_1544:8 = scf.for %parallel_loop3A_1560 = %parallel_loop3A to %parallel_loop3A_1542 step %parallel_loop3A_1543 iter_args(%parallel_loop3A_1561 = %broadcast_in_dim3A_6, %parallel_loop3A_1562 = %broadcast_in_dim3A_6, %parallel_loop3A_1563 = %broadcast_in_dim3A_6, %parallel_loop3A_1564 = %broadcast_in_dim3A_6, %parallel_loop3A_1565 = %broadcast_in_dim3A_8, %parallel_loop3A_1566 = %broadcast_in_dim3A_8, %parallel_loop3A_1567 = %broadcast_in_dim3A_8, %parallel_loop3A_1568 = %broadcast_in_dim3A_8) -> (vector<16xf32>, vector<16xf32>, vector<16xf32>, vector<16xf32>, vector<16xi32>, vector<16xi32>, vector<16xi32>, vector<16xi32>)  : i32 {
        %parallel_loop3A_1569 = arith.constant 64 : i32
        %parallel_loop3A_1570 = arith.muli %parallel_loop3A_1560, %parallel_loop3A_1569 : i32
        %parallel_loop3A_1571 = arith.addi %mul3A_1541, %parallel_loop3A_1570 : i32
        %parallel_loop3A_1572 = arith.constant 0 : i32
        %parallel_loop3A_1573 = arith.addi %parallel_loop3A_1571, %parallel_loop3A_1572 : i32
        %parallel_loop3A_1574 = arith.index_cast %parallel_loop3A_1573 : i32 to index
        %parallel_loop3A_1575 = tpu.vector_load %arg7[%parallel_loop3A_1574] {strides = array<i32>} : memref<32768xi32, #tpu.memory_space<vmem>>, vector<16xi32>,
        %parallel_loop3A_1576 = arith.constant 4 : i32
        %parallel_loop3A_1577 = vector.broadcast %parallel_loop3A_1576 : i32 to vector<16xi32>
        %parallel_loop3A_1578 = arith.shli %parallel_loop3A_1575, %parallel_loop3A_1577 : vector<16xi32>
        %parallel_loop3A_1579 = arith.addi %parallel_loop3A_1578, %iota3A : vector<16xi32>
        %parallel_loop3A_1580 = tpu.vector_load_idx %arg5[%parallel_loop3A_1579] : memref<1280xf32, #tpu.memory_space<vmem>>[vector<16xi32>], vector<16xf32>,
        %parallel_loop3A_1581 = arith.addf %parallel_loop3A_1561, %parallel_loop3A_1580 : vector<16xf32>
        %parallel_loop3A_1582 = arith.constant 63 : i32
        %parallel_loop3A_1583 = vector.broadcast %parallel_loop3A_1582 : i32 to vector<16xi32>
        %parallel_loop3A_1584 = arith.addi %parallel_loop3A_1575, %parallel_loop3A_1583 : vector<16xi32>
        %parallel_loop3A_1585 = arith.constant 6 : i32
        %parallel_loop3A_1586 = vector.broadcast %parallel_loop3A_1585 : i32 to vector<16xi32>
        %parallel_loop3A_1587 = arith.shrsi %parallel_loop3A_1584, %parallel_loop3A_1586 : vector<16xi32>
        %parallel_loop3A_1588 = arith.addi %parallel_loop3A_1565, %parallel_loop3A_1587 : vector<16xi32>
        %parallel_loop3A_1589 = arith.constant 16 : i32
        %parallel_loop3A_1590 = arith.addi %parallel_loop3A_1571, %parallel_loop3A_1589 : i32
        %parallel_loop3A_1591 = arith.index_cast %parallel_loop3A_1590 : i32 to index
        %parallel_loop3A_1592 = tpu.vector_load %arg7[%parallel_loop3A_1591] {strides = array<i32>} : memref<32768xi32, #tpu.memory_space<vmem>>, vector<16xi32>,
        %parallel_loop3A_1593 = arith.constant 4 : i32
        %parallel_loop3A_1594 = vector.broadcast %parallel_loop3A_1593 : i32 to vector<16xi32>
        %parallel_loop3A_1595 = arith.shli %parallel_loop3A_1592, %parallel_loop3A_1594 : vector<16xi32>
        %parallel_loop3A_1596 = arith.addi %parallel_loop3A_1595, %iota3A : vector<16xi32>
        %parallel_loop3A_1597 = tpu.vector_load_idx %arg5[%parallel_loop3A_1596] : memref<1280xf32, #tpu.memory_space<vmem>>[vector<16xi32>], vector<16xf32>,
        %parallel_loop3A_1598 = arith.addf %parallel_loop3A_1562, %parallel_loop3A_1597 : vector<16xf32>
        %parallel_loop3A_1599 = arith.constant 63 : i32
        %parallel_loop3A_1600 = vector.broadcast %parallel_loop3A_1599 : i32 to vector<16xi32>
        %parallel_loop3A_1601 = arith.addi %parallel_loop3A_1592, %parallel_loop3A_1600 : vector<16xi32>
        %parallel_loop3A_1602 = arith.constant 6 : i32
        %parallel_loop3A_1603 = vector.broadcast %parallel_loop3A_1602 : i32 to vector<16xi32>
        %parallel_loop3A_1604 = arith.shrsi %parallel_loop3A_1601, %parallel_loop3A_1603 : vector<16xi32>
        %parallel_loop3A_1605 = arith.addi %parallel_loop3A_1566, %parallel_loop3A_1604 : vector<16xi32>
        %parallel_loop3A_1606 = arith.constant 32 : i32
        %parallel_loop3A_1607 = arith.addi %parallel_loop3A_1571, %parallel_loop3A_1606 : i32
        %parallel_loop3A_1608 = arith.index_cast %parallel_loop3A_1607 : i32 to index
        %parallel_loop3A_1609 = tpu.vector_load %arg7[%parallel_loop3A_1608] {strides = array<i32>} : memref<32768xi32, #tpu.memory_space<vmem>>, vector<16xi32>,
        %parallel_loop3A_1610 = arith.constant 4 : i32
        %parallel_loop3A_1611 = vector.broadcast %parallel_loop3A_1610 : i32 to vector<16xi32>
        %parallel_loop3A_1612 = arith.shli %parallel_loop3A_1609, %parallel_loop3A_1611 : vector<16xi32>
        %parallel_loop3A_1613 = arith.addi %parallel_loop3A_1612, %iota3A : vector<16xi32>
        %parallel_loop3A_1614 = tpu.vector_load_idx %arg5[%parallel_loop3A_1613] : memref<1280xf32, #tpu.memory_space<vmem>>[vector<16xi32>], vector<16xf32>,
        %parallel_loop3A_1615 = arith.addf %parallel_loop3A_1563, %parallel_loop3A_1614 : vector<16xf32>
        %parallel_loop3A_1616 = arith.constant 63 : i32
        %parallel_loop3A_1617 = vector.broadcast %parallel_loop3A_1616 : i32 to vector<16xi32>
        %parallel_loop3A_1618 = arith.addi %parallel_loop3A_1609, %parallel_loop3A_1617 : vector<16xi32>
        %parallel_loop3A_1619 = arith.constant 6 : i32
        %parallel_loop3A_1620 = vector.broadcast %parallel_loop3A_1619 : i32 to vector<16xi32>
        %parallel_loop3A_1621 = arith.shrsi %parallel_loop3A_1618, %parallel_loop3A_1620 : vector<16xi32>
        %parallel_loop3A_1622 = arith.addi %parallel_loop3A_1567, %parallel_loop3A_1621 : vector<16xi32>
        %parallel_loop3A_1623 = arith.constant 48 : i32
        %parallel_loop3A_1624 = arith.addi %parallel_loop3A_1571, %parallel_loop3A_1623 : i32
        %parallel_loop3A_1625 = arith.index_cast %parallel_loop3A_1624 : i32 to index
        %parallel_loop3A_1626 = tpu.vector_load %arg7[%parallel_loop3A_1625] {strides = array<i32>} : memref<32768xi32, #tpu.memory_space<vmem>>, vector<16xi32>,
        %parallel_loop3A_1627 = arith.constant 4 : i32
        %parallel_loop3A_1628 = vector.broadcast %parallel_loop3A_1627 : i32 to vector<16xi32>
        %parallel_loop3A_1629 = arith.shli %parallel_loop3A_1626, %parallel_loop3A_1628 : vector<16xi32>
        %parallel_loop3A_1630 = arith.addi %parallel_loop3A_1629, %iota3A : vector<16xi32>
        %parallel_loop3A_1631 = tpu.vector_load_idx %arg5[%parallel_loop3A_1630] : memref<1280xf32, #tpu.memory_space<vmem>>[vector<16xi32>], vector<16xf32>,
        %parallel_loop3A_1632 = arith.addf %parallel_loop3A_1564, %parallel_loop3A_1631 : vector<16xf32>
        %parallel_loop3A_1633 = arith.constant 63 : i32
        %parallel_loop3A_1634 = vector.broadcast %parallel_loop3A_1633 : i32 to vector<16xi32>
        %parallel_loop3A_1635 = arith.addi %parallel_loop3A_1626, %parallel_loop3A_1634 : vector<16xi32>
        %parallel_loop3A_1636 = arith.constant 6 : i32
        %parallel_loop3A_1637 = vector.broadcast %parallel_loop3A_1636 : i32 to vector<16xi32>
        %parallel_loop3A_1638 = arith.shrsi %parallel_loop3A_1635, %parallel_loop3A_1637 : vector<16xi32>
        %parallel_loop3A_1639 = arith.addi %parallel_loop3A_1568, %parallel_loop3A_1638 : vector<16xi32>
        scf.yield %parallel_loop3A_1581, %parallel_loop3A_1598, %parallel_loop3A_1615, %parallel_loop3A_1632, %parallel_loop3A_1588, %parallel_loop3A_1605, %parallel_loop3A_1622, %parallel_loop3A_1639 : vector<16xf32>, vector<16xf32>, vector<16xf32>, vector<16xf32>, vector<16xi32>, vector<16xi32>, vector<16xi32>, vector<16xi32>
      } {sc.loop_unroll_factor = 4 : i64, sc.parallel_access}
      %add3A_1545 = arith.addf %parallel_loop3A_1544#0, %parallel_loop3A_1544#1 : vector<16xf32>
      %add3A_1546 = arith.addf %parallel_loop3A_1544#2, %parallel_loop3A_1544#3 : vector<16xf32>
      %add3A_1547 = arith.addf %add3A_1545, %add3A_1546 : vector<16xf32>
      %add3A_1548 = arith.addi %parallel_loop3A_1544#4, %parallel_loop3A_1544#5 : vector<16xi32>
      %add3A_1549 = arith.addi %parallel_loop3A_1544#6, %parallel_loop3A_1544#7 : vector<16xi32>
      %add3A_1550 = arith.addi %add3A_1548, %add3A_1549 : vector<16xi32>
      %mul3A_1551 = arith.constant 17 : i32
      %mul3A_1552 = arith.muli %scan3A_1531, %mul3A_1551 : i32
      %swap3A_1553 = arith.index_cast %mul3A_1552 : i32 to index
      %swap3A_1554 = tpu.vector_load %arg8[%swap3A_1553] {strides = array<i32>} : memref<272xf32, #tpu.memory_space<vmem>>, vector<16xf32>,
      tpu.vector_store %arg8[%swap3A_1553], %add3A_1547 {strides = array<i32>} : memref<272xf32, #tpu.memory_space<vmem>>, vector<16xf32>,
      %mul3A_1555 = arith.constant 17 : i32
      %mul3A_1556 = arith.muli %scan3A_1531, %mul3A_1555 : i32
      %swap3A_1557 = arith.index_cast %mul3A_1556 : i32 to index
      %swap3A_1558 = tpu.vector_load %arg9[%swap3A_1557] {strides = array<i32>} : memref<272xi32, #tpu.memory_space<vmem>>, vector<16xi32>,
      tpu.vector_store %arg9[%swap3A_1557], %add3A_1550 {strides = array<i32>} : memref<272xi32, #tpu.memory_space<vmem>>, vector<16xi32>,
      %scan3A_1559 = arith.constant 0 : i32
      scf.yield %scan3A_1559 : i32
    }
    %scan3A_1366 = arith.constant 16 : i32
    %add3A_1367 = arith.constant 0 : i32
    %add3A_1368 = vector.broadcast %add3A_1367 : i32 to vector<16xi32>
    %add3A_1369 = arith.addi %mul3A_5, %add3A_1368 : vector<16xi32>
    %gather3A_1370 = tpu.vector_load_idx %arg8[%add3A_1369] : memref<272xf32, #tpu.memory_space<vmem>>[vector<16xi32>], vector<16xf32>,
    %add3A_1371 = arith.addf %broadcast_in_dim3A_6, %gather3A_1370 : vector<16xf32>
    %add3A_1372 = arith.constant 0 : i32
    %add3A_1373 = vector.broadcast %add3A_1372 : i32 to vector<16xi32>
    %add3A_1374 = arith.addi %mul3A_5, %add3A_1373 : vector<16xi32>
    %gather3A_1375 = tpu.vector_load_idx %arg9[%add3A_1374] : memref<272xi32, #tpu.memory_space<vmem>>[vector<16xi32>], vector<16xi32>,
    %add3A_1376 = arith.addi %broadcast_in_dim3A_8, %gather3A_1375 : vector<16xi32>
    %add3A_1377 = arith.constant 1 : i32
    %add3A_1378 = vector.broadcast %add3A_1377 : i32 to vector<16xi32>
    %add3A_1379 = arith.addi %mul3A_5, %add3A_1378 : vector<16xi32>
    %gather3A_1380 = tpu.vector_load_idx %arg8[%add3A_1379] : memref<272xf32, #tpu.memory_space<vmem>>[vector<16xi32>], vector<16xf32>,
    %add3A_1381 = arith.addf %add3A_1371, %gather3A_1380 : vector<16xf32>
    %add3A_1382 = arith.constant 1 : i32
    %add3A_1383 = vector.broadcast %add3A_1382 : i32 to vector<16xi32>
    %add3A_1384 = arith.addi %mul3A_5, %add3A_1383 : vector<16xi32>
    %gather3A_1385 = tpu.vector_load_idx %arg9[%add3A_1384] : memref<272xi32, #tpu.memory_space<vmem>>[vector<16xi32>], vector<16xi32>,
    %add3A_1386 = arith.addi %add3A_1376, %gather3A_1385 : vector<16xi32>
    %add3A_1387 = arith.constant 2 : i32
    %add3A_1388 = vector.broadcast %add3A_1387 : i32 to vector<16xi32>
    %add3A_1389 = arith.addi %mul3A_5, %add3A_1388 : vector<16xi32>
    %gather3A_1390 = tpu.vector_load_idx %arg8[%add3A_1389] : memref<272xf32, #tpu.memory_space<vmem>>[vector<16xi32>], vector<16xf32>,
    %add3A_1391 = arith.addf %add3A_1381, %gather3A_1390 : vector<16xf32>
    %add3A_1392 = arith.constant 2 : i32
    %add3A_1393 = vector.broadcast %add3A_1392 : i32 to vector<16xi32>
    %add3A_1394 = arith.addi %mul3A_5, %add3A_1393 : vector<16xi32>
    %gather3A_1395 = tpu.vector_load_idx %arg9[%add3A_1394] : memref<272xi32, #tpu.memory_space<vmem>>[vector<16xi32>], vector<16xi32>,
    %add3A_1396 = arith.addi %add3A_1386, %gather3A_1395 : vector<16xi32>
    %add3A_1397 = arith.constant 3 : i32
    %add3A_1398 = vector.broadcast %add3A_1397 : i32 to vector<16xi32>
    %add3A_1399 = arith.addi %mul3A_5, %add3A_1398 : vector<16xi32>
    %gather3A_1400 = tpu.vector_load_idx %arg8[%add3A_1399] : memref<272xf32, #tpu.memory_space<vmem>>[vector<16xi32>], vector<16xf32>,
    %add3A_1401 = arith.addf %add3A_1391, %gather3A_1400 : vector<16xf32>
    %add3A_1402 = arith.constant 3 : i32
    %add3A_1403 = vector.broadcast %add3A_1402 : i32 to vector<16xi32>
    %add3A_1404 = arith.addi %mul3A_5, %add3A_1403 : vector<16xi32>
    %gather3A_1405 = tpu.vector_load_idx %arg9[%add3A_1404] : memref<272xi32, #tpu.memory_space<vmem>>[vector<16xi32>], vector<16xi32>,
    %add3A_1406 = arith.addi %add3A_1396, %gather3A_1405 : vector<16xi32>
    %add3A_1407 = arith.constant 4 : i32
    %add3A_1408 = vector.broadcast %add3A_1407 : i32 to vector<16xi32>
    %add3A_1409 = arith.addi %mul3A_5, %add3A_1408 : vector<16xi32>
    %gather3A_1410 = tpu.vector_load_idx %arg8[%add3A_1409] : memref<272xf32, #tpu.memory_space<vmem>>[vector<16xi32>], vector<16xf32>,
    %add3A_1411 = arith.addf %add3A_1401, %gather3A_1410 : vector<16xf32>
    %add3A_1412 = arith.constant 4 : i32
    %add3A_1413 = vector.broadcast %add3A_1412 : i32 to vector<16xi32>
    %add3A_1414 = arith.addi %mul3A_5, %add3A_1413 : vector<16xi32>
    %gather3A_1415 = tpu.vector_load_idx %arg9[%add3A_1414] : memref<272xi32, #tpu.memory_space<vmem>>[vector<16xi32>], vector<16xi32>,
    %add3A_1416 = arith.addi %add3A_1406, %gather3A_1415 : vector<16xi32>
    %add3A_1417 = arith.constant 5 : i32
    %add3A_1418 = vector.broadcast %add3A_1417 : i32 to vector<16xi32>
    %add3A_1419 = arith.addi %mul3A_5, %add3A_1418 : vector<16xi32>
    %gather3A_1420 = tpu.vector_load_idx %arg8[%add3A_1419] : memref<272xf32, #tpu.memory_space<vmem>>[vector<16xi32>], vector<16xf32>,
    %add3A_1421 = arith.addf %add3A_1411, %gather3A_1420 : vector<16xf32>
    %add3A_1422 = arith.constant 5 : i32
    %add3A_1423 = vector.broadcast %add3A_1422 : i32 to vector<16xi32>
    %add3A_1424 = arith.addi %mul3A_5, %add3A_1423 : vector<16xi32>
    %gather3A_1425 = tpu.vector_load_idx %arg9[%add3A_1424] : memref<272xi32, #tpu.memory_space<vmem>>[vector<16xi32>], vector<16xi32>,
    %add3A_1426 = arith.addi %add3A_1416, %gather3A_1425 : vector<16xi32>
    %add3A_1427 = arith.constant 6 : i32
    %add3A_1428 = vector.broadcast %add3A_1427 : i32 to vector<16xi32>
    %add3A_1429 = arith.addi %mul3A_5, %add3A_1428 : vector<16xi32>
    %gather3A_1430 = tpu.vector_load_idx %arg8[%add3A_1429] : memref<272xf32, #tpu.memory_space<vmem>>[vector<16xi32>], vector<16xf32>,
    %add3A_1431 = arith.addf %add3A_1421, %gather3A_1430 : vector<16xf32>
    %add3A_1432 = arith.constant 6 : i32
    %add3A_1433 = vector.broadcast %add3A_1432 : i32 to vector<16xi32>
    %add3A_1434 = arith.addi %mul3A_5, %add3A_1433 : vector<16xi32>
    %gather3A_1435 = tpu.vector_load_idx %arg9[%add3A_1434] : memref<272xi32, #tpu.memory_space<vmem>>[vector<16xi32>], vector<16xi32>,
    %add3A_1436 = arith.addi %add3A_1426, %gather3A_1435 : vector<16xi32>
    %add3A_1437 = arith.constant 7 : i32
    %add3A_1438 = vector.broadcast %add3A_1437 : i32 to vector<16xi32>
    %add3A_1439 = arith.addi %mul3A_5, %add3A_1438 : vector<16xi32>
    %gather3A_1440 = tpu.vector_load_idx %arg8[%add3A_1439] : memref<272xf32, #tpu.memory_space<vmem>>[vector<16xi32>], vector<16xf32>,
    %add3A_1441 = arith.addf %add3A_1431, %gather3A_1440 : vector<16xf32>
    %add3A_1442 = arith.constant 7 : i32
    %add3A_1443 = vector.broadcast %add3A_1442 : i32 to vector<16xi32>
    %add3A_1444 = arith.addi %mul3A_5, %add3A_1443 : vector<16xi32>
    %gather3A_1445 = tpu.vector_load_idx %arg9[%add3A_1444] : memref<272xi32, #tpu.memory_space<vmem>>[vector<16xi32>], vector<16xi32>,
    %add3A_1446 = arith.addi %add3A_1436, %gather3A_1445 : vector<16xi32>
    %add3A_1447 = arith.constant 8 : i32
    %add3A_1448 = vector.broadcast %add3A_1447 : i32 to vector<16xi32>
    %add3A_1449 = arith.addi %mul3A_5, %add3A_1448 : vector<16xi32>
    %gather3A_1450 = tpu.vector_load_idx %arg8[%add3A_1449] : memref<272xf32, #tpu.memory_space<vmem>>[vector<16xi32>], vector<16xf32>,
    %add3A_1451 = arith.addf %add3A_1441, %gather3A_1450 : vector<16xf32>
    %add3A_1452 = arith.constant 8 : i32
    %add3A_1453 = vector.broadcast %add3A_1452 : i32 to vector<16xi32>
    %add3A_1454 = arith.addi %mul3A_5, %add3A_1453 : vector<16xi32>
    %gather3A_1455 = tpu.vector_load_idx %arg9[%add3A_1454] : memref<272xi32, #tpu.memory_space<vmem>>[vector<16xi32>], vector<16xi32>,
    %add3A_1456 = arith.addi %add3A_1446, %gather3A_1455 : vector<16xi32>
    %add3A_1457 = arith.constant 9 : i32
    %add3A_1458 = vector.broadcast %add3A_1457 : i32 to vector<16xi32>
    %add3A_1459 = arith.addi %mul3A_5, %add3A_1458 : vector<16xi32>
    %gather3A_1460 = tpu.vector_load_idx %arg8[%add3A_1459] : memref<272xf32, #tpu.memory_space<vmem>>[vector<16xi32>], vector<16xf32>,
    %add3A_1461 = arith.addf %add3A_1451, %gather3A_1460 : vector<16xf32>
    %add3A_1462 = arith.constant 9 : i32
    %add3A_1463 = vector.broadcast %add3A_1462 : i32 to vector<16xi32>
    %add3A_1464 = arith.addi %mul3A_5, %add3A_1463 : vector<16xi32>
    %gather3A_1465 = tpu.vector_load_idx %arg9[%add3A_1464] : memref<272xi32, #tpu.memory_space<vmem>>[vector<16xi32>], vector<16xi32>,
    %add3A_1466 = arith.addi %add3A_1456, %gather3A_1465 : vector<16xi32>
    %add3A_1467 = arith.constant 10 : i32
    %add3A_1468 = vector.broadcast %add3A_1467 : i32 to vector<16xi32>
    %add3A_1469 = arith.addi %mul3A_5, %add3A_1468 : vector<16xi32>
    %gather3A_1470 = tpu.vector_load_idx %arg8[%add3A_1469] : memref<272xf32, #tpu.memory_space<vmem>>[vector<16xi32>], vector<16xf32>,
    %add3A_1471 = arith.addf %add3A_1461, %gather3A_1470 : vector<16xf32>
    %add3A_1472 = arith.constant 10 : i32
    %add3A_1473 = vector.broadcast %add3A_1472 : i32 to vector<16xi32>
    %add3A_1474 = arith.addi %mul3A_5, %add3A_1473 : vector<16xi32>
    %gather3A_1475 = tpu.vector_load_idx %arg9[%add3A_1474] : memref<272xi32, #tpu.memory_space<vmem>>[vector<16xi32>], vector<16xi32>,
    %add3A_1476 = arith.addi %add3A_1466, %gather3A_1475 : vector<16xi32>
    %add3A_1477 = arith.constant 11 : i32
    %add3A_1478 = vector.broadcast %add3A_1477 : i32 to vector<16xi32>
    %add3A_1479 = arith.addi %mul3A_5, %add3A_1478 : vector<16xi32>
    %gather3A_1480 = tpu.vector_load_idx %arg8[%add3A_1479] : memref<272xf32, #tpu.memory_space<vmem>>[vector<16xi32>], vector<16xf32>,
    %add3A_1481 = arith.addf %add3A_1471, %gather3A_1480 : vector<16xf32>
    %add3A_1482 = arith.constant 11 : i32
    %add3A_1483 = vector.broadcast %add3A_1482 : i32 to vector<16xi32>
    %add3A_1484 = arith.addi %mul3A_5, %add3A_1483 : vector<16xi32>
    %gather3A_1485 = tpu.vector_load_idx %arg9[%add3A_1484] : memref<272xi32, #tpu.memory_space<vmem>>[vector<16xi32>], vector<16xi32>,
    %add3A_1486 = arith.addi %add3A_1476, %gather3A_1485 : vector<16xi32>
    %add3A_1487 = arith.constant 12 : i32
    %add3A_1488 = vector.broadcast %add3A_1487 : i32 to vector<16xi32>
    %add3A_1489 = arith.addi %mul3A_5, %add3A_1488 : vector<16xi32>
    %gather3A_1490 = tpu.vector_load_idx %arg8[%add3A_1489] : memref<272xf32, #tpu.memory_space<vmem>>[vector<16xi32>], vector<16xf32>,
    %add3A_1491 = arith.addf %add3A_1481, %gather3A_1490 : vector<16xf32>
    %add3A_1492 = arith.constant 12 : i32
    %add3A_1493 = vector.broadcast %add3A_1492 : i32 to vector<16xi32>
    %add3A_1494 = arith.addi %mul3A_5, %add3A_1493 : vector<16xi32>
    %gather3A_1495 = tpu.vector_load_idx %arg9[%add3A_1494] : memref<272xi32, #tpu.memory_space<vmem>>[vector<16xi32>], vector<16xi32>,
    %add3A_1496 = arith.addi %add3A_1486, %gather3A_1495 : vector<16xi32>
    %add3A_1497 = arith.constant 13 : i32
    %add3A_1498 = vector.broadcast %add3A_1497 : i32 to vector<16xi32>
    %add3A_1499 = arith.addi %mul3A_5, %add3A_1498 : vector<16xi32>
    %gather3A_1500 = tpu.vector_load_idx %arg8[%add3A_1499] : memref<272xf32, #tpu.memory_space<vmem>>[vector<16xi32>], vector<16xf32>,
    %add3A_1501 = arith.addf %add3A_1491, %gather3A_1500 : vector<16xf32>
    %add3A_1502 = arith.constant 13 : i32
    %add3A_1503 = vector.broadcast %add3A_1502 : i32 to vector<16xi32>
    %add3A_1504 = arith.addi %mul3A_5, %add3A_1503 : vector<16xi32>
    %gather3A_1505 = tpu.vector_load_idx %arg9[%add3A_1504] : memref<272xi32, #tpu.memory_space<vmem>>[vector<16xi32>], vector<16xi32>,
    %add3A_1506 = arith.addi %add3A_1496, %gather3A_1505 : vector<16xi32>
    %add3A_1507 = arith.constant 14 : i32
    %add3A_1508 = vector.broadcast %add3A_1507 : i32 to vector<16xi32>
    %add3A_1509 = arith.addi %mul3A_5, %add3A_1508 : vector<16xi32>
    %gather3A_1510 = tpu.vector_load_idx %arg8[%add3A_1509] : memref<272xf32, #tpu.memory_space<vmem>>[vector<16xi32>], vector<16xf32>,
    %add3A_1511 = arith.addf %add3A_1501, %gather3A_1510 : vector<16xf32>
    %add3A_1512 = arith.constant 14 : i32
    %add3A_1513 = vector.broadcast %add3A_1512 : i32 to vector<16xi32>
    %add3A_1514 = arith.addi %mul3A_5, %add3A_1513 : vector<16xi32>
    %gather3A_1515 = tpu.vector_load_idx %arg9[%add3A_1514] : memref<272xi32, #tpu.memory_space<vmem>>[vector<16xi32>], vector<16xi32>,
    %add3A_1516 = arith.addi %add3A_1506, %gather3A_1515 : vector<16xi32>
    %add3A_1517 = arith.constant 15 : i32
    %add3A_1518 = vector.broadcast %add3A_1517 : i32 to vector<16xi32>
    %add3A_1519 = arith.addi %mul3A_5, %add3A_1518 : vector<16xi32>
    %gather3A_1520 = tpu.vector_load_idx %arg8[%add3A_1519] : memref<272xf32, #tpu.memory_space<vmem>>[vector<16xi32>], vector<16xf32>,
    %add3A_1521 = arith.addf %add3A_1511, %gather3A_1520 : vector<16xf32>
    %add3A_1522 = arith.constant 15 : i32
    %add3A_1523 = vector.broadcast %add3A_1522 : i32 to vector<16xi32>
    %add3A_1524 = arith.addi %mul3A_5, %add3A_1523 : vector<16xi32>
    %gather3A_1525 = tpu.vector_load_idx %arg9[%add3A_1524] : memref<272xi32, #tpu.memory_space<vmem>>[vector<16xi32>], vector<16xi32>,
    %add3A_1526 = arith.addi %add3A_1516, %gather3A_1525 : vector<16xi32>
    %convert_element_type3A_1527 = arith.sitofp %add3A_1526 : vector<16xi32> to vector<16xf32>
    %div3A_1528 = arith.divf %add3A_1521, %convert_element_type3A_1527 : vector<16xf32>
    %swap3A_1529 = arith.constant 112 : index
    %swap3A_1530 = tpu.vector_load %arg10[%swap3A_1529] {strides = array<i32>} : memref<128xf32, #tpu.memory_space<vmem>>, vector<16xf32>,
    tpu.vector_store %arg10[%swap3A_1529], %div3A_1528 {strides = array<i32>} : memref<128xf32, #tpu.memory_space<vmem>>, vector<16xf32>,
    "tpu.region"() ({
      %run_scoped3A = tpu.sem_alloc : memref<!tpu.dma_semaphore, #tpu.memory_space<semaphore_mem>>
      %dma_start3A_1531 = tpu.memref_slice %arg4[%mul3A_2] : memref<4096xf32, #tpu.memory_space<hbm>> -> memref<128xf32, #tpu.memory_space<hbm>>
      %dma_start3A_1532 = tpu.memref_slice %arg4[%mul3A_2] : memref<4096xf32, #tpu.memory_space<hbm>> -> memref<128xf32, #tpu.memory_space<hbm>>
      tpu.enqueue_dma source(%arg10 : memref<128xf32, #tpu.memory_space<vmem>>) target(%dma_start3A_1532 : memref<128xf32, #tpu.memory_space<hbm>>) target_semaphore(%run_scoped3A : memref<!tpu.dma_semaphore, #tpu.memory_space<semaphore_mem>>)
      %dma_wait3A = tpu.memref_slice %arg4[%mul3A_2] : memref<4096xf32, #tpu.memory_space<hbm>> -> memref<128xf32, #tpu.memory_space<hbm>>
      %dma_wait3A_1533 = tpu.memref_slice %arg4[%mul3A_2] : memref<4096xf32, #tpu.memory_space<hbm>> -> memref<128xf32, #tpu.memory_space<hbm>>
      tpu.wait_dma2 semaphore(%run_scoped3A : memref<!tpu.dma_semaphore, #tpu.memory_space<semaphore_mem>>) src(%arg10 : memref<128xf32, #tpu.memory_space<vmem>>) dst(%dma_wait3A_1533 : memref<128xf32, #tpu.memory_space<hbm>>)
      tpu.yield
    }) : () -> ()
    return
  }
}

</mosaic_0001>

<sc_bundles>
// kernel: kernel.3.cloned.1.call-start
scs
__scs_entry_jumppad:
0x0: {  	(pc) =	sbr.rel $0x88, $3  }
0x1: {  	(tag) =	ssettag $0x0;
	lr =	simm.s32 $0x1  }
0x2: {  	[smem:$0x3F9E] =	sst lr;
	_ =	strace $0xD0000000  }
0x3: {  	_ = 	snop  }
0x4: {  	_ = 	snop  }
0x5: {  	_ = 	snop  }
0x6: {  	_ = 	snop  }
0x7: {  	_ = 	snop  }
__scs_overlays_trampoline_lowered:
0x8: {  	[smem:$0x3FAD] =	sst s0  }
0x9: {  	[smem:$0x3FAE] =	sst s1  }
0xa: {  	[smem:$0x3FAF] =	sst s2  }
0xb: {  	[smem:$0x3FB0] =	sst s3  }
0xc: {  	[smem:$0x3FB1] =	sst s4  }
0xd: {  	[smem:$0x3FB2] =	sst s5  }
0xe: {  	[smem:$0x3FB3] =	sst s6  }
0xf: {  	[smem:$0x3FB4] =	sst s7  }
0x10: {  	[smem:$0x3FB5] =	sst s8  }
0x11: {  	[smem:$0x3FB6] =	sst s9;
	s0 =	simm.s32 @!p0 $0x0  }
0x12: {  	s1 =	sld [smem:$0x3F9C];
	s0 =	simm.s32 @p0 $0x1  }
0x13: {  	[smem:$0x3FB7] =	sst s0;
	s0 =	simm.s32 @!p1 $0x0  }
0x14: {  	s2 =	sld [smem:$0x3F9B];
	s0 =	simm.s32 @p1 $0x1  }
0x15: {  	[smem:$0x3FB8] =	sst s0;
	s0 =	simm.s32 @!p2 $0x0  }
0x16: {  	s3 =	sld [smem:$0x3FDB];
	s0 =	simm.s32 @p2 $0x1  }
0x17: {  	s4 =	simm.s32 $0x1BF5;
	[smem:$0x3FBA] =	sst s0  }
0x18: {  	s0 =	sld [smem:$0x3F9D];
	_ =	swait.ge [sflag:s4], $0x0  }
0x19: {  	s7 =	sld [smem:$0x3F9E]  }
0x1a: {  	s8 =	sadd.s32 $0xFFFFE003, lr  }
0x1b: {  	s9 =	sadd.s32 $0xFFFFFEF7, lr;
	s5 =	simm.s32 $0xFFFFFFFF;
	p2 =	slt.u32 s8, $0xFFFFF086  }
0x1c: {  	p1 =	slt.u32 s9, $0xF7A;
	s5 =	simm.s32 @!p2 $0x0  }
0x1d: {  	s5 =	simm.s32 @p1 $0x1;
	p0 =	seq.s32 s7, s2  }
0x1e: {  	s7 =	smul.u32 @!p0 $0xF7A, s2;
	p2 =	seq.s32 @!p0 s5, $0x0  }
0x1f: {  	s9 =	smul.u32 $0xF7A, s1;
	s8 =	simm.s32 @!p0 $0x1BF5;
	p2 =	por !p2, p0  }
0x20: {  	[sflag:s8] =	ssyncset.s32 @!p0 $0xFFFFF086;
	s6 =	sadd.s32 @!p0 s3, s7;
	s7 =	simm.s32 @!p0 $0x108  }
0x21: {  	s3 =	sadd.s32 s3, s9;
	s6 =	sadd.s32 @!p0 $0x88, s6;
	s7 =	simm.s32 @p2 $0x1082  }
0x22: {  	[simem:s7], [sflag:s8] =	dma.local @!p0 [hbm:s6], $0xF7A  }
0x23: {  	s9 =	sor.u32 $0xD0000000, s2;
	s6 =	simm.s32 $0x108;
	_ =	swait.ge @!p0 [sflag:s8], $0x0  }
0x24: {  	s3 =	sadd.s32 $0x88, s3;
	s6 =	simm.s32 @!p1 $0x1082;
	[sflag:s4] =	ssyncset.s32 $0xFFFFF086  }
0x25: {  	[simem:s6], [sflag:s4] =	dma.local [hbm:s3], $0xF7A  }
0x26: {  	[smem:$0x3F9E] =	sst s1;
	(tag) =	ssettag s2;
	_ =	strace s9  }
0x27: {  	s1 =	sld [smem:$0x3FAE]  }
0x28: {  	s2 =	sld [smem:$0x3FAF]  }
0x29: {  	s4 =	sld [smem:$0x3FB1]  }
0x2a: {  	p0 =	seq.s32 s5, $0x0;
	s5 =	sld [smem:$0x3FB2]  }
0x2b: {  	s6 =	sld [smem:$0x3FB3]  }
0x2c: {  	s7 =	sld [smem:$0x3FB4]  }
0x2d: {  	s3 =	simm.s32 $0x108;
	s8 =	sld [smem:$0x3FB5]  }
0x2e: {  	s3 =	simm.s32 @!p0 $0x1082;
	s9 =	sld [smem:$0x3FB6]  }
0x2f: {  	lr =	sadd.s32 s0, s3;
	s0 =	sld [smem:$0x3FAD]  }
0x30: {  	s3 =	sld [smem:$0x3FB0]  }
0x31: {  	[smem:$0x3FB9] =	sst s10  }
0x32: {  	s10 =	sld [smem:$0x3FB7];
	_ =	sdelay $0x3  }
0x33: {  	p0 =	seq.s32 s10, $0x1;
	s10 =	sld [smem:$0x3FB9];
	_ =	sdelay $0x3  }
0x34: {  	[smem:$0x3FB9] =	sst s10  }
0x35: {  	s10 =	sld [smem:$0x3FB8];
	_ =	sdelay $0x3  }
0x36: {  	p1 =	seq.s32 s10, $0x1;
	s10 =	sld [smem:$0x3FB9];
	_ =	sdelay $0x3  }
0x37: {  	[smem:$0x3FB9] =	sst s10  }
0x38: {  	s10 =	sld [smem:$0x3FBA]  }
0x39: {  	_ = 	snop;
	(pc) =	sbr.ind lr, $3  }
0x3a: {  	_ = 	snop  }
0x3b: {  	_ = 	snop  }
0x3c: {  	p2 =	seq.s32 s10, $0x1;
	s10 =	sld [smem:$0x3FB9]  }
0x3d: {  	_ =	shalt  }
0x3e: {  	_ =	shalt  }
0x3f: {  	_ =	shalt  }
0x40: {  	_ =	shalt  }
0x41: {  	_ =	shalt  }
0x42: {  	_ =	shalt  }
0x43: {  	_ =	shalt  }
0x44: {  	_ =	shalt  }
0x45: {  	_ =	shalt  }
0x46: {  	_ =	shalt  }
0x47: {  	_ =	shalt  }
0x48: {  	_ =	shalt  }
0x49: {  	_ =	shalt  }
0x4a: {  	_ =	shalt  }
0x4b: {  	_ =	shalt  }
0x4c: {  	_ =	shalt  }
0x4d: {  	_ =	shalt  }
0x4e: {  	_ =	shalt  }
0x4f: {  	_ =	shalt  }
0x50: {  	_ =	shalt  }
0x51: {  	_ =	shalt  }
0x52: {  	_ =	shalt  }
0x53: {  	_ =	shalt  }
0x54: {  	_ =	shalt  }
0x55: {  	_ =	shalt  }
0x56: {  	_ =	shalt  }
0x57: {  	_ =	shalt  }
0x58: {  	_ =	shalt  }
0x59: {  	_ =	shalt  }
0x5a: {  	_ =	shalt  }
0x5b: {  	_ =	shalt  }
0x5c: {  	_ =	shalt  }
0x5d: {  	_ =	shalt  }
0x5e: {  	_ =	shalt  }
0x5f: {  	_ =	shalt  }
0x60: {  	_ =	shalt  }
0x61: {  	_ =	shalt  }
0x62: {  	_ =	shalt  }
0x63: {  	_ =	shalt  }
0x64: {  	_ =	shalt  }
0x65: {  	_ =	shalt  }
0x66: {  	_ =	shalt  }
0x67: {  	_ =	shalt  }
0x68: {  	_ =	shalt  }
0x69: {  	_ =	shalt  }
0x6a: {  	_ =	shalt  }
0x6b: {  	_ =	shalt  }
0x6c: {  	_ =	shalt  }
0x6d: {  	_ =	shalt  }
0x6e: {  	_ =	shalt  }
0x6f: {  	_ =	shalt  }
0x70: {  	_ =	shalt  }
0x71: {  	_ =	shalt  }
0x72: {  	_ =	shalt  }
0x73: {  	_ =	shalt  }
0x74: {  	_ =	shalt  }
0x75: {  	_ =	shalt  }
0x76: {  	_ =	shalt  }
0x77: {  	_ =	shalt  }
0x78: {  	_ =	shalt  }
0x79: {  	_ =	shalt  }
0x7a: {  	_ =	shalt  }
0x7b: {  	_ =	shalt  }
0x7c: {  	_ =	shalt  }
0x7d: {  	_ =	shalt  }
0x7e: {  	_ =	shalt  }
0x7f: {  	_ =	shalt  }
0x80: {  	_ =	shalt  }
0x81: {  	_ =	shalt  }
0x82: {  	_ =	shalt  }
0x83: {  	_ =	shalt  }
0x84: {  	_ =	shalt  }
0x85: {  	_ =	shalt  }
0x86: {  	_ =	shalt  }
0x87: {  	_ =	shalt  }
.Lfunc_end0:
.L_simem_size_0:
called_computation.1_lowered:
.L_overlay_start_0:
0x88: {  	s2 =	sld [smem:$0x3FD9]  }
0x89: {  	s3 =	sld [smem:$0x3FFE];
	_ =	sdelay $0x1  }
0x8a: {  	s1 =	srdreg.scid  }
0x8b: {  	s0 =	sand.u32 $0x1, s1  }
0x8c: {  	s17 =	sshll.u32 s0, $0xA;
	s2 =	sadd.s32 s3, s2  }
0x8d: {  	s2 =	sadd.s32 s2, s17  }
0x8e: {  	[smem:$0x3FC5] =	sst s2  }
0x8f: {  	_ = 	snop  }
0x90: {  	s2 =	sld [smem:$0x3FD0];
	(tm) =	ssettm $0x1  }
0x91: {  	s18 =	sld [smem:$0x3FFB];
	_ =	sdelay $0x3  }
0x92: {  	_ =	strace s18  }
0x93: {  	s3 =	sld [smem:$0x3FFC];
	_ =	sdelay $0x3  }
0x94: {  	_ =	strace s3  }
0x95: {  	s3 =	sld [smem:$0x3FFD];
	_ =	sdelay $0x3  }
0x96: {  	_ =	strace s3  }
0x97: {  	_ =	strace $0x8FFFFFFF  }
0x98: {  	s19 =	sld [smem:$0x3FDB];
	_ =	sdelay $0x1  }
0x99: {  	s4 =	simm.s32 $_scs_section_size  }
0x9a: {  	s5 =	simm.s32 $_size__tile_overlayer_lowered;
	s6 =	simm.s32 $_tile_overlayer_lowered  }
0x9b: {  	s22 =	simm.s32 $0x1BFF;
	s21 =	sshll.u32 s6, $0x1;
	s3 =	sadd.s32 s4, s19  }
0x9c: {  	s7 =	simm.s32 $0x0;
	s20 =	sshll.u32 s5, $0x1;
	s5 =	sadd.s32 s21, s3  }
0x9d: {  	[timem:s7], [sflag:s22] =	dma.local [hbm:s5], s20  }
0x9e: {  	_ =	swait.ge [sflag:s22], s20  }
0x9f: {  	s4 =	ssub.s32 $0x0, s20;
	[sflag:s22] =	ssyncset.done $0x0  }
0xa0: {  	[sflag:s22] =	ssyncadd.s32 s4;
	_ =	sdelay $0x1  }
0xa1: {  	s23 =	simm.s32 $0x1B8B  }
0xa2: {  	_ =	swait.ge [sflag:s23], $0x1  }
0xa3: {  	[sflag:s23] =	ssyncset.done $0x0  }
0xa4: {  	s25 =	simm.s32 $0x1B8E;
	s24 =	sld [smem:$0x3FFE];
	[sflag:s23] =	ssyncadd.s32 $0xFFFFFFFF  }
0xa5: {  	s26 =	simm.s32 $execute0_lowered;
	[smem:$0x3FD2] =	sst s25  }
0xa6: {  	s5 =	sshll.u32 s26, $0x1;
	_ =	strace $0x80000049;
	[dreg:$0x1] =	wrdreg $0xFFFFFFFF  }
0xa7: {  	s28 =	simm.s32 $_size_execute0_lowered;
	s3 =	sadd.s32 s3, s5;
	[dreg:$0x0] =	wrdreg $0x0  }
0xa8: {  	s5 =	sshll.u32 s28, $0x1;
	[dreg:$0x2] =	wrdreg s3  }
0xa9: {  	[dreg:$0x3] =	wrdreg s5  }
0xaa: {  	[dreg:$0x4] =	wrdreg $0xC0  }
0xab: {  	_ =	task [dreg:s7], $0x5FFFF  }
0xac: {  	[dreg:$0x1] =	wrdreg $0xFFFFFFFF  }
0xad: {  	[dreg:$0x0] =	wrdreg $0x60  }
0xae: {  	[dreg:$0x2] =	wrdreg s24  }
0xaf: {  	[dreg:$0x3] =	wrdreg s2  }
0xb0: {  	[dreg:$0x4] =	wrdreg $0x9  }
0xb1: {  	_ =	task.clear_ibuf [dreg:s7], $0x5FFFF;
	_ =	strace $0x90000049  }
0xb2: {  	s29 =	simm.s32 $0x9;
	_ =	strace $0x8000004B  }
0xb3: {  	_ =	swait.ge [sflag:s29], $0x1  }
0xb4: {  	[sflag:s29] =	ssyncadd.s32 $0xFFFFFFFF  }
0xb5: {  	_ =	strace $0x9000004B  }
0xb6: {  	_ =	sfence  }
0xb7: {  	s30 =	sld [smem:$0x0];
	_ =	sdelay $0x2  }
0xb8: {  	s31 =	sshll.u32 s1, $0xD;
	s1 =	sshrl.u32 s1, $0x2  }
0xb9: {  	s3 =	sand.u32 $0x4000, s31;
	s1 =	sadd.s32 s1, s30  }
0xba: {  	s0 =	sor.u32 s3, s0;
	s1 =	sshll.u32 s1, $0x11  }
0xbb: {  	s0 =	sor.u32 s1, s0  }
0xbc: {  	s0 =	sadd.s32 $0x8F2B, s0  }
0xbd: {  	[sflag:s0] =	ssyncadd.remote.s32 $0x1  }
0xbe: {  	_ =	sfence.sel $0xFFFF  }
0xbf: {  	[dreg:$0x0] =	wrdreg $0xFFFFFFFF;
	(pc) =	sbr.abs _section_cstart, $3  }
0xc0: {  	[dreg:$0x1] =	wrdreg $0xFFFFFFFF  }
0xc1: {  	_ =	task.clear_ibuf [dreg:s7], $0x2FFFF;
	_ =	strace $0x9FFFFFFF  }
0xc2: {  	(tm) =	ssettm $0x7FFFFFFF  }
0xc3: {  	_ =	shalt  }
tec
execute0_lowered:
.L_overlay_start_1:
0x0: {  	(tag) =	ssettag $0x1  }
0x1: {  	s0 =	rddreg [dreg:$0x0]  }
0x2: {  	s1 =	rddreg [dreg:$0x1]  }
0x3: {  	s3 =	srdreg.scid;
	s4 =	stileid.u32;
	s2 =	simm.s32 $0x0  }
0x4: {  	s31 =	simm.s32 $0x3;
	s3 =	sand.u32 $0x1, s3;
	s4 =	sshll.u32 s4, $0x1  }
0x5: {  	[smem:$0x7FF] =	sst s2;
	s20 =	sadd.s32 $0x100A00, s0;
	s28 =	sadd.s32 $0x6A00, s0  }
0x6: {  	s29 =	sadd.s32 $0x7A00, s0;
	s5 =	sor.u32 s3, s4;
	s3 =	ssub.s32 $0x2, s3  }
0x7: {  	_ =	strace $0x8000004A;
	s4 =	sshll.u32 s5, $0xF;
	s21 =	sshrl.u32 s3, $0x1  }
0x8: {  	[dreg:$0x3] =	wrdreg s20;
	s6 =	sadd.s32 s4, s0;
	s3 =	ssub.s32 s3, s21  }
0x9: {  	s4 =	sshll.u32 s5, $0x12;
	s5 =	sshll.u32 s5, $0x4;
	s21 =	sadd.s32 $0x1A00, s0  }
0xa: {  	s7 =	sadd.s32 $0xA00, s6;
	s22 =	sadd.s32 $0xB00, s6;
	s23 =	sadd.s32 $0xC00, s6  }
0xb: {  	s24 =	sadd.s32 $0xD00, s6;
	s25 =	sadd.s32 $0xE00, s6;
	s26 =	sadd.s32 $0xF00, s6  }
0xc: {  	s11 =	sadd.s32 $0x1000, s6;
	s12 =	sadd.s32 $0x1100, s6;
	s13 =	sadd.s32 $0x1200, s6  }
0xd: {  	v0 =	vlaneseq.u32;
	s14 =	sadd.s32 $0x1300, s6;
	s15 =	sadd.s32 $0x1400, s6;
	[dreg:$0x4] =	wrdreg s7  }
0xe: {  	v1 =	vmul.u32 $0x11, v0;
	s16 =	sadd.s32 $0x1500, s6;
	s17 =	sadd.s32 $0x1600, s6;
	[dreg:$0x5] =	wrdreg s22  }
0xf: {  	s18 =	sadd.s32 $0x1700, s6;
	s19 =	sadd.s32 $0x1800, s6;
	[dreg:$0x6] =	wrdreg s23  }
0x10: {  	v2 =	vadd.s32 $0x1, v1;
	v3 =	vadd.s32 $0x2, v1;
	v4 =	vadd.s32 $0x3, v1;
	s20 =	sadd.s32 $0x1900, s6;
	s30 =	smax.u32 s3, $0x1;
	[dreg:$0x7] =	wrdreg s24  }
0x11: {  	v5 =	vadd.s32 $0x4, v1;
	v6 =	vadd.s32 $0x5, v1;
	v7 =	vadd.s32 $0x6, v1;
	s3 =	simm.s32 $0x10680;
	s6 =	simm.s32 $0x0;
	[dreg:$0x8] =	wrdreg s25  }
0x12: {  	v8 =	vadd.s32 $0x7, v1;
	v9 =	vadd.s32 $0x8, v1;
	v10 =	vadd.s32 $0x9, v1;
	[dreg:$0x9] =	wrdreg s26;
	s22 =	sadd.s32 s1, s5;
	s23 =	sadd.s32 $0x2A00, s0  }
0x13: {  	v11 =	vadd.s32 $0xA, v1;
	v12 =	vadd.s32 $0xB, v1;
	v13 =	vadd.s32 $0xC, v1;
	s24 =	sadd.s32 $0x3A00, s0;
	s25 =	sadd.s32 $0x4A00, s0;
	s26 =	sadd.s32 $0x5A00, s0  }
0x14: {  	v14 =	vadd.s32 $0xD, v1;
	v15 =	vadd.s32 $0xE, v1;
	v16 =	vadd.s32 $0xF, v1;
	s0 =	simm.s32 $0x1;
	s1 =	simm.s32 $0x10500;
	s5 =	simm.s32 $0x2  }
.LBB2_1:
0x15: {  	s7 =	rddreg [dreg:$0x3]  }
0x16: {  	[tilespmem:s2], [sflag:$0x3] =	stream.linear.gather [hbm4b:s7+s2], $0x500, $0x38;
	[tilespmem:$0x10880] =	vst v63  }
0x17: {  	_ =	swait.ge [sflag:s31], $0x500  }
0x18: {  	[sflag:s31] =	ssyncset.done $0x0  }
0x19: {  	s8 =	simm.s32 $0x500;
	s10 =	rddreg [dreg:$0x4];
	[sflag:s31] =	ssyncadd.s32 $0xFFFFFB00  }
0x1a: {  	[tilespmem:s8], [sflag:$0x1] =	stream.linear.gather [hbm4b:s10+s2], $0x800, $0x38;
	[tilespmem:$0x10880] =	vst v63  }
0x1b: {  	s9 =	rddreg [dreg:$0x5];
	s10 =	simm.s32 $0xD00  }
0x1c: {  	[tilespmem:s10], [sflag:$0x1] =	stream.linear.gather [hbm4b:s9+s2], $0x800, $0x38;
	[tilespmem:$0x10880] =	vst v63  }
0x1d: {  	s9 =	rddreg [dreg:$0x6];
	s10 =	simm.s32 $0x1500  }
0x1e: {  	[tilespmem:s10], [sflag:$0x1] =	stream.linear.gather [hbm4b:s9+s2], $0x800, $0x38;
	[tilespmem:$0x10880] =	vst v63  }
0x1f: {  	s9 =	rddreg [dreg:$0x7];
	s10 =	simm.s32 $0x1D00  }
0x20: {  	[tilespmem:s10], [sflag:$0x1] =	stream.linear.gather [hbm4b:s9+s2], $0x800, $0x38;
	[tilespmem:$0x10880] =	vst v63  }
0x21: {  	s9 =	rddreg [dreg:$0x8];
	s10 =	simm.s32 $0x2500  }
0x22: {  	[tilespmem:s10], [sflag:$0x1] =	stream.linear.gather [hbm4b:s9+s2], $0x800, $0x38;
	[tilespmem:$0x10880] =	vst v63  }
0x23: {  	s8 =	rddreg [dreg:$0x9];
	s9 =	simm.s32 $0x2D00  }
0x24: {  	[tilespmem:s9], [sflag:$0x1] =	stream.linear.gather [hbm4b:s8+s2], $0x800, $0x38;
	[tilespmem:$0x10880] =	vst v63  }
0x25: {  	s10 =	simm.s32 $0x3500  }
0x26: {  	[tilespmem:s10], [sflag:$0x1] =	stream.linear.gather [hbm4b:s11+s2], $0x800, $0x38;
	[tilespmem:$0x10880] =	vst v63  }
0x27: {  	s8 =	simm.s32 $0x3D00  }
0x28: {  	[tilespmem:s8], [sflag:$0x1] =	stream.linear.gather [hbm4b:s12+s2], $0x800, $0x38;
	[tilespmem:$0x10880] =	vst v63  }
0x29: {  	s9 =	simm.s32 $0x4500  }
0x2a: {  	[tilespmem:s9], [sflag:$0x1] =	stream.linear.gather [hbm4b:s13+s2], $0x800, $0x38;
	[tilespmem:$0x10880] =	vst v63  }
0x2b: {  	s10 =	simm.s32 $0x4D00  }
0x2c: {  	[tilespmem:s10], [sflag:$0x1] =	stream.linear.gather [hbm4b:s14+s2], $0x800, $0x38;
	[tilespmem:$0x10880] =	vst v63  }
0x2d: {  	s8 =	simm.s32 $0x5500  }
0x2e: {  	[tilespmem:s8], [sflag:$0x1] =	stream.linear.gather [hbm4b:s15+s2], $0x800, $0x38;
	[tilespmem:$0x10880] =	vst v63  }
0x2f: {  	s9 =	simm.s32 $0x5D00  }
0x30: {  	[tilespmem:s9], [sflag:$0x1] =	stream.linear.gather [hbm4b:s16+s2], $0x800, $0x38;
	[tilespmem:$0x10880] =	vst v63  }
0x31: {  	s10 =	simm.s32 $0x6500  }
0x32: {  	[tilespmem:s10], [sflag:$0x1] =	stream.linear.gather [hbm4b:s17+s2], $0x800, $0x38;
	[tilespmem:$0x10880] =	vst v63  }
0x33: {  	s8 =	simm.s32 $0x6D00  }
0x34: {  	[tilespmem:s8], [sflag:$0x1] =	stream.linear.gather [hbm4b:s18+s2], $0x800, $0x38;
	[tilespmem:$0x10880] =	vst v63  }
0x35: {  	s9 =	simm.s32 $0x7500  }
0x36: {  	[tilespmem:s9], [sflag:$0x1] =	stream.linear.gather [hbm4b:s19+s2], $0x800, $0x38;
	[tilespmem:$0x10880] =	vst v63  }
0x37: {  	s7 =	simm.s32 $0x580;
	s10 =	simm.s32 $0x7D00;
	s8 =	simm.s32 $0x0  }
0x38: {  	[tilespmem:s10], [sflag:$0x1] =	stream.linear.gather [hbm4b:s20+s2], $0x800, $0x38;
	[tilespmem:$0x10880] =	vst v63  }
.LBB2_2:
0x39: {  	s9 =	sshll.u32 s8, $0xB  }
0x3a: {  	_ =	swait.ge [sflag:s0], $0x800;
	s10 =	sor.u32 s4, s9  }
0x3b: {  	[sflag:s0] =	ssyncset.done $0x0;
	s10 =	sshrl.u32 s10, $0x3  }
0x3c: {  	s9 =	sadd.s32 $0x8500, s9;
	[sflag:s0] =	ssyncadd.s32 $0xFFFFF800;
	s10 =	sadd.s32 s10, s21  }
0x3d: {  	[tilespmem:s9], [sflag:$0x2] =	stream.linear.gather [hbm4b:s10+s2], $0x800, $0x38;
	[tilespmem:$0x10880] =	vst v63  }
0x3e: {  	v18 =	vld [tilespmem:s7+$0x10]  }
0x3f: {  	v20 =	vld [tilespmem:s7+$0xFFFFFFA0]  }
0x40: {  	v23 =	vld [tilespmem:s7+$0xFFFFFFB0]  }
0x41: {  	v22 =	vld [tilespmem:s7+$0xFFFFFF80]  }
0x42: {  	v19 =	vld [tilespmem:s7+$0xFFFFFFC0]  }
0x43: {  	v25 =	vld [tilespmem:s7+$0xFFFFFFE0]  }
0x44: {  	v28 =	vld [tilespmem:s7+$0x30]  }
0x45: {  	v40 =	vld [tilespmem:s7+$0x40]  }
0x46: {  	v33 =	vimm.f32 $0.0e+00;
	v56 =	vld [tilespmem:s7+$0x50]  }
0x47: {  	v17 =	vimm.s32 $0x0;
	v42 =	vld [tilespmem:s7+$0x70];
	v24 =	vshll.u32 v18, $0x4;
	v18 =	vadd.s32 $0x3F, v18  }
0x48: {  	v29 =	vshll.u32 v22, $0x4;
	v31 =	vadd.s32 $0x3F, v20;
	v32 =	vadd.s32 $0x3F, v19  }
0x49: {  	v21 =	vld [tilespmem:s7+$0xFFFFFFF0];
	v35 =	vshll.u32 v25, $0x4;
	v36 =	vshll.u32 v23, $0x4;
	v20 =	vshll.u32 v20, $0x4  }
0x4a: {  	v39 =	vshll.u32 v28, $0x4;
	v28 =	vadd.s32 $0x3F, v28;
	v22 =	vadd.s32 $0x3F, v22  }
0x4b: {  	v50 =	vadd.s32 $0x3F, v25;
	v57 =	vshll.u32 v40, $0x4;
	v58 =	vadd.s32 $0x3F, v56  }
0x4c: {  	v26 =	vld [tilespmem:s7+$0x0];
	v23 =	vadd.s32 $0x3F, v23;
	v59 =	vshll.u32 v42, $0x4;
	v36 =	vor.u32 v0, v36  }
0x4d: {  	v30 =	vld [tilespmem:s7+$0xFFFFFF90];
	v53 =	vshll.u32 v56, $0x4;
	v60 =	vadd.s32 $0x3F, v42;
	v35 =	vor.u32 v0, v35  }
0x4e: {  	v34 =	vld [tilespmem:s7+$0xFFFFFFD0];
	v27 =	vor.u32 v0, v24;
	v24 =	vadd.s32 $0x3F, v21;
	v39 =	vor.u32 v0, v39  }
0x4f: {  	v37 =	vld [tilespmem:s7+$0x60];
	v18 =	vshra.s32 v18, $0x6;
	v21 =	vshll.u32 v21, $0x4;
	v61 =	vor.u32 v0, v59  }
0x50: {  	v38 =	vshra.s32 v24, $0x6;
	v24 =	vor.u32 v0, v29;
	v29 =	vshll.u32 v19, $0x4;
	v19 =	vld [tilespmem:s7+$0x20]  }
0x51: {  	v48 =	vshra.s32 v22, $0x6;
	v22 =	vshra.s32 v31, $0x6;
	v55 =	vor.u32 v0, v21;
	v31 =	vld.idx.msk [tilespmem:v36+s2+$0x0], $0xffff  }
0x52: {  	v41 =	vshra.s32 v32, $0x6;
	v21 =	vshll.u32 v30, $0x4;
	v29 =	vor.u32 v0, v29;
	v35 =	vld.idx.msk [tilespmem:v35+s2+$0x0], $0xffff  }
0x53: {  	v23 =	vshra.s32 v23, $0x6;
	v62 =	vadd.s32 v17, v48;
	v43 =	vor.u32 v0, v21;
	v39 =	vld.idx.msk [tilespmem:v39+s2+$0x0], $0xffff  }
0x54: {  	v20 =	vor.u32 v0, v20;
	v63 =	vadd.s32 v17, v23;
	v23 =	vadd.s32 v41, v62;
	v41 =	vld.idx.msk [tilespmem:v61+s2+$0x0], $0xffff  }
0x55: {  	v46 =	vshra.s32 v28, $0x6;
	v28 =	vadd.s32 $0x3F, v34;
	v44 =	vld.idx.msk [tilespmem:v24+s2+$0x0], $0xffff;
	v24 =	vshll.u32 v34, $0x4  }
0x56: {  	v51 =	vor.u32 v0, v57;
	v21 =	vshll.u32 v26, $0x4;
	v52 =	vld.idx.msk [tilespmem:v55+s2+$0x0], $0xffff;
	v47 =	vor.u32 v0, v24  }
0x57: {  	v49 =	vld.idx.msk [tilespmem:v29+s2+$0x0], $0xffff;
	v24 =	vadd.s32 v17, v22;
	v22 =	vshra.s32 v28, $0x6;
	v28 =	vor.u32 v0, v21  }
0x58: {  	v42 =	vor.u32 v0, v53;
	v30 =	vadd.s32 $0x3F, v30;
	v29 =	vshll.u32 v37, $0x4;
	v43 =	vld.idx.msk [tilespmem:v43+s2+$0x0], $0xffff  }
0x59: {  	v26 =	vadd.s32 $0x3F, v26;
	v45 =	vshll.u32 v19, $0x4;
	v25 =	vor.u32 v0, v29;
	v29 =	vld.idx.msk [tilespmem:v20+s2+$0x0], $0xffff  }
0x5a: {  	v26 =	vshra.s32 v26, $0x6;
	v34 =	vshra.s32 v30, $0x6;
	v21 =	vld.idx.msk [tilespmem:v27+s2+$0x0], $0xffff;
	v45 =	vor.u32 v0, v45  }
0x5b: {  	v30 =	vshra.s32 v58, $0x6;
	v27 =	vadd.s32 $0x3F, v37;
	v54 =	vadd.f32 v31, v33;
	v31 =	vld.idx.msk [tilespmem:v51+s2+$0x0], $0xffff  }
0x5c: {  	v37 =	vshra.s32 v50, $0x6;
	v20 =	vshra.s32 v27, $0x6;
	v27 =	vadd.s32 $0x3F, v40;
	v28 =	vld.idx.msk [tilespmem:v28+s2+$0x0], $0xffff  }
0x5d: {  	v27 =	vshra.s32 v27, $0x6;
	v44 =	vadd.f32 v44, v33;
	v32 =	vld.idx.msk [tilespmem:v47+s2+$0x0], $0xffff;
	v40 =	vadd.f32 v43, v33  }
0x5e: {  	v43 =	vadd.f32 v52, v54;
	v25 =	vld.idx.msk [tilespmem:v25+s2+$0x0], $0xffff;
	v36 =	vadd.f32 v29, v33;
	v33 =	vadd.s32 v38, v63  }
0x5f: {  	s9 =	simm.s32 $0x0;
	s10 =	sadd.s32 $0x100, s7;
	v29 =	vshra.s32 v60, $0x6;
	v38 =	vld.idx.msk [tilespmem:v45+s2+$0x0], $0xffff;
	v44 =	vadd.f32 v49, v44;
	v33 =	vadd.s32 v46, v33  }
.LBB2_3:
0x60: {  	v45 =	vld [tilespmem:s10+$0x10];
	s9 =	sadd.s32 $0x4, s9;
	v17 =	vadd.s32 v17, v34;
	v24 =	vadd.s32 v37, v24;
	v23 =	vadd.s32 v26, v23  }
0x61: {  	v26 =	vld [tilespmem:s10+$0xFFFFFFA0];
	p0 =	slt.u32 s9, $0x1C;
	v17 =	vadd.s32 v22, v17;
	v22 =	vadd.f32 v35, v36;
	v23 =	vadd.s32 v27, v23  }
0x62: {  	v32 =	vadd.f32 v32, v40;
	v28 =	vadd.f32 v28, v44;
	v27 =	vld [tilespmem:s10+$0xFFFFFFB0];
	v17 =	vadd.s32 v18, v17  }
0x63: {  	v18 =	vadd.s32 $0x3F, v19;
	v19 =	vadd.f32 v39, v43;
	v34 =	vld.idx.msk [tilespmem:v42+s2+$0x0], $0xffff;
	v17 =	vadd.s32 v30, v17  }
0x64: {  	v21 =	vadd.f32 v21, v32;
	v22 =	vadd.f32 v38, v22;
	v18 =	vshra.s32 v18, $0x6;
	v30 =	vld [tilespmem:s10+$0xFFFFFFF0]  }
0x65: {  	v33 =	vadd.s32 v29, v33;
	v18 =	vadd.s32 v18, v24;
	v35 =	vadd.f32 v41, v19;
	v32 =	vld [tilespmem:s10+$0xFFFFFF80]  }
0x66: {  	v29 =	vadd.f32 v31, v28;
	v31 =	vadd.f32 v25, v22;
	v20 =	vadd.s32 v20, v18;
	v19 =	vld [tilespmem:s10+$0xFFFFFFC0]  }
0x67: {  	v18 =	vshll.u32 v45, $0x4;
	v22 =	vadd.s32 $0x3F, v45;
	v25 =	vld [tilespmem:s10+$0xFFFFFFE0]  }
0x68: {  	v36 =	vor.u32 v0, v18;
	v28 =	vld [tilespmem:s10+$0x0]  }
0x69: {  	v18 =	vshra.s32 v22, $0x6;
	v38 =	vadd.f32 v34, v21;
	v24 =	vadd.s32 $0x3F, v30;
	v22 =	vld [tilespmem:s10+$0x30]  }
0x6a: {  	v37 =	vadd.s32 $0x3F, v26;
	v21 =	vshll.u32 v32, $0x4;
	v34 =	vld [tilespmem:s10+$0xFFFFFF90];
	v41 =	vshra.s32 v24, $0x6  }
0x6b: {  	v21 =	vor.u32 v0, v21;
	v24 =	vshll.u32 v19, $0x4;
	v39 =	vadd.s32 $0x3F, v19;
	v19 =	vld [tilespmem:s10+$0x20]  }
0x6c: {  	v30 =	vshll.u32 v30, $0x4;
	v24 =	vor.u32 v0, v24;
	v40 =	vld [tilespmem:s10+$0xFFFFFFD0];
	v42 =	vshll.u32 v25, $0x4  }
0x6d: {  	v43 =	vshll.u32 v27, $0x4;
	v30 =	vor.u32 v0, v30;
	v44 =	vshra.s32 v39, $0x6;
	v39 =	vld [tilespmem:s10+$0x60]  }
0x6e: {  	v26 =	vshll.u32 v26, $0x4;
	v43 =	vor.u32 v0, v43;
	v45 =	vshll.u32 v22, $0x4;
	v46 =	vld [tilespmem:s10+$0x40]  }
0x6f: {  	v26 =	vor.u32 v0, v26;
	v22 =	vadd.s32 $0x3F, v22;
	v47 =	vshll.u32 v34, $0x4;
	v48 =	vld [tilespmem:s10+$0x70]  }
0x70: {  	v49 =	vld.idx.msk [tilespmem:v21+s2+$0x0], $0xffff;
	v21 =	vadd.s32 $0x3F, v32;
	v32 =	vor.u32 v0, v47;
	v47 =	vshll.u32 v28, $0x4  }
0x71: {  	v52 =	vshra.s32 v22, $0x6;
	v51 =	vshll.u32 v19, $0x4;
	v50 =	vshll.u32 v40, $0x4  }
0x72: {  	v22 =	vadd.s32 $0x3F, v40;
	v40 =	vor.u32 v0, v42;
	v50 =	vor.u32 v0, v50;
	v42 =	vld [tilespmem:s10+$0x50]  }
0x73: {  	v53 =	vshra.s32 v21, $0x6;
	v21 =	vshra.s32 v37, $0x6;
	v37 =	vshll.u32 v39, $0x4;
	v54 =	vld.idx.msk [tilespmem:v24+s2+$0x0], $0xffff  }
0x74: {  	v47 =	vor.u32 v0, v47;
	v22 =	vshra.s32 v22, $0x6;
	v24 =	vadd.s32 v20, v21;
	v21 =	vld.idx.msk [tilespmem:v36+s2+$0x0], $0xffff  }
0x75: {  	v20 =	vadd.s32 $0x3F, v39;
	v36 =	vld.idx.msk [tilespmem:v43+s2+$0x0], $0xffff;
	v43 =	vadd.s32 $0x3F, v25;
	v25 =	vor.u32 v0, v37  }
0x76: {  	v20 =	vshra.s32 v20, $0x6;
	v37 =	vld.idx.msk [tilespmem:v26+s2+$0x0], $0xffff;
	v26 =	vadd.s32 $0x3F, v28;
	v28 =	vshll.u32 v46, $0x4  }
0x77: {  	v34 =	vadd.s32 $0x3F, v34;
	v39 =	vld.idx.msk [tilespmem:v32+s2+$0x0], $0xffff;
	v26 =	vshra.s32 v26, $0x6;
	v55 =	vor.u32 v0, v28  }
0x78: {  	v51 =	vor.u32 v0, v51;
	v56 =	vld.idx.msk [tilespmem:v30+s2+$0x0], $0xffff;
	v30 =	vadd.s32 $0x3F, v46;
	v46 =	vadd.s32 $0x3F, v42  }
0x79: {  	v57 =	vadd.s32 $0x3F, v27;
	v45 =	vor.u32 v0, v45;
	v28 =	vld.idx.msk [tilespmem:v47+s2+$0x0], $0xffff;
	v47 =	vshll.u32 v48, $0x4  }
0x7a: {  	v42 =	vshll.u32 v42, $0x4;
	v27 =	vshra.s32 v30, $0x6;
	v48 =	vadd.s32 $0x3F, v48;
	v25 =	vld.idx.msk [tilespmem:v25+s2+$0x0], $0xffff  }
0x7b: {  	v49 =	vadd.f32 v49, v29;
	v58 =	vadd.f32 v36, v35;
	v47 =	vor.u32 v0, v47;
	v32 =	vld.idx.msk [tilespmem:v50+s2+$0x0], $0xffff  }
.Ltmp0:
0x7c: {  	v34 =	vshra.s32 v34, $0x6;
	v30 =	vshra.s32 v46, $0x6;
	v50 =	vshra.s32 v57, $0x6;
	v35 =	vld.idx.msk [tilespmem:v40+s2+$0x0], $0xffff;
	(pc) =	sbr.rel @p0 .LBB2_3-.Ltmp0, $4  }
0x7d: {  	v29 =	vshra.s32 v48, $0x6;
	v36 =	vadd.f32 v37, v31;
	v37 =	vshra.s32 v43, $0x6;
	v31 =	vld.idx.msk [tilespmem:v55+s2+$0x0], $0xffff  }
0x7e: {  	v23 =	vadd.s32 v23, v53;
	v40 =	vadd.f32 v39, v38;
	v33 =	vadd.s32 v33, v50;
	v39 =	vld.idx.msk [tilespmem:v45+s2+$0x0], $0xffff  }
0x7f: {  	v23 =	vadd.s32 v44, v23;
	v42 =	vor.u32 v0, v42;
	v33 =	vadd.s32 v41, v33;
	v38 =	vld.idx.msk [tilespmem:v51+s2+$0x0], $0xffff  }
0x80: {  	s10 =	sadd.s32 $0x100, s10;
	v44 =	vadd.f32 v54, v49;
	v43 =	vadd.f32 v56, v58;
	v33 =	vadd.s32 v52, v33;
	v41 =	vld.idx.msk [tilespmem:v47+s2+$0x0], $0xffff  }
0x81: {  	_ =	sdelay $0x2  }
0x82: {  	v35 =	vadd.f32 v35, v36  }
0x83: {  	v42 =	vld.idx.msk [tilespmem:v42+s2+$0x0], $0xffff;
	v32 =	vadd.f32 v32, v40;
	v17 =	vadd.s32 v17, v34;
	v24 =	vadd.s32 v37, v24  }
0x84: {  	v23 =	vadd.s32 v26, v23;
	v28 =	vadd.f32 v28, v44;
	v17 =	vadd.s32 v22, v17  }
0x85: {  	v62 =	vadd.s32 v27, v23;
	v57 =	vadd.f32 v39, v43;
	v21 =	vadd.f32 v21, v32  }
0x86: {  	v17 =	vadd.s32 v18, v17;
	v18 =	vadd.s32 $0x3F, v19;
	v58 =	vadd.f32 v38, v35  }
0x87: {  	v28 =	vadd.f32 v31, v28;
	v18 =	vshra.s32 v18, $0x6;
	v59 =	vadd.f32 v41, v57  }
0x88: {  	s9 =	smul.u32 $0x11, s8;
	s8 =	sadd.s32 $0x1, s8;
	v17 =	vadd.s32 v30, v17;
	v60 =	vadd.f32 v25, v58;
	v21 =	vadd.f32 v42, v21  }
0x89: {  	p0 =	sne.s32 s8, $0x10;
	v18 =	vadd.s32 v18, v24;
	v17 =	vadd.s32 v62, v17  }
.Ltmp1:
0x8a: {  	v18 =	vadd.s32 v20, v18;
	v19 =	vadd.f32 v21, v28;
	v61 =	vadd.f32 v59, v60;
	(pc) =	sbr.rel @p0 .LBB2_2-.Ltmp1, $4  }
0x8b: {  	v63 =	vadd.s32 v29, v33;
	v17 =	vadd.s32 v18, v17  }
0x8c: {  	v17 =	vadd.s32 v63, v17;
	v19 =	vadd.f32 v61, v19  }
0x8d: {  	[tilespmem:s9+$0x10680] =	vst v17  }
0x8e: {  	s7 =	sadd.s32 $0x800, s7;
	[tilespmem:s9+$0x10500] =	vst v19  }
0x8f: {  	_ =	sdelay $0x3  }
0x90: {  	v17 =	vld.idx.msk [tilespmem:v1+s1+$0x0], $0xffff  }
0x91: {  	v18 =	vld.idx.msk [tilespmem:v1+s3+$0x0], $0xffff  }
0x92: {  	v19 =	vld.idx.msk [tilespmem:v2+s1+$0x0], $0xffff  }
0x93: {  	v20 =	vld.idx.msk [tilespmem:v2+s3+$0x0], $0xffff  }
0x94: {  	v21 =	vld.idx.msk [tilespmem:v3+s1+$0x0], $0xffff  }
0x95: {  	v22 =	vld.idx.msk [tilespmem:v3+s3+$0x0], $0xffff  }
0x96: {  	v23 =	vld.idx.msk [tilespmem:v4+s1+$0x0], $0xffff  }
0x97: {  	v24 =	vld.idx.msk [tilespmem:v4+s3+$0x0], $0xffff  }
0x98: {  	v25 =	vld.idx.msk [tilespmem:v5+s1+$0x0], $0xffff  }
0x99: {  	v26 =	vld.idx.msk [tilespmem:v5+s3+$0x0], $0xffff  }
0x9a: {  	v27 =	vld.idx.msk [tilespmem:v6+s1+$0x0], $0xffff  }
0x9b: {  	v28 =	vld.idx.msk [tilespmem:v6+s3+$0x0], $0xffff;
	v17 =	vadd.f32 $0.0e+00, v17  }
0x9c: {  	v29 =	vld.idx.msk [tilespmem:v7+s1+$0x0], $0xffff  }
0x9d: {  	v30 =	vld.idx.msk [tilespmem:v8+s1+$0x0], $0xffff;
	v17 =	vadd.f32 v19, v17  }
0x9e: {  	v51 =	vld.idx.msk [tilespmem:v8+s3+$0x0], $0xffff  }
0x9f: {  	v52 =	vld.idx.msk [tilespmem:v9+s1+$0x0], $0xffff;
	v17 =	vadd.f32 v21, v17  }
0xa0: {  	v18 =	vadd.s32 v18, v20;
	v19 =	vld.idx.msk [tilespmem:v7+s3+$0x0], $0xffff  }
0xa1: {  	v53 =	vld.idx.msk [tilespmem:v9+s3+$0x0], $0xffff;
	v18 =	vadd.s32 v22, v18;
	v17 =	vadd.f32 v23, v17  }
0xa2: {  	v54 =	vld.idx.msk [tilespmem:v10+s1+$0x0], $0xffff;
	v18 =	vadd.s32 v24, v18  }
0xa3: {  	v55 =	vld.idx.msk [tilespmem:v10+s3+$0x0], $0xffff;
	v18 =	vadd.s32 v26, v18;
	v17 =	vadd.f32 v25, v17  }
0xa4: {  	v56 =	vld.idx.msk [tilespmem:v11+s3+$0x0], $0xffff;
	v18 =	vadd.s32 v28, v18  }
0xa5: {  	v18 =	vadd.s32 v19, v18;
	v19 =	vld.idx.msk [tilespmem:v12+s3+$0x0], $0xffff;
	v17 =	vadd.f32 v27, v17  }
0xa6: {  	v57 =	vld.idx.msk [tilespmem:v13+s3+$0x0], $0xffff;
	v18 =	vadd.s32 v51, v18  }
0xa7: {  	v58 =	vld.idx.msk [tilespmem:v14+s3+$0x0], $0xffff;
	v18 =	vadd.s32 v53, v18;
	v17 =	vadd.f32 v29, v17  }
0xa8: {  	v59 =	vld.idx.msk [tilespmem:v15+s3+$0x0], $0xffff;
	v18 =	vadd.s32 v55, v18  }
0xa9: {  	v60 =	vld.idx.msk [tilespmem:v16+s3+$0x0], $0xffff;
	v18 =	vadd.s32 v56, v18;
	v17 =	vadd.f32 v30, v17  }
0xaa: {  	v18 =	vadd.s32 v19, v18;
	v19 =	vld.idx.msk [tilespmem:v11+s1+$0x0], $0xffff  }
0xab: {  	v18 =	vadd.s32 v57, v18;
	v17 =	vadd.f32 v52, v17  }
0xac: {  	v61 =	vld.idx.msk [tilespmem:v12+s1+$0x0], $0xffff;
	v18 =	vadd.s32 v58, v18  }
0xad: {  	v18 =	vadd.s32 v59, v18;
	v17 =	vadd.f32 v54, v17  }
0xae: {  	v62 =	vld.idx.msk [tilespmem:v13+s1+$0x0], $0xffff;
	v18 =	vadd.s32 v60, v18  }
0xaf: {  	v18 =	vcvt.s32.f32 v18;
	v17 =	vadd.f32 v19, v17  }
0xb0: {  	v19 =	vld.idx.msk [tilespmem:v14+s1+$0x0], $0xffff  }
0xb1: {  	(erf) = vrcp.f32 v18;
	v17 =	vadd.f32 v61, v17  }
0xb2: {  	v18 =	vld.idx.msk [tilespmem:v15+s1+$0x0], $0xffff  }
0xb3: {  	v17 =	vadd.f32 v62, v17  }
0xb4: {  	v63 =	vld.idx.msk [tilespmem:v16+s1+$0x0], $0xffff  }
0xb5: {  	v17 =	vadd.f32 v19, v17;
	_ =	sdelay $0x1  }
0xb6: {  	v17 =	vadd.f32 v18, v17;
	_ =	sdelay $0x1  }
0xb7: {  	v17 =	vadd.f32 v63, v17  }
0xb8: {  	v18 =	vpop (erf)  }
0xb9: {  	v17 =	vmul.f32 v18, v17;
	_ =	sdelay $0x1  }
0xba: {  	s7 =	simm.s32 $0x0;
	s8 =	simm.s32 $0x8580;
	[tilespmem:$0x10800] =	vst v17  }
.LBB2_6:
0xbb: {  	s9 =	sshll.u32 s7, $0xB  }
0xbc: {  	_ =	swait.ge [sflag:s5], $0x800;
	s10 =	sor.u32 s4, s9  }
0xbd: {  	[sflag:s5] =	ssyncset.done $0x0;
	s10 =	sshrl.u32 s10, $0x3  }
0xbe: {  	s9 =	sor.u32 $0x500, s9;
	[sflag:s5] =	ssyncadd.s32 $0xFFFFF800;
	s10 =	sadd.s32 s10, s23  }
0xbf: {  	[tilespmem:s9], [sflag:$0x1] =	stream.linear.gather [hbm4b:s10+s2], $0x800, $0x38;
	[tilespmem:$0x10880] =	vst v63  }
0xc0: {  	v18 =	vld [tilespmem:s8+$0x10]  }
0xc1: {  	v20 =	vld [tilespmem:s8+$0xFFFFFFA0]  }
0xc2: {  	v23 =	vld [tilespmem:s8+$0xFFFFFFB0]  }
0xc3: {  	v22 =	vld [tilespmem:s8+$0xFFFFFF80]  }
0xc4: {  	v19 =	vld [tilespmem:s8+$0xFFFFFFC0]  }
0xc5: {  	v25 =	vld [tilespmem:s8+$0xFFFFFFE0]  }
0xc6: {  	v28 =	vld [tilespmem:s8+$0x30]  }
0xc7: {  	v40 =	vld [tilespmem:s8+$0x40]  }
0xc8: {  	v33 =	vimm.f32 $0.0e+00;
	v56 =	vld [tilespmem:s8+$0x50]  }
0xc9: {  	v17 =	vimm.s32 $0x0;
	v42 =	vld [tilespmem:s8+$0x70];
	v24 =	vshll.u32 v18, $0x4;
	v18 =	vadd.s32 $0x3F, v18  }
0xca: {  	v29 =	vshll.u32 v22, $0x4;
	v31 =	vadd.s32 $0x3F, v20;
	v32 =	vadd.s32 $0x3F, v19  }
0xcb: {  	v21 =	vld [tilespmem:s8+$0xFFFFFFF0];
	v35 =	vshll.u32 v25, $0x4;
	v36 =	vshll.u32 v23, $0x4;
	v20 =	vshll.u32 v20, $0x4  }
0xcc: {  	v39 =	vshll.u32 v28, $0x4;
	v28 =	vadd.s32 $0x3F, v28;
	v22 =	vadd.s32 $0x3F, v22  }
0xcd: {  	v50 =	vadd.s32 $0x3F, v25;
	v57 =	vshll.u32 v40, $0x4;
	v58 =	vadd.s32 $0x3F, v56  }
0xce: {  	v26 =	vld [tilespmem:s8+$0x0];
	v23 =	vadd.s32 $0x3F, v23;
	v59 =	vshll.u32 v42, $0x4;
	v36 =	vor.u32 v0, v36  }
0xcf: {  	v30 =	vld [tilespmem:s8+$0xFFFFFF90];
	v53 =	vshll.u32 v56, $0x4;
	v60 =	vadd.s32 $0x3F, v42;
	v35 =	vor.u32 v0, v35  }
0xd0: {  	v34 =	vld [tilespmem:s8+$0xFFFFFFD0];
	v27 =	vor.u32 v0, v24;
	v24 =	vadd.s32 $0x3F, v21;
	v39 =	vor.u32 v0, v39  }
0xd1: {  	v37 =	vld [tilespmem:s8+$0x60];
	v18 =	vshra.s32 v18, $0x6;
	v21 =	vshll.u32 v21, $0x4;
	v61 =	vor.u32 v0, v59  }
0xd2: {  	v38 =	vshra.s32 v24, $0x6;
	v24 =	vor.u32 v0, v29;
	v29 =	vshll.u32 v19, $0x4;
	v19 =	vld [tilespmem:s8+$0x20]  }
0xd3: {  	v48 =	vshra.s32 v22, $0x6;
	v22 =	vshra.s32 v31, $0x6;
	v55 =	vor.u32 v0, v21;
	v31 =	vld.idx.msk [tilespmem:v36+s2+$0x0], $0xffff  }
0xd4: {  	v41 =	vshra.s32 v32, $0x6;
	v21 =	vshll.u32 v30, $0x4;
	v29 =	vor.u32 v0, v29;
	v35 =	vld.idx.msk [tilespmem:v35+s2+$0x0], $0xffff  }
0xd5: {  	v23 =	vshra.s32 v23, $0x6;
	v62 =	vadd.s32 v17, v48;
	v43 =	vor.u32 v0, v21;
	v39 =	vld.idx.msk [tilespmem:v39+s2+$0x0], $0xffff  }
0xd6: {  	v20 =	vor.u32 v0, v20;
	v63 =	vadd.s32 v17, v23;
	v23 =	vadd.s32 v41, v62;
	v41 =	vld.idx.msk [tilespmem:v61+s2+$0x0], $0xffff  }
0xd7: {  	v46 =	vshra.s32 v28, $0x6;
	v28 =	vadd.s32 $0x3F, v34;
	v44 =	vld.idx.msk [tilespmem:v24+s2+$0x0], $0xffff;
	v24 =	vshll.u32 v34, $0x4  }
0xd8: {  	v51 =	vor.u32 v0, v57;
	v21 =	vshll.u32 v26, $0x4;
	v52 =	vld.idx.msk [tilespmem:v55+s2+$0x0], $0xffff;
	v47 =	vor.u32 v0, v24  }
0xd9: {  	v49 =	vld.idx.msk [tilespmem:v29+s2+$0x0], $0xffff;
	v24 =	vadd.s32 v17, v22;
	v22 =	vshra.s32 v28, $0x6;
	v28 =	vor.u32 v0, v21  }
0xda: {  	v42 =	vor.u32 v0, v53;
	v30 =	vadd.s32 $0x3F, v30;
	v29 =	vshll.u32 v37, $0x4;
	v43 =	vld.idx.msk [tilespmem:v43+s2+$0x0], $0xffff  }
0xdb: {  	v26 =	vadd.s32 $0x3F, v26;
	v45 =	vshll.u32 v19, $0x4;
	v25 =	vor.u32 v0, v29;
	v29 =	vld.idx.msk [tilespmem:v20+s2+$0x0], $0xffff  }
0xdc: {  	v26 =	vshra.s32 v26, $0x6;
	v34 =	vshra.s32 v30, $0x6;
	v21 =	vld.idx.msk [tilespmem:v27+s2+$0x0], $0xffff;
	v45 =	vor.u32 v0, v45  }
0xdd: {  	v30 =	vshra.s32 v58, $0x6;
	v27 =	vadd.s32 $0x3F, v37;
	v54 =	vadd.f32 v31, v33;
	v31 =	vld.idx.msk [tilespmem:v51+s2+$0x0], $0xffff  }
0xde: {  	v37 =	vshra.s32 v50, $0x6;
	v20 =	vshra.s32 v27, $0x6;
	v27 =	vadd.s32 $0x3F, v40;
	v28 =	vld.idx.msk [tilespmem:v28+s2+$0x0], $0xffff  }
0xdf: {  	v27 =	vshra.s32 v27, $0x6;
	v44 =	vadd.f32 v44, v33;
	v32 =	vld.idx.msk [tilespmem:v47+s2+$0x0], $0xffff;
	v40 =	vadd.f32 v43, v33  }
0xe0: {  	v43 =	vadd.f32 v52, v54;
	v25 =	vld.idx.msk [tilespmem:v25+s2+$0x0], $0xffff;
	v36 =	vadd.f32 v29, v33;
	v33 =	vadd.s32 v38, v63  }
0xe1: {  	s9 =	simm.s32 $0x0;
	s10 =	sadd.s32 $0x100, s8;
	v29 =	vshra.s32 v60, $0x6;
	v38 =	vld.idx.msk [tilespmem:v45+s2+$0x0], $0xffff;
	v44 =	vadd.f32 v49, v44;
	v33 =	vadd.s32 v46, v33  }
.LBB2_7:
0xe2: {  	v45 =	vld [tilespmem:s10+$0x10];
	s9 =	sadd.s32 $0x4, s9;
	v17 =	vadd.s32 v17, v34;
	v24 =	vadd.s32 v37, v24;
	v23 =	vadd.s32 v26, v23  }
0xe3: {  	v26 =	vld [tilespmem:s10+$0xFFFFFFA0];
	p0 =	slt.u32 s9, $0x1C;
	v17 =	vadd.s32 v22, v17;
	v22 =	vadd.f32 v35, v36;
	v23 =	vadd.s32 v27, v23  }
0xe4: {  	v32 =	vadd.f32 v32, v40;
	v28 =	vadd.f32 v28, v44;
	v27 =	vld [tilespmem:s10+$0xFFFFFFB0];
	v17 =	vadd.s32 v18, v17  }
0xe5: {  	v18 =	vadd.s32 $0x3F, v19;
	v19 =	vadd.f32 v39, v43;
	v34 =	vld.idx.msk [tilespmem:v42+s2+$0x0], $0xffff;
	v17 =	vadd.s32 v30, v17  }
0xe6: {  	v21 =	vadd.f32 v21, v32;
	v22 =	vadd.f32 v38, v22;
	v18 =	vshra.s32 v18, $0x6;
	v30 =	vld [tilespmem:s10+$0xFFFFFFF0]  }
0xe7: {  	v33 =	vadd.s32 v29, v33;
	v18 =	vadd.s32 v18, v24;
	v35 =	vadd.f32 v41, v19;
	v32 =	vld [tilespmem:s10+$0xFFFFFF80]  }
0xe8: {  	v29 =	vadd.f32 v31, v28;
	v31 =	vadd.f32 v25, v22;
	v20 =	vadd.s32 v20, v18;
	v19 =	vld [tilespmem:s10+$0xFFFFFFC0]  }
0xe9: {  	v18 =	vshll.u32 v45, $0x4;
	v22 =	vadd.s32 $0x3F, v45;
	v25 =	vld [tilespmem:s10+$0xFFFFFFE0]  }
0xea: {  	v36 =	vor.u32 v0, v18;
	v28 =	vld [tilespmem:s10+$0x0]  }
0xeb: {  	v18 =	vshra.s32 v22, $0x6;
	v38 =	vadd.f32 v34, v21;
	v24 =	vadd.s32 $0x3F, v30;
	v22 =	vld [tilespmem:s10+$0x30]  }
0xec: {  	v37 =	vadd.s32 $0x3F, v26;
	v21 =	vshll.u32 v32, $0x4;
	v34 =	vld [tilespmem:s10+$0xFFFFFF90];
	v41 =	vshra.s32 v24, $0x6  }
0xed: {  	v21 =	vor.u32 v0, v21;
	v24 =	vshll.u32 v19, $0x4;
	v39 =	vadd.s32 $0x3F, v19;
	v19 =	vld [tilespmem:s10+$0x20]  }
0xee: {  	v30 =	vshll.u32 v30, $0x4;
	v24 =	vor.u32 v0, v24;
	v40 =	vld [tilespmem:s10+$0xFFFFFFD0];
	v42 =	vshll.u32 v25, $0x4  }
0xef: {  	v43 =	vshll.u32 v27, $0x4;
	v30 =	vor.u32 v0, v30;
	v44 =	vshra.s32 v39, $0x6;
	v39 =	vld [tilespmem:s10+$0x60]  }
0xf0: {  	v26 =	vshll.u32 v26, $0x4;
	v43 =	vor.u32 v0, v43;
	v45 =	vshll.u32 v22, $0x4;
	v46 =	vld [tilespmem:s10+$0x40]  }
0xf1: {  	v26 =	vor.u32 v0, v26;
	v22 =	vadd.s32 $0x3F, v22;
	v47 =	vshll.u32 v34, $0x4;
	v48 =	vld [tilespmem:s10+$0x70]  }
0xf2: {  	v49 =	vld.idx.msk [tilespmem:v21+s2+$0x0], $0xffff;
	v21 =	vadd.s32 $0x3F, v32;
	v32 =	vor.u32 v0, v47;
	v47 =	vshll.u32 v28, $0x4  }
0xf3: {  	v52 =	vshra.s32 v22, $0x6;
	v51 =	vshll.u32 v19, $0x4;
	v50 =	vshll.u32 v40, $0x4  }
0xf4: {  	v22 =	vadd.s32 $0x3F, v40;
	v40 =	vor.u32 v0, v42;
	v50 =	vor.u32 v0, v50;
	v42 =	vld [tilespmem:s10+$0x50]  }
0xf5: {  	v53 =	vshra.s32 v21, $0x6;
	v21 =	vshra.s32 v37, $0x6;
	v37 =	vshll.u32 v39, $0x4;
	v54 =	vld.idx.msk [tilespmem:v24+s2+$0x0], $0xffff  }
0xf6: {  	v47 =	vor.u32 v0, v47;
	v22 =	vshra.s32 v22, $0x6;
	v24 =	vadd.s32 v20, v21;
	v21 =	vld.idx.msk [tilespmem:v36+s2+$0x0], $0xffff  }
0xf7: {  	v20 =	vadd.s32 $0x3F, v39;
	v36 =	vld.idx.msk [tilespmem:v43+s2+$0x0], $0xffff;
	v43 =	vadd.s32 $0x3F, v25;
	v25 =	vor.u32 v0, v37  }
0xf8: {  	v20 =	vshra.s32 v20, $0x6;
	v37 =	vld.idx.msk [tilespmem:v26+s2+$0x0], $0xffff;
	v26 =	vadd.s32 $0x3F, v28;
	v28 =	vshll.u32 v46, $0x4  }
0xf9: {  	v34 =	vadd.s32 $0x3F, v34;
	v39 =	vld.idx.msk [tilespmem:v32+s2+$0x0], $0xffff;
	v26 =	vshra.s32 v26, $0x6;
	v55 =	vor.u32 v0, v28  }
0xfa: {  	v51 =	vor.u32 v0, v51;
	v56 =	vld.idx.msk [tilespmem:v30+s2+$0x0], $0xffff;
	v30 =	vadd.s32 $0x3F, v46;
	v46 =	vadd.s32 $0x3F, v42  }
0xfb: {  	v57 =	vadd.s32 $0x3F, v27;
	v45 =	vor.u32 v0, v45;
	v28 =	vld.idx.msk [tilespmem:v47+s2+$0x0], $0xffff;
	v47 =	vshll.u32 v48, $0x4  }
0xfc: {  	v42 =	vshll.u32 v42, $0x4;
	v27 =	vshra.s32 v30, $0x6;
	v48 =	vadd.s32 $0x3F, v48;
	v25 =	vld.idx.msk [tilespmem:v25+s2+$0x0], $0xffff  }
0xfd: {  	v49 =	vadd.f32 v49, v29;
	v58 =	vadd.f32 v36, v35;
	v47 =	vor.u32 v0, v47;
	v32 =	vld.idx.msk [tilespmem:v50+s2+$0x0], $0xffff  }
.Ltmp2:
0xfe: {  	v34 =	vshra.s32 v34, $0x6;
	v30 =	vshra.s32 v46, $0x6;
	v50 =	vshra.s32 v57, $0x6;
	v35 =	vld.idx.msk [tilespmem:v40+s2+$0x0], $0xffff;
	(pc) =	sbr.rel @p0 .LBB2_7-.Ltmp2, $4  }
0xff: {  	v29 =	vshra.s32 v48, $0x6;
	v36 =	vadd.f32 v37, v31;
	v37 =	vshra.s32 v43, $0x6;
	v31 =	vld.idx.msk [tilespmem:v55+s2+$0x0], $0xffff  }
0x100: {  	v23 =	vadd.s32 v23, v53;
	v40 =	vadd.f32 v39, v38;
	v33 =	vadd.s32 v33, v50;
	v39 =	vld.idx.msk [tilespmem:v45+s2+$0x0], $0xffff  }
0x101: {  	v23 =	vadd.s32 v44, v23;
	v42 =	vor.u32 v0, v42;
	v33 =	vadd.s32 v41, v33;
	v38 =	vld.idx.msk [tilespmem:v51+s2+$0x0], $0xffff  }
0x102: {  	s10 =	sadd.s32 $0x100, s10;
	v44 =	vadd.f32 v54, v49;
	v43 =	vadd.f32 v56, v58;
	v33 =	vadd.s32 v52, v33;
	v41 =	vld.idx.msk [tilespmem:v47+s2+$0x0], $0xffff  }
0x103: {  	_ =	sdelay $0x2  }
0x104: {  	v35 =	vadd.f32 v35, v36  }
0x105: {  	v42 =	vld.idx.msk [tilespmem:v42+s2+$0x0], $0xffff;
	v32 =	vadd.f32 v32, v40;
	v17 =	vadd.s32 v17, v34;
	v24 =	vadd.s32 v37, v24  }
0x106: {  	v23 =	vadd.s32 v26, v23;
	v28 =	vadd.f32 v28, v44;
	v17 =	vadd.s32 v22, v17  }
0x107: {  	v62 =	vadd.s32 v27, v23;
	v57 =	vadd.f32 v39, v43;
	v21 =	vadd.f32 v21, v32  }
0x108: {  	v17 =	vadd.s32 v18, v17;
	v18 =	vadd.s32 $0x3F, v19;
	v58 =	vadd.f32 v38, v35  }
0x109: {  	v28 =	vadd.f32 v31, v28;
	v18 =	vshra.s32 v18, $0x6;
	v59 =	vadd.f32 v41, v57  }
0x10a: {  	s9 =	smul.u32 $0x11, s7;
	s7 =	sadd.s32 $0x1, s7;
	v17 =	vadd.s32 v30, v17;
	v60 =	vadd.f32 v25, v58;
	v21 =	vadd.f32 v42, v21  }
0x10b: {  	p0 =	sne.s32 s7, $0x10;
	v18 =	vadd.s32 v18, v24;
	v17 =	vadd.s32 v62, v17  }
.Ltmp3:
0x10c: {  	v18 =	vadd.s32 v20, v18;
	v19 =	vadd.f32 v21, v28;
	v61 =	vadd.f32 v59, v60;
	(pc) =	sbr.rel @p0 .LBB2_6-.Ltmp3, $4  }
0x10d: {  	v63 =	vadd.s32 v29, v33;
	v17 =	vadd.s32 v18, v17  }
0x10e: {  	v17 =	vadd.s32 v63, v17;
	v19 =	vadd.f32 v61, v19  }
0x10f: {  	[tilespmem:s9+$0x10680] =	vst v17  }
0x110: {  	s8 =	sadd.s32 $0x800, s8;
	[tilespmem:s9+$0x10500] =	vst v19  }
0x111: {  	_ =	sdelay $0x3  }
0x112: {  	v17 =	vld.idx.msk [tilespmem:v1+s1+$0x0], $0xffff  }
0x113: {  	v18 =	vld.idx.msk [tilespmem:v1+s3+$0x0], $0xffff  }
0x114: {  	v19 =	vld.idx.msk [tilespmem:v2+s1+$0x0], $0xffff  }
0x115: {  	v20 =	vld.idx.msk [tilespmem:v2+s3+$0x0], $0xffff  }
0x116: {  	v21 =	vld.idx.msk [tilespmem:v3+s1+$0x0], $0xffff  }
0x117: {  	v22 =	vld.idx.msk [tilespmem:v3+s3+$0x0], $0xffff  }
0x118: {  	v23 =	vld.idx.msk [tilespmem:v4+s1+$0x0], $0xffff  }
0x119: {  	v24 =	vld.idx.msk [tilespmem:v4+s3+$0x0], $0xffff  }
0x11a: {  	v25 =	vld.idx.msk [tilespmem:v5+s1+$0x0], $0xffff  }
0x11b: {  	v26 =	vld.idx.msk [tilespmem:v5+s3+$0x0], $0xffff  }
0x11c: {  	v27 =	vld.idx.msk [tilespmem:v6+s1+$0x0], $0xffff  }
0x11d: {  	v28 =	vld.idx.msk [tilespmem:v6+s3+$0x0], $0xffff;
	v17 =	vadd.f32 $0.0e+00, v17  }
0x11e: {  	v29 =	vld.idx.msk [tilespmem:v7+s1+$0x0], $0xffff  }
0x11f: {  	v30 =	vld.idx.msk [tilespmem:v8+s1+$0x0], $0xffff;
	v17 =	vadd.f32 v19, v17  }
0x120: {  	v51 =	vld.idx.msk [tilespmem:v8+s3+$0x0], $0xffff  }
0x121: {  	v52 =	vld.idx.msk [tilespmem:v9+s1+$0x0], $0xffff;
	v17 =	vadd.f32 v21, v17  }
0x122: {  	v18 =	vadd.s32 v18, v20;
	v19 =	vld.idx.msk [tilespmem:v7+s3+$0x0], $0xffff  }
0x123: {  	v53 =	vld.idx.msk [tilespmem:v9+s3+$0x0], $0xffff;
	v18 =	vadd.s32 v22, v18;
	v17 =	vadd.f32 v23, v17  }
0x124: {  	v54 =	vld.idx.msk [tilespmem:v10+s1+$0x0], $0xffff;
	v18 =	vadd.s32 v24, v18  }
0x125: {  	v55 =	vld.idx.msk [tilespmem:v10+s3+$0x0], $0xffff;
	v18 =	vadd.s32 v26, v18;
	v17 =	vadd.f32 v25, v17  }
0x126: {  	v56 =	vld.idx.msk [tilespmem:v11+s3+$0x0], $0xffff;
	v18 =	vadd.s32 v28, v18  }
0x127: {  	v18 =	vadd.s32 v19, v18;
	v19 =	vld.idx.msk [tilespmem:v12+s3+$0x0], $0xffff;
	v17 =	vadd.f32 v27, v17  }
0x128: {  	v57 =	vld.idx.msk [tilespmem:v13+s3+$0x0], $0xffff;
	v18 =	vadd.s32 v51, v18  }
0x129: {  	v58 =	vld.idx.msk [tilespmem:v14+s3+$0x0], $0xffff;
	v18 =	vadd.s32 v53, v18;
	v17 =	vadd.f32 v29, v17  }
0x12a: {  	v59 =	vld.idx.msk [tilespmem:v15+s3+$0x0], $0xffff;
	v18 =	vadd.s32 v55, v18  }
0x12b: {  	v60 =	vld.idx.msk [tilespmem:v16+s3+$0x0], $0xffff;
	v18 =	vadd.s32 v56, v18;
	v17 =	vadd.f32 v30, v17  }
0x12c: {  	v18 =	vadd.s32 v19, v18;
	v19 =	vld.idx.msk [tilespmem:v11+s1+$0x0], $0xffff  }
0x12d: {  	v18 =	vadd.s32 v57, v18;
	v17 =	vadd.f32 v52, v17  }
0x12e: {  	v61 =	vld.idx.msk [tilespmem:v12+s1+$0x0], $0xffff;
	v18 =	vadd.s32 v58, v18  }
0x12f: {  	v18 =	vadd.s32 v59, v18;
	v17 =	vadd.f32 v54, v17  }
0x130: {  	v62 =	vld.idx.msk [tilespmem:v13+s1+$0x0], $0xffff;
	v18 =	vadd.s32 v60, v18  }
0x131: {  	v18 =	vcvt.s32.f32 v18;
	v17 =	vadd.f32 v19, v17  }
0x132: {  	v19 =	vld.idx.msk [tilespmem:v14+s1+$0x0], $0xffff  }
0x133: {  	(erf) = vrcp.f32 v18;
	v17 =	vadd.f32 v61, v17  }
0x134: {  	v18 =	vld.idx.msk [tilespmem:v15+s1+$0x0], $0xffff  }
0x135: {  	v17 =	vadd.f32 v62, v17  }
0x136: {  	v63 =	vld.idx.msk [tilespmem:v16+s1+$0x0], $0xffff  }
0x137: {  	v17 =	vadd.f32 v19, v17;
	_ =	sdelay $0x1  }
0x138: {  	v17 =	vadd.f32 v18, v17;
	_ =	sdelay $0x1  }
0x139: {  	v17 =	vadd.f32 v63, v17  }
0x13a: {  	v18 =	vpop (erf)  }
0x13b: {  	v17 =	vmul.f32 v18, v17;
	_ =	sdelay $0x1  }
0x13c: {  	s7 =	simm.s32 $0x0;
	s8 =	simm.s32 $0x580;
	[tilespmem:$0x10810] =	vst v17  }
.LBB2_10:
0x13d: {  	s9 =	sshll.u32 s7, $0xB  }
0x13e: {  	_ =	swait.ge [sflag:s0], $0x800;
	s10 =	sor.u32 s4, s9  }
0x13f: {  	[sflag:s0] =	ssyncset.done $0x0;
	s10 =	sshrl.u32 s10, $0x3  }
0x140: {  	s9 =	sadd.s32 $0x8500, s9;
	[sflag:s0] =	ssyncadd.s32 $0xFFFFF800;
	s10 =	sadd.s32 s10, s24  }
0x141: {  	[tilespmem:s9], [sflag:$0x2] =	stream.linear.gather [hbm4b:s10+s2], $0x800, $0x38;
	[tilespmem:$0x10880] =	vst v63  }
0x142: {  	v18 =	vld [tilespmem:s8+$0x10]  }
0x143: {  	v20 =	vld [tilespmem:s8+$0xFFFFFFA0]  }
0x144: {  	v23 =	vld [tilespmem:s8+$0xFFFFFFB0]  }
0x145: {  	v22 =	vld [tilespmem:s8+$0xFFFFFF80]  }
0x146: {  	v19 =	vld [tilespmem:s8+$0xFFFFFFC0]  }
0x147: {  	v25 =	vld [tilespmem:s8+$0xFFFFFFE0]  }
0x148: {  	v28 =	vld [tilespmem:s8+$0x30]  }
0x149: {  	v40 =	vld [tilespmem:s8+$0x40]  }
0x14a: {  	v33 =	vimm.f32 $0.0e+00;
	v56 =	vld [tilespmem:s8+$0x50]  }
0x14b: {  	v17 =	vimm.s32 $0x0;
	v42 =	vld [tilespmem:s8+$0x70];
	v24 =	vshll.u32 v18, $0x4;
	v18 =	vadd.s32 $0x3F, v18  }
0x14c: {  	v29 =	vshll.u32 v22, $0x4;
	v31 =	vadd.s32 $0x3F, v20;
	v32 =	vadd.s32 $0x3F, v19  }
0x14d: {  	v21 =	vld [tilespmem:s8+$0xFFFFFFF0];
	v35 =	vshll.u32 v25, $0x4;
	v36 =	vshll.u32 v23, $0x4;
	v20 =	vshll.u32 v20, $0x4  }
0x14e: {  	v39 =	vshll.u32 v28, $0x4;
	v28 =	vadd.s32 $0x3F, v28;
	v22 =	vadd.s32 $0x3F, v22  }
0x14f: {  	v50 =	vadd.s32 $0x3F, v25;
	v57 =	vshll.u32 v40, $0x4;
	v58 =	vadd.s32 $0x3F, v56  }
0x150: {  	v26 =	vld [tilespmem:s8+$0x0];
	v23 =	vadd.s32 $0x3F, v23;
	v59 =	vshll.u32 v42, $0x4;
	v36 =	vor.u32 v0, v36  }
0x151: {  	v30 =	vld [tilespmem:s8+$0xFFFFFF90];
	v53 =	vshll.u32 v56, $0x4;
	v60 =	vadd.s32 $0x3F, v42;
	v35 =	vor.u32 v0, v35  }
0x152: {  	v34 =	vld [tilespmem:s8+$0xFFFFFFD0];
	v27 =	vor.u32 v0, v24;
	v24 =	vadd.s32 $0x3F, v21;
	v39 =	vor.u32 v0, v39  }
0x153: {  	v37 =	vld [tilespmem:s8+$0x60];
	v18 =	vshra.s32 v18, $0x6;
	v21 =	vshll.u32 v21, $0x4;
	v61 =	vor.u32 v0, v59  }
0x154: {  	v38 =	vshra.s32 v24, $0x6;
	v24 =	vor.u32 v0, v29;
	v29 =	vshll.u32 v19, $0x4;
	v19 =	vld [tilespmem:s8+$0x20]  }
0x155: {  	v48 =	vshra.s32 v22, $0x6;
	v22 =	vshra.s32 v31, $0x6;
	v55 =	vor.u32 v0, v21;
	v31 =	vld.idx.msk [tilespmem:v36+s2+$0x0], $0xffff  }
0x156: {  	v41 =	vshra.s32 v32, $0x6;
	v21 =	vshll.u32 v30, $0x4;
	v29 =	vor.u32 v0, v29;
	v35 =	vld.idx.msk [tilespmem:v35+s2+$0x0], $0xffff  }
0x157: {  	v23 =	vshra.s32 v23, $0x6;
	v62 =	vadd.s32 v17, v48;
	v43 =	vor.u32 v0, v21;
	v39 =	vld.idx.msk [tilespmem:v39+s2+$0x0], $0xffff  }
0x158: {  	v20 =	vor.u32 v0, v20;
	v63 =	vadd.s32 v17, v23;
	v23 =	vadd.s32 v41, v62;
	v41 =	vld.idx.msk [tilespmem:v61+s2+$0x0], $0xffff  }
0x159: {  	v46 =	vshra.s32 v28, $0x6;
	v28 =	vadd.s32 $0x3F, v34;
	v44 =	vld.idx.msk [tilespmem:v24+s2+$0x0], $0xffff;
	v24 =	vshll.u32 v34, $0x4  }
0x15a: {  	v51 =	vor.u32 v0, v57;
	v21 =	vshll.u32 v26, $0x4;
	v52 =	vld.idx.msk [tilespmem:v55+s2+$0x0], $0xffff;
	v47 =	vor.u32 v0, v24  }
0x15b: {  	v49 =	vld.idx.msk [tilespmem:v29+s2+$0x0], $0xffff;
	v24 =	vadd.s32 v17, v22;
	v22 =	vshra.s32 v28, $0x6;
	v28 =	vor.u32 v0, v21  }
0x15c: {  	v42 =	vor.u32 v0, v53;
	v30 =	vadd.s32 $0x3F, v30;
	v29 =	vshll.u32 v37, $0x4;
	v43 =	vld.idx.msk [tilespmem:v43+s2+$0x0], $0xffff  }
0x15d: {  	v26 =	vadd.s32 $0x3F, v26;
	v45 =	vshll.u32 v19, $0x4;
	v25 =	vor.u32 v0, v29;
	v29 =	vld.idx.msk [tilespmem:v20+s2+$0x0], $0xffff  }
0x15e: {  	v26 =	vshra.s32 v26, $0x6;
	v34 =	vshra.s32 v30, $0x6;
	v21 =	vld.idx.msk [tilespmem:v27+s2+$0x0], $0xffff;
	v45 =	vor.u32 v0, v45  }
0x15f: {  	v30 =	vshra.s32 v58, $0x6;
	v27 =	vadd.s32 $0x3F, v37;
	v54 =	vadd.f32 v31, v33;
	v31 =	vld.idx.msk [tilespmem:v51+s2+$0x0], $0xffff  }
0x160: {  	v37 =	vshra.s32 v50, $0x6;
	v20 =	vshra.s32 v27, $0x6;
	v27 =	vadd.s32 $0x3F, v40;
	v28 =	vld.idx.msk [tilespmem:v28+s2+$0x0], $0xffff  }
0x161: {  	v27 =	vshra.s32 v27, $0x6;
	v44 =	vadd.f32 v44, v33;
	v32 =	vld.idx.msk [tilespmem:v47+s2+$0x0], $0xffff;
	v40 =	vadd.f32 v43, v33  }
0x162: {  	v43 =	vadd.f32 v52, v54;
	v25 =	vld.idx.msk [tilespmem:v25+s2+$0x0], $0xffff;
	v36 =	vadd.f32 v29, v33;
	v33 =	vadd.s32 v38, v63  }
0x163: {  	s9 =	simm.s32 $0x0;
	s10 =	sadd.s32 $0x100, s8;
	v29 =	vshra.s32 v60, $0x6;
	v38 =	vld.idx.msk [tilespmem:v45+s2+$0x0], $0xffff;
	v44 =	vadd.f32 v49, v44;
	v33 =	vadd.s32 v46, v33  }
.LBB2_11:
0x164: {  	v45 =	vld [tilespmem:s10+$0x10];
	s9 =	sadd.s32 $0x4, s9;
	v17 =	vadd.s32 v17, v34;
	v24 =	vadd.s32 v37, v24;
	v23 =	vadd.s32 v26, v23  }
0x165: {  	v26 =	vld [tilespmem:s10+$0xFFFFFFA0];
	p0 =	slt.u32 s9, $0x1C;
	v17 =	vadd.s32 v22, v17;
	v22 =	vadd.f32 v35, v36;
	v23 =	vadd.s32 v27, v23  }
0x166: {  	v32 =	vadd.f32 v32, v40;
	v28 =	vadd.f32 v28, v44;
	v27 =	vld [tilespmem:s10+$0xFFFFFFB0];
	v17 =	vadd.s32 v18, v17  }
0x167: {  	v18 =	vadd.s32 $0x3F, v19;
	v19 =	vadd.f32 v39, v43;
	v34 =	vld.idx.msk [tilespmem:v42+s2+$0x0], $0xffff;
	v17 =	vadd.s32 v30, v17  }
0x168: {  	v21 =	vadd.f32 v21, v32;
	v22 =	vadd.f32 v38, v22;
	v18 =	vshra.s32 v18, $0x6;
	v30 =	vld [tilespmem:s10+$0xFFFFFFF0]  }
0x169: {  	v33 =	vadd.s32 v29, v33;
	v18 =	vadd.s32 v18, v24;
	v35 =	vadd.f32 v41, v19;
	v32 =	vld [tilespmem:s10+$0xFFFFFF80]  }
0x16a: {  	v29 =	vadd.f32 v31, v28;
	v31 =	vadd.f32 v25, v22;
	v20 =	vadd.s32 v20, v18;
	v19 =	vld [tilespmem:s10+$0xFFFFFFC0]  }
0x16b: {  	v18 =	vshll.u32 v45, $0x4;
	v22 =	vadd.s32 $0x3F, v45;
	v25 =	vld [tilespmem:s10+$0xFFFFFFE0]  }
0x16c: {  	v36 =	vor.u32 v0, v18;
	v28 =	vld [tilespmem:s10+$0x0]  }
0x16d: {  	v18 =	vshra.s32 v22, $0x6;
	v38 =	vadd.f32 v34, v21;
	v24 =	vadd.s32 $0x3F, v30;
	v22 =	vld [tilespmem:s10+$0x30]  }
0x16e: {  	v37 =	vadd.s32 $0x3F, v26;
	v21 =	vshll.u32 v32, $0x4;
	v34 =	vld [tilespmem:s10+$0xFFFFFF90];
	v41 =	vshra.s32 v24, $0x6  }
0x16f: {  	v21 =	vor.u32 v0, v21;
	v24 =	vshll.u32 v19, $0x4;
	v39 =	vadd.s32 $0x3F, v19;
	v19 =	vld [tilespmem:s10+$0x20]  }
0x170: {  	v30 =	vshll.u32 v30, $0x4;
	v24 =	vor.u32 v0, v24;
	v40 =	vld [tilespmem:s10+$0xFFFFFFD0];
	v42 =	vshll.u32 v25, $0x4  }
0x171: {  	v43 =	vshll.u32 v27, $0x4;
	v30 =	vor.u32 v0, v30;
	v44 =	vshra.s32 v39, $0x6;
	v39 =	vld [tilespmem:s10+$0x60]  }
0x172: {  	v26 =	vshll.u32 v26, $0x4;
	v43 =	vor.u32 v0, v43;
	v45 =	vshll.u32 v22, $0x4;
	v46 =	vld [tilespmem:s10+$0x40]  }
0x173: {  	v26 =	vor.u32 v0, v26;
	v22 =	vadd.s32 $0x3F, v22;
	v47 =	vshll.u32 v34, $0x4;
	v48 =	vld [tilespmem:s10+$0x70]  }
0x174: {  	v49 =	vld.idx.msk [tilespmem:v21+s2+$0x0], $0xffff;
	v21 =	vadd.s32 $0x3F, v32;
	v32 =	vor.u32 v0, v47;
	v47 =	vshll.u32 v28, $0x4  }
0x175: {  	v52 =	vshra.s32 v22, $0x6;
	v51 =	vshll.u32 v19, $0x4;
	v50 =	vshll.u32 v40, $0x4  }
0x176: {  	v22 =	vadd.s32 $0x3F, v40;
	v40 =	vor.u32 v0, v42;
	v50 =	vor.u32 v0, v50;
	v42 =	vld [tilespmem:s10+$0x50]  }
0x177: {  	v53 =	vshra.s32 v21, $0x6;
	v21 =	vshra.s32 v37, $0x6;
	v37 =	vshll.u32 v39, $0x4;
	v54 =	vld.idx.msk [tilespmem:v24+s2+$0x0], $0xffff  }
0x178: {  	v47 =	vor.u32 v0, v47;
	v22 =	vshra.s32 v22, $0x6;
	v24 =	vadd.s32 v20, v21;
	v21 =	vld.idx.msk [tilespmem:v36+s2+$0x0], $0xffff  }
0x179: {  	v20 =	vadd.s32 $0x3F, v39;
	v36 =	vld.idx.msk [tilespmem:v43+s2+$0x0], $0xffff;
	v43 =	vadd.s32 $0x3F, v25;
	v25 =	vor.u32 v0, v37  }
0x17a: {  	v20 =	vshra.s32 v20, $0x6;
	v37 =	vld.idx.msk [tilespmem:v26+s2+$0x0], $0xffff;
	v26 =	vadd.s32 $0x3F, v28;
	v28 =	vshll.u32 v46, $0x4  }
0x17b: {  	v34 =	vadd.s32 $0x3F, v34;
	v39 =	vld.idx.msk [tilespmem:v32+s2+$0x0], $0xffff;
	v26 =	vshra.s32 v26, $0x6;
	v55 =	vor.u32 v0, v28  }
0x17c: {  	v51 =	vor.u32 v0, v51;
	v56 =	vld.idx.msk [tilespmem:v30+s2+$0x0], $0xffff;
	v30 =	vadd.s32 $0x3F, v46;
	v46 =	vadd.s32 $0x3F, v42  }
0x17d: {  	v57 =	vadd.s32 $0x3F, v27;
	v45 =	vor.u32 v0, v45;
	v28 =	vld.idx.msk [tilespmem:v47+s2+$0x0], $0xffff;
	v47 =	vshll.u32 v48, $0x4  }
0x17e: {  	v42 =	vshll.u32 v42, $0x4;
	v27 =	vshra.s32 v30, $0x6;
	v48 =	vadd.s32 $0x3F, v48;
	v25 =	vld.idx.msk [tilespmem:v25+s2+$0x0], $0xffff  }
0x17f: {  	v49 =	vadd.f32 v49, v29;
	v58 =	vadd.f32 v36, v35;
	v47 =	vor.u32 v0, v47;
	v32 =	vld.idx.msk [tilespmem:v50+s2+$0x0], $0xffff  }
.Ltmp4:
0x180: {  	v34 =	vshra.s32 v34, $0x6;
	v30 =	vshra.s32 v46, $0x6;
	v50 =	vshra.s32 v57, $0x6;
	v35 =	vld.idx.msk [tilespmem:v40+s2+$0x0], $0xffff;
	(pc) =	sbr.rel @p0 .LBB2_11-.Ltmp4, $4  }
0x181: {  	v29 =	vshra.s32 v48, $0x6;
	v36 =	vadd.f32 v37, v31;
	v37 =	vshra.s32 v43, $0x6;
	v31 =	vld.idx.msk [tilespmem:v55+s2+$0x0], $0xffff  }
0x182: {  	v23 =	vadd.s32 v23, v53;
	v40 =	vadd.f32 v39, v38;
	v33 =	vadd.s32 v33, v50;
	v39 =	vld.idx.msk [tilespmem:v45+s2+$0x0], $0xffff  }
0x183: {  	v23 =	vadd.s32 v44, v23;
	v42 =	vor.u32 v0, v42;
	v33 =	vadd.s32 v41, v33;
	v38 =	vld.idx.msk [tilespmem:v51+s2+$0x0], $0xffff  }
0x184: {  	s10 =	sadd.s32 $0x100, s10;
	v44 =	vadd.f32 v54, v49;
	v43 =	vadd.f32 v56, v58;
	v33 =	vadd.s32 v52, v33;
	v41 =	vld.idx.msk [tilespmem:v47+s2+$0x0], $0xffff  }
0x185: {  	_ =	sdelay $0x2  }
0x186: {  	v35 =	vadd.f32 v35, v36  }
0x187: {  	v42 =	vld.idx.msk [tilespmem:v42+s2+$0x0], $0xffff;
	v32 =	vadd.f32 v32, v40;
	v17 =	vadd.s32 v17, v34;
	v24 =	vadd.s32 v37, v24  }
0x188: {  	v23 =	vadd.s32 v26, v23;
	v28 =	vadd.f32 v28, v44;
	v17 =	vadd.s32 v22, v17  }
0x189: {  	v62 =	vadd.s32 v27, v23;
	v57 =	vadd.f32 v39, v43;
	v21 =	vadd.f32 v21, v32  }
0x18a: {  	v17 =	vadd.s32 v18, v17;
	v18 =	vadd.s32 $0x3F, v19;
	v58 =	vadd.f32 v38, v35  }
0x18b: {  	v28 =	vadd.f32 v31, v28;
	v18 =	vshra.s32 v18, $0x6;
	v59 =	vadd.f32 v41, v57  }
0x18c: {  	s9 =	smul.u32 $0x11, s7;
	s7 =	sadd.s32 $0x1, s7;
	v17 =	vadd.s32 v30, v17;
	v60 =	vadd.f32 v25, v58;
	v21 =	vadd.f32 v42, v21  }
0x18d: {  	p0 =	sne.s32 s7, $0x10;
	v18 =	vadd.s32 v18, v24;
	v17 =	vadd.s32 v62, v17  }
.Ltmp5:
0x18e: {  	v18 =	vadd.s32 v20, v18;
	v19 =	vadd.f32 v21, v28;
	v61 =	vadd.f32 v59, v60;
	(pc) =	sbr.rel @p0 .LBB2_10-.Ltmp5, $4  }
0x18f: {  	v63 =	vadd.s32 v29, v33;
	v17 =	vadd.s32 v18, v17  }
0x190: {  	v17 =	vadd.s32 v63, v17;
	v19 =	vadd.f32 v61, v19  }
0x191: {  	[tilespmem:s9+$0x10680] =	vst v17  }
0x192: {  	s8 =	sadd.s32 $0x800, s8;
	[tilespmem:s9+$0x10500] =	vst v19  }
0x193: {  	_ =	sdelay $0x3  }
0x194: {  	v17 =	vld.idx.msk [tilespmem:v1+s1+$0x0], $0xffff  }
0x195: {  	v18 =	vld.idx.msk [tilespmem:v1+s3+$0x0], $0xffff  }
0x196: {  	v19 =	vld.idx.msk [tilespmem:v2+s1+$0x0], $0xffff  }
0x197: {  	v20 =	vld.idx.msk [tilespmem:v2+s3+$0x0], $0xffff  }
0x198: {  	v21 =	vld.idx.msk [tilespmem:v3+s1+$0x0], $0xffff  }
0x199: {  	v22 =	vld.idx.msk [tilespmem:v3+s3+$0x0], $0xffff  }
0x19a: {  	v23 =	vld.idx.msk [tilespmem:v4+s1+$0x0], $0xffff  }
0x19b: {  	v24 =	vld.idx.msk [tilespmem:v4+s3+$0x0], $0xffff  }
0x19c: {  	v25 =	vld.idx.msk [tilespmem:v5+s1+$0x0], $0xffff  }
0x19d: {  	v26 =	vld.idx.msk [tilespmem:v5+s3+$0x0], $0xffff  }
0x19e: {  	v27 =	vld.idx.msk [tilespmem:v6+s1+$0x0], $0xffff  }
0x19f: {  	v28 =	vld.idx.msk [tilespmem:v6+s3+$0x0], $0xffff;
	v17 =	vadd.f32 $0.0e+00, v17  }
0x1a0: {  	v29 =	vld.idx.msk [tilespmem:v7+s1+$0x0], $0xffff  }
0x1a1: {  	v30 =	vld.idx.msk [tilespmem:v8+s1+$0x0], $0xffff;
	v17 =	vadd.f32 v19, v17  }
0x1a2: {  	v51 =	vld.idx.msk [tilespmem:v8+s3+$0x0], $0xffff  }
0x1a3: {  	v52 =	vld.idx.msk [tilespmem:v9+s1+$0x0], $0xffff;
	v17 =	vadd.f32 v21, v17  }
0x1a4: {  	v18 =	vadd.s32 v18, v20;
	v19 =	vld.idx.msk [tilespmem:v7+s3+$0x0], $0xffff  }
0x1a5: {  	v53 =	vld.idx.msk [tilespmem:v9+s3+$0x0], $0xffff;
	v18 =	vadd.s32 v22, v18;
	v17 =	vadd.f32 v23, v17  }
0x1a6: {  	v54 =	vld.idx.msk [tilespmem:v10+s1+$0x0], $0xffff;
	v18 =	vadd.s32 v24, v18  }
0x1a7: {  	v55 =	vld.idx.msk [tilespmem:v10+s3+$0x0], $0xffff;
	v18 =	vadd.s32 v26, v18;
	v17 =	vadd.f32 v25, v17  }
0x1a8: {  	v56 =	vld.idx.msk [tilespmem:v11+s3+$0x0], $0xffff;
	v18 =	vadd.s32 v28, v18  }
0x1a9: {  	v18 =	vadd.s32 v19, v18;
	v19 =	vld.idx.msk [tilespmem:v12+s3+$0x0], $0xffff;
	v17 =	vadd.f32 v27, v17  }
0x1aa: {  	v57 =	vld.idx.msk [tilespmem:v13+s3+$0x0], $0xffff;
	v18 =	vadd.s32 v51, v18  }
0x1ab: {  	v58 =	vld.idx.msk [tilespmem:v14+s3+$0x0], $0xffff;
	v18 =	vadd.s32 v53, v18;
	v17 =	vadd.f32 v29, v17  }
0x1ac: {  	v59 =	vld.idx.msk [tilespmem:v15+s3+$0x0], $0xffff;
	v18 =	vadd.s32 v55, v18  }
0x1ad: {  	v60 =	vld.idx.msk [tilespmem:v16+s3+$0x0], $0xffff;
	v18 =	vadd.s32 v56, v18;
	v17 =	vadd.f32 v30, v17  }
0x1ae: {  	v18 =	vadd.s32 v19, v18;
	v19 =	vld.idx.msk [tilespmem:v11+s1+$0x0], $0xffff  }
0x1af: {  	v18 =	vadd.s32 v57, v18;
	v17 =	vadd.f32 v52, v17  }
0x1b0: {  	v61 =	vld.idx.msk [tilespmem:v12+s1+$0x0], $0xffff;
	v18 =	vadd.s32 v58, v18  }
0x1b1: {  	v18 =	vadd.s32 v59, v18;
	v17 =	vadd.f32 v54, v17  }
0x1b2: {  	v62 =	vld.idx.msk [tilespmem:v13+s1+$0x0], $0xffff;
	v18 =	vadd.s32 v60, v18  }
0x1b3: {  	v18 =	vcvt.s32.f32 v18;
	v17 =	vadd.f32 v19, v17  }
0x1b4: {  	v19 =	vld.idx.msk [tilespmem:v14+s1+$0x0], $0xffff  }
0x1b5: {  	(erf) = vrcp.f32 v18;
	v17 =	vadd.f32 v61, v17  }
0x1b6: {  	v18 =	vld.idx.msk [tilespmem:v15+s1+$0x0], $0xffff  }
0x1b7: {  	v17 =	vadd.f32 v62, v17  }
0x1b8: {  	v63 =	vld.idx.msk [tilespmem:v16+s1+$0x0], $0xffff  }
0x1b9: {  	v17 =	vadd.f32 v19, v17;
	_ =	sdelay $0x1  }
0x1ba: {  	v17 =	vadd.f32 v18, v17;
	_ =	sdelay $0x1  }
0x1bb: {  	v17 =	vadd.f32 v63, v17  }
0x1bc: {  	v18 =	vpop (erf)  }
0x1bd: {  	v17 =	vmul.f32 v18, v17;
	_ =	sdelay $0x1  }
0x1be: {  	s7 =	simm.s32 $0x0;
	s8 =	simm.s32 $0x8580;
	[tilespmem:$0x10820] =	vst v17  }
.LBB2_14:
0x1bf: {  	s9 =	sshll.u32 s7, $0xB  }
0x1c0: {  	_ =	swait.ge [sflag:s5], $0x800;
	s10 =	sor.u32 s4, s9  }
0x1c1: {  	[sflag:s5] =	ssyncset.done $0x0;
	s10 =	sshrl.u32 s10, $0x3  }
0x1c2: {  	s9 =	sor.u32 $0x500, s9;
	[sflag:s5] =	ssyncadd.s32 $0xFFFFF800;
	s10 =	sadd.s32 s10, s25  }
0x1c3: {  	[tilespmem:s9], [sflag:$0x1] =	stream.linear.gather [hbm4b:s10+s2], $0x800, $0x38;
	[tilespmem:$0x10880] =	vst v63  }
0x1c4: {  	v18 =	vld [tilespmem:s8+$0x10]  }
0x1c5: {  	v20 =	vld [tilespmem:s8+$0xFFFFFFA0]  }
0x1c6: {  	v23 =	vld [tilespmem:s8+$0xFFFFFFB0]  }
0x1c7: {  	v22 =	vld [tilespmem:s8+$0xFFFFFF80]  }
0x1c8: {  	v19 =	vld [tilespmem:s8+$0xFFFFFFC0]  }
0x1c9: {  	v25 =	vld [tilespmem:s8+$0xFFFFFFE0]  }
0x1ca: {  	v28 =	vld [tilespmem:s8+$0x30]  }
0x1cb: {  	v40 =	vld [tilespmem:s8+$0x40]  }
0x1cc: {  	v33 =	vimm.f32 $0.0e+00;
	v56 =	vld [tilespmem:s8+$0x50]  }
0x1cd: {  	v17 =	vimm.s32 $0x0;
	v42 =	vld [tilespmem:s8+$0x70];
	v24 =	vshll.u32 v18, $0x4;
	v18 =	vadd.s32 $0x3F, v18  }
0x1ce: {  	v29 =	vshll.u32 v22, $0x4;
	v31 =	vadd.s32 $0x3F, v20;
	v32 =	vadd.s32 $0x3F, v19  }
0x1cf: {  	v21 =	vld [tilespmem:s8+$0xFFFFFFF0];
	v35 =	vshll.u32 v25, $0x4;
	v36 =	vshll.u32 v23, $0x4;
	v20 =	vshll.u32 v20, $0x4  }
0x1d0: {  	v39 =	vshll.u32 v28, $0x4;
	v28 =	vadd.s32 $0x3F, v28;
	v22 =	vadd.s32 $0x3F, v22  }
0x1d1: {  	v50 =	vadd.s32 $0x3F, v25;
	v57 =	vshll.u32 v40, $0x4;
	v58 =	vadd.s32 $0x3F, v56  }
0x1d2: {  	v26 =	vld [tilespmem:s8+$0x0];
	v23 =	vadd.s32 $0x3F, v23;
	v59 =	vshll.u32 v42, $0x4;
	v36 =	vor.u32 v0, v36  }
0x1d3: {  	v30 =	vld [tilespmem:s8+$0xFFFFFF90];
	v53 =	vshll.u32 v56, $0x4;
	v60 =	vadd.s32 $0x3F, v42;
	v35 =	vor.u32 v0, v35  }
0x1d4: {  	v34 =	vld [tilespmem:s8+$0xFFFFFFD0];
	v27 =	vor.u32 v0, v24;
	v24 =	vadd.s32 $0x3F, v21;
	v39 =	vor.u32 v0, v39  }
0x1d5: {  	v37 =	vld [tilespmem:s8+$0x60];
	v18 =	vshra.s32 v18, $0x6;
	v21 =	vshll.u32 v21, $0x4;
	v61 =	vor.u32 v0, v59  }
0x1d6: {  	v38 =	vshra.s32 v24, $0x6;
	v24 =	vor.u32 v0, v29;
	v29 =	vshll.u32 v19, $0x4;
	v19 =	vld [tilespmem:s8+$0x20]  }
0x1d7: {  	v48 =	vshra.s32 v22, $0x6;
	v22 =	vshra.s32 v31, $0x6;
	v55 =	vor.u32 v0, v21;
	v31 =	vld.idx.msk [tilespmem:v36+s2+$0x0], $0xffff  }
0x1d8: {  	v41 =	vshra.s32 v32, $0x6;
	v21 =	vshll.u32 v30, $0x4;
	v29 =	vor.u32 v0, v29;
	v35 =	vld.idx.msk [tilespmem:v35+s2+$0x0], $0xffff  }
0x1d9: {  	v23 =	vshra.s32 v23, $0x6;
	v62 =	vadd.s32 v17, v48;
	v43 =	vor.u32 v0, v21;
	v39 =	vld.idx.msk [tilespmem:v39+s2+$0x0], $0xffff  }
0x1da: {  	v20 =	vor.u32 v0, v20;
	v63 =	vadd.s32 v17, v23;
	v23 =	vadd.s32 v41, v62;
	v41 =	vld.idx.msk [tilespmem:v61+s2+$0x0], $0xffff  }
0x1db: {  	v46 =	vshra.s32 v28, $0x6;
	v28 =	vadd.s32 $0x3F, v34;
	v44 =	vld.idx.msk [tilespmem:v24+s2+$0x0], $0xffff;
	v24 =	vshll.u32 v34, $0x4  }
0x1dc: {  	v51 =	vor.u32 v0, v57;
	v21 =	vshll.u32 v26, $0x4;
	v52 =	vld.idx.msk [tilespmem:v55+s2+$0x0], $0xffff;
	v47 =	vor.u32 v0, v24  }
0x1dd: {  	v49 =	vld.idx.msk [tilespmem:v29+s2+$0x0], $0xffff;
	v24 =	vadd.s32 v17, v22;
	v22 =	vshra.s32 v28, $0x6;
	v28 =	vor.u32 v0, v21  }
0x1de: {  	v42 =	vor.u32 v0, v53;
	v30 =	vadd.s32 $0x3F, v30;
	v29 =	vshll.u32 v37, $0x4;
	v43 =	vld.idx.msk [tilespmem:v43+s2+$0x0], $0xffff  }
0x1df: {  	v26 =	vadd.s32 $0x3F, v26;
	v45 =	vshll.u32 v19, $0x4;
	v25 =	vor.u32 v0, v29;
	v29 =	vld.idx.msk [tilespmem:v20+s2+$0x0], $0xffff  }
0x1e0: {  	v26 =	vshra.s32 v26, $0x6;
	v34 =	vshra.s32 v30, $0x6;
	v21 =	vld.idx.msk [tilespmem:v27+s2+$0x0], $0xffff;
	v45 =	vor.u32 v0, v45  }
0x1e1: {  	v30 =	vshra.s32 v58, $0x6;
	v27 =	vadd.s32 $0x3F, v37;
	v54 =	vadd.f32 v31, v33;
	v31 =	vld.idx.msk [tilespmem:v51+s2+$0x0], $0xffff  }
0x1e2: {  	v37 =	vshra.s32 v50, $0x6;
	v20 =	vshra.s32 v27, $0x6;
	v27 =	vadd.s32 $0x3F, v40;
	v28 =	vld.idx.msk [tilespmem:v28+s2+$0x0], $0xffff  }
0x1e3: {  	v27 =	vshra.s32 v27, $0x6;
	v44 =	vadd.f32 v44, v33;
	v32 =	vld.idx.msk [tilespmem:v47+s2+$0x0], $0xffff;
	v40 =	vadd.f32 v43, v33  }
0x1e4: {  	v43 =	vadd.f32 v52, v54;
	v25 =	vld.idx.msk [tilespmem:v25+s2+$0x0], $0xffff;
	v36 =	vadd.f32 v29, v33;
	v33 =	vadd.s32 v38, v63  }
0x1e5: {  	s9 =	simm.s32 $0x0;
	s10 =	sadd.s32 $0x100, s8;
	v29 =	vshra.s32 v60, $0x6;
	v38 =	vld.idx.msk [tilespmem:v45+s2+$0x0], $0xffff;
	v44 =	vadd.f32 v49, v44;
	v33 =	vadd.s32 v46, v33  }
.LBB2_15:
0x1e6: {  	v45 =	vld [tilespmem:s10+$0x10];
	s9 =	sadd.s32 $0x4, s9;
	v17 =	vadd.s32 v17, v34;
	v24 =	vadd.s32 v37, v24;
	v23 =	vadd.s32 v26, v23  }
0x1e7: {  	v26 =	vld [tilespmem:s10+$0xFFFFFFA0];
	p0 =	slt.u32 s9, $0x1C;
	v17 =	vadd.s32 v22, v17;
	v22 =	vadd.f32 v35, v36;
	v23 =	vadd.s32 v27, v23  }
0x1e8: {  	v32 =	vadd.f32 v32, v40;
	v28 =	vadd.f32 v28, v44;
	v27 =	vld [tilespmem:s10+$0xFFFFFFB0];
	v17 =	vadd.s32 v18, v17  }
0x1e9: {  	v18 =	vadd.s32 $0x3F, v19;
	v19 =	vadd.f32 v39, v43;
	v34 =	vld.idx.msk [tilespmem:v42+s2+$0x0], $0xffff;
	v17 =	vadd.s32 v30, v17  }
0x1ea: {  	v21 =	vadd.f32 v21, v32;
	v22 =	vadd.f32 v38, v22;
	v18 =	vshra.s32 v18, $0x6;
	v30 =	vld [tilespmem:s10+$0xFFFFFFF0]  }
0x1eb: {  	v33 =	vadd.s32 v29, v33;
	v18 =	vadd.s32 v18, v24;
	v35 =	vadd.f32 v41, v19;
	v32 =	vld [tilespmem:s10+$0xFFFFFF80]  }
0x1ec: {  	v29 =	vadd.f32 v31, v28;
	v31 =	vadd.f32 v25, v22;
	v20 =	vadd.s32 v20, v18;
	v19 =	vld [tilespmem:s10+$0xFFFFFFC0]  }
0x1ed: {  	v18 =	vshll.u32 v45, $0x4;
	v22 =	vadd.s32 $0x3F, v45;
	v25 =	vld [tilespmem:s10+$0xFFFFFFE0]  }
0x1ee: {  	v36 =	vor.u32 v0, v18;
	v28 =	vld [tilespmem:s10+$0x0]  }
0x1ef: {  	v18 =	vshra.s32 v22, $0x6;
	v38 =	vadd.f32 v34, v21;
	v24 =	vadd.s32 $0x3F, v30;
	v22 =	vld [tilespmem:s10+$0x30]  }
0x1f0: {  	v37 =	vadd.s32 $0x3F, v26;
	v21 =	vshll.u32 v32, $0x4;
	v34 =	vld [tilespmem:s10+$0xFFFFFF90];
	v41 =	vshra.s32 v24, $0x6  }
0x1f1: {  	v21 =	vor.u32 v0, v21;
	v24 =	vshll.u32 v19, $0x4;
	v39 =	vadd.s32 $0x3F, v19;
	v19 =	vld [tilespmem:s10+$0x20]  }
0x1f2: {  	v30 =	vshll.u32 v30, $0x4;
	v24 =	vor.u32 v0, v24;
	v40 =	vld [tilespmem:s10+$0xFFFFFFD0];
	v42 =	vshll.u32 v25, $0x4  }
0x1f3: {  	v43 =	vshll.u32 v27, $0x4;
	v30 =	vor.u32 v0, v30;
	v44 =	vshra.s32 v39, $0x6;
	v39 =	vld [tilespmem:s10+$0x60]  }
0x1f4: {  	v26 =	vshll.u32 v26, $0x4;
	v43 =	vor.u32 v0, v43;
	v45 =	vshll.u32 v22, $0x4;
	v46 =	vld [tilespmem:s10+$0x40]  }
0x1f5: {  	v26 =	vor.u32 v0, v26;
	v22 =	vadd.s32 $0x3F, v22;
	v47 =	vshll.u32 v34, $0x4;
	v48 =	vld [tilespmem:s10+$0x70]  }
0x1f6: {  	v49 =	vld.idx.msk [tilespmem:v21+s2+$0x0], $0xffff;
	v21 =	vadd.s32 $0x3F, v32;
	v32 =	vor.u32 v0, v47;
	v47 =	vshll.u32 v28, $0x4  }
0x1f7: {  	v52 =	vshra.s32 v22, $0x6;
	v51 =	vshll.u32 v19, $0x4;
	v50 =	vshll.u32 v40, $0x4  }
0x1f8: {  	v22 =	vadd.s32 $0x3F, v40;
	v40 =	vor.u32 v0, v42;
	v50 =	vor.u32 v0, v50;
	v42 =	vld [tilespmem:s10+$0x50]  }
0x1f9: {  	v53 =	vshra.s32 v21, $0x6;
	v21 =	vshra.s32 v37, $0x6;
	v37 =	vshll.u32 v39, $0x4;
	v54 =	vld.idx.msk [tilespmem:v24+s2+$0x0], $0xffff  }
0x1fa: {  	v47 =	vor.u32 v0, v47;
	v22 =	vshra.s32 v22, $0x6;
	v24 =	vadd.s32 v20, v21;
	v21 =	vld.idx.msk [tilespmem:v36+s2+$0x0], $0xffff  }
0x1fb: {  	v20 =	vadd.s32 $0x3F, v39;
	v36 =	vld.idx.msk [tilespmem:v43+s2+$0x0], $0xffff;
	v43 =	vadd.s32 $0x3F, v25;
	v25 =	vor.u32 v0, v37  }
0x1fc: {  	v20 =	vshra.s32 v20, $0x6;
	v37 =	vld.idx.msk [tilespmem:v26+s2+$0x0], $0xffff;
	v26 =	vadd.s32 $0x3F, v28;
	v28 =	vshll.u32 v46, $0x4  }
0x1fd: {  	v34 =	vadd.s32 $0x3F, v34;
	v39 =	vld.idx.msk [tilespmem:v32+s2+$0x0], $0xffff;
	v26 =	vshra.s32 v26, $0x6;
	v55 =	vor.u32 v0, v28  }
0x1fe: {  	v51 =	vor.u32 v0, v51;
	v56 =	vld.idx.msk [tilespmem:v30+s2+$0x0], $0xffff;
	v30 =	vadd.s32 $0x3F, v46;
	v46 =	vadd.s32 $0x3F, v42  }
0x1ff: {  	v57 =	vadd.s32 $0x3F, v27;
	v45 =	vor.u32 v0, v45;
	v28 =	vld.idx.msk [tilespmem:v47+s2+$0x0], $0xffff;
	v47 =	vshll.u32 v48, $0x4  }
0x200: {  	v42 =	vshll.u32 v42, $0x4;
	v27 =	vshra.s32 v30, $0x6;
	v48 =	vadd.s32 $0x3F, v48;
	v25 =	vld.idx.msk [tilespmem:v25+s2+$0x0], $0xffff  }
0x201: {  	v49 =	vadd.f32 v49, v29;
	v58 =	vadd.f32 v36, v35;
	v47 =	vor.u32 v0, v47;
	v32 =	vld.idx.msk [tilespmem:v50+s2+$0x0], $0xffff  }
.Ltmp6:
0x202: {  	v34 =	vshra.s32 v34, $0x6;
	v30 =	vshra.s32 v46, $0x6;
	v50 =	vshra.s32 v57, $0x6;
	v35 =	vld.idx.msk [tilespmem:v40+s2+$0x0], $0xffff;
	(pc) =	sbr.rel @p0 .LBB2_15-.Ltmp6, $4  }
0x203: {  	v29 =	vshra.s32 v48, $0x6;
	v36 =	vadd.f32 v37, v31;
	v37 =	vshra.s32 v43, $0x6;
	v31 =	vld.idx.msk [tilespmem:v55+s2+$0x0], $0xffff  }
0x204: {  	v23 =	vadd.s32 v23, v53;
	v40 =	vadd.f32 v39, v38;
	v33 =	vadd.s32 v33, v50;
	v39 =	vld.idx.msk [tilespmem:v45+s2+$0x0], $0xffff  }
0x205: {  	v23 =	vadd.s32 v44, v23;
	v42 =	vor.u32 v0, v42;
	v33 =	vadd.s32 v41, v33;
	v38 =	vld.idx.msk [tilespmem:v51+s2+$0x0], $0xffff  }
0x206: {  	s10 =	sadd.s32 $0x100, s10;
	v44 =	vadd.f32 v54, v49;
	v43 =	vadd.f32 v56, v58;
	v33 =	vadd.s32 v52, v33;
	v41 =	vld.idx.msk [tilespmem:v47+s2+$0x0], $0xffff  }
0x207: {  	_ =	sdelay $0x2  }
0x208: {  	v35 =	vadd.f32 v35, v36  }
0x209: {  	v42 =	vld.idx.msk [tilespmem:v42+s2+$0x0], $0xffff;
	v32 =	vadd.f32 v32, v40;
	v17 =	vadd.s32 v17, v34;
	v24 =	vadd.s32 v37, v24  }
0x20a: {  	v23 =	vadd.s32 v26, v23;
	v28 =	vadd.f32 v28, v44;
	v17 =	vadd.s32 v22, v17  }
0x20b: {  	v62 =	vadd.s32 v27, v23;
	v57 =	vadd.f32 v39, v43;
	v21 =	vadd.f32 v21, v32  }
0x20c: {  	v17 =	vadd.s32 v18, v17;
	v18 =	vadd.s32 $0x3F, v19;
	v58 =	vadd.f32 v38, v35  }
0x20d: {  	v28 =	vadd.f32 v31, v28;
	v18 =	vshra.s32 v18, $0x6;
	v59 =	vadd.f32 v41, v57  }
0x20e: {  	s9 =	smul.u32 $0x11, s7;
	s7 =	sadd.s32 $0x1, s7;
	v17 =	vadd.s32 v30, v17;
	v60 =	vadd.f32 v25, v58;
	v21 =	vadd.f32 v42, v21  }
0x20f: {  	p0 =	sne.s32 s7, $0x10;
	v18 =	vadd.s32 v18, v24;
	v17 =	vadd.s32 v62, v17  }
.Ltmp7:
0x210: {  	v18 =	vadd.s32 v20, v18;
	v19 =	vadd.f32 v21, v28;
	v61 =	vadd.f32 v59, v60;
	(pc) =	sbr.rel @p0 .LBB2_14-.Ltmp7, $4  }
0x211: {  	v63 =	vadd.s32 v29, v33;
	v17 =	vadd.s32 v18, v17  }
0x212: {  	v17 =	vadd.s32 v63, v17;
	v19 =	vadd.f32 v61, v19  }
0x213: {  	[tilespmem:s9+$0x10680] =	vst v17  }
0x214: {  	s8 =	sadd.s32 $0x800, s8;
	[tilespmem:s9+$0x10500] =	vst v19  }
0x215: {  	_ =	sdelay $0x3  }
0x216: {  	v17 =	vld.idx.msk [tilespmem:v1+s1+$0x0], $0xffff  }
0x217: {  	v18 =	vld.idx.msk [tilespmem:v1+s3+$0x0], $0xffff  }
0x218: {  	v19 =	vld.idx.msk [tilespmem:v2+s1+$0x0], $0xffff  }
0x219: {  	v20 =	vld.idx.msk [tilespmem:v2+s3+$0x0], $0xffff  }
0x21a: {  	v21 =	vld.idx.msk [tilespmem:v3+s1+$0x0], $0xffff  }
0x21b: {  	v22 =	vld.idx.msk [tilespmem:v3+s3+$0x0], $0xffff  }
0x21c: {  	v23 =	vld.idx.msk [tilespmem:v4+s1+$0x0], $0xffff  }
0x21d: {  	v24 =	vld.idx.msk [tilespmem:v4+s3+$0x0], $0xffff  }
0x21e: {  	v25 =	vld.idx.msk [tilespmem:v5+s1+$0x0], $0xffff  }
0x21f: {  	v26 =	vld.idx.msk [tilespmem:v5+s3+$0x0], $0xffff  }
0x220: {  	v27 =	vld.idx.msk [tilespmem:v6+s1+$0x0], $0xffff  }
0x221: {  	v28 =	vld.idx.msk [tilespmem:v6+s3+$0x0], $0xffff;
	v17 =	vadd.f32 $0.0e+00, v17  }
0x222: {  	v29 =	vld.idx.msk [tilespmem:v7+s1+$0x0], $0xffff  }
0x223: {  	v30 =	vld.idx.msk [tilespmem:v8+s1+$0x0], $0xffff;
	v17 =	vadd.f32 v19, v17  }
0x224: {  	v51 =	vld.idx.msk [tilespmem:v8+s3+$0x0], $0xffff  }
0x225: {  	v52 =	vld.idx.msk [tilespmem:v9+s1+$0x0], $0xffff;
	v17 =	vadd.f32 v21, v17  }
0x226: {  	v18 =	vadd.s32 v18, v20;
	v19 =	vld.idx.msk [tilespmem:v7+s3+$0x0], $0xffff  }
0x227: {  	v53 =	vld.idx.msk [tilespmem:v9+s3+$0x0], $0xffff;
	v18 =	vadd.s32 v22, v18;
	v17 =	vadd.f32 v23, v17  }
0x228: {  	v54 =	vld.idx.msk [tilespmem:v10+s1+$0x0], $0xffff;
	v18 =	vadd.s32 v24, v18  }
0x229: {  	v55 =	vld.idx.msk [tilespmem:v10+s3+$0x0], $0xffff;
	v18 =	vadd.s32 v26, v18;
	v17 =	vadd.f32 v25, v17  }
0x22a: {  	v56 =	vld.idx.msk [tilespmem:v11+s3+$0x0], $0xffff;
	v18 =	vadd.s32 v28, v18  }
0x22b: {  	v18 =	vadd.s32 v19, v18;
	v19 =	vld.idx.msk [tilespmem:v12+s3+$0x0], $0xffff;
	v17 =	vadd.f32 v27, v17  }
0x22c: {  	v57 =	vld.idx.msk [tilespmem:v13+s3+$0x0], $0xffff;
	v18 =	vadd.s32 v51, v18  }
0x22d: {  	v58 =	vld.idx.msk [tilespmem:v14+s3+$0x0], $0xffff;
	v18 =	vadd.s32 v53, v18;
	v17 =	vadd.f32 v29, v17  }
0x22e: {  	v59 =	vld.idx.msk [tilespmem:v15+s3+$0x0], $0xffff;
	v18 =	vadd.s32 v55, v18  }
0x22f: {  	v60 =	vld.idx.msk [tilespmem:v16+s3+$0x0], $0xffff;
	v18 =	vadd.s32 v56, v18;
	v17 =	vadd.f32 v30, v17  }
0x230: {  	v18 =	vadd.s32 v19, v18;
	v19 =	vld.idx.msk [tilespmem:v11+s1+$0x0], $0xffff  }
0x231: {  	v18 =	vadd.s32 v57, v18;
	v17 =	vadd.f32 v52, v17  }
0x232: {  	v61 =	vld.idx.msk [tilespmem:v12+s1+$0x0], $0xffff;
	v18 =	vadd.s32 v58, v18  }
0x233: {  	v18 =	vadd.s32 v59, v18;
	v17 =	vadd.f32 v54, v17  }
0x234: {  	v62 =	vld.idx.msk [tilespmem:v13+s1+$0x0], $0xffff;
	v18 =	vadd.s32 v60, v18  }
0x235: {  	v18 =	vcvt.s32.f32 v18;
	v17 =	vadd.f32 v19, v17  }
0x236: {  	v19 =	vld.idx.msk [tilespmem:v14+s1+$0x0], $0xffff  }
0x237: {  	(erf) = vrcp.f32 v18;
	v17 =	vadd.f32 v61, v17  }
0x238: {  	v18 =	vld.idx.msk [tilespmem:v15+s1+$0x0], $0xffff  }
0x239: {  	v17 =	vadd.f32 v62, v17  }
0x23a: {  	v63 =	vld.idx.msk [tilespmem:v16+s1+$0x0], $0xffff  }
0x23b: {  	v17 =	vadd.f32 v19, v17;
	_ =	sdelay $0x1  }
0x23c: {  	v17 =	vadd.f32 v18, v17;
	_ =	sdelay $0x1  }
0x23d: {  	v17 =	vadd.f32 v63, v17  }
0x23e: {  	v18 =	vpop (erf)  }
0x23f: {  	v17 =	vmul.f32 v18, v17;
	_ =	sdelay $0x1  }
0x240: {  	s7 =	simm.s32 $0x0;
	s8 =	simm.s32 $0x580;
	[tilespmem:$0x10830] =	vst v17  }
.LBB2_18:
0x241: {  	s9 =	sshll.u32 s7, $0xB  }
0x242: {  	_ =	swait.ge [sflag:s0], $0x800;
	s10 =	sor.u32 s4, s9  }
0x243: {  	[sflag:s0] =	ssyncset.done $0x0;
	s10 =	sshrl.u32 s10, $0x3  }
0x244: {  	s9 =	sadd.s32 $0x8500, s9;
	[sflag:s0] =	ssyncadd.s32 $0xFFFFF800;
	s10 =	sadd.s32 s10, s26  }
0x245: {  	[tilespmem:s9], [sflag:$0x2] =	stream.linear.gather [hbm4b:s10+s2], $0x800, $0x38;
	[tilespmem:$0x10880] =	vst v63  }
0x246: {  	v18 =	vld [tilespmem:s8+$0x10]  }
0x247: {  	v20 =	vld [tilespmem:s8+$0xFFFFFFA0]  }
0x248: {  	v23 =	vld [tilespmem:s8+$0xFFFFFFB0]  }
0x249: {  	v22 =	vld [tilespmem:s8+$0xFFFFFF80]  }
0x24a: {  	v19 =	vld [tilespmem:s8+$0xFFFFFFC0]  }
0x24b: {  	v25 =	vld [tilespmem:s8+$0xFFFFFFE0]  }
0x24c: {  	v28 =	vld [tilespmem:s8+$0x30]  }
0x24d: {  	v40 =	vld [tilespmem:s8+$0x40]  }
0x24e: {  	v33 =	vimm.f32 $0.0e+00;
	v56 =	vld [tilespmem:s8+$0x50]  }
0x24f: {  	v17 =	vimm.s32 $0x0;
	v42 =	vld [tilespmem:s8+$0x70];
	v24 =	vshll.u32 v18, $0x4;
	v18 =	vadd.s32 $0x3F, v18  }
0x250: {  	v29 =	vshll.u32 v22, $0x4;
	v31 =	vadd.s32 $0x3F, v20;
	v32 =	vadd.s32 $0x3F, v19  }
0x251: {  	v21 =	vld [tilespmem:s8+$0xFFFFFFF0];
	v35 =	vshll.u32 v25, $0x4;
	v36 =	vshll.u32 v23, $0x4;
	v20 =	vshll.u32 v20, $0x4  }
0x252: {  	v39 =	vshll.u32 v28, $0x4;
	v28 =	vadd.s32 $0x3F, v28;
	v22 =	vadd.s32 $0x3F, v22  }
0x253: {  	v50 =	vadd.s32 $0x3F, v25;
	v57 =	vshll.u32 v40, $0x4;
	v58 =	vadd.s32 $0x3F, v56  }
0x254: {  	v26 =	vld [tilespmem:s8+$0x0];
	v23 =	vadd.s32 $0x3F, v23;
	v59 =	vshll.u32 v42, $0x4;
	v36 =	vor.u32 v0, v36  }
0x255: {  	v30 =	vld [tilespmem:s8+$0xFFFFFF90];
	v53 =	vshll.u32 v56, $0x4;
	v60 =	vadd.s32 $0x3F, v42;
	v35 =	vor.u32 v0, v35  }
0x256: {  	v34 =	vld [tilespmem:s8+$0xFFFFFFD0];
	v27 =	vor.u32 v0, v24;
	v24 =	vadd.s32 $0x3F, v21;
	v39 =	vor.u32 v0, v39  }
0x257: {  	v37 =	vld [tilespmem:s8+$0x60];
	v18 =	vshra.s32 v18, $0x6;
	v21 =	vshll.u32 v21, $0x4;
	v61 =	vor.u32 v0, v59  }
0x258: {  	v38 =	vshra.s32 v24, $0x6;
	v24 =	vor.u32 v0, v29;
	v29 =	vshll.u32 v19, $0x4;
	v19 =	vld [tilespmem:s8+$0x20]  }
0x259: {  	v48 =	vshra.s32 v22, $0x6;
	v22 =	vshra.s32 v31, $0x6;
	v55 =	vor.u32 v0, v21;
	v31 =	vld.idx.msk [tilespmem:v36+s2+$0x0], $0xffff  }
0x25a: {  	v41 =	vshra.s32 v32, $0x6;
	v21 =	vshll.u32 v30, $0x4;
	v29 =	vor.u32 v0, v29;
	v35 =	vld.idx.msk [tilespmem:v35+s2+$0x0], $0xffff  }
0x25b: {  	v23 =	vshra.s32 v23, $0x6;
	v62 =	vadd.s32 v17, v48;
	v43 =	vor.u32 v0, v21;
	v39 =	vld.idx.msk [tilespmem:v39+s2+$0x0], $0xffff  }
0x25c: {  	v20 =	vor.u32 v0, v20;
	v63 =	vadd.s32 v17, v23;
	v23 =	vadd.s32 v41, v62;
	v41 =	vld.idx.msk [tilespmem:v61+s2+$0x0], $0xffff  }
0x25d: {  	v46 =	vshra.s32 v28, $0x6;
	v28 =	vadd.s32 $0x3F, v34;
	v44 =	vld.idx.msk [tilespmem:v24+s2+$0x0], $0xffff;
	v24 =	vshll.u32 v34, $0x4  }
0x25e: {  	v51 =	vor.u32 v0, v57;
	v21 =	vshll.u32 v26, $0x4;
	v52 =	vld.idx.msk [tilespmem:v55+s2+$0x0], $0xffff;
	v47 =	vor.u32 v0, v24  }
0x25f: {  	v49 =	vld.idx.msk [tilespmem:v29+s2+$0x0], $0xffff;
	v24 =	vadd.s32 v17, v22;
	v22 =	vshra.s32 v28, $0x6;
	v28 =	vor.u32 v0, v21  }
0x260: {  	v42 =	vor.u32 v0, v53;
	v30 =	vadd.s32 $0x3F, v30;
	v29 =	vshll.u32 v37, $0x4;
	v43 =	vld.idx.msk [tilespmem:v43+s2+$0x0], $0xffff  }
0x261: {  	v26 =	vadd.s32 $0x3F, v26;
	v45 =	vshll.u32 v19, $0x4;
	v25 =	vor.u32 v0, v29;
	v29 =	vld.idx.msk [tilespmem:v20+s2+$0x0], $0xffff  }
0x262: {  	v26 =	vshra.s32 v26, $0x6;
	v34 =	vshra.s32 v30, $0x6;
	v21 =	vld.idx.msk [tilespmem:v27+s2+$0x0], $0xffff;
	v45 =	vor.u32 v0, v45  }
0x263: {  	v30 =	vshra.s32 v58, $0x6;
	v27 =	vadd.s32 $0x3F, v37;
	v54 =	vadd.f32 v31, v33;
	v31 =	vld.idx.msk [tilespmem:v51+s2+$0x0], $0xffff  }
0x264: {  	v37 =	vshra.s32 v50, $0x6;
	v20 =	vshra.s32 v27, $0x6;
	v27 =	vadd.s32 $0x3F, v40;
	v28 =	vld.idx.msk [tilespmem:v28+s2+$0x0], $0xffff  }
0x265: {  	v27 =	vshra.s32 v27, $0x6;
	v44 =	vadd.f32 v44, v33;
	v32 =	vld.idx.msk [tilespmem:v47+s2+$0x0], $0xffff;
	v40 =	vadd.f32 v43, v33  }
0x266: {  	v43 =	vadd.f32 v52, v54;
	v25 =	vld.idx.msk [tilespmem:v25+s2+$0x0], $0xffff;
	v36 =	vadd.f32 v29, v33;
	v33 =	vadd.s32 v38, v63  }
0x267: {  	s9 =	simm.s32 $0x0;
	s10 =	sadd.s32 $0x100, s8;
	v29 =	vshra.s32 v60, $0x6;
	v38 =	vld.idx.msk [tilespmem:v45+s2+$0x0], $0xffff;
	v44 =	vadd.f32 v49, v44;
	v33 =	vadd.s32 v46, v33  }
.LBB2_19:
0x268: {  	v45 =	vld [tilespmem:s10+$0x10];
	s9 =	sadd.s32 $0x4, s9;
	v17 =	vadd.s32 v17, v34;
	v24 =	vadd.s32 v37, v24;
	v23 =	vadd.s32 v26, v23  }
0x269: {  	v26 =	vld [tilespmem:s10+$0xFFFFFFA0];
	p0 =	slt.u32 s9, $0x1C;
	v17 =	vadd.s32 v22, v17;
	v22 =	vadd.f32 v35, v36;
	v23 =	vadd.s32 v27, v23  }
0x26a: {  	v32 =	vadd.f32 v32, v40;
	v28 =	vadd.f32 v28, v44;
	v27 =	vld [tilespmem:s10+$0xFFFFFFB0];
	v17 =	vadd.s32 v18, v17  }
0x26b: {  	v18 =	vadd.s32 $0x3F, v19;
	v19 =	vadd.f32 v39, v43;
	v34 =	vld.idx.msk [tilespmem:v42+s2+$0x0], $0xffff;
	v17 =	vadd.s32 v30, v17  }
0x26c: {  	v21 =	vadd.f32 v21, v32;
	v22 =	vadd.f32 v38, v22;
	v18 =	vshra.s32 v18, $0x6;
	v30 =	vld [tilespmem:s10+$0xFFFFFFF0]  }
0x26d: {  	v33 =	vadd.s32 v29, v33;
	v18 =	vadd.s32 v18, v24;
	v35 =	vadd.f32 v41, v19;
	v32 =	vld [tilespmem:s10+$0xFFFFFF80]  }
0x26e: {  	v29 =	vadd.f32 v31, v28;
	v31 =	vadd.f32 v25, v22;
	v20 =	vadd.s32 v20, v18;
	v19 =	vld [tilespmem:s10+$0xFFFFFFC0]  }
0x26f: {  	v18 =	vshll.u32 v45, $0x4;
	v22 =	vadd.s32 $0x3F, v45;
	v25 =	vld [tilespmem:s10+$0xFFFFFFE0]  }
0x270: {  	v36 =	vor.u32 v0, v18;
	v28 =	vld [tilespmem:s10+$0x0]  }
0x271: {  	v18 =	vshra.s32 v22, $0x6;
	v38 =	vadd.f32 v34, v21;
	v24 =	vadd.s32 $0x3F, v30;
	v22 =	vld [tilespmem:s10+$0x30]  }
0x272: {  	v37 =	vadd.s32 $0x3F, v26;
	v21 =	vshll.u32 v32, $0x4;
	v34 =	vld [tilespmem:s10+$0xFFFFFF90];
	v41 =	vshra.s32 v24, $0x6  }
0x273: {  	v21 =	vor.u32 v0, v21;
	v24 =	vshll.u32 v19, $0x4;
	v39 =	vadd.s32 $0x3F, v19;
	v19 =	vld [tilespmem:s10+$0x20]  }
0x274: {  	v30 =	vshll.u32 v30, $0x4;
	v24 =	vor.u32 v0, v24;
	v40 =	vld [tilespmem:s10+$0xFFFFFFD0];
	v42 =	vshll.u32 v25, $0x4  }
0x275: {  	v43 =	vshll.u32 v27, $0x4;
	v30 =	vor.u32 v0, v30;
	v44 =	vshra.s32 v39, $0x6;
	v39 =	vld [tilespmem:s10+$0x60]  }
0x276: {  	v26 =	vshll.u32 v26, $0x4;
	v43 =	vor.u32 v0, v43;
	v45 =	vshll.u32 v22, $0x4;
	v46 =	vld [tilespmem:s10+$0x40]  }
0x277: {  	v26 =	vor.u32 v0, v26;
	v22 =	vadd.s32 $0x3F, v22;
	v47 =	vshll.u32 v34, $0x4;
	v48 =	vld [tilespmem:s10+$0x70]  }
0x278: {  	v49 =	vld.idx.msk [tilespmem:v21+s2+$0x0], $0xffff;
	v21 =	vadd.s32 $0x3F, v32;
	v32 =	vor.u32 v0, v47;
	v47 =	vshll.u32 v28, $0x4  }
0x279: {  	v52 =	vshra.s32 v22, $0x6;
	v51 =	vshll.u32 v19, $0x4;
	v50 =	vshll.u32 v40, $0x4  }
0x27a: {  	v22 =	vadd.s32 $0x3F, v40;
	v40 =	vor.u32 v0, v42;
	v50 =	vor.u32 v0, v50;
	v42 =	vld [tilespmem:s10+$0x50]  }
0x27b: {  	v53 =	vshra.s32 v21, $0x6;
	v21 =	vshra.s32 v37, $0x6;
	v37 =	vshll.u32 v39, $0x4;
	v54 =	vld.idx.msk [tilespmem:v24+s2+$0x0], $0xffff  }
0x27c: {  	v47 =	vor.u32 v0, v47;
	v22 =	vshra.s32 v22, $0x6;
	v24 =	vadd.s32 v20, v21;
	v21 =	vld.idx.msk [tilespmem:v36+s2+$0x0], $0xffff  }
0x27d: {  	v20 =	vadd.s32 $0x3F, v39;
	v36 =	vld.idx.msk [tilespmem:v43+s2+$0x0], $0xffff;
	v43 =	vadd.s32 $0x3F, v25;
	v25 =	vor.u32 v0, v37  }
0x27e: {  	v20 =	vshra.s32 v20, $0x6;
	v37 =	vld.idx.msk [tilespmem:v26+s2+$0x0], $0xffff;
	v26 =	vadd.s32 $0x3F, v28;
	v28 =	vshll.u32 v46, $0x4  }
0x27f: {  	v34 =	vadd.s32 $0x3F, v34;
	v39 =	vld.idx.msk [tilespmem:v32+s2+$0x0], $0xffff;
	v26 =	vshra.s32 v26, $0x6;
	v55 =	vor.u32 v0, v28  }
0x280: {  	v51 =	vor.u32 v0, v51;
	v56 =	vld.idx.msk [tilespmem:v30+s2+$0x0], $0xffff;
	v30 =	vadd.s32 $0x3F, v46;
	v46 =	vadd.s32 $0x3F, v42  }
0x281: {  	v57 =	vadd.s32 $0x3F, v27;
	v45 =	vor.u32 v0, v45;
	v28 =	vld.idx.msk [tilespmem:v47+s2+$0x0], $0xffff;
	v47 =	vshll.u32 v48, $0x4  }
0x282: {  	v42 =	vshll.u32 v42, $0x4;
	v27 =	vshra.s32 v30, $0x6;
	v48 =	vadd.s32 $0x3F, v48;
	v25 =	vld.idx.msk [tilespmem:v25+s2+$0x0], $0xffff  }
0x283: {  	v49 =	vadd.f32 v49, v29;
	v58 =	vadd.f32 v36, v35;
	v47 =	vor.u32 v0, v47;
	v32 =	vld.idx.msk [tilespmem:v50+s2+$0x0], $0xffff  }
.Ltmp8:
0x284: {  	v34 =	vshra.s32 v34, $0x6;
	v30 =	vshra.s32 v46, $0x6;
	v50 =	vshra.s32 v57, $0x6;
	v35 =	vld.idx.msk [tilespmem:v40+s2+$0x0], $0xffff;
	(pc) =	sbr.rel @p0 .LBB2_19-.Ltmp8, $4  }
0x285: {  	v29 =	vshra.s32 v48, $0x6;
	v36 =	vadd.f32 v37, v31;
	v37 =	vshra.s32 v43, $0x6;
	v31 =	vld.idx.msk [tilespmem:v55+s2+$0x0], $0xffff  }
0x286: {  	v23 =	vadd.s32 v23, v53;
	v40 =	vadd.f32 v39, v38;
	v33 =	vadd.s32 v33, v50;
	v39 =	vld.idx.msk [tilespmem:v45+s2+$0x0], $0xffff  }
0x287: {  	v23 =	vadd.s32 v44, v23;
	v42 =	vor.u32 v0, v42;
	v33 =	vadd.s32 v41, v33;
	v38 =	vld.idx.msk [tilespmem:v51+s2+$0x0], $0xffff  }
0x288: {  	s10 =	sadd.s32 $0x100, s10;
	v44 =	vadd.f32 v54, v49;
	v43 =	vadd.f32 v56, v58;
	v33 =	vadd.s32 v52, v33;
	v41 =	vld.idx.msk [tilespmem:v47+s2+$0x0], $0xffff  }
0x289: {  	_ =	sdelay $0x2  }
0x28a: {  	v35 =	vadd.f32 v35, v36  }
0x28b: {  	v42 =	vld.idx.msk [tilespmem:v42+s2+$0x0], $0xffff;
	v32 =	vadd.f32 v32, v40;
	v17 =	vadd.s32 v17, v34;
	v24 =	vadd.s32 v37, v24  }
0x28c: {  	v23 =	vadd.s32 v26, v23;
	v28 =	vadd.f32 v28, v44;
	v17 =	vadd.s32 v22, v17  }
0x28d: {  	v62 =	vadd.s32 v27, v23;
	v57 =	vadd.f32 v39, v43;
	v21 =	vadd.f32 v21, v32  }
0x28e: {  	v17 =	vadd.s32 v18, v17;
	v18 =	vadd.s32 $0x3F, v19;
	v58 =	vadd.f32 v38, v35  }
0x28f: {  	v28 =	vadd.f32 v31, v28;
	v18 =	vshra.s32 v18, $0x6;
	v59 =	vadd.f32 v41, v57  }
0x290: {  	s9 =	smul.u32 $0x11, s7;
	s7 =	sadd.s32 $0x1, s7;
	v17 =	vadd.s32 v30, v17;
	v60 =	vadd.f32 v25, v58;
	v21 =	vadd.f32 v42, v21  }
0x291: {  	p0 =	sne.s32 s7, $0x10;
	v18 =	vadd.s32 v18, v24;
	v17 =	vadd.s32 v62, v17  }
.Ltmp9:
0x292: {  	v18 =	vadd.s32 v20, v18;
	v19 =	vadd.f32 v21, v28;
	v61 =	vadd.f32 v59, v60;
	(pc) =	sbr.rel @p0 .LBB2_18-.Ltmp9, $4  }
0x293: {  	v63 =	vadd.s32 v29, v33;
	v17 =	vadd.s32 v18, v17  }
0x294: {  	v17 =	vadd.s32 v63, v17;
	v19 =	vadd.f32 v61, v19  }
0x295: {  	[tilespmem:s9+$0x10680] =	vst v17  }
0x296: {  	s8 =	sadd.s32 $0x800, s8;
	[tilespmem:s9+$0x10500] =	vst v19  }
0x297: {  	_ =	sdelay $0x3  }
0x298: {  	v17 =	vld.idx.msk [tilespmem:v1+s1+$0x0], $0xffff  }
0x299: {  	v18 =	vld.idx.msk [tilespmem:v1+s3+$0x0], $0xffff  }
0x29a: {  	v19 =	vld.idx.msk [tilespmem:v2+s1+$0x0], $0xffff  }
0x29b: {  	v20 =	vld.idx.msk [tilespmem:v2+s3+$0x0], $0xffff  }
0x29c: {  	v21 =	vld.idx.msk [tilespmem:v3+s1+$0x0], $0xffff  }
0x29d: {  	v22 =	vld.idx.msk [tilespmem:v3+s3+$0x0], $0xffff  }
0x29e: {  	v23 =	vld.idx.msk [tilespmem:v4+s1+$0x0], $0xffff  }
0x29f: {  	v24 =	vld.idx.msk [tilespmem:v4+s3+$0x0], $0xffff  }
0x2a0: {  	v25 =	vld.idx.msk [tilespmem:v5+s1+$0x0], $0xffff  }
0x2a1: {  	v26 =	vld.idx.msk [tilespmem:v5+s3+$0x0], $0xffff  }
0x2a2: {  	v27 =	vld.idx.msk [tilespmem:v6+s1+$0x0], $0xffff  }
0x2a3: {  	v28 =	vld.idx.msk [tilespmem:v6+s3+$0x0], $0xffff;
	v17 =	vadd.f32 $0.0e+00, v17  }
0x2a4: {  	v29 =	vld.idx.msk [tilespmem:v7+s1+$0x0], $0xffff  }
0x2a5: {  	v30 =	vld.idx.msk [tilespmem:v8+s1+$0x0], $0xffff;
	v17 =	vadd.f32 v19, v17  }
0x2a6: {  	v51 =	vld.idx.msk [tilespmem:v8+s3+$0x0], $0xffff  }
0x2a7: {  	v52 =	vld.idx.msk [tilespmem:v9+s1+$0x0], $0xffff;
	v17 =	vadd.f32 v21, v17  }
0x2a8: {  	v18 =	vadd.s32 v18, v20;
	v19 =	vld.idx.msk [tilespmem:v7+s3+$0x0], $0xffff  }
0x2a9: {  	v53 =	vld.idx.msk [tilespmem:v9+s3+$0x0], $0xffff;
	v18 =	vadd.s32 v22, v18;
	v17 =	vadd.f32 v23, v17  }
0x2aa: {  	v54 =	vld.idx.msk [tilespmem:v10+s1+$0x0], $0xffff;
	v18 =	vadd.s32 v24, v18  }
0x2ab: {  	v55 =	vld.idx.msk [tilespmem:v10+s3+$0x0], $0xffff;
	v18 =	vadd.s32 v26, v18;
	v17 =	vadd.f32 v25, v17  }
0x2ac: {  	v56 =	vld.idx.msk [tilespmem:v11+s3+$0x0], $0xffff;
	v18 =	vadd.s32 v28, v18  }
0x2ad: {  	v18 =	vadd.s32 v19, v18;
	v19 =	vld.idx.msk [tilespmem:v12+s3+$0x0], $0xffff;
	v17 =	vadd.f32 v27, v17  }
0x2ae: {  	v57 =	vld.idx.msk [tilespmem:v13+s3+$0x0], $0xffff;
	v18 =	vadd.s32 v51, v18  }
0x2af: {  	v58 =	vld.idx.msk [tilespmem:v14+s3+$0x0], $0xffff;
	v18 =	vadd.s32 v53, v18;
	v17 =	vadd.f32 v29, v17  }
0x2b0: {  	v59 =	vld.idx.msk [tilespmem:v15+s3+$0x0], $0xffff;
	v18 =	vadd.s32 v55, v18  }
0x2b1: {  	v60 =	vld.idx.msk [tilespmem:v16+s3+$0x0], $0xffff;
	v18 =	vadd.s32 v56, v18;
	v17 =	vadd.f32 v30, v17  }
0x2b2: {  	v18 =	vadd.s32 v19, v18;
	v19 =	vld.idx.msk [tilespmem:v11+s1+$0x0], $0xffff  }
0x2b3: {  	v18 =	vadd.s32 v57, v18;
	v17 =	vadd.f32 v52, v17  }
0x2b4: {  	v61 =	vld.idx.msk [tilespmem:v12+s1+$0x0], $0xffff;
	v18 =	vadd.s32 v58, v18  }
0x2b5: {  	v18 =	vadd.s32 v59, v18;
	v17 =	vadd.f32 v54, v17  }
0x2b6: {  	v62 =	vld.idx.msk [tilespmem:v13+s1+$0x0], $0xffff;
	v18 =	vadd.s32 v60, v18  }
0x2b7: {  	v18 =	vcvt.s32.f32 v18;
	v17 =	vadd.f32 v19, v17  }
0x2b8: {  	v19 =	vld.idx.msk [tilespmem:v14+s1+$0x0], $0xffff  }
0x2b9: {  	(erf) = vrcp.f32 v18;
	v17 =	vadd.f32 v61, v17  }
0x2ba: {  	v18 =	vld.idx.msk [tilespmem:v15+s1+$0x0], $0xffff  }
0x2bb: {  	v17 =	vadd.f32 v62, v17  }
0x2bc: {  	v63 =	vld.idx.msk [tilespmem:v16+s1+$0x0], $0xffff  }
0x2bd: {  	v17 =	vadd.f32 v19, v17;
	_ =	sdelay $0x1  }
0x2be: {  	v17 =	vadd.f32 v18, v17;
	_ =	sdelay $0x1  }
0x2bf: {  	v17 =	vadd.f32 v63, v17  }
0x2c0: {  	v18 =	vpop (erf)  }
0x2c1: {  	v17 =	vmul.f32 v18, v17;
	_ =	sdelay $0x1  }
0x2c2: {  	s7 =	simm.s32 $0x0;
	s8 =	simm.s32 $0x8580;
	[tilespmem:$0x10840] =	vst v17  }
.LBB2_22:
0x2c3: {  	s9 =	sshll.u32 s7, $0xB  }
0x2c4: {  	_ =	swait.ge [sflag:s5], $0x800;
	s10 =	sor.u32 s4, s9  }
0x2c5: {  	[sflag:s5] =	ssyncset.done $0x0;
	s10 =	sshrl.u32 s10, $0x3  }
0x2c6: {  	s9 =	sor.u32 $0x500, s9;
	[sflag:s5] =	ssyncadd.s32 $0xFFFFF800;
	s10 =	sadd.s32 s10, s28  }
0x2c7: {  	[tilespmem:s9], [sflag:$0x1] =	stream.linear.gather [hbm4b:s10+s2], $0x800, $0x38;
	[tilespmem:$0x10880] =	vst v63  }
0x2c8: {  	v18 =	vld [tilespmem:s8+$0x10]  }
0x2c9: {  	v20 =	vld [tilespmem:s8+$0xFFFFFFA0]  }
0x2ca: {  	v23 =	vld [tilespmem:s8+$0xFFFFFFB0]  }
0x2cb: {  	v22 =	vld [tilespmem:s8+$0xFFFFFF80]  }
0x2cc: {  	v19 =	vld [tilespmem:s8+$0xFFFFFFC0]  }
0x2cd: {  	v25 =	vld [tilespmem:s8+$0xFFFFFFE0]  }
0x2ce: {  	v28 =	vld [tilespmem:s8+$0x30]  }
0x2cf: {  	v40 =	vld [tilespmem:s8+$0x40]  }
0x2d0: {  	v33 =	vimm.f32 $0.0e+00;
	v56 =	vld [tilespmem:s8+$0x50]  }
0x2d1: {  	v17 =	vimm.s32 $0x0;
	v42 =	vld [tilespmem:s8+$0x70];
	v24 =	vshll.u32 v18, $0x4;
	v18 =	vadd.s32 $0x3F, v18  }
0x2d2: {  	v29 =	vshll.u32 v22, $0x4;
	v31 =	vadd.s32 $0x3F, v20;
	v32 =	vadd.s32 $0x3F, v19  }
0x2d3: {  	v21 =	vld [tilespmem:s8+$0xFFFFFFF0];
	v35 =	vshll.u32 v25, $0x4;
	v36 =	vshll.u32 v23, $0x4;
	v20 =	vshll.u32 v20, $0x4  }
0x2d4: {  	v39 =	vshll.u32 v28, $0x4;
	v28 =	vadd.s32 $0x3F, v28;
	v22 =	vadd.s32 $0x3F, v22  }
0x2d5: {  	v50 =	vadd.s32 $0x3F, v25;
	v57 =	vshll.u32 v40, $0x4;
	v58 =	vadd.s32 $0x3F, v56  }
0x2d6: {  	v26 =	vld [tilespmem:s8+$0x0];
	v23 =	vadd.s32 $0x3F, v23;
	v59 =	vshll.u32 v42, $0x4;
	v36 =	vor.u32 v0, v36  }
0x2d7: {  	v30 =	vld [tilespmem:s8+$0xFFFFFF90];
	v53 =	vshll.u32 v56, $0x4;
	v60 =	vadd.s32 $0x3F, v42;
	v35 =	vor.u32 v0, v35  }
0x2d8: {  	v34 =	vld [tilespmem:s8+$0xFFFFFFD0];
	v27 =	vor.u32 v0, v24;
	v24 =	vadd.s32 $0x3F, v21;
	v39 =	vor.u32 v0, v39  }
0x2d9: {  	v37 =	vld [tilespmem:s8+$0x60];
	v18 =	vshra.s32 v18, $0x6;
	v21 =	vshll.u32 v21, $0x4;
	v61 =	vor.u32 v0, v59  }
0x2da: {  	v38 =	vshra.s32 v24, $0x6;
	v24 =	vor.u32 v0, v29;
	v29 =	vshll.u32 v19, $0x4;
	v19 =	vld [tilespmem:s8+$0x20]  }
0x2db: {  	v48 =	vshra.s32 v22, $0x6;
	v22 =	vshra.s32 v31, $0x6;
	v55 =	vor.u32 v0, v21;
	v31 =	vld.idx.msk [tilespmem:v36+s2+$0x0], $0xffff  }
0x2dc: {  	v41 =	vshra.s32 v32, $0x6;
	v21 =	vshll.u32 v30, $0x4;
	v29 =	vor.u32 v0, v29;
	v35 =	vld.idx.msk [tilespmem:v35+s2+$0x0], $0xffff  }
0x2dd: {  	v23 =	vshra.s32 v23, $0x6;
	v62 =	vadd.s32 v17, v48;
	v43 =	vor.u32 v0, v21;
	v39 =	vld.idx.msk [tilespmem:v39+s2+$0x0], $0xffff  }
0x2de: {  	v20 =	vor.u32 v0, v20;
	v63 =	vadd.s32 v17, v23;
	v23 =	vadd.s32 v41, v62;
	v41 =	vld.idx.msk [tilespmem:v61+s2+$0x0], $0xffff  }
0x2df: {  	v46 =	vshra.s32 v28, $0x6;
	v28 =	vadd.s32 $0x3F, v34;
	v44 =	vld.idx.msk [tilespmem:v24+s2+$0x0], $0xffff;
	v24 =	vshll.u32 v34, $0x4  }
0x2e0: {  	v51 =	vor.u32 v0, v57;
	v21 =	vshll.u32 v26, $0x4;
	v52 =	vld.idx.msk [tilespmem:v55+s2+$0x0], $0xffff;
	v47 =	vor.u32 v0, v24  }
0x2e1: {  	v49 =	vld.idx.msk [tilespmem:v29+s2+$0x0], $0xffff;
	v24 =	vadd.s32 v17, v22;
	v22 =	vshra.s32 v28, $0x6;
	v28 =	vor.u32 v0, v21  }
0x2e2: {  	v42 =	vor.u32 v0, v53;
	v30 =	vadd.s32 $0x3F, v30;
	v29 =	vshll.u32 v37, $0x4;
	v43 =	vld.idx.msk [tilespmem:v43+s2+$0x0], $0xffff  }
0x2e3: {  	v26 =	vadd.s32 $0x3F, v26;
	v45 =	vshll.u32 v19, $0x4;
	v25 =	vor.u32 v0, v29;
	v29 =	vld.idx.msk [tilespmem:v20+s2+$0x0], $0xffff  }
0x2e4: {  	v26 =	vshra.s32 v26, $0x6;
	v34 =	vshra.s32 v30, $0x6;
	v21 =	vld.idx.msk [tilespmem:v27+s2+$0x0], $0xffff;
	v45 =	vor.u32 v0, v45  }
0x2e5: {  	v30 =	vshra.s32 v58, $0x6;
	v27 =	vadd.s32 $0x3F, v37;
	v54 =	vadd.f32 v31, v33;
	v31 =	vld.idx.msk [tilespmem:v51+s2+$0x0], $0xffff  }
0x2e6: {  	v37 =	vshra.s32 v50, $0x6;
	v20 =	vshra.s32 v27, $0x6;
	v27 =	vadd.s32 $0x3F, v40;
	v28 =	vld.idx.msk [tilespmem:v28+s2+$0x0], $0xffff  }
0x2e7: {  	v27 =	vshra.s32 v27, $0x6;
	v44 =	vadd.f32 v44, v33;
	v32 =	vld.idx.msk [tilespmem:v47+s2+$0x0], $0xffff;
	v40 =	vadd.f32 v43, v33  }
0x2e8: {  	v43 =	vadd.f32 v52, v54;
	v25 =	vld.idx.msk [tilespmem:v25+s2+$0x0], $0xffff;
	v36 =	vadd.f32 v29, v33;
	v33 =	vadd.s32 v38, v63  }
0x2e9: {  	s9 =	simm.s32 $0x0;
	s10 =	sadd.s32 $0x100, s8;
	v29 =	vshra.s32 v60, $0x6;
	v38 =	vld.idx.msk [tilespmem:v45+s2+$0x0], $0xffff;
	v44 =	vadd.f32 v49, v44;
	v33 =	vadd.s32 v46, v33  }
.LBB2_23:
0x2ea: {  	v45 =	vld [tilespmem:s10+$0x10];
	s9 =	sadd.s32 $0x4, s9;
	v17 =	vadd.s32 v17, v34;
	v24 =	vadd.s32 v37, v24;
	v23 =	vadd.s32 v26, v23  }
0x2eb: {  	v26 =	vld [tilespmem:s10+$0xFFFFFFA0];
	p0 =	slt.u32 s9, $0x1C;
	v17 =	vadd.s32 v22, v17;
	v22 =	vadd.f32 v35, v36;
	v23 =	vadd.s32 v27, v23  }
0x2ec: {  	v32 =	vadd.f32 v32, v40;
	v28 =	vadd.f32 v28, v44;
	v27 =	vld [tilespmem:s10+$0xFFFFFFB0];
	v17 =	vadd.s32 v18, v17  }
0x2ed: {  	v18 =	vadd.s32 $0x3F, v19;
	v19 =	vadd.f32 v39, v43;
	v34 =	vld.idx.msk [tilespmem:v42+s2+$0x0], $0xffff;
	v17 =	vadd.s32 v30, v17  }
0x2ee: {  	v21 =	vadd.f32 v21, v32;
	v22 =	vadd.f32 v38, v22;
	v18 =	vshra.s32 v18, $0x6;
	v30 =	vld [tilespmem:s10+$0xFFFFFFF0]  }
0x2ef: {  	v33 =	vadd.s32 v29, v33;
	v18 =	vadd.s32 v18, v24;
	v35 =	vadd.f32 v41, v19;
	v32 =	vld [tilespmem:s10+$0xFFFFFF80]  }
0x2f0: {  	v29 =	vadd.f32 v31, v28;
	v31 =	vadd.f32 v25, v22;
	v20 =	vadd.s32 v20, v18;
	v19 =	vld [tilespmem:s10+$0xFFFFFFC0]  }
0x2f1: {  	v18 =	vshll.u32 v45, $0x4;
	v22 =	vadd.s32 $0x3F, v45;
	v25 =	vld [tilespmem:s10+$0xFFFFFFE0]  }
0x2f2: {  	v36 =	vor.u32 v0, v18;
	v28 =	vld [tilespmem:s10+$0x0]  }
0x2f3: {  	v18 =	vshra.s32 v22, $0x6;
	v38 =	vadd.f32 v34, v21;
	v24 =	vadd.s32 $0x3F, v30;
	v22 =	vld [tilespmem:s10+$0x30]  }
0x2f4: {  	v37 =	vadd.s32 $0x3F, v26;
	v21 =	vshll.u32 v32, $0x4;
	v34 =	vld [tilespmem:s10+$0xFFFFFF90];
	v41 =	vshra.s32 v24, $0x6  }
0x2f5: {  	v21 =	vor.u32 v0, v21;
	v24 =	vshll.u32 v19, $0x4;
	v39 =	vadd.s32 $0x3F, v19;
	v19 =	vld [tilespmem:s10+$0x20]  }
0x2f6: {  	v30 =	vshll.u32 v30, $0x4;
	v24 =	vor.u32 v0, v24;
	v40 =	vld [tilespmem:s10+$0xFFFFFFD0];
	v42 =	vshll.u32 v25, $0x4  }
0x2f7: {  	v43 =	vshll.u32 v27, $0x4;
	v30 =	vor.u32 v0, v30;
	v44 =	vshra.s32 v39, $0x6;
	v39 =	vld [tilespmem:s10+$0x60]  }
0x2f8: {  	v26 =	vshll.u32 v26, $0x4;
	v43 =	vor.u32 v0, v43;
	v45 =	vshll.u32 v22, $0x4;
	v46 =	vld [tilespmem:s10+$0x40]  }
0x2f9: {  	v26 =	vor.u32 v0, v26;
	v22 =	vadd.s32 $0x3F, v22;
	v47 =	vshll.u32 v34, $0x4;
	v48 =	vld [tilespmem:s10+$0x70]  }
0x2fa: {  	v49 =	vld.idx.msk [tilespmem:v21+s2+$0x0], $0xffff;
	v21 =	vadd.s32 $0x3F, v32;
	v32 =	vor.u32 v0, v47;
	v47 =	vshll.u32 v28, $0x4  }
0x2fb: {  	v52 =	vshra.s32 v22, $0x6;
	v51 =	vshll.u32 v19, $0x4;
	v50 =	vshll.u32 v40, $0x4  }
0x2fc: {  	v22 =	vadd.s32 $0x3F, v40;
	v40 =	vor.u32 v0, v42;
	v50 =	vor.u32 v0, v50;
	v42 =	vld [tilespmem:s10+$0x50]  }
0x2fd: {  	v53 =	vshra.s32 v21, $0x6;
	v21 =	vshra.s32 v37, $0x6;
	v37 =	vshll.u32 v39, $0x4;
	v54 =	vld.idx.msk [tilespmem:v24+s2+$0x0], $0xffff  }
0x2fe: {  	v47 =	vor.u32 v0, v47;
	v22 =	vshra.s32 v22, $0x6;
	v24 =	vadd.s32 v20, v21;
	v21 =	vld.idx.msk [tilespmem:v36+s2+$0x0], $0xffff  }
0x2ff: {  	v20 =	vadd.s32 $0x3F, v39;
	v36 =	vld.idx.msk [tilespmem:v43+s2+$0x0], $0xffff;
	v43 =	vadd.s32 $0x3F, v25;
	v25 =	vor.u32 v0, v37  }
0x300: {  	v20 =	vshra.s32 v20, $0x6;
	v37 =	vld.idx.msk [tilespmem:v26+s2+$0x0], $0xffff;
	v26 =	vadd.s32 $0x3F, v28;
	v28 =	vshll.u32 v46, $0x4  }
0x301: {  	v34 =	vadd.s32 $0x3F, v34;
	v39 =	vld.idx.msk [tilespmem:v32+s2+$0x0], $0xffff;
	v26 =	vshra.s32 v26, $0x6;
	v55 =	vor.u32 v0, v28  }
0x302: {  	v51 =	vor.u32 v0, v51;
	v56 =	vld.idx.msk [tilespmem:v30+s2+$0x0], $0xffff;
	v30 =	vadd.s32 $0x3F, v46;
	v46 =	vadd.s32 $0x3F, v42  }
0x303: {  	v57 =	vadd.s32 $0x3F, v27;
	v45 =	vor.u32 v0, v45;
	v28 =	vld.idx.msk [tilespmem:v47+s2+$0x0], $0xffff;
	v47 =	vshll.u32 v48, $0x4  }
0x304: {  	v42 =	vshll.u32 v42, $0x4;
	v27 =	vshra.s32 v30, $0x6;
	v48 =	vadd.s32 $0x3F, v48;
	v25 =	vld.idx.msk [tilespmem:v25+s2+$0x0], $0xffff  }
0x305: {  	v49 =	vadd.f32 v49, v29;
	v58 =	vadd.f32 v36, v35;
	v47 =	vor.u32 v0, v47;
	v32 =	vld.idx.msk [tilespmem:v50+s2+$0x0], $0xffff  }
.Ltmp10:
0x306: {  	v34 =	vshra.s32 v34, $0x6;
	v30 =	vshra.s32 v46, $0x6;
	v50 =	vshra.s32 v57, $0x6;
	v35 =	vld.idx.msk [tilespmem:v40+s2+$0x0], $0xffff;
	(pc) =	sbr.rel @p0 .LBB2_23-.Ltmp10, $4  }
0x307: {  	v29 =	vshra.s32 v48, $0x6;
	v36 =	vadd.f32 v37, v31;
	v37 =	vshra.s32 v43, $0x6;
	v31 =	vld.idx.msk [tilespmem:v55+s2+$0x0], $0xffff  }
0x308: {  	v23 =	vadd.s32 v23, v53;
	v40 =	vadd.f32 v39, v38;
	v33 =	vadd.s32 v33, v50;
	v39 =	vld.idx.msk [tilespmem:v45+s2+$0x0], $0xffff  }
0x309: {  	v23 =	vadd.s32 v44, v23;
	v42 =	vor.u32 v0, v42;
	v33 =	vadd.s32 v41, v33;
	v38 =	vld.idx.msk [tilespmem:v51+s2+$0x0], $0xffff  }
0x30a: {  	s10 =	sadd.s32 $0x100, s10;
	v44 =	vadd.f32 v54, v49;
	v43 =	vadd.f32 v56, v58;
	v33 =	vadd.s32 v52, v33;
	v41 =	vld.idx.msk [tilespmem:v47+s2+$0x0], $0xffff  }
0x30b: {  	_ =	sdelay $0x2  }
0x30c: {  	v35 =	vadd.f32 v35, v36  }
0x30d: {  	v42 =	vld.idx.msk [tilespmem:v42+s2+$0x0], $0xffff;
	v32 =	vadd.f32 v32, v40;
	v17 =	vadd.s32 v17, v34;
	v24 =	vadd.s32 v37, v24  }
0x30e: {  	v23 =	vadd.s32 v26, v23;
	v28 =	vadd.f32 v28, v44;
	v17 =	vadd.s32 v22, v17  }
0x30f: {  	v62 =	vadd.s32 v27, v23;
	v57 =	vadd.f32 v39, v43;
	v21 =	vadd.f32 v21, v32  }
0x310: {  	v17 =	vadd.s32 v18, v17;
	v18 =	vadd.s32 $0x3F, v19;
	v58 =	vadd.f32 v38, v35  }
0x311: {  	v28 =	vadd.f32 v31, v28;
	v18 =	vshra.s32 v18, $0x6;
	v59 =	vadd.f32 v41, v57  }
0x312: {  	s9 =	smul.u32 $0x11, s7;
	s7 =	sadd.s32 $0x1, s7;
	v17 =	vadd.s32 v30, v17;
	v60 =	vadd.f32 v25, v58;
	v21 =	vadd.f32 v42, v21  }
0x313: {  	p0 =	sne.s32 s7, $0x10;
	v18 =	vadd.s32 v18, v24;
	v17 =	vadd.s32 v62, v17  }
.Ltmp11:
0x314: {  	v18 =	vadd.s32 v20, v18;
	v19 =	vadd.f32 v21, v28;
	v61 =	vadd.f32 v59, v60;
	(pc) =	sbr.rel @p0 .LBB2_22-.Ltmp11, $4  }
0x315: {  	v63 =	vadd.s32 v29, v33;
	v17 =	vadd.s32 v18, v17  }
0x316: {  	v17 =	vadd.s32 v63, v17;
	v19 =	vadd.f32 v61, v19  }
0x317: {  	[tilespmem:s9+$0x10680] =	vst v17  }
0x318: {  	s8 =	sadd.s32 $0x800, s8;
	[tilespmem:s9+$0x10500] =	vst v19  }
0x319: {  	_ =	sdelay $0x3  }
0x31a: {  	v17 =	vld.idx.msk [tilespmem:v1+s1+$0x0], $0xffff  }
0x31b: {  	v18 =	vld.idx.msk [tilespmem:v1+s3+$0x0], $0xffff  }
0x31c: {  	v19 =	vld.idx.msk [tilespmem:v2+s1+$0x0], $0xffff  }
0x31d: {  	v20 =	vld.idx.msk [tilespmem:v2+s3+$0x0], $0xffff  }
0x31e: {  	v21 =	vld.idx.msk [tilespmem:v3+s1+$0x0], $0xffff  }
0x31f: {  	v22 =	vld.idx.msk [tilespmem:v3+s3+$0x0], $0xffff  }
0x320: {  	v23 =	vld.idx.msk [tilespmem:v4+s1+$0x0], $0xffff  }
0x321: {  	v24 =	vld.idx.msk [tilespmem:v4+s3+$0x0], $0xffff  }
0x322: {  	v25 =	vld.idx.msk [tilespmem:v5+s1+$0x0], $0xffff  }
0x323: {  	v26 =	vld.idx.msk [tilespmem:v5+s3+$0x0], $0xffff  }
0x324: {  	v27 =	vld.idx.msk [tilespmem:v6+s1+$0x0], $0xffff  }
0x325: {  	v28 =	vld.idx.msk [tilespmem:v6+s3+$0x0], $0xffff;
	v17 =	vadd.f32 $0.0e+00, v17  }
0x326: {  	v29 =	vld.idx.msk [tilespmem:v7+s1+$0x0], $0xffff  }
0x327: {  	v30 =	vld.idx.msk [tilespmem:v8+s1+$0x0], $0xffff;
	v17 =	vadd.f32 v19, v17  }
0x328: {  	v51 =	vld.idx.msk [tilespmem:v8+s3+$0x0], $0xffff  }
0x329: {  	v52 =	vld.idx.msk [tilespmem:v9+s1+$0x0], $0xffff;
	v17 =	vadd.f32 v21, v17  }
0x32a: {  	v18 =	vadd.s32 v18, v20;
	v19 =	vld.idx.msk [tilespmem:v7+s3+$0x0], $0xffff  }
0x32b: {  	v53 =	vld.idx.msk [tilespmem:v9+s3+$0x0], $0xffff;
	v18 =	vadd.s32 v22, v18;
	v17 =	vadd.f32 v23, v17  }
0x32c: {  	v54 =	vld.idx.msk [tilespmem:v10+s1+$0x0], $0xffff;
	v18 =	vadd.s32 v24, v18  }
0x32d: {  	v55 =	vld.idx.msk [tilespmem:v10+s3+$0x0], $0xffff;
	v18 =	vadd.s32 v26, v18;
	v17 =	vadd.f32 v25, v17  }
0x32e: {  	v56 =	vld.idx.msk [tilespmem:v11+s3+$0x0], $0xffff;
	v18 =	vadd.s32 v28, v18  }
0x32f: {  	v18 =	vadd.s32 v19, v18;
	v19 =	vld.idx.msk [tilespmem:v12+s3+$0x0], $0xffff;
	v17 =	vadd.f32 v27, v17  }
0x330: {  	v57 =	vld.idx.msk [tilespmem:v13+s3+$0x0], $0xffff;
	v18 =	vadd.s32 v51, v18  }
0x331: {  	v58 =	vld.idx.msk [tilespmem:v14+s3+$0x0], $0xffff;
	v18 =	vadd.s32 v53, v18;
	v17 =	vadd.f32 v29, v17  }
0x332: {  	v59 =	vld.idx.msk [tilespmem:v15+s3+$0x0], $0xffff;
	v18 =	vadd.s32 v55, v18  }
0x333: {  	v60 =	vld.idx.msk [tilespmem:v16+s3+$0x0], $0xffff;
	v18 =	vadd.s32 v56, v18;
	v17 =	vadd.f32 v30, v17  }
0x334: {  	v18 =	vadd.s32 v19, v18;
	v19 =	vld.idx.msk [tilespmem:v11+s1+$0x0], $0xffff  }
0x335: {  	v18 =	vadd.s32 v57, v18;
	v17 =	vadd.f32 v52, v17  }
0x336: {  	v61 =	vld.idx.msk [tilespmem:v12+s1+$0x0], $0xffff;
	v18 =	vadd.s32 v58, v18  }
0x337: {  	v18 =	vadd.s32 v59, v18;
	v17 =	vadd.f32 v54, v17  }
0x338: {  	v62 =	vld.idx.msk [tilespmem:v13+s1+$0x0], $0xffff;
	v18 =	vadd.s32 v60, v18  }
0x339: {  	v18 =	vcvt.s32.f32 v18;
	v17 =	vadd.f32 v19, v17  }
0x33a: {  	v19 =	vld.idx.msk [tilespmem:v14+s1+$0x0], $0xffff  }
0x33b: {  	(erf) = vrcp.f32 v18;
	v17 =	vadd.f32 v61, v17  }
0x33c: {  	v18 =	vld.idx.msk [tilespmem:v15+s1+$0x0], $0xffff  }
0x33d: {  	v17 =	vadd.f32 v62, v17  }
0x33e: {  	v63 =	vld.idx.msk [tilespmem:v16+s1+$0x0], $0xffff  }
0x33f: {  	v17 =	vadd.f32 v19, v17;
	_ =	sdelay $0x1  }
0x340: {  	v17 =	vadd.f32 v18, v17;
	_ =	sdelay $0x1  }
0x341: {  	v17 =	vadd.f32 v63, v17  }
0x342: {  	v18 =	vpop (erf)  }
0x343: {  	v17 =	vmul.f32 v18, v17;
	_ =	sdelay $0x1  }
0x344: {  	s7 =	simm.s32 $0x0;
	s8 =	simm.s32 $0x580;
	[tilespmem:$0x10850] =	vst v17  }
.LBB2_26:
0x345: {  	s9 =	sshll.u32 s7, $0xB  }
0x346: {  	_ =	swait.ge [sflag:s0], $0x800;
	s10 =	sor.u32 s4, s9  }
0x347: {  	[sflag:s0] =	ssyncset.done $0x0;
	s10 =	sshrl.u32 s10, $0x3  }
0x348: {  	s9 =	sadd.s32 $0x8500, s9;
	[sflag:s0] =	ssyncadd.s32 $0xFFFFF800;
	s10 =	sadd.s32 s10, s29  }
0x349: {  	[tilespmem:s9], [sflag:$0x2] =	stream.linear.gather [hbm4b:s10+s2], $0x800, $0x38;
	[tilespmem:$0x10880] =	vst v63  }
0x34a: {  	v18 =	vld [tilespmem:s8+$0x10]  }
0x34b: {  	v20 =	vld [tilespmem:s8+$0xFFFFFFA0]  }
0x34c: {  	v23 =	vld [tilespmem:s8+$0xFFFFFFB0]  }
0x34d: {  	v22 =	vld [tilespmem:s8+$0xFFFFFF80]  }
0x34e: {  	v19 =	vld [tilespmem:s8+$0xFFFFFFC0]  }
0x34f: {  	v25 =	vld [tilespmem:s8+$0xFFFFFFE0]  }
0x350: {  	v28 =	vld [tilespmem:s8+$0x30]  }
0x351: {  	v40 =	vld [tilespmem:s8+$0x40]  }
0x352: {  	v33 =	vimm.f32 $0.0e+00;
	v56 =	vld [tilespmem:s8+$0x50]  }
0x353: {  	v17 =	vimm.s32 $0x0;
	v42 =	vld [tilespmem:s8+$0x70];
	v24 =	vshll.u32 v18, $0x4;
	v18 =	vadd.s32 $0x3F, v18  }
0x354: {  	v29 =	vshll.u32 v22, $0x4;
	v31 =	vadd.s32 $0x3F, v20;
	v32 =	vadd.s32 $0x3F, v19  }
0x355: {  	v21 =	vld [tilespmem:s8+$0xFFFFFFF0];
	v35 =	vshll.u32 v25, $0x4;
	v36 =	vshll.u32 v23, $0x4;
	v20 =	vshll.u32 v20, $0x4  }
0x356: {  	v39 =	vshll.u32 v28, $0x4;
	v28 =	vadd.s32 $0x3F, v28;
	v22 =	vadd.s32 $0x3F, v22  }
0x357: {  	v50 =	vadd.s32 $0x3F, v25;
	v57 =	vshll.u32 v40, $0x4;
	v58 =	vadd.s32 $0x3F, v56  }
0x358: {  	v26 =	vld [tilespmem:s8+$0x0];
	v23 =	vadd.s32 $0x3F, v23;
	v59 =	vshll.u32 v42, $0x4;
	v36 =	vor.u32 v0, v36  }
0x359: {  	v30 =	vld [tilespmem:s8+$0xFFFFFF90];
	v53 =	vshll.u32 v56, $0x4;
	v60 =	vadd.s32 $0x3F, v42;
	v35 =	vor.u32 v0, v35  }
0x35a: {  	v34 =	vld [tilespmem:s8+$0xFFFFFFD0];
	v27 =	vor.u32 v0, v24;
	v24 =	vadd.s32 $0x3F, v21;
	v39 =	vor.u32 v0, v39  }
0x35b: {  	v37 =	vld [tilespmem:s8+$0x60];
	v18 =	vshra.s32 v18, $0x6;
	v21 =	vshll.u32 v21, $0x4;
	v61 =	vor.u32 v0, v59  }
0x35c: {  	v38 =	vshra.s32 v24, $0x6;
	v24 =	vor.u32 v0, v29;
	v29 =	vshll.u32 v19, $0x4;
	v19 =	vld [tilespmem:s8+$0x20]  }
0x35d: {  	v48 =	vshra.s32 v22, $0x6;
	v22 =	vshra.s32 v31, $0x6;
	v55 =	vor.u32 v0, v21;
	v31 =	vld.idx.msk [tilespmem:v36+s2+$0x0], $0xffff  }
0x35e: {  	v41 =	vshra.s32 v32, $0x6;
	v21 =	vshll.u32 v30, $0x4;
	v29 =	vor.u32 v0, v29;
	v35 =	vld.idx.msk [tilespmem:v35+s2+$0x0], $0xffff  }
0x35f: {  	v23 =	vshra.s32 v23, $0x6;
	v62 =	vadd.s32 v17, v48;
	v43 =	vor.u32 v0, v21;
	v39 =	vld.idx.msk [tilespmem:v39+s2+$0x0], $0xffff  }
0x360: {  	v20 =	vor.u32 v0, v20;
	v63 =	vadd.s32 v17, v23;
	v23 =	vadd.s32 v41, v62;
	v41 =	vld.idx.msk [tilespmem:v61+s2+$0x0], $0xffff  }
0x361: {  	v46 =	vshra.s32 v28, $0x6;
	v28 =	vadd.s32 $0x3F, v34;
	v44 =	vld.idx.msk [tilespmem:v24+s2+$0x0], $0xffff;
	v24 =	vshll.u32 v34, $0x4  }
0x362: {  	v51 =	vor.u32 v0, v57;
	v21 =	vshll.u32 v26, $0x4;
	v52 =	vld.idx.msk [tilespmem:v55+s2+$0x0], $0xffff;
	v47 =	vor.u32 v0, v24  }
0x363: {  	v49 =	vld.idx.msk [tilespmem:v29+s2+$0x0], $0xffff;
	v24 =	vadd.s32 v17, v22;
	v22 =	vshra.s32 v28, $0x6;
	v28 =	vor.u32 v0, v21  }
0x364: {  	v42 =	vor.u32 v0, v53;
	v30 =	vadd.s32 $0x3F, v30;
	v29 =	vshll.u32 v37, $0x4;
	v43 =	vld.idx.msk [tilespmem:v43+s2+$0x0], $0xffff  }
0x365: {  	v26 =	vadd.s32 $0x3F, v26;
	v45 =	vshll.u32 v19, $0x4;
	v25 =	vor.u32 v0, v29;
	v29 =	vld.idx.msk [tilespmem:v20+s2+$0x0], $0xffff  }
0x366: {  	v26 =	vshra.s32 v26, $0x6;
	v34 =	vshra.s32 v30, $0x6;
	v21 =	vld.idx.msk [tilespmem:v27+s2+$0x0], $0xffff;
	v45 =	vor.u32 v0, v45  }
0x367: {  	v30 =	vshra.s32 v58, $0x6;
	v27 =	vadd.s32 $0x3F, v37;
	v54 =	vadd.f32 v31, v33;
	v31 =	vld.idx.msk [tilespmem:v51+s2+$0x0], $0xffff  }
0x368: {  	v37 =	vshra.s32 v50, $0x6;
	v20 =	vshra.s32 v27, $0x6;
	v27 =	vadd.s32 $0x3F, v40;
	v28 =	vld.idx.msk [tilespmem:v28+s2+$0x0], $0xffff  }
0x369: {  	v27 =	vshra.s32 v27, $0x6;
	v44 =	vadd.f32 v44, v33;
	v32 =	vld.idx.msk [tilespmem:v47+s2+$0x0], $0xffff;
	v40 =	vadd.f32 v43, v33  }
0x36a: {  	v43 =	vadd.f32 v52, v54;
	v25 =	vld.idx.msk [tilespmem:v25+s2+$0x0], $0xffff;
	v36 =	vadd.f32 v29, v33;
	v33 =	vadd.s32 v38, v63  }
0x36b: {  	s9 =	simm.s32 $0x0;
	s10 =	sadd.s32 $0x100, s8;
	v29 =	vshra.s32 v60, $0x6;
	v38 =	vld.idx.msk [tilespmem:v45+s2+$0x0], $0xffff;
	v44 =	vadd.f32 v49, v44;
	v33 =	vadd.s32 v46, v33  }
.LBB2_27:
0x36c: {  	v45 =	vld [tilespmem:s10+$0x10];
	s9 =	sadd.s32 $0x4, s9;
	v17 =	vadd.s32 v17, v34;
	v24 =	vadd.s32 v37, v24;
	v23 =	vadd.s32 v26, v23  }
0x36d: {  	v26 =	vld [tilespmem:s10+$0xFFFFFFA0];
	p0 =	slt.u32 s9, $0x1C;
	v17 =	vadd.s32 v22, v17;
	v22 =	vadd.f32 v35, v36;
	v23 =	vadd.s32 v27, v23  }
0x36e: {  	v32 =	vadd.f32 v32, v40;
	v28 =	vadd.f32 v28, v44;
	v27 =	vld [tilespmem:s10+$0xFFFFFFB0];
	v17 =	vadd.s32 v18, v17  }
0x36f: {  	v18 =	vadd.s32 $0x3F, v19;
	v19 =	vadd.f32 v39, v43;
	v34 =	vld.idx.msk [tilespmem:v42+s2+$0x0], $0xffff;
	v17 =	vadd.s32 v30, v17  }
0x370: {  	v21 =	vadd.f32 v21, v32;
	v22 =	vadd.f32 v38, v22;
	v18 =	vshra.s32 v18, $0x6;
	v30 =	vld [tilespmem:s10+$0xFFFFFFF0]  }
0x371: {  	v33 =	vadd.s32 v29, v33;
	v18 =	vadd.s32 v18, v24;
	v35 =	vadd.f32 v41, v19;
	v32 =	vld [tilespmem:s10+$0xFFFFFF80]  }
0x372: {  	v29 =	vadd.f32 v31, v28;
	v31 =	vadd.f32 v25, v22;
	v20 =	vadd.s32 v20, v18;
	v19 =	vld [tilespmem:s10+$0xFFFFFFC0]  }
0x373: {  	v18 =	vshll.u32 v45, $0x4;
	v22 =	vadd.s32 $0x3F, v45;
	v25 =	vld [tilespmem:s10+$0xFFFFFFE0]  }
0x374: {  	v36 =	vor.u32 v0, v18;
	v28 =	vld [tilespmem:s10+$0x0]  }
0x375: {  	v18 =	vshra.s32 v22, $0x6;
	v38 =	vadd.f32 v34, v21;
	v24 =	vadd.s32 $0x3F, v30;
	v22 =	vld [tilespmem:s10+$0x30]  }
0x376: {  	v37 =	vadd.s32 $0x3F, v26;
	v21 =	vshll.u32 v32, $0x4;
	v34 =	vld [tilespmem:s10+$0xFFFFFF90];
	v41 =	vshra.s32 v24, $0x6  }
0x377: {  	v21 =	vor.u32 v0, v21;
	v24 =	vshll.u32 v19, $0x4;
	v39 =	vadd.s32 $0x3F, v19;
	v19 =	vld [tilespmem:s10+$0x20]  }
0x378: {  	v30 =	vshll.u32 v30, $0x4;
	v24 =	vor.u32 v0, v24;
	v40 =	vld [tilespmem:s10+$0xFFFFFFD0];
	v42 =	vshll.u32 v25, $0x4  }
0x379: {  	v43 =	vshll.u32 v27, $0x4;
	v30 =	vor.u32 v0, v30;
	v44 =	vshra.s32 v39, $0x6;
	v39 =	vld [tilespmem:s10+$0x60]  }
0x37a: {  	v26 =	vshll.u32 v26, $0x4;
	v43 =	vor.u32 v0, v43;
	v45 =	vshll.u32 v22, $0x4;
	v46 =	vld [tilespmem:s10+$0x40]  }
0x37b: {  	v26 =	vor.u32 v0, v26;
	v22 =	vadd.s32 $0x3F, v22;
	v47 =	vshll.u32 v34, $0x4;
	v48 =	vld [tilespmem:s10+$0x70]  }
0x37c: {  	v49 =	vld.idx.msk [tilespmem:v21+s2+$0x0], $0xffff;
	v21 =	vadd.s32 $0x3F, v32;
	v32 =	vor.u32 v0, v47;
	v47 =	vshll.u32 v28, $0x4  }
0x37d: {  	v52 =	vshra.s32 v22, $0x6;
	v51 =	vshll.u32 v19, $0x4;
	v50 =	vshll.u32 v40, $0x4  }
0x37e: {  	v22 =	vadd.s32 $0x3F, v40;
	v40 =	vor.u32 v0, v42;
	v50 =	vor.u32 v0, v50;
	v42 =	vld [tilespmem:s10+$0x50]  }
0x37f: {  	v53 =	vshra.s32 v21, $0x6;
	v21 =	vshra.s32 v37, $0x6;
	v37 =	vshll.u32 v39, $0x4;
	v54 =	vld.idx.msk [tilespmem:v24+s2+$0x0], $0xffff  }
0x380: {  	v47 =	vor.u32 v0, v47;
	v22 =	vshra.s32 v22, $0x6;
	v24 =	vadd.s32 v20, v21;
	v21 =	vld.idx.msk [tilespmem:v36+s2+$0x0], $0xffff  }
0x381: {  	v20 =	vadd.s32 $0x3F, v39;
	v36 =	vld.idx.msk [tilespmem:v43+s2+$0x0], $0xffff;
	v43 =	vadd.s32 $0x3F, v25;
	v25 =	vor.u32 v0, v37  }
0x382: {  	v20 =	vshra.s32 v20, $0x6;
	v37 =	vld.idx.msk [tilespmem:v26+s2+$0x0], $0xffff;
	v26 =	vadd.s32 $0x3F, v28;
	v28 =	vshll.u32 v46, $0x4  }
0x383: {  	v34 =	vadd.s32 $0x3F, v34;
	v39 =	vld.idx.msk [tilespmem:v32+s2+$0x0], $0xffff;
	v26 =	vshra.s32 v26, $0x6;
	v55 =	vor.u32 v0, v28  }
0x384: {  	v51 =	vor.u32 v0, v51;
	v56 =	vld.idx.msk [tilespmem:v30+s2+$0x0], $0xffff;
	v30 =	vadd.s32 $0x3F, v46;
	v46 =	vadd.s32 $0x3F, v42  }
0x385: {  	v57 =	vadd.s32 $0x3F, v27;
	v45 =	vor.u32 v0, v45;
	v28 =	vld.idx.msk [tilespmem:v47+s2+$0x0], $0xffff;
	v47 =	vshll.u32 v48, $0x4  }
0x386: {  	v42 =	vshll.u32 v42, $0x4;
	v27 =	vshra.s32 v30, $0x6;
	v48 =	vadd.s32 $0x3F, v48;
	v25 =	vld.idx.msk [tilespmem:v25+s2+$0x0], $0xffff  }
0x387: {  	v49 =	vadd.f32 v49, v29;
	v58 =	vadd.f32 v36, v35;
	v47 =	vor.u32 v0, v47;
	v32 =	vld.idx.msk [tilespmem:v50+s2+$0x0], $0xffff  }
.Ltmp12:
0x388: {  	v34 =	vshra.s32 v34, $0x6;
	v30 =	vshra.s32 v46, $0x6;
	v50 =	vshra.s32 v57, $0x6;
	v35 =	vld.idx.msk [tilespmem:v40+s2+$0x0], $0xffff;
	(pc) =	sbr.rel @p0 .LBB2_27-.Ltmp12, $4  }
0x389: {  	v29 =	vshra.s32 v48, $0x6;
	v36 =	vadd.f32 v37, v31;
	v37 =	vshra.s32 v43, $0x6;
	v31 =	vld.idx.msk [tilespmem:v55+s2+$0x0], $0xffff  }
0x38a: {  	v23 =	vadd.s32 v23, v53;
	v40 =	vadd.f32 v39, v38;
	v33 =	vadd.s32 v33, v50;
	v39 =	vld.idx.msk [tilespmem:v45+s2+$0x0], $0xffff  }
0x38b: {  	v23 =	vadd.s32 v44, v23;
	v42 =	vor.u32 v0, v42;
	v33 =	vadd.s32 v41, v33;
	v38 =	vld.idx.msk [tilespmem:v51+s2+$0x0], $0xffff  }
0x38c: {  	s10 =	sadd.s32 $0x100, s10;
	v44 =	vadd.f32 v54, v49;
	v43 =	vadd.f32 v56, v58;
	v33 =	vadd.s32 v52, v33;
	v41 =	vld.idx.msk [tilespmem:v47+s2+$0x0], $0xffff  }
0x38d: {  	_ =	sdelay $0x2  }
0x38e: {  	v35 =	vadd.f32 v35, v36  }
0x38f: {  	v42 =	vld.idx.msk [tilespmem:v42+s2+$0x0], $0xffff;
	v32 =	vadd.f32 v32, v40;
	v17 =	vadd.s32 v17, v34;
	v24 =	vadd.s32 v37, v24  }
0x390: {  	v23 =	vadd.s32 v26, v23;
	v28 =	vadd.f32 v28, v44;
	v17 =	vadd.s32 v22, v17  }
0x391: {  	v62 =	vadd.s32 v27, v23;
	v57 =	vadd.f32 v39, v43;
	v21 =	vadd.f32 v21, v32  }
0x392: {  	v17 =	vadd.s32 v18, v17;
	v18 =	vadd.s32 $0x3F, v19;
	v58 =	vadd.f32 v38, v35  }
0x393: {  	v28 =	vadd.f32 v31, v28;
	v18 =	vshra.s32 v18, $0x6;
	v59 =	vadd.f32 v41, v57  }
0x394: {  	s9 =	smul.u32 $0x11, s7;
	s7 =	sadd.s32 $0x1, s7;
	v17 =	vadd.s32 v30, v17;
	v60 =	vadd.f32 v25, v58;
	v21 =	vadd.f32 v42, v21  }
0x395: {  	p0 =	sne.s32 s7, $0x10;
	v18 =	vadd.s32 v18, v24;
	v17 =	vadd.s32 v62, v17  }
.Ltmp13:
0x396: {  	v18 =	vadd.s32 v20, v18;
	v19 =	vadd.f32 v21, v28;
	v61 =	vadd.f32 v59, v60;
	(pc) =	sbr.rel @p0 .LBB2_26-.Ltmp13, $4  }
0x397: {  	v63 =	vadd.s32 v29, v33;
	v17 =	vadd.s32 v18, v17  }
0x398: {  	v17 =	vadd.s32 v63, v17;
	v19 =	vadd.f32 v61, v19  }
0x399: {  	[tilespmem:s9+$0x10680] =	vst v17  }
0x39a: {  	s8 =	sadd.s32 $0x800, s8;
	[tilespmem:s9+$0x10500] =	vst v19  }
0x39b: {  	_ =	sdelay $0x3  }
0x39c: {  	v17 =	vld.idx.msk [tilespmem:v1+s1+$0x0], $0xffff  }
0x39d: {  	v18 =	vld.idx.msk [tilespmem:v1+s3+$0x0], $0xffff  }
0x39e: {  	v19 =	vld.idx.msk [tilespmem:v2+s1+$0x0], $0xffff  }
0x39f: {  	v20 =	vld.idx.msk [tilespmem:v2+s3+$0x0], $0xffff  }
0x3a0: {  	v21 =	vld.idx.msk [tilespmem:v3+s1+$0x0], $0xffff  }
0x3a1: {  	v22 =	vld.idx.msk [tilespmem:v3+s3+$0x0], $0xffff  }
0x3a2: {  	v23 =	vld.idx.msk [tilespmem:v4+s1+$0x0], $0xffff  }
0x3a3: {  	v24 =	vld.idx.msk [tilespmem:v4+s3+$0x0], $0xffff  }
0x3a4: {  	v25 =	vld.idx.msk [tilespmem:v5+s1+$0x0], $0xffff  }
0x3a5: {  	v26 =	vld.idx.msk [tilespmem:v5+s3+$0x0], $0xffff  }
0x3a6: {  	v27 =	vld.idx.msk [tilespmem:v6+s1+$0x0], $0xffff  }
0x3a7: {  	v28 =	vld.idx.msk [tilespmem:v6+s3+$0x0], $0xffff;
	v17 =	vadd.f32 $0.0e+00, v17  }
0x3a8: {  	v29 =	vld.idx.msk [tilespmem:v7+s1+$0x0], $0xffff  }
0x3a9: {  	v30 =	vld.idx.msk [tilespmem:v8+s1+$0x0], $0xffff;
	v17 =	vadd.f32 v19, v17  }
0x3aa: {  	v51 =	vld.idx.msk [tilespmem:v8+s3+$0x0], $0xffff  }
0x3ab: {  	v52 =	vld.idx.msk [tilespmem:v9+s1+$0x0], $0xffff;
	v17 =	vadd.f32 v21, v17  }
0x3ac: {  	v18 =	vadd.s32 v18, v20;
	v19 =	vld.idx.msk [tilespmem:v7+s3+$0x0], $0xffff  }
0x3ad: {  	v53 =	vld.idx.msk [tilespmem:v9+s3+$0x0], $0xffff;
	v18 =	vadd.s32 v22, v18;
	v17 =	vadd.f32 v23, v17  }
0x3ae: {  	v54 =	vld.idx.msk [tilespmem:v10+s1+$0x0], $0xffff;
	v18 =	vadd.s32 v24, v18  }
0x3af: {  	v55 =	vld.idx.msk [tilespmem:v10+s3+$0x0], $0xffff;
	v18 =	vadd.s32 v26, v18;
	v17 =	vadd.f32 v25, v17  }
0x3b0: {  	v56 =	vld.idx.msk [tilespmem:v11+s3+$0x0], $0xffff;
	v18 =	vadd.s32 v28, v18  }
0x3b1: {  	v18 =	vadd.s32 v19, v18;
	v19 =	vld.idx.msk [tilespmem:v12+s3+$0x0], $0xffff;
	v17 =	vadd.f32 v27, v17  }
0x3b2: {  	v57 =	vld.idx.msk [tilespmem:v13+s3+$0x0], $0xffff;
	v18 =	vadd.s32 v51, v18  }
0x3b3: {  	v58 =	vld.idx.msk [tilespmem:v14+s3+$0x0], $0xffff;
	v18 =	vadd.s32 v53, v18;
	v17 =	vadd.f32 v29, v17  }
0x3b4: {  	v59 =	vld.idx.msk [tilespmem:v15+s3+$0x0], $0xffff;
	v18 =	vadd.s32 v55, v18  }
0x3b5: {  	v60 =	vld.idx.msk [tilespmem:v16+s3+$0x0], $0xffff;
	v18 =	vadd.s32 v56, v18;
	v17 =	vadd.f32 v30, v17  }
0x3b6: {  	v18 =	vadd.s32 v19, v18;
	v19 =	vld.idx.msk [tilespmem:v11+s1+$0x0], $0xffff  }
0x3b7: {  	v18 =	vadd.s32 v57, v18;
	v17 =	vadd.f32 v52, v17  }
0x3b8: {  	v61 =	vld.idx.msk [tilespmem:v12+s1+$0x0], $0xffff;
	v18 =	vadd.s32 v58, v18  }
0x3b9: {  	v18 =	vadd.s32 v59, v18;
	v17 =	vadd.f32 v54, v17  }
0x3ba: {  	v62 =	vld.idx.msk [tilespmem:v13+s1+$0x0], $0xffff;
	v18 =	vadd.s32 v60, v18  }
0x3bb: {  	v18 =	vcvt.s32.f32 v18;
	v17 =	vadd.f32 v19, v17  }
0x3bc: {  	v19 =	vld.idx.msk [tilespmem:v14+s1+$0x0], $0xffff  }
0x3bd: {  	(erf) = vrcp.f32 v18;
	v17 =	vadd.f32 v61, v17  }
0x3be: {  	v18 =	vld.idx.msk [tilespmem:v15+s1+$0x0], $0xffff  }
0x3bf: {  	v17 =	vadd.f32 v62, v17  }
0x3c0: {  	v63 =	vld.idx.msk [tilespmem:v16+s1+$0x0], $0xffff  }
0x3c1: {  	v17 =	vadd.f32 v19, v17;
	_ =	sdelay $0x1  }
0x3c2: {  	v17 =	vadd.f32 v18, v17;
	_ =	sdelay $0x1  }
0x3c3: {  	v17 =	vadd.f32 v63, v17  }
0x3c4: {  	v18 =	vpop (erf)  }
0x3c5: {  	v17 =	vmul.f32 v18, v17;
	_ =	sdelay $0x1  }
0x3c6: {  	s7 =	simm.s32 $0x0;
	s8 =	simm.s32 $0x8580;
	[tilespmem:$0x10860] =	vst v17  }
.LBB2_30:
0x3c7: {  	_ =	swait.ge [sflag:s5], $0x800  }
0x3c8: {  	[sflag:s5] =	ssyncset.done $0x0  }
0x3c9: {  	[sflag:s5] =	ssyncadd.s32 $0xFFFFF800  }
0x3ca: {  	v18 =	vld [tilespmem:s8+$0x10]  }
0x3cb: {  	v20 =	vld [tilespmem:s8+$0xFFFFFFA0]  }
0x3cc: {  	v23 =	vld [tilespmem:s8+$0xFFFFFFB0]  }
0x3cd: {  	v22 =	vld [tilespmem:s8+$0xFFFFFF80]  }
0x3ce: {  	v19 =	vld [tilespmem:s8+$0xFFFFFFC0]  }
0x3cf: {  	v25 =	vld [tilespmem:s8+$0xFFFFFFE0]  }
0x3d0: {  	v28 =	vld [tilespmem:s8+$0x30]  }
0x3d1: {  	v40 =	vld [tilespmem:s8+$0x40]  }
0x3d2: {  	v33 =	vimm.f32 $0.0e+00;
	v56 =	vld [tilespmem:s8+$0x50]  }
0x3d3: {  	v17 =	vimm.s32 $0x0;
	v42 =	vld [tilespmem:s8+$0x70];
	v24 =	vshll.u32 v18, $0x4;
	v18 =	vadd.s32 $0x3F, v18  }
0x3d4: {  	v29 =	vshll.u32 v22, $0x4;
	v31 =	vadd.s32 $0x3F, v20;
	v32 =	vadd.s32 $0x3F, v19  }
0x3d5: {  	v21 =	vld [tilespmem:s8+$0xFFFFFFF0];
	v35 =	vshll.u32 v25, $0x4;
	v36 =	vshll.u32 v23, $0x4;
	v20 =	vshll.u32 v20, $0x4  }
0x3d6: {  	v39 =	vshll.u32 v28, $0x4;
	v28 =	vadd.s32 $0x3F, v28;
	v22 =	vadd.s32 $0x3F, v22  }
0x3d7: {  	v50 =	vadd.s32 $0x3F, v25;
	v57 =	vshll.u32 v40, $0x4;
	v58 =	vadd.s32 $0x3F, v56  }
0x3d8: {  	v26 =	vld [tilespmem:s8+$0x0];
	v23 =	vadd.s32 $0x3F, v23;
	v59 =	vshll.u32 v42, $0x4;
	v36 =	vor.u32 v0, v36  }
0x3d9: {  	v30 =	vld [tilespmem:s8+$0xFFFFFF90];
	v53 =	vshll.u32 v56, $0x4;
	v60 =	vadd.s32 $0x3F, v42;
	v35 =	vor.u32 v0, v35  }
0x3da: {  	v34 =	vld [tilespmem:s8+$0xFFFFFFD0];
	v27 =	vor.u32 v0, v24;
	v24 =	vadd.s32 $0x3F, v21;
	v39 =	vor.u32 v0, v39  }
0x3db: {  	v37 =	vld [tilespmem:s8+$0x60];
	v18 =	vshra.s32 v18, $0x6;
	v21 =	vshll.u32 v21, $0x4;
	v61 =	vor.u32 v0, v59  }
0x3dc: {  	v38 =	vshra.s32 v24, $0x6;
	v24 =	vor.u32 v0, v29;
	v29 =	vshll.u32 v19, $0x4;
	v19 =	vld [tilespmem:s8+$0x20]  }
0x3dd: {  	v48 =	vshra.s32 v22, $0x6;
	v22 =	vshra.s32 v31, $0x6;
	v55 =	vor.u32 v0, v21;
	v31 =	vld.idx.msk [tilespmem:v36+s2+$0x0], $0xffff  }
0x3de: {  	v41 =	vshra.s32 v32, $0x6;
	v21 =	vshll.u32 v30, $0x4;
	v29 =	vor.u32 v0, v29;
	v35 =	vld.idx.msk [tilespmem:v35+s2+$0x0], $0xffff  }
0x3df: {  	v23 =	vshra.s32 v23, $0x6;
	v62 =	vadd.s32 v17, v48;
	v43 =	vor.u32 v0, v21;
	v39 =	vld.idx.msk [tilespmem:v39+s2+$0x0], $0xffff  }
0x3e0: {  	v20 =	vor.u32 v0, v20;
	v63 =	vadd.s32 v17, v23;
	v23 =	vadd.s32 v41, v62;
	v41 =	vld.idx.msk [tilespmem:v61+s2+$0x0], $0xffff  }
0x3e1: {  	v46 =	vshra.s32 v28, $0x6;
	v28 =	vadd.s32 $0x3F, v34;
	v44 =	vld.idx.msk [tilespmem:v24+s2+$0x0], $0xffff;
	v24 =	vshll.u32 v34, $0x4  }
0x3e2: {  	v51 =	vor.u32 v0, v57;
	v21 =	vshll.u32 v26, $0x4;
	v52 =	vld.idx.msk [tilespmem:v55+s2+$0x0], $0xffff;
	v47 =	vor.u32 v0, v24  }
0x3e3: {  	v49 =	vld.idx.msk [tilespmem:v29+s2+$0x0], $0xffff;
	v24 =	vadd.s32 v17, v22;
	v22 =	vshra.s32 v28, $0x6;
	v28 =	vor.u32 v0, v21  }
0x3e4: {  	v42 =	vor.u32 v0, v53;
	v30 =	vadd.s32 $0x3F, v30;
	v29 =	vshll.u32 v37, $0x4;
	v43 =	vld.idx.msk [tilespmem:v43+s2+$0x0], $0xffff  }
0x3e5: {  	v26 =	vadd.s32 $0x3F, v26;
	v45 =	vshll.u32 v19, $0x4;
	v25 =	vor.u32 v0, v29;
	v29 =	vld.idx.msk [tilespmem:v20+s2+$0x0], $0xffff  }
0x3e6: {  	v26 =	vshra.s32 v26, $0x6;
	v34 =	vshra.s32 v30, $0x6;
	v21 =	vld.idx.msk [tilespmem:v27+s2+$0x0], $0xffff;
	v45 =	vor.u32 v0, v45  }
0x3e7: {  	v30 =	vshra.s32 v58, $0x6;
	v27 =	vadd.s32 $0x3F, v37;
	v54 =	vadd.f32 v31, v33;
	v31 =	vld.idx.msk [tilespmem:v51+s2+$0x0], $0xffff  }
0x3e8: {  	v37 =	vshra.s32 v50, $0x6;
	v20 =	vshra.s32 v27, $0x6;
	v27 =	vadd.s32 $0x3F, v40;
	v28 =	vld.idx.msk [tilespmem:v28+s2+$0x0], $0xffff  }
0x3e9: {  	v27 =	vshra.s32 v27, $0x6;
	v44 =	vadd.f32 v44, v33;
	v32 =	vld.idx.msk [tilespmem:v47+s2+$0x0], $0xffff;
	v40 =	vadd.f32 v43, v33  }
0x3ea: {  	v43 =	vadd.f32 v52, v54;
	v25 =	vld.idx.msk [tilespmem:v25+s2+$0x0], $0xffff;
	v36 =	vadd.f32 v29, v33;
	v33 =	vadd.s32 v38, v63  }
0x3eb: {  	s9 =	simm.s32 $0x0;
	s10 =	sadd.s32 $0x100, s8;
	v29 =	vshra.s32 v60, $0x6;
	v38 =	vld.idx.msk [tilespmem:v45+s2+$0x0], $0xffff;
	v44 =	vadd.f32 v49, v44;
	v33 =	vadd.s32 v46, v33  }
.LBB2_31:
0x3ec: {  	v45 =	vld [tilespmem:s10+$0x10];
	s9 =	sadd.s32 $0x4, s9;
	v17 =	vadd.s32 v17, v34;
	v24 =	vadd.s32 v37, v24;
	v23 =	vadd.s32 v26, v23  }
0x3ed: {  	v26 =	vld [tilespmem:s10+$0xFFFFFFA0];
	p0 =	slt.u32 s9, $0x1C;
	v17 =	vadd.s32 v22, v17;
	v22 =	vadd.f32 v35, v36;
	v23 =	vadd.s32 v27, v23  }
0x3ee: {  	v32 =	vadd.f32 v32, v40;
	v28 =	vadd.f32 v28, v44;
	v27 =	vld [tilespmem:s10+$0xFFFFFFB0];
	v17 =	vadd.s32 v18, v17  }
0x3ef: {  	v18 =	vadd.s32 $0x3F, v19;
	v19 =	vadd.f32 v39, v43;
	v34 =	vld.idx.msk [tilespmem:v42+s2+$0x0], $0xffff;
	v17 =	vadd.s32 v30, v17  }
0x3f0: {  	v21 =	vadd.f32 v21, v32;
	v22 =	vadd.f32 v38, v22;
	v18 =	vshra.s32 v18, $0x6;
	v30 =	vld [tilespmem:s10+$0xFFFFFFF0]  }
0x3f1: {  	v33 =	vadd.s32 v29, v33;
	v18 =	vadd.s32 v18, v24;
	v35 =	vadd.f32 v41, v19;
	v32 =	vld [tilespmem:s10+$0xFFFFFF80]  }
0x3f2: {  	v29 =	vadd.f32 v31, v28;
	v31 =	vadd.f32 v25, v22;
	v20 =	vadd.s32 v20, v18;
	v19 =	vld [tilespmem:s10+$0xFFFFFFC0]  }
0x3f3: {  	v18 =	vshll.u32 v45, $0x4;
	v22 =	vadd.s32 $0x3F, v45;
	v25 =	vld [tilespmem:s10+$0xFFFFFFE0]  }
0x3f4: {  	v36 =	vor.u32 v0, v18;
	v28 =	vld [tilespmem:s10+$0x0]  }
0x3f5: {  	v18 =	vshra.s32 v22, $0x6;
	v38 =	vadd.f32 v34, v21;
	v24 =	vadd.s32 $0x3F, v30;
	v22 =	vld [tilespmem:s10+$0x30]  }
0x3f6: {  	v37 =	vadd.s32 $0x3F, v26;
	v21 =	vshll.u32 v32, $0x4;
	v34 =	vld [tilespmem:s10+$0xFFFFFF90];
	v41 =	vshra.s32 v24, $0x6  }
0x3f7: {  	v21 =	vor.u32 v0, v21;
	v24 =	vshll.u32 v19, $0x4;
	v39 =	vadd.s32 $0x3F, v19;
	v19 =	vld [tilespmem:s10+$0x20]  }
0x3f8: {  	v30 =	vshll.u32 v30, $0x4;
	v24 =	vor.u32 v0, v24;
	v40 =	vld [tilespmem:s10+$0xFFFFFFD0];
	v42 =	vshll.u32 v25, $0x4  }
0x3f9: {  	v43 =	vshll.u32 v27, $0x4;
	v30 =	vor.u32 v0, v30;
	v44 =	vshra.s32 v39, $0x6;
	v39 =	vld [tilespmem:s10+$0x60]  }
0x3fa: {  	v26 =	vshll.u32 v26, $0x4;
	v43 =	vor.u32 v0, v43;
	v45 =	vshll.u32 v22, $0x4;
	v46 =	vld [tilespmem:s10+$0x40]  }
0x3fb: {  	v26 =	vor.u32 v0, v26;
	v22 =	vadd.s32 $0x3F, v22;
	v47 =	vshll.u32 v34, $0x4;
	v48 =	vld [tilespmem:s10+$0x70]  }
0x3fc: {  	v49 =	vld.idx.msk [tilespmem:v21+s2+$0x0], $0xffff;
	v21 =	vadd.s32 $0x3F, v32;
	v32 =	vor.u32 v0, v47;
	v47 =	vshll.u32 v28, $0x4  }
0x3fd: {  	v52 =	vshra.s32 v22, $0x6;
	v51 =	vshll.u32 v19, $0x4;
	v50 =	vshll.u32 v40, $0x4  }
0x3fe: {  	v22 =	vadd.s32 $0x3F, v40;
	v40 =	vor.u32 v0, v42;
	v50 =	vor.u32 v0, v50;
	v42 =	vld [tilespmem:s10+$0x50]  }
0x3ff: {  	v53 =	vshra.s32 v21, $0x6;
	v21 =	vshra.s32 v37, $0x6;
	v37 =	vshll.u32 v39, $0x4;
	v54 =	vld.idx.msk [tilespmem:v24+s2+$0x0], $0xffff  }
0x400: {  	v47 =	vor.u32 v0, v47;
	v22 =	vshra.s32 v22, $0x6;
	v24 =	vadd.s32 v20, v21;
	v21 =	vld.idx.msk [tilespmem:v36+s2+$0x0], $0xffff  }
0x401: {  	v20 =	vadd.s32 $0x3F, v39;
	v36 =	vld.idx.msk [tilespmem:v43+s2+$0x0], $0xffff;
	v43 =	vadd.s32 $0x3F, v25;
	v25 =	vor.u32 v0, v37  }
0x402: {  	v20 =	vshra.s32 v20, $0x6;
	v37 =	vld.idx.msk [tilespmem:v26+s2+$0x0], $0xffff;
	v26 =	vadd.s32 $0x3F, v28;
	v28 =	vshll.u32 v46, $0x4  }
0x403: {  	v34 =	vadd.s32 $0x3F, v34;
	v39 =	vld.idx.msk [tilespmem:v32+s2+$0x0], $0xffff;
	v26 =	vshra.s32 v26, $0x6;
	v55 =	vor.u32 v0, v28  }
0x404: {  	v51 =	vor.u32 v0, v51;
	v56 =	vld.idx.msk [tilespmem:v30+s2+$0x0], $0xffff;
	v30 =	vadd.s32 $0x3F, v46;
	v46 =	vadd.s32 $0x3F, v42  }
0x405: {  	v57 =	vadd.s32 $0x3F, v27;
	v45 =	vor.u32 v0, v45;
	v28 =	vld.idx.msk [tilespmem:v47+s2+$0x0], $0xffff;
	v47 =	vshll.u32 v48, $0x4  }
0x406: {  	v42 =	vshll.u32 v42, $0x4;
	v27 =	vshra.s32 v30, $0x6;
	v48 =	vadd.s32 $0x3F, v48;
	v25 =	vld.idx.msk [tilespmem:v25+s2+$0x0], $0xffff  }
0x407: {  	v49 =	vadd.f32 v49, v29;
	v58 =	vadd.f32 v36, v35;
	v47 =	vor.u32 v0, v47;
	v32 =	vld.idx.msk [tilespmem:v50+s2+$0x0], $0xffff  }
.Ltmp14:
0x408: {  	v34 =	vshra.s32 v34, $0x6;
	v30 =	vshra.s32 v46, $0x6;
	v50 =	vshra.s32 v57, $0x6;
	v35 =	vld.idx.msk [tilespmem:v40+s2+$0x0], $0xffff;
	(pc) =	sbr.rel @p0 .LBB2_31-.Ltmp14, $4  }
0x409: {  	v29 =	vshra.s32 v48, $0x6;
	v36 =	vadd.f32 v37, v31;
	v37 =	vshra.s32 v43, $0x6;
	v31 =	vld.idx.msk [tilespmem:v55+s2+$0x0], $0xffff  }
0x40a: {  	v23 =	vadd.s32 v23, v53;
	v40 =	vadd.f32 v39, v38;
	v33 =	vadd.s32 v33, v50;
	v39 =	vld.idx.msk [tilespmem:v45+s2+$0x0], $0xffff  }
0x40b: {  	v23 =	vadd.s32 v44, v23;
	v42 =	vor.u32 v0, v42;
	v33 =	vadd.s32 v41, v33;
	v38 =	vld.idx.msk [tilespmem:v51+s2+$0x0], $0xffff  }
0x40c: {  	s10 =	sadd.s32 $0x100, s10;
	v44 =	vadd.f32 v54, v49;
	v43 =	vadd.f32 v56, v58;
	v33 =	vadd.s32 v52, v33;
	v41 =	vld.idx.msk [tilespmem:v47+s2+$0x0], $0xffff  }
0x40d: {  	_ =	sdelay $0x2  }
0x40e: {  	v35 =	vadd.f32 v35, v36  }
0x40f: {  	v42 =	vld.idx.msk [tilespmem:v42+s2+$0x0], $0xffff;
	v32 =	vadd.f32 v32, v40;
	v17 =	vadd.s32 v17, v34;
	v24 =	vadd.s32 v37, v24  }
0x410: {  	v23 =	vadd.s32 v26, v23;
	v28 =	vadd.f32 v28, v44;
	v17 =	vadd.s32 v22, v17  }
0x411: {  	v62 =	vadd.s32 v27, v23;
	v57 =	vadd.f32 v39, v43;
	v21 =	vadd.f32 v21, v32  }
0x412: {  	v17 =	vadd.s32 v18, v17;
	v18 =	vadd.s32 $0x3F, v19;
	v58 =	vadd.f32 v38, v35  }
0x413: {  	v28 =	vadd.f32 v31, v28;
	v18 =	vshra.s32 v18, $0x6;
	v59 =	vadd.f32 v41, v57  }
0x414: {  	s9 =	smul.u32 $0x11, s7;
	s7 =	sadd.s32 $0x1, s7;
	v17 =	vadd.s32 v30, v17;
	v60 =	vadd.f32 v25, v58;
	v21 =	vadd.f32 v42, v21  }
0x415: {  	p0 =	sne.s32 s7, $0x10;
	v18 =	vadd.s32 v18, v24;
	v17 =	vadd.s32 v62, v17  }
.Ltmp15:
0x416: {  	v18 =	vadd.s32 v20, v18;
	v19 =	vadd.f32 v21, v28;
	v61 =	vadd.f32 v59, v60;
	(pc) =	sbr.rel @p0 .LBB2_30-.Ltmp15, $4  }
0x417: {  	v63 =	vadd.s32 v29, v33;
	v17 =	vadd.s32 v18, v17  }
0x418: {  	v17 =	vadd.s32 v63, v17;
	v19 =	vadd.f32 v61, v19  }
0x419: {  	[tilespmem:s9+$0x10680] =	vst v17  }
0x41a: {  	s8 =	sadd.s32 $0x800, s8;
	[tilespmem:s9+$0x10500] =	vst v19  }
0x41b: {  	_ =	sdelay $0x3  }
0x41c: {  	v17 =	vld.idx.msk [tilespmem:v1+s1+$0x0], $0xffff  }
0x41d: {  	v18 =	vld.idx.msk [tilespmem:v1+s3+$0x0], $0xffff  }
0x41e: {  	v19 =	vld.idx.msk [tilespmem:v2+s1+$0x0], $0xffff  }
0x41f: {  	v20 =	vld.idx.msk [tilespmem:v2+s3+$0x0], $0xffff  }
0x420: {  	v21 =	vld.idx.msk [tilespmem:v3+s1+$0x0], $0xffff  }
0x421: {  	v22 =	vld.idx.msk [tilespmem:v3+s3+$0x0], $0xffff  }
0x422: {  	v23 =	vld.idx.msk [tilespmem:v4+s1+$0x0], $0xffff  }
0x423: {  	v24 =	vld.idx.msk [tilespmem:v4+s3+$0x0], $0xffff  }
0x424: {  	v25 =	vld.idx.msk [tilespmem:v5+s1+$0x0], $0xffff  }
0x425: {  	v26 =	vld.idx.msk [tilespmem:v5+s3+$0x0], $0xffff  }
0x426: {  	v27 =	vld.idx.msk [tilespmem:v6+s1+$0x0], $0xffff  }
0x427: {  	v28 =	vld.idx.msk [tilespmem:v6+s3+$0x0], $0xffff;
	v17 =	vadd.f32 $0.0e+00, v17  }
0x428: {  	v29 =	vld.idx.msk [tilespmem:v7+s1+$0x0], $0xffff  }
0x429: {  	v30 =	vld.idx.msk [tilespmem:v8+s1+$0x0], $0xffff;
	v17 =	vadd.f32 v19, v17  }
0x42a: {  	v51 =	vld.idx.msk [tilespmem:v8+s3+$0x0], $0xffff  }
0x42b: {  	v52 =	vld.idx.msk [tilespmem:v9+s1+$0x0], $0xffff;
	v17 =	vadd.f32 v21, v17  }
0x42c: {  	v18 =	vadd.s32 v18, v20;
	v19 =	vld.idx.msk [tilespmem:v7+s3+$0x0], $0xffff  }
0x42d: {  	v53 =	vld.idx.msk [tilespmem:v9+s3+$0x0], $0xffff;
	v18 =	vadd.s32 v22, v18;
	v17 =	vadd.f32 v23, v17  }
0x42e: {  	v54 =	vld.idx.msk [tilespmem:v10+s1+$0x0], $0xffff;
	v18 =	vadd.s32 v24, v18  }
0x42f: {  	v55 =	vld.idx.msk [tilespmem:v10+s3+$0x0], $0xffff;
	v18 =	vadd.s32 v26, v18;
	v17 =	vadd.f32 v25, v17  }
0x430: {  	v56 =	vld.idx.msk [tilespmem:v11+s3+$0x0], $0xffff;
	v18 =	vadd.s32 v28, v18  }
0x431: {  	v18 =	vadd.s32 v19, v18;
	v19 =	vld.idx.msk [tilespmem:v12+s3+$0x0], $0xffff;
	v17 =	vadd.f32 v27, v17  }
0x432: {  	v57 =	vld.idx.msk [tilespmem:v13+s3+$0x0], $0xffff;
	v18 =	vadd.s32 v51, v18  }
0x433: {  	v58 =	vld.idx.msk [tilespmem:v14+s3+$0x0], $0xffff;
	v18 =	vadd.s32 v53, v18;
	v17 =	vadd.f32 v29, v17  }
0x434: {  	v59 =	vld.idx.msk [tilespmem:v15+s3+$0x0], $0xffff;
	v18 =	vadd.s32 v55, v18  }
0x435: {  	v60 =	vld.idx.msk [tilespmem:v16+s3+$0x0], $0xffff;
	v18 =	vadd.s32 v56, v18;
	v17 =	vadd.f32 v30, v17  }
0x436: {  	v18 =	vadd.s32 v19, v18;
	v19 =	vld.idx.msk [tilespmem:v11+s1+$0x0], $0xffff  }
0x437: {  	v18 =	vadd.s32 v57, v18;
	v17 =	vadd.f32 v52, v17  }
0x438: {  	v61 =	vld.idx.msk [tilespmem:v12+s1+$0x0], $0xffff;
	v18 =	vadd.s32 v58, v18  }
0x439: {  	v18 =	vadd.s32 v59, v18;
	v17 =	vadd.f32 v54, v17  }
0x43a: {  	v62 =	vld.idx.msk [tilespmem:v13+s1+$0x0], $0xffff;
	v18 =	vadd.s32 v60, v18  }
0x43b: {  	v18 =	vcvt.s32.f32 v18;
	v17 =	vadd.f32 v19, v17  }
0x43c: {  	v19 =	vld.idx.msk [tilespmem:v14+s1+$0x0], $0xffff  }
0x43d: {  	(erf) = vrcp.f32 v18;
	v17 =	vadd.f32 v61, v17  }
0x43e: {  	v18 =	vld.idx.msk [tilespmem:v15+s1+$0x0], $0xffff  }
0x43f: {  	v17 =	vadd.f32 v62, v17  }
0x440: {  	v63 =	vld.idx.msk [tilespmem:v16+s1+$0x0], $0xffff  }
0x441: {  	v17 =	vadd.f32 v19, v17;
	_ =	sdelay $0x1  }
0x442: {  	v17 =	vadd.f32 v18, v17;
	_ =	sdelay $0x1  }
0x443: {  	v17 =	vadd.f32 v63, v17  }
0x444: {  	v18 =	vpop (erf)  }
0x445: {  	s6 =	sadd.s32 $0x1, s6;
	v17 =	vmul.f32 v18, v17  }
0x446: {  	p0 =	sne.s32 s6, s30  }
.Ltmp16:
0x447: {  	s7 =	simm.s32 $0x10800;
	[tilespmem:$0x10870] =	vst v17;
	(pc) =	sbr.rel @p0 .LBB2_1-.Ltmp16, $4  }
0x448: {  	[hbm4b:s22+s2] =	stream.linear.scatter [tilespmem:s7], [sflag:$0x3], $0x80, $0x38;
	[tilespmem:$0x10880] =	vst v63  }
0x449: {  	_ =	swait.ge [sflag:s31], $0x80  }
0x44a: {  	[sflag:s31] =	ssyncset.done $0x0  }
0x44b: {  	[sflag:s31] =	ssyncadd.s32 $0xFFFFFF80  }
0x44c: {  	_ =	sfence.sel $0x180000  }
0x44d: {  	[bflag:$0x0] =	sbarrier.arrive $0xFFFF  }
0x44e: {  	_ =	strace $0x9000004A  }
0x44f: {  	s0 =	stileid.u32;
	[bflag:$0x2] =	sbarrier.arrive $0xFFFF  }
0x450: {  	p0 =	sne.s32 s0, $0x0;
	s0 =	rddreg [dreg:$0x2]  }
0x451: {  	s0 =	sadd.s32 @!p0 $0x100000, s0  }
0x452: {  	[sflag:s0] =	ssyncadd.tile.s32 @!p0 $0x1;
	_ =	shalt  }
.Lfunc_end2:
_tile_overlayer_lowered:
.L_overlay_start_2:
0x453: {  	(tag) =	ssettag $0x2  }
0x454: {  	s0 =	rddreg [dreg:$0x0];
	s2 =	stileid.u32  }
0x455: {  	s1 =	rddreg [dreg:$0x1];
	p0 =	sne.s32 s2, $0x0  }
0x456: {  	s3 =	rddreg [dreg:$0x2];
	[bflag:$0x3] =	sbarrier.arrive $0xFFFF;
	s2 =	simm.s32 @!p0 $0x1C03  }
0x457: {  	[timem:s3], [sflag:s2] =	dma.local @!p0 [hbm:s0], s1  }
0x458: {  	s0 =	simm.s32 @!p0 $0x3  }
0x459: {  	_ =	swait.ge @!p0 [sflag:s0], s1  }
0x45a: {  	s1 =	ssub.s32 @!p0 $0x0, s1;
	[sflag:s0] =	ssyncset.done @!p0 $0x0  }
0x45b: {  	[sflag:s0] =	ssyncadd.s32 @!p0 s1  }
0x45c: {  	[bflag:$0x3] =	sbarrier.arrive $0xFFFF  }
0x45d: {  	_ =	shalt  }

// kernel: sparse-core-data-format-call.cloned.1.call-start
scs
called_computation_lowered:
.L_overlay_start_0:
0x0: {  	s2 =	sld [smem:$0x3FD9]  }
0x1: {  	s3 =	sld [smem:$0x3FFE];
	_ =	sdelay $0x1  }
0x2: {  	s1 =	srdreg.scid  }
0x3: {  	s0 =	sand.u32 $0x1, s1  }
0x4: {  	s18 =	sshll.u32 s0, $0xA;
	s2 =	sadd.s32 s3, s2  }
0x5: {  	s2 =	sadd.s32 s2, s18  }
0x6: {  	[smem:$0x3FC5] =	sst s2  }
0x7: {  	_ = 	snop  }
0x8: {  	s2 =	sld [smem:$0x3FC9];
	(tm) =	ssettm $0x1  }
0x9: {  	s19 =	sld [smem:$0x3FFB];
	_ =	sdelay $0x3  }
0xa: {  	_ =	strace s19  }
0xb: {  	s3 =	sld [smem:$0x3FFC];
	_ =	sdelay $0x3  }
0xc: {  	_ =	strace s3  }
0xd: {  	s3 =	sld [smem:$0x3FFD];
	_ =	sdelay $0x3  }
0xe: {  	_ =	strace s3  }
0xf: {  	_ =	strace $0x8FFFFFFF  }
0x10: {  	s20 =	sld [smem:$0x3FDB];
	_ =	sdelay $0x1  }
0x11: {  	s4 =	simm.s32 $_scs_section_size  }
0x12: {  	s5 =	simm.s32 $_size__tile_overlayer_lowered;
	s6 =	simm.s32 $_tile_overlayer_lowered  }
0x13: {  	s23 =	simm.s32 $0x1BFF;
	s22 =	sshll.u32 s6, $0x1;
	s3 =	sadd.s32 s4, s20  }
0x14: {  	s7 =	simm.s32 $0x0;
	s21 =	sshll.u32 s5, $0x1;
	s5 =	sadd.s32 s22, s3  }
0x15: {  	[timem:s7], [sflag:s23] =	dma.local [hbm:s5], s21  }
0x16: {  	_ =	swait.ge [sflag:s23], s21  }
0x17: {  	s4 =	ssub.s32 $0x0, s21;
	[sflag:s23] =	ssyncset.done $0x0  }
0x18: {  	[sflag:s23] =	ssyncadd.s32 s4;
	_ =	sdelay $0x1  }
0x19: {  	s24 =	simm.s32 $0x1B8B  }
0x1a: {  	_ =	swait.ge [sflag:s24], $0x1  }
0x1b: {  	[sflag:s24] =	ssyncset.done $0x0  }
0x1c: {  	s26 =	simm.s32 $0x1B8E;
	s25 =	sld [smem:$0x3FFE];
	[sflag:s24] =	ssyncadd.s32 $0xFFFFFFFF  }
0x1d: {  	s27 =	simm.s32 $execute0_lowered;
	[smem:$0x3FD2] =	sst s26  }
0x1e: {  	s5 =	sshll.u32 s27, $0x1;
	_ =	strace $0x80000046;
	[dreg:$0x1] =	wrdreg $0xFFFFFFFF  }
0x1f: {  	s28 =	simm.s32 $_size_execute0_lowered;
	s3 =	sadd.s32 s3, s5;
	[dreg:$0x0] =	wrdreg $0x0  }
0x20: {  	s5 =	sshll.u32 s28, $0x1;
	[dreg:$0x2] =	wrdreg s3  }
0x21: {  	[dreg:$0x3] =	wrdreg s5  }
0x22: {  	[dreg:$0x4] =	wrdreg $0xC0  }
0x23: {  	_ =	task [dreg:s7], $0x5FFFF  }
0x24: {  	[dreg:$0x1] =	wrdreg $0xFFFFFFFF  }
0x25: {  	[dreg:$0x0] =	wrdreg $0x60  }
0x26: {  	[dreg:$0x2] =	wrdreg s2  }
0x27: {  	[dreg:$0x3] =	wrdreg s25  }
0x28: {  	[dreg:$0x4] =	wrdreg $0x9  }
0x29: {  	_ =	task.clear_ibuf [dreg:s7], $0x5FFFF;
	_ =	strace $0x90000046  }
0x2a: {  	s29 =	simm.s32 $0x9;
	_ =	strace $0x80000048  }
0x2b: {  	_ =	swait.ge [sflag:s29], $0x1  }
0x2c: {  	[sflag:s29] =	ssyncadd.s32 $0xFFFFFFFF  }
0x2d: {  	_ =	strace $0x90000048  }
0x2e: {  	_ =	sfence  }
0x2f: {  	s30 =	sld [smem:$0x0];
	_ =	sdelay $0x2  }
0x30: {  	s31 =	sshll.u32 s1, $0xD;
	s1 =	sshrl.u32 s1, $0x2  }
0x31: {  	s3 =	sand.u32 $0x4000, s31;
	s1 =	sadd.s32 s1, s30  }
0x32: {  	s0 =	sor.u32 s3, s0;
	s1 =	sshll.u32 s1, $0x11  }
0x33: {  	s0 =	sor.u32 s1, s0  }
0x34: {  	s0 =	sadd.s32 $0x8F2B, s0  }
0x35: {  	[sflag:s0] =	ssyncadd.remote.s32 $0x1  }
0x36: {  	_ =	sfence.sel $0xFFFF  }
0x37: {  	[dreg:$0x0] =	wrdreg $0xFFFFFFFF;
	(pc) =	sbr.abs _section_cstart, $3  }
0x38: {  	[dreg:$0x1] =	wrdreg $0xFFFFFFFF  }
0x39: {  	_ =	task.clear_ibuf [dreg:s7], $0x2FFFF;
	_ =	strace $0x9FFFFFFF  }
0x3a: {  	(tm) =	ssettm $0x7FFFFFFF  }
0x3b: {  	_ =	shalt  }
tec
execute0_lowered:
.L_overlay_start_1:
0x0: {  	(tag) =	ssettag $0x1  }
0x1: {  	s2 =	rddreg [dreg:$0x0]  }
0x2: {  	s1 =	rddreg [dreg:$0x1]  }
0x3: {  	s0 =	rddreg [dreg:$0x2];
	_ =	strace $0x80000047;
	s4 =	srdreg.scid  }
.Ltmp0:
0x4: {  	s6 =	simm.s32 $0x2;
	p0 =	por $0x0, $0x0;
	(pc) =	sbr.rel .LBB1_1-.Ltmp0, $4  }
0x5: {  	s9 =	simm.s32 $0x0;
	s3 =	sadd.s32 $0xA00, s1;
	s5 =	sshll.u32 s4, $0x4  }
0x6: {  	s1 =	stileid.u32;
	s4 =	simm.s32 $0x1;
	s5 =	sand.u32 $0x10, s5  }
0x7: {  	s7 =	simm.s32 $0x0;
	[sflag:s4] =	ssyncpa.u1 $0x0;
	s5 =	sor.u32 s1, s5  }
0x8: {  	[sflag:s6] =	ssyncpa.u1 $0x0;
	s6 =	simm.s32 $0x0;
	s8 =	smov.u32 s5  }
.LBB1_7:
0x9: {  	s11 =	sadd.s32 $0x20, s8  }
0xa: {  	p1 =	slt.u32 s7, $0x2;
	s7 =	sadd.s32 $0x1, s7;
	p2 =	sgt.s32 s11, $0x1FF  }
0xb: {  	s11 =	smov.u32 @p2 s5;
	p2 =	sne.s32 s7, $0x12  }
.Ltmp1:
0xc: {  	_ = 	snop;
	(pc) =	sbr.rel @!p2 .LBB1_8-.Ltmp1, $4  }
0xd: {  	s10 =	simm.s32 @!p1 $0x2  }
0xe: {  	_ =	swait.ge @!p1 [sflag:s10], $0x4000  }
0xf: {  	s9 =	smov.u32 s8;
	[sflag:s10] =	ssyncset.done @!p1 $0x0  }
0x10: {  	p0 =	por !p0, !p0;
	s8 =	smov.u32 s11;
	[sflag:s10] =	ssyncadd.s32 @!p1 $0xFFFFC000  }
.LBB1_1:
0x11: {  	p1 =	sgt.u32 s7, $0xF  }
0x12: {  	s10 =	sxor.u32 @!p1 $0xFFFFFFFF, s7  }
0x13: {  	s11 =	sshll.u32 @!p1 s8, $0xB;
	s10 =	sshll.u32 @!p1 s10, $0xE  }
0x14: {  	s12 =	simm.s32 @!p1 $0x0;
	s11 =	sadd.s32 @!p1 s2, s11;
	s10 =	sand.u32 @!p1 $0x4000, s10  }
0x15: {  	[tilespmem:s10], [sflag:$0x1] =	stream.linear.gather @!p1 [hbm4b:s11+s12], $0x4000, $0x38;
	[tilespmem:$0x10000] =	vst v63  }
0x16: {  	p1 =	seq.s32 s7, $0x0  }
0x17: {  	p2 =	seq.s32 @!p1 s7, $0x11  }
0x18: {  	p1 =	por p1, p2  }
.Ltmp2:
0x19: {  	_ = 	snop;
	(pc) =	sbr.rel @p1 .LBB1_7-.Ltmp2, $1  }
0x1a: {  	_ =	sdelay $0x3  }
0x1b: {  	s10 =	simm.s32 $0x1;
	_ =	swait.ge [sflag:s4], $0x4000;
	s12 =	sshll.u32 s7, $0xE  }
0x1c: {  	s13 =	simm.s32 $0x0;
	s10 =	simm.s32 @!p0 $0x0;
	[sflag:s4] =	ssyncset.done $0x0  }
0x1d: {  	s12 =	sand.u32 $0x4000, s12;
	s11 =	sshll.u32 s10, $0xE;
	[sflag:s4] =	ssyncadd.s32 $0xFFFFC000  }
0x1e: {  	s12 =	sor.u32 $0x8000, s12;
	s10 =	sor.u32 $0x8040, s11;
	s11 =	sor.u32 $0x40, s11  }
.LBB1_3:
0x1f: {  	v0 =	vmov s11;
	_ =	sdelay $0x3  }
0x20: {  	s15 =	simm.s32 $0x0  }
0x21: {  	v6 =	vld.idx.msk [tilespmem:v0+s15+$0x30 ss:$0x1], $0xffff  }
0x22: {  	v7 =	vld.idx.msk [tilespmem:v0+s15+$0xFFFFFFC0 ss:$0x1], $0xffff  }
0x23: {  	v5 =	vld.idx.msk [tilespmem:v0+s15+$0xFFFFFFD0 ss:$0x1], $0xffff  }
0x24: {  	v4 =	vld.idx.msk [tilespmem:v0+s15+$0xFFFFFFE0 ss:$0x1], $0xffff  }
0x25: {  	v3 =	vld.idx.msk [tilespmem:v0+s15+$0xFFFFFFF0 ss:$0x1], $0xffff  }
0x26: {  	v1 =	vld.idx.msk [tilespmem:v0+s15+$0x0 ss:$0x1], $0xffff  }
0x27: {  	v2 =	vld.idx.msk [tilespmem:v0+s15+$0x10 ss:$0x1], $0xffff;
	[tilespmem:s10+$0x30] =	vst v6  }
0x28: {  	s14 =	simm.s32 $0x80;
	s16 =	simm.s32 $0x400;
	[tilespmem:s10+$0xFFFFFFC0] =	vst v7;
	v6 =	vld.idx.msk [tilespmem:v0+s15+$0x20 ss:$0x1], $0xffff;
	s15 =	smov.u32 s10  }
.LBB1_4:
0x29: {  	p1 =	sne.s32 s16, $0xE00;
	v7 =	vld.idx.msk [tilespmem:v0+s14+$0x30 ss:$0x1], $0xffff;
	[tilespmem:s15+$0xFFFFFFD0] =	vst v5  }
0x2a: {  	v8 =	vld.idx.msk [tilespmem:v0+s14+$0xFFFFFFC0 ss:$0x1], $0xffff;
	[tilespmem:s15+$0xFFFFFFE0] =	vst v4  }
0x2b: {  	v5 =	vld.idx.msk [tilespmem:v0+s14+$0xFFFFFFD0 ss:$0x1], $0xffff;
	[tilespmem:s15+$0xFFFFFFF0] =	vst v3  }
.Ltmp3:
0x2c: {  	v4 =	vld.idx.msk [tilespmem:v0+s14+$0xFFFFFFE0 ss:$0x1], $0xffff;
	[tilespmem:s15+$0x0] =	vst v1;
	(pc) =	sbr.rel @p1 .LBB1_4-.Ltmp3, $4  }
0x2d: {  	v3 =	vld.idx.msk [tilespmem:v0+s14+$0xFFFFFFF0 ss:$0x1], $0xffff;
	[tilespmem:s15+$0x10] =	vst v2  }
0x2e: {  	v1 =	vld.idx.msk [tilespmem:v0+s14+$0x0 ss:$0x1], $0xffff;
	[tilespmem:s15+$0x20] =	vst v6;
	s15 =	sadd.s32 $0x800, s15  }
0x2f: {  	v2 =	vld.idx.msk [tilespmem:v0+s14+$0x10 ss:$0x1], $0xffff;
	[tilespmem:s15+$0x30] =	vst v7  }
0x30: {  	[tilespmem:s15+$0xFFFFFFC0] =	vst v8;
	v6 =	vld.idx.msk [tilespmem:v0+s14+$0x20 ss:$0x1], $0xffff;
	s14 =	sshra.s32 s16, $0x2;
	s16 =	sadd.s32 $0x200, s16  }
0x31: {  	_ =	sdelay $0x2  }
0x32: {  	[tilespmem:s15+$0xFFFFFFD0] =	vst v5  }
0x33: {  	v56 =	vld.idx.msk [tilespmem:v0+s14+$0x30 ss:$0x1], $0xffff;
	[tilespmem:s15+$0xFFFFFFE0] =	vst v4  }
0x34: {  	v57 =	vld.idx.msk [tilespmem:v0+s14+$0xFFFFFFC0 ss:$0x1], $0xffff;
	[tilespmem:s15+$0xFFFFFFF0] =	vst v3  }
0x35: {  	v58 =	vld.idx.msk [tilespmem:v0+s14+$0xFFFFFFD0 ss:$0x1], $0xffff;
	[tilespmem:s15+$0x0] =	vst v1  }
0x36: {  	v59 =	vld.idx.msk [tilespmem:v0+s14+$0xFFFFFFE0 ss:$0x1], $0xffff;
	[tilespmem:s15+$0x10] =	vst v2  }
0x37: {  	v60 =	vld.idx.msk [tilespmem:v0+s14+$0xFFFFFFF0 ss:$0x1], $0xffff;
	s31 =	sadd.s32 $0x800, s15;
	[tilespmem:s15+$0x20] =	vst v6  }
0x38: {  	v61 =	vld.idx.msk [tilespmem:v0+s14+$0x0 ss:$0x1], $0xffff;
	[tilespmem:s31+$0x30] =	vst v56  }
0x39: {  	v62 =	vld.idx.msk [tilespmem:v0+s14+$0x10 ss:$0x1], $0xffff;
	s13 =	sadd.s32 $0x1, s13;
	[tilespmem:s31+$0xFFFFFFC0] =	vst v57  }
0x3a: {  	v63 =	vld.idx.msk [tilespmem:v0+s14+$0x20 ss:$0x1], $0xffff;
	p1 =	sne.s32 s13, $0x10;
	[tilespmem:s31+$0xFFFFFFD0] =	vst v58  }
.Ltmp4:
0x3b: {  	[tilespmem:s31+$0xFFFFFFE0] =	vst v59;
	(pc) =	sbr.rel @p1 .LBB1_3-.Ltmp4, $4  }
0x3c: {  	[tilespmem:s31+$0xFFFFFFF0] =	vst v60  }
0x3d: {  	[tilespmem:s31+$0x0] =	vst v61  }
0x3e: {  	[tilespmem:s31+$0x10] =	vst v62  }
0x3f: {  	s10 =	sadd.s32 $0x80, s10;
	s11 =	sadd.s32 $0x400, s11;
	[tilespmem:s31+$0x20] =	vst v63  }
.Ltmp5:
0x40: {  	(pc) =	sbr.rel .LBB1_7-.Ltmp5, $4  }
0x41: {  	_ = 	snop  }
0x42: {  	s9 =	sshll.u32 s9, $0xB  }
0x43: {  	s9 =	sadd.s32 s3, s9  }
0x44: {  	[hbm4b:s9+s6] =	stream.linear.scatter [tilespmem:s12], [sflag:$0x2], $0x4000, $0x38;
	[tilespmem:$0x10000] =	vst v63  }
.LBB1_8:
0x45: {  	_ =	sfence.sel $0x180000  }
0x46: {  	s2 =	simm.s32 $0x1;
	[bflag:$0x0] =	sbarrier.arrive $0xFFFF  }
0x47: {  	s31 =	simm.s32 $0x2;
	[sflag:s2] =	ssyncpa.u1 $0x1  }
0x48: {  	[sflag:s31] =	ssyncpa.u1 $0x1  }
0x49: {  	p0 =	sne.s32 s1, $0x0;
	_ =	strace $0x90000047  }
0x4a: {  	s0 =	sadd.s32 @!p0 $0x100000, s0;
	[bflag:$0x2] =	sbarrier.arrive $0xFFFF  }
0x4b: {  	[sflag:s0] =	ssyncadd.tile.s32 @!p0 $0x1;
	_ =	shalt  }
.Lfunc_end1:
_tile_overlayer_lowered:
.L_overlay_start_2:
0x4c: {  	(tag) =	ssettag $0x2  }
0x4d: {  	s0 =	rddreg [dreg:$0x0];
	s2 =	stileid.u32  }
0x4e: {  	s1 =	rddreg [dreg:$0x1];
	p0 =	sne.s32 s2, $0x0  }
0x4f: {  	s3 =	rddreg [dreg:$0x2];
	[bflag:$0x3] =	sbarrier.arrive $0xFFFF;
	s2 =	simm.s32 @!p0 $0x1C01  }
0x50: {  	[timem:s3], [sflag:s2] =	dma.local @!p0 [hbm:s0], s1  }
0x51: {  	s0 =	simm.s32 @!p0 $0x1  }
0x52: {  	_ =	swait.ge @!p0 [sflag:s0], s1  }
0x53: {  	s1 =	ssub.s32 @!p0 $0x0, s1;
	[sflag:s0] =	ssyncset.done @!p0 $0x0  }
0x54: {  	[sflag:s0] =	ssyncadd.s32 @!p0 s1  }
0x55: {  	[bflag:$0x3] =	sbarrier.arrive $0xFFFF  }
0x56: {  	_ =	shalt  }

</sc_bundles>
